<compile_context>
chip_gen: v7x
topology: tpu7x:2x2x1
jax: 0.10.2.dev20260603
libtpu: 0.0.44.dev20260713+nightly
codegen_flags: <defaults>
</compile_context>

<pallas_src>
import jax
import jax.numpy as jnp
from jax import lax
from jax.experimental import pallas as pl
from jax.experimental.pallas import tpu as pltpu
from jax.experimental.pallas import tpu_sc as plsc

PAD = 1
B, S, H = 4, 4096, 768
L = 16
NC, NS = 2, 16
NW = NC * NS
T = B * S
CHUNK = T // NW
WPR = S // CHUNK
SEG = CHUNK // L
K = 32
NSUB = CHUNK // K
NV = H // L
NG = CHUNK // L
G = 8
NB = NV // G


def _mask01(x):
  return jnp.minimum(jnp.abs(x - PAD), 1)


def _body(ids_hbm, tts_hbm, word_hbm, pos_hbm, tok_hbm, lang_hbm, out_hbm,
          pre_row, ids_v, tts_v, pos_v, tmp_v, ftt_v,
          tok0_v, lang0_v, lang1_v, c0_v, d_v,
          w_a, p_a, w_b, p_b,
          gwa, gpa, gwb, gpb, ssa, ssb):
  wid = lax.axis_index("s") * NC + lax.axis_index("c")
  row = wid // WPR
  row_start = row * S
  my_start = wid * CHUNK
  iota = lax.iota(jnp.int32, L)

  def prefix_incl(v):
    acc = v
    for step in (1, 2, 4, 8):
      tmp_v[pl.ds(0, L)] = acc
      sh = plsc.load_gather(tmp_v, [jnp.maximum(iota - step, 0)])
      m = jnp.minimum(jnp.maximum(iota - (step - 1), 0), 1)
      acc = acc + sh * m
    return acc

  def splat_last(v):
    tmp_v[pl.ds(0, L)] = v
    return plsc.load_gather(tmp_v, [jnp.full((L,), L - 1, jnp.int32)])

  pltpu.sync_copy(ids_hbm.at[pl.ds(my_start, CHUNK)], ids_v)
  pltpu.sync_copy(tts_hbm.at[pl.ds(my_start, CHUNK)], tts_v)
  pltpu.async_copy(word_hbm.at[ids_v.at[pl.ds(0, K)]], w_a, gwa)
  pltpu.async_copy(word_hbm.at[ids_v.at[pl.ds(K, K)]], w_b, gwb)

  pltpu.sync_copy(ids_hbm.at[pl.ds(row_start, S)], pre_row)

  def pre_grp(g, a):
    return a + _mask01(pre_row[pl.ds(g * L, L)])

  cnt = lax.fori_loop(0, (wid % WPR) * NG, pre_grp,
                      jnp.zeros((L,), jnp.int32))

  def seg_step(t, acc):
    x = plsc.load_gather(ids_v, [iota * SEG + t])
    return acc + _mask01(x)

  seg = lax.fori_loop(0, SEG, seg_step, jnp.zeros((L,), jnp.int32))

  base = splat_last(prefix_incl(cnt))
  lane_base = base + prefix_incl(seg) - seg

  def pos_step(t, acc):
    idx = iota * SEG + t
    mi = _mask01(plsc.load_gather(ids_v, [idx]))
    acc = acc + mi
    plsc.store_scatter(pos_v, [idx], acc * mi + PAD)
    return acc

  lax.fori_loop(0, SEG, pos_step, lane_base)

  pltpu.async_copy(pos_hbm.at[pos_v.at[pl.ds(0, K)]], p_a, gpa)
  pltpu.async_copy(pos_hbm.at[pos_v.at[pl.ds(K, K)]], p_b, gpb)

  pltpu.sync_copy(tok_hbm.at[0], tok0_v)
  pltpu.sync_copy(lang_hbm.at[0], lang0_v)
  pltpu.sync_copy(lang_hbm.at[1], lang1_v)

  def mk_const(j, _):
    sl = pl.ds(j * L, L)
    c0_v[sl] = tok0_v[sl] + lang0_v[sl]
    d_v[sl] = lang1_v[sl] - lang0_v[sl]
    return 0

  lax.fori_loop(0, NV, mk_const, 0)

  pairs = ((w_a, p_a, gwa, gpa, ssa), (w_b, p_b, gwb, gpb, ssb))

  def pair_iter(pi, _):
    for half, (wb_, pb_, gw, gp, ss) in enumerate(pairs):
      t0 = (2 * pi + half) * K
      pltpu.make_async_copy(word_hbm.at[pl.ds(0, K)], wb_, gw).wait()
      pltpu.make_async_copy(pos_hbm.at[pl.ds(0, K)], pb_, gp).wait()
      for g in range(K // L):
        f16 = tts_v[pl.ds(t0 + g * L, L)].astype(jnp.float32)
        for c in range(L):
          plsc.store_scatter(ftt_v, [iota * L + (g * L * L + c)], f16)
      for jb in range(NB):
        c0s = [c0_v[pl.ds((jb * G + j) * L, L)] for j in range(G)]
        dds = [d_v[pl.ds((jb * G + j) * L, L)] for j in range(G)]

        def tl(t, _, wb_=wb_, pb_=pb_, c0s=c0s, dds=dds, jb=jb):
          f = ftt_v[pl.ds(t * L, L)]
          for j in range(G):
            sl = pl.ds((jb * G + j) * L, L)
            wb_[t, sl] = wb_[t, sl] + pb_[t, sl] + (c0s[j] + f * dds[j])
          return 0

        lax.fori_loop(0, K, tl, 0)
      pltpu.async_copy(wb_, out_hbm.at[pl.ds(my_start + t0, K)], ss)

    def issue_next():
      for half, (wb_, pb_, gw, gp, ss) in enumerate(pairs):
        t2 = (2 * pi + 2 + half) * K
        pltpu.make_async_copy(wb_, out_hbm.at[pl.ds(my_start, K)], ss).wait()
        pltpu.async_copy(word_hbm.at[ids_v.at[pl.ds(t2, K)]], wb_, gw)
        pltpu.async_copy(pos_hbm.at[pos_v.at[pl.ds(t2, K)]], pb_, gp)

    pl.when(pi < NSUB // 2 - 1)(issue_next)
    return 0

  lax.fori_loop(0, NSUB // 2, pair_iter, 0)

  pltpu.make_async_copy(w_a, out_hbm.at[pl.ds(my_start, K)], ssa).wait()
  pltpu.make_async_copy(w_b, out_hbm.at[pl.ds(my_start, K)], ssb).wait()


@jax.jit
def _emb(ids, tts, word_emb, pos_emb, tok_type_emb, lang_emb):
  mesh = plsc.VectorSubcoreMesh(core_axis_name="c", subcore_axis_name="s")
  f = pl.kernel(
      _body,
      out_type=jax.ShapeDtypeStruct((T, H), jnp.float32),
      mesh=mesh,
      compiler_params=pltpu.CompilerParams(needs_layout_passes=False),
      scratch_types=[
          pltpu.VMEM((S,), jnp.int32),
          pltpu.VMEM((CHUNK,), jnp.int32),
          pltpu.VMEM((CHUNK,), jnp.int32),
          pltpu.VMEM((CHUNK,), jnp.int32),
          pltpu.VMEM((L,), jnp.int32),
          pltpu.VMEM((K * L,), jnp.float32),
          pltpu.VMEM((H,), jnp.float32),
          pltpu.VMEM((H,), jnp.float32),
          pltpu.VMEM((H,), jnp.float32),
          pltpu.VMEM((H,), jnp.float32),
          pltpu.VMEM((H,), jnp.float32),
          pltpu.VMEM((K, H), jnp.float32),
          pltpu.VMEM((K, H), jnp.float32),
          pltpu.VMEM((K, H), jnp.float32),
          pltpu.VMEM((K, H), jnp.float32),
          pltpu.SemaphoreType.DMA,
          pltpu.SemaphoreType.DMA,
          pltpu.SemaphoreType.DMA,
          pltpu.SemaphoreType.DMA,
          pltpu.SemaphoreType.DMA,
          pltpu.SemaphoreType.DMA,
      ],
  )
  return f(ids, tts, word_emb, pos_emb, tok_type_emb, lang_emb)


def kernel(input_ids, token_type_ids, word_emb, pos_emb, tok_type_emb,
           lang_emb):
  ids = input_ids.reshape(-1).astype(jnp.int32)
  tts = token_type_ids.reshape(-1).astype(jnp.int32)
  out = _emb(ids, tts, word_emb, pos_emb, tok_type_emb, lang_emb)
  return out.reshape(B, S, H)

# --- scband reference (transcript-rebuilt; emitter-appended) ---
"""Pipeline reference for scband-roberta-embeddings-for-qetag-78134045048906 (READ-ONLY COPY).

The authoritative reference and input builder live on the scoring server;
editing this copy changes nothing except your own understanding.
"""

import jax, jax.numpy as jnp
import numpy as np

VOCAB = 50265
HID = 768
MAX_POS = 4104
PAD = 1
B, S = 4, 4096

def setup_inputs(seed: int = 0) -> dict:
    key = jax.random.key(seed)
    k1, k2, k3, k4, k5, k6 = jax.random.split(key, 6)
    input_ids = jax.random.randint(k1, (B, S), 0, VOCAB, dtype=jnp.int64 if jax.config.jax_enable_x64 else jnp.int32)
    token_type_ids = jax.random.randint(k2, (B, S), 0, 2, dtype=input_ids.dtype)
    word_emb = jax.random.normal(k3, (VOCAB, HID), dtype=jnp.float32) * 0.02
    # padding_idx row is initialized to zero in torch
    word_emb = word_emb.at[PAD].set(0.0)
    pos_emb = jax.random.normal(k4, (MAX_POS, HID), dtype=jnp.float32) * 0.02
    pos_emb = pos_emb.at[PAD].set(0.0)
    tok_type_emb = jax.random.normal(k5, (2, HID), dtype=jnp.float32) * 0.02
    lang_emb = jax.random.normal(k6, (2, HID), dtype=jnp.float32) * 0.02
    return {"input_ids": input_ids, "token_type_ids": token_type_ids,
            "word_emb": word_emb, "pos_emb": pos_emb,
            "tok_type_emb": tok_type_emb, "lang_emb": lang_emb}

def reference(input_ids, token_type_ids, word_emb, pos_emb, tok_type_emb, lang_emb):
    # create_position_ids_from_input_ids (RoBERTa style)
    mask = (input_ids != PAD).astype(jnp.int32)
    position_ids = (jnp.cumsum(mask, axis=1) * mask).astype(input_ids.dtype) + PAD
    # super().forward is called with token_type_ids=None -> zeros
    inputs_embeds = jnp.take(word_emb, input_ids, axis=0)
    position_embeddings = jnp.take(pos_emb, position_ids, axis=0)
    zero_types = jnp.zeros_like(input_ids)
    token_type_embeddings = jnp.take(tok_type_emb, zero_types, axis=0)
    base_embedding = inputs_embeds + position_embeddings + token_type_embeddings
    language_embedding = jnp.take(lang_emb, token_type_ids, axis=0)
    embedding = base_embedding + language_embedding
    # NOTE: the original module calls self.LayerNorm(embedding) and self.dropout(embedding)
    # but DISCARDS both results, returning the raw sum. We replicate that faithfully.
    return embedding

if __name__ == "__main__":
    import jax
    _d = setup_inputs()
    print(jax.jit(kernel)(*tuple(_d.values())))

</pallas_src>

<mosaic_0001>
#map = affine_map<(d0, d1) -> (0)>
#map1 = affine_map<(d0, d1) -> (0, 0)>
module attributes {stable_mosaic.version = 14 : i64} {
  func.func @_body(%arg0: i32, %arg1: i32, %arg2: memref<16384xi32, #tpu.memory_space<hbm>>, %arg3: memref<16384xi32, #tpu.memory_space<hbm>>, %arg4: memref<50265x768xf32, #tpu.memory_space<hbm>>, %arg5: memref<4104x768xf32, #tpu.memory_space<hbm>>, %arg6: memref<2x768xf32, #tpu.memory_space<hbm>>, %arg7: memref<2x768xf32, #tpu.memory_space<hbm>>, %arg8: memref<16384x768xf32, #tpu.memory_space<hbm>>, %arg9: memref<4096xi32, #tpu.memory_space<vmem>>, %arg10: memref<512xi32, #tpu.memory_space<vmem>>, %arg11: memref<512xi32, #tpu.memory_space<vmem>>, %arg12: memref<512xi32, #tpu.memory_space<vmem>>, %arg13: memref<16xi32, #tpu.memory_space<vmem>>, %arg14: memref<512xf32, #tpu.memory_space<vmem>>, %arg15: memref<768xf32, #tpu.memory_space<vmem>>, %arg16: memref<768xf32, #tpu.memory_space<vmem>>, %arg17: memref<768xf32, #tpu.memory_space<vmem>>, %arg18: memref<768xf32, #tpu.memory_space<vmem>>, %arg19: memref<768xf32, #tpu.memory_space<vmem>>, %arg20: memref<32x768xf32, #tpu.memory_space<vmem>>, %arg21: memref<32x768xf32, #tpu.memory_space<vmem>>, %arg22: memref<32x768xf32, #tpu.memory_space<vmem>>, %arg23: memref<32x768xf32, #tpu.memory_space<vmem>>, %arg24: memref<!tpu.dma_semaphore, #tpu.memory_space<semaphore_mem>>, %arg25: memref<!tpu.dma_semaphore, #tpu.memory_space<semaphore_mem>>, %arg26: memref<!tpu.dma_semaphore, #tpu.memory_space<semaphore_mem>>, %arg27: memref<!tpu.dma_semaphore, #tpu.memory_space<semaphore_mem>>, %arg28: memref<!tpu.dma_semaphore, #tpu.memory_space<semaphore_mem>>, %arg29: memref<!tpu.dma_semaphore, #tpu.memory_space<semaphore_mem>>) attributes {dimension_semantics = [#tpu.dimension_semantics<core_parallel>, #tpu.dimension_semantics<subcore_parallel>], iteration_bounds = array<i64: 2, 16>, scalar_prefetch = 0 : i64, scratch_operands = 21 : i64, tpu.core_type = #tpu.core_type<sc_vector_subcore>, window_params = [{transform_indices = #map}, {transform_indices = #map}, {transform_indices = #map1}, {transform_indices = #map1}, {transform_indices = #map1}, {transform_indices = #map1}, {transform_indices = #map1}]} {
    %mul3A = arith.constant 2 : i32
    %mul3A_0 = arith.muli %arg1, %mul3A : i32
    %add3A = arith.addi %mul3A_0, %arg0 : i32
    %jit3A = arith.constant 8 : i32
    %div3A = arith.divsi %add3A, %jit3A : i32
    %sign3A = arith.constant 0 : i32
    %sign3A_1 = arith.cmpi sgt, %add3A, %sign3A : i32
    %sign3A_2 = arith.extui %sign3A_1 : i1 to i32
    %sign3A_3 = arith.constant 0 : i32
    %sign3A_4 = arith.cmpi slt, %add3A, %sign3A_3 : i32
    %sign3A_5 = arith.extui %sign3A_4 : i1 to i32
    %sign3A_6 = arith.subi %sign3A_2, %sign3A_5 : i32
    %sign3A_7 = arith.constant 0 : i32
    %sign3A_8 = arith.cmpi sgt, %jit3A, %sign3A_7 : i32
    %sign3A_9 = arith.extui %sign3A_8 : i1 to i32
    %sign3A_10 = arith.constant 0 : i32
    %sign3A_11 = arith.cmpi slt, %jit3A, %sign3A_10 : i32
    %sign3A_12 = arith.extui %sign3A_11 : i1 to i32
    %sign3A_13 = arith.subi %sign3A_9, %sign3A_12 : i32
    %ne3A = arith.cmpi ne, %sign3A_6, %sign3A_13 : i32
    %rem3A = arith.remsi %add3A, %jit3A : i32
    %ne3A_14 = arith.constant 0 : i32
    %ne3A_15 = arith.cmpi ne, %rem3A, %ne3A_14 : i32
    %and3A = arith.andi %ne3A, %ne3A_15 : i1
    %sub3A = arith.constant 1 : i32
    %sub3A_16 = arith.subi %div3A, %sub3A : i32
    %select_n3A = arith.select %and3A, %sub3A_16, %div3A : i32
    %mul3A_17 = arith.constant 4096 : i32
    %mul3A_18 = arith.muli %select_n3A, %mul3A_17 : i32
    %mul3A_19 = arith.constant 512 : i32
    %mul3A_20 = arith.muli %add3A, %mul3A_19 : i32
    %iota3A = tpu.iota {dimensions = array<i32: 0>} : vector<16xi32>
    "tpu.region"() ({
      %run_scoped3A_266 = tpu.sem_alloc : memref<!tpu.dma_semaphore, #tpu.memory_space<semaphore_mem>>
      %dma_start3A_267 = tpu.memref_slice %arg2[%mul3A_20] : memref<16384xi32, #tpu.memory_space<hbm>> -> memref<512xi32, #tpu.memory_space<hbm>>
      %dma_start3A_268 = tpu.memref_slice %arg2[%mul3A_20] : memref<16384xi32, #tpu.memory_space<hbm>> -> memref<512xi32, #tpu.memory_space<hbm>>
      tpu.enqueue_dma source(%dma_start3A_268 : memref<512xi32, #tpu.memory_space<hbm>>) target(%arg10 : memref<512xi32, #tpu.memory_space<vmem>>) target_semaphore(%run_scoped3A_266 : memref<!tpu.dma_semaphore, #tpu.memory_space<semaphore_mem>>)
      %dma_wait3A_269 = tpu.memref_slice %arg2[%mul3A_20] : memref<16384xi32, #tpu.memory_space<hbm>> -> memref<512xi32, #tpu.memory_space<hbm>>
      %dma_wait3A_270 = tpu.memref_slice %arg2[%mul3A_20] : memref<16384xi32, #tpu.memory_space<hbm>> -> memref<512xi32, #tpu.memory_space<hbm>>
      tpu.wait_dma2 semaphore(%run_scoped3A_266 : memref<!tpu.dma_semaphore, #tpu.memory_space<semaphore_mem>>) src(%dma_wait3A_270 : memref<512xi32, #tpu.memory_space<hbm>>) dst(%arg10 : memref<512xi32, #tpu.memory_space<vmem>>)
      tpu.yield
    }) : () -> ()
    "tpu.region"() ({
      %run_scoped3A_266 = tpu.sem_alloc : memref<!tpu.dma_semaphore, #tpu.memory_space<semaphore_mem>>
      %dma_start3A_267 = tpu.memref_slice %arg3[%mul3A_20] : memref<16384xi32, #tpu.memory_space<hbm>> -> memref<512xi32, #tpu.memory_space<hbm>>
      %dma_start3A_268 = tpu.memref_slice %arg3[%mul3A_20] : memref<16384xi32, #tpu.memory_space<hbm>> -> memref<512xi32, #tpu.memory_space<hbm>>
      tpu.enqueue_dma source(%dma_start3A_268 : memref<512xi32, #tpu.memory_space<hbm>>) target(%arg11 : memref<512xi32, #tpu.memory_space<vmem>>) target_semaphore(%run_scoped3A_266 : memref<!tpu.dma_semaphore, #tpu.memory_space<semaphore_mem>>)
      %dma_wait3A_269 = tpu.memref_slice %arg3[%mul3A_20] : memref<16384xi32, #tpu.memory_space<hbm>> -> memref<512xi32, #tpu.memory_space<hbm>>
      %dma_wait3A_270 = tpu.memref_slice %arg3[%mul3A_20] : memref<16384xi32, #tpu.memory_space<hbm>> -> memref<512xi32, #tpu.memory_space<hbm>>
      tpu.wait_dma2 semaphore(%run_scoped3A_266 : memref<!tpu.dma_semaphore, #tpu.memory_space<semaphore_mem>>) src(%dma_wait3A_270 : memref<512xi32, #tpu.memory_space<hbm>>) dst(%arg11 : memref<512xi32, #tpu.memory_space<vmem>>)
      tpu.yield
    }) : () -> ()
    %dma_start3A = arith.constant 0 : i32
    %dma_start3A_21 = tpu.memref_slice %arg10[%dma_start3A] : memref<512xi32, #tpu.memory_space<vmem>> -> memref<32xi32, #tpu.memory_space<vmem>>
    %dma_start3A_22 = arith.constant 0 : i32
    %dma_start3A_23 = arith.constant 0 : i32
    %dma_start3A_24 = tpu.memref_slice %arg4[%dma_start3A_22, %dma_start3A_23] : memref<50265x768xf32, #tpu.memory_space<hbm>> -> memref<50265x768xf32, #tpu.memory_space<hbm>>
    tpu.enqueue_indirect_dma source(%dma_start3A_24 : memref<50265x768xf32, #tpu.memory_space<hbm>>) target(%arg20 : memref<32x768xf32, #tpu.memory_space<vmem>>) offsets(%dma_start3A_21 : memref<32xi32, #tpu.memory_space<vmem>>) semaphore(%arg24 : memref<!tpu.dma_semaphore, #tpu.memory_space<semaphore_mem>>)
    %dma_start3A_25 = arith.constant 32 : i32
    %dma_start3A_26 = tpu.memref_slice %arg10[%dma_start3A_25] : memref<512xi32, #tpu.memory_space<vmem>> -> memref<32xi32, #tpu.memory_space<vmem>>
    %dma_start3A_27 = arith.constant 0 : i32
    %dma_start3A_28 = arith.constant 0 : i32
    %dma_start3A_29 = tpu.memref_slice %arg4[%dma_start3A_27, %dma_start3A_28] : memref<50265x768xf32, #tpu.memory_space<hbm>> -> memref<50265x768xf32, #tpu.memory_space<hbm>>
    tpu.enqueue_indirect_dma source(%dma_start3A_29 : memref<50265x768xf32, #tpu.memory_space<hbm>>) target(%arg22 : memref<32x768xf32, #tpu.memory_space<vmem>>) offsets(%dma_start3A_26 : memref<32xi32, #tpu.memory_space<vmem>>) semaphore(%arg26 : memref<!tpu.dma_semaphore, #tpu.memory_space<semaphore_mem>>)
    "tpu.region"() ({
      %run_scoped3A_266 = tpu.sem_alloc : memref<!tpu.dma_semaphore, #tpu.memory_space<semaphore_mem>>
      %dma_start3A_267 = tpu.memref_slice %arg2[%mul3A_18] : memref<16384xi32, #tpu.memory_space<hbm>> -> memref<4096xi32, #tpu.memory_space<hbm>>
      %dma_start3A_268 = tpu.memref_slice %arg2[%mul3A_18] : memref<16384xi32, #tpu.memory_space<hbm>> -> memref<4096xi32, #tpu.memory_space<hbm>>
      tpu.enqueue_dma source(%dma_start3A_268 : memref<4096xi32, #tpu.memory_space<hbm>>) target(%arg9 : memref<4096xi32, #tpu.memory_space<vmem>>) target_semaphore(%run_scoped3A_266 : memref<!tpu.dma_semaphore, #tpu.memory_space<semaphore_mem>>)
      %dma_wait3A_269 = tpu.memref_slice %arg2[%mul3A_18] : memref<16384xi32, #tpu.memory_space<hbm>> -> memref<4096xi32, #tpu.memory_space<hbm>>
      %dma_wait3A_270 = tpu.memref_slice %arg2[%mul3A_18] : memref<16384xi32, #tpu.memory_space<hbm>> -> memref<4096xi32, #tpu.memory_space<hbm>>
      tpu.wait_dma2 semaphore(%run_scoped3A_266 : memref<!tpu.dma_semaphore, #tpu.memory_space<semaphore_mem>>) src(%dma_wait3A_270 : memref<4096xi32, #tpu.memory_space<hbm>>) dst(%arg9 : memref<4096xi32, #tpu.memory_space<vmem>>)
      tpu.yield
    }) : () -> ()
    %jit3A_30 = arith.constant 8 : i32
    %eq3A = arith.constant 0 : i32
    %eq3A_31 = arith.cmpi eq, %jit3A_30, %eq3A : i32
    %jit3A_32 = arith.constant 1 : i32
    %select_n3A_33 = arith.select %eq3A_31, %jit3A_32, %jit3A_30 : i32
    %rem3A_34 = arith.remsi %add3A, %select_n3A_33 : i32
    %ne3A_35 = arith.constant 0 : i32
    %ne3A_36 = arith.cmpi ne, %rem3A_34, %ne3A_35 : i32
    %lt3A = arith.constant 0 : i32
    %lt3A_37 = arith.cmpi slt, %rem3A_34, %lt3A : i32
    %lt3A_38 = arith.constant 0 : i32
    %lt3A_39 = arith.cmpi slt, %select_n3A_33, %lt3A_38 : i32
    %ne3A_40 = arith.xori %lt3A_37, %lt3A_39 : i1
    %and3A_41 = arith.andi %ne3A_40, %ne3A_36 : i1
    %add3A_42 = arith.addi %rem3A_34, %select_n3A_33 : i32
    %select_n3A_43 = arith.select %and3A_41, %add3A_42, %rem3A_34 : i32
    %mul3A_44 = arith.constant 32 : i32
    %mul3A_45 = arith.muli %select_n3A_43, %mul3A_44 : i32
    %broadcast_in_dim3A = arith.constant 0 : i32
    %broadcast_in_dim3A_46 = vector.broadcast %broadcast_in_dim3A : i32 to vector<16xi32>
    %while3A = arith.constant 0 : i32
    %while3A_47 = arith.subi %mul3A_45, %while3A : i32
    %while3A_48 = arith.addi %while3A, %while3A_47 : i32
    %while3A_49 = arith.constant 1 : i32
    %while3A_50 = arith.divsi %while3A_47, %while3A_49 : i32
    %while3A_51 = arith.muli %while3A_50, %while3A_49 : i32
    %while3A_52 = arith.addi %while3A, %while3A_51 : i32
    %while3A_53 = arith.constant 1 : i32
    %while3A_54 = scf.for %while3A_266 = %while3A to %while3A_52 step %while3A_53 iter_args(%while3A_267 = %broadcast_in_dim3A_46) -> (vector<16xi32>)  : i32 {
      %mul3A_268 = arith.constant 16 : i32
      %mul3A_269 = arith.muli %while3A_266, %mul3A_268 : i32
      %get3A = arith.index_cast %mul3A_269 : i32 to index
      %get3A_270 = tpu.vector_load %arg9[%get3A] {strides = array<i32>} : memref<4096xi32, #tpu.memory_space<vmem>>, vector<16xi32>,
      %sub3A_271 = arith.constant 1 : i32
      %sub3A_272 = vector.broadcast %sub3A_271 : i32 to vector<16xi32>
      %sub3A_273 = arith.subi %get3A_270, %sub3A_272 : vector<16xi32>
      %abs3A = math.absi %sub3A_273 : vector<16xi32>
      %min3A_274 = arith.constant 1 : i32
      %min3A_275 = vector.broadcast %min3A_274 : i32 to vector<16xi32>
      %min3A_276 = arith.minsi %abs3A, %min3A_275 : vector<16xi32>
      %add3A_277 = arith.addi %while3A_267, %min3A_276 : vector<16xi32>
      scf.yield %add3A_277 : vector<16xi32>
    }
    %while3A_55 = arith.constant 1 : i32
    %while3A_56 = scf.for %while3A_266 = %while3A_52 to %while3A_48 step %while3A_55 iter_args(%while3A_267 = %while3A_54) -> (vector<16xi32>)  : i32 {
      %mul3A_268 = arith.constant 16 : i32
      %mul3A_269 = arith.muli %while3A_266, %mul3A_268 : i32
      %get3A = arith.index_cast %mul3A_269 : i32 to index
      %get3A_270 = tpu.vector_load %arg9[%get3A] {strides = array<i32>} : memref<4096xi32, #tpu.memory_space<vmem>>, vector<16xi32>,
      %sub3A_271 = arith.constant 1 : i32
      %sub3A_272 = vector.broadcast %sub3A_271 : i32 to vector<16xi32>
      %sub3A_273 = arith.subi %get3A_270, %sub3A_272 : vector<16xi32>
      %abs3A = math.absi %sub3A_273 : vector<16xi32>
      %min3A_274 = arith.constant 1 : i32
      %min3A_275 = vector.broadcast %min3A_274 : i32 to vector<16xi32>
      %min3A_276 = arith.minsi %abs3A, %min3A_275 : vector<16xi32>
      %add3A_277 = arith.addi %while3A_267, %min3A_276 : vector<16xi32>
      scf.yield %add3A_277 : vector<16xi32>
    }
    %broadcast_in_dim3A_57 = arith.constant 0 : i32
    %broadcast_in_dim3A_58 = vector.broadcast %broadcast_in_dim3A_57 : i32 to vector<16xi32>
    %scan3A = arith.constant 0 : i32
    %scan3A_59 = arith.constant 32 : i32
    %scan3A_60 = arith.addi %scan3A, %scan3A_59 : i32
    %scan3A_61 = arith.constant 1 : i32
    %scan3A_62 = scf.for %scan3A_266 = %scan3A to %scan3A_60 step %scan3A_61 iter_args(%scan3A_267 = %broadcast_in_dim3A_58) -> (vector<16xi32>)  : i32 {
      %mul3A_268 = arith.constant 32 : i32
      %mul3A_269 = vector.broadcast %mul3A_268 : i32 to vector<16xi32>
      %mul3A_270 = arith.muli %iota3A, %mul3A_269 : vector<16xi32>
      %add3A_271 = vector.broadcast %scan3A_266 : i32 to vector<16xi32>
      %add3A_272 = arith.addi %mul3A_270, %add3A_271 : vector<16xi32>
      %gather3A_273 = tpu.vector_load_idx %arg10[%add3A_272] : memref<512xi32, #tpu.memory_space<vmem>>[vector<16xi32>], vector<16xi32>,
      %sub3A_274 = arith.constant 1 : i32
      %sub3A_275 = vector.broadcast %sub3A_274 : i32 to vector<16xi32>
      %sub3A_276 = arith.subi %gather3A_273, %sub3A_275 : vector<16xi32>
      %abs3A = math.absi %sub3A_276 : vector<16xi32>
      %min3A_277 = arith.constant 1 : i32
      %min3A_278 = vector.broadcast %min3A_277 : i32 to vector<16xi32>
      %min3A_279 = arith.minsi %abs3A, %min3A_278 : vector<16xi32>
      %add3A_280 = arith.addi %scan3A_267, %min3A_279 : vector<16xi32>
      scf.yield %add3A_280 : vector<16xi32>
    }
    %scan3A_63 = arith.constant 32 : i32
    %swap3A = arith.constant 0 : index
    %swap3A_64 = tpu.vector_load %arg13[%swap3A] {strides = array<i32>} : memref<16xi32, #tpu.memory_space<vmem>>, vector<16xi32>,
    tpu.vector_store %arg13[%swap3A], %while3A_56 {strides = array<i32>} : memref<16xi32, #tpu.memory_space<vmem>>, vector<16xi32>,
    %sub3A_65 = arith.constant 1 : i32
    %sub3A_66 = vector.broadcast %sub3A_65 : i32 to vector<16xi32>
    %sub3A_67 = arith.subi %iota3A, %sub3A_66 : vector<16xi32>
    %max3A = arith.constant 0 : i32
    %max3A_68 = vector.broadcast %max3A : i32 to vector<16xi32>
    %max3A_69 = arith.maxsi %sub3A_67, %max3A_68 : vector<16xi32>
    %gather3A = tpu.vector_load_idx %arg13[%max3A_69] : memref<16xi32, #tpu.memory_space<vmem>>[vector<16xi32>], vector<16xi32>,
    %sub3A_70 = arith.constant 0 : i32
    %sub3A_71 = vector.broadcast %sub3A_70 : i32 to vector<16xi32>
    %sub3A_72 = arith.subi %iota3A, %sub3A_71 : vector<16xi32>
    %max3A_73 = arith.constant 0 : i32
    %max3A_74 = vector.broadcast %max3A_73 : i32 to vector<16xi32>
    %max3A_75 = arith.maxsi %sub3A_72, %max3A_74 : vector<16xi32>
    %min3A = arith.constant 1 : i32
    %min3A_76 = vector.broadcast %min3A : i32 to vector<16xi32>
    %min3A_77 = arith.minsi %max3A_75, %min3A_76 : vector<16xi32>
    %mul3A_78 = arith.muli %gather3A, %min3A_77 : vector<16xi32>
    %add3A_79 = arith.addi %while3A_56, %mul3A_78 : vector<16xi32>
    %swap3A_80 = arith.constant 0 : index
    %swap3A_81 = tpu.vector_load %arg13[%swap3A_80] {strides = array<i32>} : memref<16xi32, #tpu.memory_space<vmem>>, vector<16xi32>,
    tpu.vector_store %arg13[%swap3A_80], %add3A_79 {strides = array<i32>} : memref<16xi32, #tpu.memory_space<vmem>>, vector<16xi32>,
    %sub3A_82 = arith.constant 2 : i32
    %sub3A_83 = vector.broadcast %sub3A_82 : i32 to vector<16xi32>
    %sub3A_84 = arith.subi %iota3A, %sub3A_83 : vector<16xi32>
    %max3A_85 = arith.constant 0 : i32
    %max3A_86 = vector.broadcast %max3A_85 : i32 to vector<16xi32>
    %max3A_87 = arith.maxsi %sub3A_84, %max3A_86 : vector<16xi32>
    %gather3A_88 = tpu.vector_load_idx %arg13[%max3A_87] : memref<16xi32, #tpu.memory_space<vmem>>[vector<16xi32>], vector<16xi32>,
    %sub3A_89 = arith.constant 1 : i32
    %sub3A_90 = vector.broadcast %sub3A_89 : i32 to vector<16xi32>
    %sub3A_91 = arith.subi %iota3A, %sub3A_90 : vector<16xi32>
    %max3A_92 = arith.constant 0 : i32
    %max3A_93 = vector.broadcast %max3A_92 : i32 to vector<16xi32>
    %max3A_94 = arith.maxsi %sub3A_91, %max3A_93 : vector<16xi32>
    %min3A_95 = arith.constant 1 : i32
    %min3A_96 = vector.broadcast %min3A_95 : i32 to vector<16xi32>
    %min3A_97 = arith.minsi %max3A_94, %min3A_96 : vector<16xi32>
    %mul3A_98 = arith.muli %gather3A_88, %min3A_97 : vector<16xi32>
    %add3A_99 = arith.addi %add3A_79, %mul3A_98 : vector<16xi32>
    %swap3A_100 = arith.constant 0 : index
    %swap3A_101 = tpu.vector_load %arg13[%swap3A_100] {strides = array<i32>} : memref<16xi32, #tpu.memory_space<vmem>>, vector<16xi32>,
    tpu.vector_store %arg13[%swap3A_100], %add3A_99 {strides = array<i32>} : memref<16xi32, #tpu.memory_space<vmem>>, vector<16xi32>,
    %sub3A_102 = arith.constant 4 : i32
    %sub3A_103 = vector.broadcast %sub3A_102 : i32 to vector<16xi32>
    %sub3A_104 = arith.subi %iota3A, %sub3A_103 : vector<16xi32>
    %max3A_105 = arith.constant 0 : i32
    %max3A_106 = vector.broadcast %max3A_105 : i32 to vector<16xi32>
    %max3A_107 = arith.maxsi %sub3A_104, %max3A_106 : vector<16xi32>
    %gather3A_108 = tpu.vector_load_idx %arg13[%max3A_107] : memref<16xi32, #tpu.memory_space<vmem>>[vector<16xi32>], vector<16xi32>,
    %sub3A_109 = arith.constant 3 : i32
    %sub3A_110 = vector.broadcast %sub3A_109 : i32 to vector<16xi32>
    %sub3A_111 = arith.subi %iota3A, %sub3A_110 : vector<16xi32>
    %max3A_112 = arith.constant 0 : i32
    %max3A_113 = vector.broadcast %max3A_112 : i32 to vector<16xi32>
    %max3A_114 = arith.maxsi %sub3A_111, %max3A_113 : vector<16xi32>
    %min3A_115 = arith.constant 1 : i32
    %min3A_116 = vector.broadcast %min3A_115 : i32 to vector<16xi32>
    %min3A_117 = arith.minsi %max3A_114, %min3A_116 : vector<16xi32>
    %mul3A_118 = arith.muli %gather3A_108, %min3A_117 : vector<16xi32>
    %add3A_119 = arith.addi %add3A_99, %mul3A_118 : vector<16xi32>
    %swap3A_120 = arith.constant 0 : index
    %swap3A_121 = tpu.vector_load %arg13[%swap3A_120] {strides = array<i32>} : memref<16xi32, #tpu.memory_space<vmem>>, vector<16xi32>,
    tpu.vector_store %arg13[%swap3A_120], %add3A_119 {strides = array<i32>} : memref<16xi32, #tpu.memory_space<vmem>>, vector<16xi32>,
    %sub3A_122 = arith.constant 8 : i32
    %sub3A_123 = vector.broadcast %sub3A_122 : i32 to vector<16xi32>
    %sub3A_124 = arith.subi %iota3A, %sub3A_123 : vector<16xi32>
    %max3A_125 = arith.constant 0 : i32
    %max3A_126 = vector.broadcast %max3A_125 : i32 to vector<16xi32>
    %max3A_127 = arith.maxsi %sub3A_124, %max3A_126 : vector<16xi32>
    %gather3A_128 = tpu.vector_load_idx %arg13[%max3A_127] : memref<16xi32, #tpu.memory_space<vmem>>[vector<16xi32>], vector<16xi32>,
    %sub3A_129 = arith.constant 7 : i32
    %sub3A_130 = vector.broadcast %sub3A_129 : i32 to vector<16xi32>
    %sub3A_131 = arith.subi %iota3A, %sub3A_130 : vector<16xi32>
    %max3A_132 = arith.constant 0 : i32
    %max3A_133 = vector.broadcast %max3A_132 : i32 to vector<16xi32>
    %max3A_134 = arith.maxsi %sub3A_131, %max3A_133 : vector<16xi32>
    %min3A_135 = arith.constant 1 : i32
    %min3A_136 = vector.broadcast %min3A_135 : i32 to vector<16xi32>
    %min3A_137 = arith.minsi %max3A_134, %min3A_136 : vector<16xi32>
    %mul3A_138 = arith.muli %gather3A_128, %min3A_137 : vector<16xi32>
    %add3A_139 = arith.addi %add3A_119, %mul3A_138 : vector<16xi32>
    %swap3A_140 = arith.constant 0 : index
    %swap3A_141 = tpu.vector_load %arg13[%swap3A_140] {strides = array<i32>} : memref<16xi32, #tpu.memory_space<vmem>>, vector<16xi32>,
    tpu.vector_store %arg13[%swap3A_140], %add3A_139 {strides = array<i32>} : memref<16xi32, #tpu.memory_space<vmem>>, vector<16xi32>,
    %broadcast_in_dim3A_142 = arith.constant 15 : i32
    %broadcast_in_dim3A_143 = vector.broadcast %broadcast_in_dim3A_142 : i32 to vector<16xi32>
    %gather3A_144 = tpu.vector_load_idx %arg13[%broadcast_in_dim3A_143] : memref<16xi32, #tpu.memory_space<vmem>>[vector<16xi32>], vector<16xi32>,
    %swap3A_145 = arith.constant 0 : index
    %swap3A_146 = tpu.vector_load %arg13[%swap3A_145] {strides = array<i32>} : memref<16xi32, #tpu.memory_space<vmem>>, vector<16xi32>,
    tpu.vector_store %arg13[%swap3A_145], %scan3A_62 {strides = array<i32>} : memref<16xi32, #tpu.memory_space<vmem>>, vector<16xi32>,
    %sub3A_147 = arith.constant 1 : i32
    %sub3A_148 = vector.broadcast %sub3A_147 : i32 to vector<16xi32>
    %sub3A_149 = arith.subi %iota3A, %sub3A_148 : vector<16xi32>
    %max3A_150 = arith.constant 0 : i32
    %max3A_151 = vector.broadcast %max3A_150 : i32 to vector<16xi32>
    %max3A_152 = arith.maxsi %sub3A_149, %max3A_151 : vector<16xi32>
    %gather3A_153 = tpu.vector_load_idx %arg13[%max3A_152] : memref<16xi32, #tpu.memory_space<vmem>>[vector<16xi32>], vector<16xi32>,
    %sub3A_154 = arith.constant 0 : i32
    %sub3A_155 = vector.broadcast %sub3A_154 : i32 to vector<16xi32>
    %sub3A_156 = arith.subi %iota3A, %sub3A_155 : vector<16xi32>
    %max3A_157 = arith.constant 0 : i32
    %max3A_158 = vector.broadcast %max3A_157 : i32 to vector<16xi32>
    %max3A_159 = arith.maxsi %sub3A_156, %max3A_158 : vector<16xi32>
    %min3A_160 = arith.constant 1 : i32
    %min3A_161 = vector.broadcast %min3A_160 : i32 to vector<16xi32>
    %min3A_162 = arith.minsi %max3A_159, %min3A_161 : vector<16xi32>
    %mul3A_163 = arith.muli %gather3A_153, %min3A_162 : vector<16xi32>
    %add3A_164 = arith.addi %scan3A_62, %mul3A_163 : vector<16xi32>
    %swap3A_165 = arith.constant 0 : index
    %swap3A_166 = tpu.vector_load %arg13[%swap3A_165] {strides = array<i32>} : memref<16xi32, #tpu.memory_space<vmem>>, vector<16xi32>,
    tpu.vector_store %arg13[%swap3A_165], %add3A_164 {strides = array<i32>} : memref<16xi32, #tpu.memory_space<vmem>>, vector<16xi32>,
    %sub3A_167 = arith.constant 2 : i32
    %sub3A_168 = vector.broadcast %sub3A_167 : i32 to vector<16xi32>
    %sub3A_169 = arith.subi %iota3A, %sub3A_168 : vector<16xi32>
    %max3A_170 = arith.constant 0 : i32
    %max3A_171 = vector.broadcast %max3A_170 : i32 to vector<16xi32>
    %max3A_172 = arith.maxsi %sub3A_169, %max3A_171 : vector<16xi32>
    %gather3A_173 = tpu.vector_load_idx %arg13[%max3A_172] : memref<16xi32, #tpu.memory_space<vmem>>[vector<16xi32>], vector<16xi32>,
    %sub3A_174 = arith.constant 1 : i32
    %sub3A_175 = vector.broadcast %sub3A_174 : i32 to vector<16xi32>
    %sub3A_176 = arith.subi %iota3A, %sub3A_175 : vector<16xi32>
    %max3A_177 = arith.constant 0 : i32
    %max3A_178 = vector.broadcast %max3A_177 : i32 to vector<16xi32>
    %max3A_179 = arith.maxsi %sub3A_176, %max3A_178 : vector<16xi32>
    %min3A_180 = arith.constant 1 : i32
    %min3A_181 = vector.broadcast %min3A_180 : i32 to vector<16xi32>
    %min3A_182 = arith.minsi %max3A_179, %min3A_181 : vector<16xi32>
    %mul3A_183 = arith.muli %gather3A_173, %min3A_182 : vector<16xi32>
    %add3A_184 = arith.addi %add3A_164, %mul3A_183 : vector<16xi32>
    %swap3A_185 = arith.constant 0 : index
    %swap3A_186 = tpu.vector_load %arg13[%swap3A_185] {strides = array<i32>} : memref<16xi32, #tpu.memory_space<vmem>>, vector<16xi32>,
    tpu.vector_store %arg13[%swap3A_185], %add3A_184 {strides = array<i32>} : memref<16xi32, #tpu.memory_space<vmem>>, vector<16xi32>,
    %sub3A_187 = arith.constant 4 : i32
    %sub3A_188 = vector.broadcast %sub3A_187 : i32 to vector<16xi32>
    %sub3A_189 = arith.subi %iota3A, %sub3A_188 : vector<16xi32>
    %max3A_190 = arith.constant 0 : i32
    %max3A_191 = vector.broadcast %max3A_190 : i32 to vector<16xi32>
    %max3A_192 = arith.maxsi %sub3A_189, %max3A_191 : vector<16xi32>
    %gather3A_193 = tpu.vector_load_idx %arg13[%max3A_192] : memref<16xi32, #tpu.memory_space<vmem>>[vector<16xi32>], vector<16xi32>,
    %sub3A_194 = arith.constant 3 : i32
    %sub3A_195 = vector.broadcast %sub3A_194 : i32 to vector<16xi32>
    %sub3A_196 = arith.subi %iota3A, %sub3A_195 : vector<16xi32>
    %max3A_197 = arith.constant 0 : i32
    %max3A_198 = vector.broadcast %max3A_197 : i32 to vector<16xi32>
    %max3A_199 = arith.maxsi %sub3A_196, %max3A_198 : vector<16xi32>
    %min3A_200 = arith.constant 1 : i32
    %min3A_201 = vector.broadcast %min3A_200 : i32 to vector<16xi32>
    %min3A_202 = arith.minsi %max3A_199, %min3A_201 : vector<16xi32>
    %mul3A_203 = arith.muli %gather3A_193, %min3A_202 : vector<16xi32>
    %add3A_204 = arith.addi %add3A_184, %mul3A_203 : vector<16xi32>
    %swap3A_205 = arith.constant 0 : index
    %swap3A_206 = tpu.vector_load %arg13[%swap3A_205] {strides = array<i32>} : memref<16xi32, #tpu.memory_space<vmem>>, vector<16xi32>,
    tpu.vector_store %arg13[%swap3A_205], %add3A_204 {strides = array<i32>} : memref<16xi32, #tpu.memory_space<vmem>>, vector<16xi32>,
    %sub3A_207 = arith.constant 8 : i32
    %sub3A_208 = vector.broadcast %sub3A_207 : i32 to vector<16xi32>
    %sub3A_209 = arith.subi %iota3A, %sub3A_208 : vector<16xi32>
    %max3A_210 = arith.constant 0 : i32
    %max3A_211 = vector.broadcast %max3A_210 : i32 to vector<16xi32>
    %max3A_212 = arith.maxsi %sub3A_209, %max3A_211 : vector<16xi32>
    %gather3A_213 = tpu.vector_load_idx %arg13[%max3A_212] : memref<16xi32, #tpu.memory_space<vmem>>[vector<16xi32>], vector<16xi32>,
    %sub3A_214 = arith.constant 7 : i32
    %sub3A_215 = vector.broadcast %sub3A_214 : i32 to vector<16xi32>
    %sub3A_216 = arith.subi %iota3A, %sub3A_215 : vector<16xi32>
    %max3A_217 = arith.constant 0 : i32
    %max3A_218 = vector.broadcast %max3A_217 : i32 to vector<16xi32>
    %max3A_219 = arith.maxsi %sub3A_216, %max3A_218 : vector<16xi32>
    %min3A_220 = arith.constant 1 : i32
    %min3A_221 = vector.broadcast %min3A_220 : i32 to vector<16xi32>
    %min3A_222 = arith.minsi %max3A_219, %min3A_221 : vector<16xi32>
    %mul3A_223 = arith.muli %gather3A_213, %min3A_222 : vector<16xi32>
    %add3A_224 = arith.addi %add3A_204, %mul3A_223 : vector<16xi32>
    %add3A_225 = arith.addi %gather3A_144, %add3A_224 : vector<16xi32>
    %sub3A_226 = arith.subi %add3A_225, %scan3A_62 : vector<16xi32>
    %scan3A_227 = arith.constant 0 : i32
    %scan3A_228 = arith.constant 32 : i32
    %scan3A_229 = arith.addi %scan3A_227, %scan3A_228 : i32
    %scan3A_230 = arith.constant 1 : i32
    %scan3A_231 = scf.for %scan3A_266 = %scan3A_227 to %scan3A_229 step %scan3A_230 iter_args(%scan3A_267 = %sub3A_226) -> (vector<16xi32>)  : i32 {
      %mul3A_268 = arith.constant 32 : i32
      %mul3A_269 = vector.broadcast %mul3A_268 : i32 to vector<16xi32>
      %mul3A_270 = arith.muli %iota3A, %mul3A_269 : vector<16xi32>
      %add3A_271 = vector.broadcast %scan3A_266 : i32 to vector<16xi32>
      %add3A_272 = arith.addi %mul3A_270, %add3A_271 : vector<16xi32>
      %gather3A_273 = tpu.vector_load_idx %arg10[%add3A_272] : memref<512xi32, #tpu.memory_space<vmem>>[vector<16xi32>], vector<16xi32>,
      %sub3A_274 = arith.constant 1 : i32
      %sub3A_275 = vector.broadcast %sub3A_274 : i32 to vector<16xi32>
      %sub3A_276 = arith.subi %gather3A_273, %sub3A_275 : vector<16xi32>
      %abs3A = math.absi %sub3A_276 : vector<16xi32>
      %min3A_277 = arith.constant 1 : i32
      %min3A_278 = vector.broadcast %min3A_277 : i32 to vector<16xi32>
      %min3A_279 = arith.minsi %abs3A, %min3A_278 : vector<16xi32>
      %add3A_280 = arith.addi %scan3A_267, %min3A_279 : vector<16xi32>
      %mul3A_281 = arith.muli %add3A_280, %min3A_279 : vector<16xi32>
      %add3A_282 = arith.constant 1 : i32
      %add3A_283 = vector.broadcast %add3A_282 : i32 to vector<16xi32>
      %add3A_284 = arith.addi %mul3A_281, %add3A_283 : vector<16xi32>
      tpu.vector_store_idx %arg12[%add3A_272], %add3A_284 : memref<512xi32, #tpu.memory_space<vmem>>[vector<16xi32>], vector<16xi32>,
      scf.yield %add3A_280 : vector<16xi32>
    }
    %scan3A_232 = arith.constant 32 : i32
    %dma_start3A_233 = arith.constant 0 : i32
    %dma_start3A_234 = tpu.memref_slice %arg12[%dma_start3A_233] : memref<512xi32, #tpu.memory_space<vmem>> -> memref<32xi32, #tpu.memory_space<vmem>>
    %dma_start3A_235 = arith.constant 0 : i32
    %dma_start3A_236 = arith.constant 0 : i32
    %dma_start3A_237 = tpu.memref_slice %arg5[%dma_start3A_235, %dma_start3A_236] : memref<4104x768xf32, #tpu.memory_space<hbm>> -> memref<4104x768xf32, #tpu.memory_space<hbm>>
    tpu.enqueue_indirect_dma source(%dma_start3A_237 : memref<4104x768xf32, #tpu.memory_space<hbm>>) target(%arg21 : memref<32x768xf32, #tpu.memory_space<vmem>>) offsets(%dma_start3A_234 : memref<32xi32, #tpu.memory_space<vmem>>) semaphore(%arg25 : memref<!tpu.dma_semaphore, #tpu.memory_space<semaphore_mem>>)
    %dma_start3A_238 = arith.constant 32 : i32
    %dma_start3A_239 = tpu.memref_slice %arg12[%dma_start3A_238] : memref<512xi32, #tpu.memory_space<vmem>> -> memref<32xi32, #tpu.memory_space<vmem>>
    %dma_start3A_240 = arith.constant 0 : i32
    %dma_start3A_241 = arith.constant 0 : i32
    %dma_start3A_242 = tpu.memref_slice %arg5[%dma_start3A_240, %dma_start3A_241] : memref<4104x768xf32, #tpu.memory_space<hbm>> -> memref<4104x768xf32, #tpu.memory_space<hbm>>
    tpu.enqueue_indirect_dma source(%dma_start3A_242 : memref<4104x768xf32, #tpu.memory_space<hbm>>) target(%arg23 : memref<32x768xf32, #tpu.memory_space<vmem>>) offsets(%dma_start3A_239 : memref<32xi32, #tpu.memory_space<vmem>>) semaphore(%arg27 : memref<!tpu.dma_semaphore, #tpu.memory_space<semaphore_mem>>)
    %run_scoped3A = arith.constant 0 : i32
    "tpu.region"() ({
      %run_scoped3A_266 = tpu.sem_alloc : memref<!tpu.dma_semaphore, #tpu.memory_space<semaphore_mem>>
      %dma_start3A_267 = arith.constant 0 : i32
      %dma_start3A_268 = tpu.memref_slice %arg6[%run_scoped3A, %dma_start3A_267] : memref<2x768xf32, #tpu.memory_space<hbm>> -> memref<1x768xf32, #tpu.memory_space<hbm>>
      %dma_start3A_269 = tpu.memref_squeeze %dma_start3A_268 : memref<1x768xf32, #tpu.memory_space<hbm>> -> memref<768xf32, #tpu.memory_space<hbm>>
      %dma_start3A_270 = arith.constant 0 : i32
      %dma_start3A_271 = tpu.memref_slice %arg6[%run_scoped3A, %dma_start3A_270] : memref<2x768xf32, #tpu.memory_space<hbm>> -> memref<1x768xf32, #tpu.memory_space<hbm>>
      %dma_start3A_272 = tpu.memref_squeeze %dma_start3A_271 : memref<1x768xf32, #tpu.memory_space<hbm>> -> memref<768xf32, #tpu.memory_space<hbm>>
      tpu.enqueue_dma source(%dma_start3A_272 : memref<768xf32, #tpu.memory_space<hbm>>) target(%arg15 : memref<768xf32, #tpu.memory_space<vmem>>) target_semaphore(%run_scoped3A_266 : memref<!tpu.dma_semaphore, #tpu.memory_space<semaphore_mem>>)
      %dma_wait3A_273 = arith.constant 0 : i32
      %dma_wait3A_274 = tpu.memref_slice %arg6[%run_scoped3A, %dma_wait3A_273] : memref<2x768xf32, #tpu.memory_space<hbm>> -> memref<1x768xf32, #tpu.memory_space<hbm>>
      %dma_wait3A_275 = tpu.memref_squeeze %dma_wait3A_274 : memref<1x768xf32, #tpu.memory_space<hbm>> -> memref<768xf32, #tpu.memory_space<hbm>>
      %dma_wait3A_276 = arith.constant 0 : i32
      %dma_wait3A_277 = tpu.memref_slice %arg6[%run_scoped3A, %dma_wait3A_276] : memref<2x768xf32, #tpu.memory_space<hbm>> -> memref<1x768xf32, #tpu.memory_space<hbm>>
      %dma_wait3A_278 = tpu.memref_squeeze %dma_wait3A_277 : memref<1x768xf32, #tpu.memory_space<hbm>> -> memref<768xf32, #tpu.memory_space<hbm>>
      tpu.wait_dma2 semaphore(%run_scoped3A_266 : memref<!tpu.dma_semaphore, #tpu.memory_space<semaphore_mem>>) src(%dma_wait3A_278 : memref<768xf32, #tpu.memory_space<hbm>>) dst(%arg15 : memref<768xf32, #tpu.memory_space<vmem>>)
      tpu.yield
    }) : () -> ()
    %run_scoped3A_243 = arith.constant 0 : i32
    "tpu.region"() ({
      %run_scoped3A_266 = tpu.sem_alloc : memref<!tpu.dma_semaphore, #tpu.memory_space<semaphore_mem>>
      %dma_start3A_267 = arith.constant 0 : i32
      %dma_start3A_268 = tpu.memref_slice %arg7[%run_scoped3A_243, %dma_start3A_267] : memref<2x768xf32, #tpu.memory_space<hbm>> -> memref<1x768xf32, #tpu.memory_space<hbm>>
      %dma_start3A_269 = tpu.memref_squeeze %dma_start3A_268 : memref<1x768xf32, #tpu.memory_space<hbm>> -> memref<768xf32, #tpu.memory_space<hbm>>
      %dma_start3A_270 = arith.constant 0 : i32
      %dma_start3A_271 = tpu.memref_slice %arg7[%run_scoped3A_243, %dma_start3A_270] : memref<2x768xf32, #tpu.memory_space<hbm>> -> memref<1x768xf32, #tpu.memory_space<hbm>>
      %dma_start3A_272 = tpu.memref_squeeze %dma_start3A_271 : memref<1x768xf32, #tpu.memory_space<hbm>> -> memref<768xf32, #tpu.memory_space<hbm>>
      tpu.enqueue_dma source(%dma_start3A_272 : memref<768xf32, #tpu.memory_space<hbm>>) target(%arg16 : memref<768xf32, #tpu.memory_space<vmem>>) target_semaphore(%run_scoped3A_266 : memref<!tpu.dma_semaphore, #tpu.memory_space<semaphore_mem>>)
      %dma_wait3A_273 = arith.constant 0 : i32
      %dma_wait3A_274 = tpu.memref_slice %arg7[%run_scoped3A_243, %dma_wait3A_273] : memref<2x768xf32, #tpu.memory_space<hbm>> -> memref<1x768xf32, #tpu.memory_space<hbm>>
      %dma_wait3A_275 = tpu.memref_squeeze %dma_wait3A_274 : memref<1x768xf32, #tpu.memory_space<hbm>> -> memref<768xf32, #tpu.memory_space<hbm>>
      %dma_wait3A_276 = arith.constant 0 : i32
      %dma_wait3A_277 = tpu.memref_slice %arg7[%run_scoped3A_243, %dma_wait3A_276] : memref<2x768xf32, #tpu.memory_space<hbm>> -> memref<1x768xf32, #tpu.memory_space<hbm>>
      %dma_wait3A_278 = tpu.memref_squeeze %dma_wait3A_277 : memref<1x768xf32, #tpu.memory_space<hbm>> -> memref<768xf32, #tpu.memory_space<hbm>>
      tpu.wait_dma2 semaphore(%run_scoped3A_266 : memref<!tpu.dma_semaphore, #tpu.memory_space<semaphore_mem>>) src(%dma_wait3A_278 : memref<768xf32, #tpu.memory_space<hbm>>) dst(%arg16 : memref<768xf32, #tpu.memory_space<vmem>>)
      tpu.yield
    }) : () -> ()
    %run_scoped3A_244 = arith.constant 1 : i32
    "tpu.region"() ({
      %run_scoped3A_266 = tpu.sem_alloc : memref<!tpu.dma_semaphore, #tpu.memory_space<semaphore_mem>>
      %dma_start3A_267 = arith.constant 0 : i32
      %dma_start3A_268 = tpu.memref_slice %arg7[%run_scoped3A_244, %dma_start3A_267] : memref<2x768xf32, #tpu.memory_space<hbm>> -> memref<1x768xf32, #tpu.memory_space<hbm>>
      %dma_start3A_269 = tpu.memref_squeeze %dma_start3A_268 : memref<1x768xf32, #tpu.memory_space<hbm>> -> memref<768xf32, #tpu.memory_space<hbm>>
      %dma_start3A_270 = arith.constant 0 : i32
      %dma_start3A_271 = tpu.memref_slice %arg7[%run_scoped3A_244, %dma_start3A_270] : memref<2x768xf32, #tpu.memory_space<hbm>> -> memref<1x768xf32, #tpu.memory_space<hbm>>
      %dma_start3A_272 = tpu.memref_squeeze %dma_start3A_271 : memref<1x768xf32, #tpu.memory_space<hbm>> -> memref<768xf32, #tpu.memory_space<hbm>>
      tpu.enqueue_dma source(%dma_start3A_272 : memref<768xf32, #tpu.memory_space<hbm>>) target(%arg17 : memref<768xf32, #tpu.memory_space<vmem>>) target_semaphore(%run_scoped3A_266 : memref<!tpu.dma_semaphore, #tpu.memory_space<semaphore_mem>>)
      %dma_wait3A_273 = arith.constant 0 : i32
      %dma_wait3A_274 = tpu.memref_slice %arg7[%run_scoped3A_244, %dma_wait3A_273] : memref<2x768xf32, #tpu.memory_space<hbm>> -> memref<1x768xf32, #tpu.memory_space<hbm>>
      %dma_wait3A_275 = tpu.memref_squeeze %dma_wait3A_274 : memref<1x768xf32, #tpu.memory_space<hbm>> -> memref<768xf32, #tpu.memory_space<hbm>>
      %dma_wait3A_276 = arith.constant 0 : i32
      %dma_wait3A_277 = tpu.memref_slice %arg7[%run_scoped3A_244, %dma_wait3A_276] : memref<2x768xf32, #tpu.memory_space<hbm>> -> memref<1x768xf32, #tpu.memory_space<hbm>>
      %dma_wait3A_278 = tpu.memref_squeeze %dma_wait3A_277 : memref<1x768xf32, #tpu.memory_space<hbm>> -> memref<768xf32, #tpu.memory_space<hbm>>
      tpu.wait_dma2 semaphore(%run_scoped3A_266 : memref<!tpu.dma_semaphore, #tpu.memory_space<semaphore_mem>>) src(%dma_wait3A_278 : memref<768xf32, #tpu.memory_space<hbm>>) dst(%arg17 : memref<768xf32, #tpu.memory_space<vmem>>)
      tpu.yield
    }) : () -> ()
    %scan3A_245 = arith.constant 0 : i32
    %scan3A_246 = arith.constant 0 : i32
    %scan3A_247 = arith.constant 48 : i32
    %scan3A_248 = arith.addi %scan3A_246, %scan3A_247 : i32
    %scan3A_249 = arith.constant 1 : i32
    %scan3A_250 = scf.for %scan3A_266 = %scan3A_246 to %scan3A_248 step %scan3A_249 iter_args(%scan3A_267 = %scan3A_245) -> (i32)  : i32 {
      %mul3A_268 = arith.constant 16 : i32
      %mul3A_269 = arith.muli %scan3A_266, %mul3A_268 : i32
      %get3A = arith.index_cast %mul3A_269 : i32 to index
      %get3A_270 = tpu.vector_load %arg15[%get3A] {strides = array<i32>} : memref<768xf32, #tpu.memory_space<vmem>>, vector<16xf32>,
      %get3A_271 = arith.index_cast %mul3A_269 : i32 to index
      %get3A_272 = tpu.vector_load %arg16[%get3A_271] {strides = array<i32>} : memref<768xf32, #tpu.memory_space<vmem>>, vector<16xf32>,
      %add3A_273 = arith.addf %get3A_270, %get3A_272 : vector<16xf32>
      %swap3A_274 = arith.index_cast %mul3A_269 : i32 to index
      %swap3A_275 = tpu.vector_load %arg18[%swap3A_274] {strides = array<i32>} : memref<768xf32, #tpu.memory_space<vmem>>, vector<16xf32>,
      tpu.vector_store %arg18[%swap3A_274], %add3A_273 {strides = array<i32>} : memref<768xf32, #tpu.memory_space<vmem>>, vector<16xf32>,
      %get3A_276 = arith.index_cast %mul3A_269 : i32 to index
      %get3A_277 = tpu.vector_load %arg17[%get3A_276] {strides = array<i32>} : memref<768xf32, #tpu.memory_space<vmem>>, vector<16xf32>,
      %get3A_278 = arith.index_cast %mul3A_269 : i32 to index
      %get3A_279 = tpu.vector_load %arg16[%get3A_278] {strides = array<i32>} : memref<768xf32, #tpu.memory_space<vmem>>, vector<16xf32>,
      %sub3A_280 = arith.subf %get3A_277, %get3A_279 : vector<16xf32>
      %swap3A_281 = arith.index_cast %mul3A_269 : i32 to index
      %swap3A_282 = tpu.vector_load %arg19[%swap3A_281] {strides = array<i32>} : memref<768xf32, #tpu.memory_space<vmem>>, vector<16xf32>,
      tpu.vector_store %arg19[%swap3A_281], %sub3A_280 {strides = array<i32>} : memref<768xf32, #tpu.memory_space<vmem>>, vector<16xf32>,
      %scan3A_283 = arith.constant 0 : i32
      scf.yield %scan3A_283 : i32
    }
    %scan3A_251 = arith.constant 48 : i32
    %scan3A_252 = arith.constant 0 : i32
    %scan3A_253 = arith.constant 0 : i32
    %scan3A_254 = arith.constant 8 : i32
    %scan3A_255 = arith.addi %scan3A_253, %scan3A_254 : i32
    %scan3A_256 = arith.constant 1 : i32
    %scan3A_257 = scf.for %scan3A_266 = %scan3A_253 to %scan3A_255 step %scan3A_256 iter_args(%scan3A_267 = %scan3A_252) -> (i32)  : i32 {
      %mul3A_268 = arith.constant 2 : i32
      %mul3A_269 = arith.muli %mul3A_268, %scan3A_266 : i32
      %add3A_270 = arith.constant 0 : i32
      %add3A_271 = arith.addi %mul3A_269, %add3A_270 : i32
      %mul3A_272 = arith.constant 32 : i32
      %mul3A_273 = arith.muli %add3A_271, %mul3A_272 : i32
      %dma_wait3A_274 = arith.constant 0 : i32
      %dma_wait3A_275 = arith.constant 0 : i32
      %dma_wait3A_276 = tpu.memref_slice %arg4[%dma_wait3A_274, %dma_wait3A_275] : memref<50265x768xf32, #tpu.memory_space<hbm>> -> memref<32x768xf32, #tpu.memory_space<hbm>>
      %dma_wait3A_277 = arith.constant 0 : i32
      %dma_wait3A_278 = arith.constant 0 : i32
      %dma_wait3A_279 = tpu.memref_slice %arg4[%dma_wait3A_277, %dma_wait3A_278] : memref<50265x768xf32, #tpu.memory_space<hbm>> -> memref<32x768xf32, #tpu.memory_space<hbm>>
      tpu.wait_dma2 semaphore(%arg24 : memref<!tpu.dma_semaphore, #tpu.memory_space<semaphore_mem>>) src(%dma_wait3A_279 : memref<32x768xf32, #tpu.memory_space<hbm>>) dst(%arg20 : memref<32x768xf32, #tpu.memory_space<vmem>>)
      %dma_wait3A_280 = arith.constant 0 : i32
      %dma_wait3A_281 = arith.constant 0 : i32
      %dma_wait3A_282 = tpu.memref_slice %arg5[%dma_wait3A_280, %dma_wait3A_281] : memref<4104x768xf32, #tpu.memory_space<hbm>> -> memref<32x768xf32, #tpu.memory_space<hbm>>
      %dma_wait3A_283 = arith.constant 0 : i32
      %dma_wait3A_284 = arith.constant 0 : i32
      %dma_wait3A_285 = tpu.memref_slice %arg5[%dma_wait3A_283, %dma_wait3A_284] : memref<4104x768xf32, #tpu.memory_space<hbm>> -> memref<32x768xf32, #tpu.memory_space<hbm>>
      tpu.wait_dma2 semaphore(%arg25 : memref<!tpu.dma_semaphore, #tpu.memory_space<semaphore_mem>>) src(%dma_wait3A_285 : memref<32x768xf32, #tpu.memory_space<hbm>>) dst(%arg21 : memref<32x768xf32, #tpu.memory_space<vmem>>)
      %add3A_286 = arith.constant 0 : i32
      %add3A_287 = arith.addi %mul3A_273, %add3A_286 : i32
      %get3A = arith.index_cast %add3A_287 : i32 to index
      %get3A_288 = tpu.vector_load %arg11[%get3A] {strides = array<i32>} : memref<512xi32, #tpu.memory_space<vmem>>, vector<16xi32>,
      %convert_element_type3A = arith.sitofp %get3A_288 : vector<16xi32> to vector<16xf32>
      %mul3A_289 = arith.constant 16 : i32
      %mul3A_290 = vector.broadcast %mul3A_289 : i32 to vector<16xi32>
      %mul3A_291 = arith.muli %iota3A, %mul3A_290 : vector<16xi32>
      %add3A_292 = arith.constant 0 : i32
      %add3A_293 = vector.broadcast %add3A_292 : i32 to vector<16xi32>
      %add3A_294 = arith.addi %mul3A_291, %add3A_293 : vector<16xi32>
      tpu.vector_store_idx %arg14[%add3A_294], %convert_element_type3A : memref<512xf32, #tpu.memory_space<vmem>>[vector<16xi32>], vector<16xf32>,
      %mul3A_295 = arith.constant 16 : i32
      %mul3A_296 = vector.broadcast %mul3A_295 : i32 to vector<16xi32>
      %mul3A_297 = arith.muli %iota3A, %mul3A_296 : vector<16xi32>
      %add3A_298 = arith.constant 1 : i32
      %add3A_299 = vector.broadcast %add3A_298 : i32 to vector<16xi32>
      %add3A_300 = arith.addi %mul3A_297, %add3A_299 : vector<16xi32>
      tpu.vector_store_idx %arg14[%add3A_300], %convert_element_type3A : memref<512xf32, #tpu.memory_space<vmem>>[vector<16xi32>], vector<16xf32>,
      %mul3A_301 = arith.constant 16 : i32
      %mul3A_302 = vector.broadcast %mul3A_301 : i32 to vector<16xi32>
      %mul3A_303 = arith.muli %iota3A, %mul3A_302 : vector<16xi32>
      %add3A_304 = arith.constant 2 : i32
      %add3A_305 = vector.broadcast %add3A_304 : i32 to vector<16xi32>
      %add3A_306 = arith.addi %mul3A_303, %add3A_305 : vector<16xi32>
      tpu.vector_store_idx %arg14[%add3A_306], %convert_element_type3A : memref<512xf32, #tpu.memory_space<vmem>>[vector<16xi32>], vector<16xf32>,
      %mul3A_307 = arith.constant 16 : i32
      %mul3A_308 = vector.broadcast %mul3A_307 : i32 to vector<16xi32>
      %mul3A_309 = arith.muli %iota3A, %mul3A_308 : vector<16xi32>
      %add3A_310 = arith.constant 3 : i32
      %add3A_311 = vector.broadcast %add3A_310 : i32 to vector<16xi32>
      %add3A_312 = arith.addi %mul3A_309, %add3A_311 : vector<16xi32>
      tpu.vector_store_idx %arg14[%add3A_312], %convert_element_type3A : memref<512xf32, #tpu.memory_space<vmem>>[vector<16xi32>], vector<16xf32>,
      %mul3A_313 = arith.constant 16 : i32
      %mul3A_314 = vector.broadcast %mul3A_313 : i32 to vector<16xi32>
      %mul3A_315 = arith.muli %iota3A, %mul3A_314 : vector<16xi32>
      %add3A_316 = arith.constant 4 : i32
      %add3A_317 = vector.broadcast %add3A_316 : i32 to vector<16xi32>
      %add3A_318 = arith.addi %mul3A_315, %add3A_317 : vector<16xi32>
      tpu.vector_store_idx %arg14[%add3A_318], %convert_element_type3A : memref<512xf32, #tpu.memory_space<vmem>>[vector<16xi32>], vector<16xf32>,
      %mul3A_319 = arith.constant 16 : i32
      %mul3A_320 = vector.broadcast %mul3A_319 : i32 to vector<16xi32>
      %mul3A_321 = arith.muli %iota3A, %mul3A_320 : vector<16xi32>
      %add3A_322 = arith.constant 5 : i32
      %add3A_323 = vector.broadcast %add3A_322 : i32 to vector<16xi32>
      %add3A_324 = arith.addi %mul3A_321, %add3A_323 : vector<16xi32>
      tpu.vector_store_idx %arg14[%add3A_324], %convert_element_type3A : memref<512xf32, #tpu.memory_space<vmem>>[vector<16xi32>], vector<16xf32>,
      %mul3A_325 = arith.constant 16 : i32
      %mul3A_326 = vector.broadcast %mul3A_325 : i32 to vector<16xi32>
      %mul3A_327 = arith.muli %iota3A, %mul3A_326 : vector<16xi32>
      %add3A_328 = arith.constant 6 : i32
      %add3A_329 = vector.broadcast %add3A_328 : i32 to vector<16xi32>
      %add3A_330 = arith.addi %mul3A_327, %add3A_329 : vector<16xi32>
      tpu.vector_store_idx %arg14[%add3A_330], %convert_element_type3A : memref<512xf32, #tpu.memory_space<vmem>>[vector<16xi32>], vector<16xf32>,
      %mul3A_331 = arith.constant 16 : i32
      %mul3A_332 = vector.broadcast %mul3A_331 : i32 to vector<16xi32>
      %mul3A_333 = arith.muli %iota3A, %mul3A_332 : vector<16xi32>
      %add3A_334 = arith.constant 7 : i32
      %add3A_335 = vector.broadcast %add3A_334 : i32 to vector<16xi32>
      %add3A_336 = arith.addi %mul3A_333, %add3A_335 : vector<16xi32>
      tpu.vector_store_idx %arg14[%add3A_336], %convert_element_type3A : memref<512xf32, #tpu.memory_space<vmem>>[vector<16xi32>], vector<16xf32>,
      %mul3A_337 = arith.constant 16 : i32
      %mul3A_338 = vector.broadcast %mul3A_337 : i32 to vector<16xi32>
      %mul3A_339 = arith.muli %iota3A, %mul3A_338 : vector<16xi32>
      %add3A_340 = arith.constant 8 : i32
      %add3A_341 = vector.broadcast %add3A_340 : i32 to vector<16xi32>
      %add3A_342 = arith.addi %mul3A_339, %add3A_341 : vector<16xi32>
      tpu.vector_store_idx %arg14[%add3A_342], %convert_element_type3A : memref<512xf32, #tpu.memory_space<vmem>>[vector<16xi32>], vector<16xf32>,
      %mul3A_343 = arith.constant 16 : i32
      %mul3A_344 = vector.broadcast %mul3A_343 : i32 to vector<16xi32>
      %mul3A_345 = arith.muli %iota3A, %mul3A_344 : vector<16xi32>
      %add3A_346 = arith.constant 9 : i32
      %add3A_347 = vector.broadcast %add3A_346 : i32 to vector<16xi32>
      %add3A_348 = arith.addi %mul3A_345, %add3A_347 : vector<16xi32>
      tpu.vector_store_idx %arg14[%add3A_348], %convert_element_type3A : memref<512xf32, #tpu.memory_space<vmem>>[vector<16xi32>], vector<16xf32>,
      %mul3A_349 = arith.constant 16 : i32
      %mul3A_350 = vector.broadcast %mul3A_349 : i32 to vector<16xi32>
      %mul3A_351 = arith.muli %iota3A, %mul3A_350 : vector<16xi32>
      %add3A_352 = arith.constant 10 : i32
      %add3A_353 = vector.broadcast %add3A_352 : i32 to vector<16xi32>
      %add3A_354 = arith.addi %mul3A_351, %add3A_353 : vector<16xi32>
      tpu.vector_store_idx %arg14[%add3A_354], %convert_element_type3A : memref<512xf32, #tpu.memory_space<vmem>>[vector<16xi32>], vector<16xf32>,
      %mul3A_355 = arith.constant 16 : i32
      %mul3A_356 = vector.broadcast %mul3A_355 : i32 to vector<16xi32>
      %mul3A_357 = arith.muli %iota3A, %mul3A_356 : vector<16xi32>
      %add3A_358 = arith.constant 11 : i32
      %add3A_359 = vector.broadcast %add3A_358 : i32 to vector<16xi32>
      %add3A_360 = arith.addi %mul3A_357, %add3A_359 : vector<16xi32>
      tpu.vector_store_idx %arg14[%add3A_360], %convert_element_type3A : memref<512xf32, #tpu.memory_space<vmem>>[vector<16xi32>], vector<16xf32>,
      %mul3A_361 = arith.constant 16 : i32
      %mul3A_362 = vector.broadcast %mul3A_361 : i32 to vector<16xi32>
      %mul3A_363 = arith.muli %iota3A, %mul3A_362 : vector<16xi32>
      %add3A_364 = arith.constant 12 : i32
      %add3A_365 = vector.broadcast %add3A_364 : i32 to vector<16xi32>
      %add3A_366 = arith.addi %mul3A_363, %add3A_365 : vector<16xi32>
      tpu.vector_store_idx %arg14[%add3A_366], %convert_element_type3A : memref<512xf32, #tpu.memory_space<vmem>>[vector<16xi32>], vector<16xf32>,
      %mul3A_367 = arith.constant 16 : i32
      %mul3A_368 = vector.broadcast %mul3A_367 : i32 to vector<16xi32>
      %mul3A_369 = arith.muli %iota3A, %mul3A_368 : vector<16xi32>
      %add3A_370 = arith.constant 13 : i32
      %add3A_371 = vector.broadcast %add3A_370 : i32 to vector<16xi32>
      %add3A_372 = arith.addi %mul3A_369, %add3A_371 : vector<16xi32>
      tpu.vector_store_idx %arg14[%add3A_372], %convert_element_type3A : memref<512xf32, #tpu.memory_space<vmem>>[vector<16xi32>], vector<16xf32>,
      %mul3A_373 = arith.constant 16 : i32
      %mul3A_374 = vector.broadcast %mul3A_373 : i32 to vector<16xi32>
      %mul3A_375 = arith.muli %iota3A, %mul3A_374 : vector<16xi32>
      %add3A_376 = arith.constant 14 : i32
      %add3A_377 = vector.broadcast %add3A_376 : i32 to vector<16xi32>
      %add3A_378 = arith.addi %mul3A_375, %add3A_377 : vector<16xi32>
      tpu.vector_store_idx %arg14[%add3A_378], %convert_element_type3A : memref<512xf32, #tpu.memory_space<vmem>>[vector<16xi32>], vector<16xf32>,
      %mul3A_379 = arith.constant 16 : i32
      %mul3A_380 = vector.broadcast %mul3A_379 : i32 to vector<16xi32>
      %mul3A_381 = arith.muli %iota3A, %mul3A_380 : vector<16xi32>
      %add3A_382 = arith.constant 15 : i32
      %add3A_383 = vector.broadcast %add3A_382 : i32 to vector<16xi32>
      %add3A_384 = arith.addi %mul3A_381, %add3A_383 : vector<16xi32>
      tpu.vector_store_idx %arg14[%add3A_384], %convert_element_type3A : memref<512xf32, #tpu.memory_space<vmem>>[vector<16xi32>], vector<16xf32>,
      %add3A_385 = arith.constant 16 : i32
      %add3A_386 = arith.addi %mul3A_273, %add3A_385 : i32
      %get3A_387 = arith.index_cast %add3A_386 : i32 to index
      %get3A_388 = tpu.vector_load %arg11[%get3A_387] {strides = array<i32>} : memref<512xi32, #tpu.memory_space<vmem>>, vector<16xi32>,
      %convert_element_type3A_389 = arith.sitofp %get3A_388 : vector<16xi32> to vector<16xf32>
      %mul3A_390 = arith.constant 16 : i32
      %mul3A_391 = vector.broadcast %mul3A_390 : i32 to vector<16xi32>
      %mul3A_392 = arith.muli %iota3A, %mul3A_391 : vector<16xi32>
      %add3A_393 = arith.constant 256 : i32
      %add3A_394 = vector.broadcast %add3A_393 : i32 to vector<16xi32>
      %add3A_395 = arith.addi %mul3A_392, %add3A_394 : vector<16xi32>
      tpu.vector_store_idx %arg14[%add3A_395], %convert_element_type3A_389 : memref<512xf32, #tpu.memory_space<vmem>>[vector<16xi32>], vector<16xf32>,
      %mul3A_396 = arith.constant 16 : i32
      %mul3A_397 = vector.broadcast %mul3A_396 : i32 to vector<16xi32>
      %mul3A_398 = arith.muli %iota3A, %mul3A_397 : vector<16xi32>
      %add3A_399 = arith.constant 257 : i32
      %add3A_400 = vector.broadcast %add3A_399 : i32 to vector<16xi32>
      %add3A_401 = arith.addi %mul3A_398, %add3A_400 : vector<16xi32>
      tpu.vector_store_idx %arg14[%add3A_401], %convert_element_type3A_389 : memref<512xf32, #tpu.memory_space<vmem>>[vector<16xi32>], vector<16xf32>,
      %mul3A_402 = arith.constant 16 : i32
      %mul3A_403 = vector.broadcast %mul3A_402 : i32 to vector<16xi32>
      %mul3A_404 = arith.muli %iota3A, %mul3A_403 : vector<16xi32>
      %add3A_405 = arith.constant 258 : i32
      %add3A_406 = vector.broadcast %add3A_405 : i32 to vector<16xi32>
      %add3A_407 = arith.addi %mul3A_404, %add3A_406 : vector<16xi32>
      tpu.vector_store_idx %arg14[%add3A_407], %convert_element_type3A_389 : memref<512xf32, #tpu.memory_space<vmem>>[vector<16xi32>], vector<16xf32>,
      %mul3A_408 = arith.constant 16 : i32
      %mul3A_409 = vector.broadcast %mul3A_408 : i32 to vector<16xi32>
      %mul3A_410 = arith.muli %iota3A, %mul3A_409 : vector<16xi32>
      %add3A_411 = arith.constant 259 : i32
      %add3A_412 = vector.broadcast %add3A_411 : i32 to vector<16xi32>
      %add3A_413 = arith.addi %mul3A_410, %add3A_412 : vector<16xi32>
      tpu.vector_store_idx %arg14[%add3A_413], %convert_element_type3A_389 : memref<512xf32, #tpu.memory_space<vmem>>[vector<16xi32>], vector<16xf32>,
      %mul3A_414 = arith.constant 16 : i32
      %mul3A_415 = vector.broadcast %mul3A_414 : i32 to vector<16xi32>
      %mul3A_416 = arith.muli %iota3A, %mul3A_415 : vector<16xi32>
      %add3A_417 = arith.constant 260 : i32
      %add3A_418 = vector.broadcast %add3A_417 : i32 to vector<16xi32>
      %add3A_419 = arith.addi %mul3A_416, %add3A_418 : vector<16xi32>
      tpu.vector_store_idx %arg14[%add3A_419], %convert_element_type3A_389 : memref<512xf32, #tpu.memory_space<vmem>>[vector<16xi32>], vector<16xf32>,
      %mul3A_420 = arith.constant 16 : i32
      %mul3A_421 = vector.broadcast %mul3A_420 : i32 to vector<16xi32>
      %mul3A_422 = arith.muli %iota3A, %mul3A_421 : vector<16xi32>
      %add3A_423 = arith.constant 261 : i32
      %add3A_424 = vector.broadcast %add3A_423 : i32 to vector<16xi32>
      %add3A_425 = arith.addi %mul3A_422, %add3A_424 : vector<16xi32>
      tpu.vector_store_idx %arg14[%add3A_425], %convert_element_type3A_389 : memref<512xf32, #tpu.memory_space<vmem>>[vector<16xi32>], vector<16xf32>,
      %mul3A_426 = arith.constant 16 : i32
      %mul3A_427 = vector.broadcast %mul3A_426 : i32 to vector<16xi32>
      %mul3A_428 = arith.muli %iota3A, %mul3A_427 : vector<16xi32>
      %add3A_429 = arith.constant 262 : i32
      %add3A_430 = vector.broadcast %add3A_429 : i32 to vector<16xi32>
      %add3A_431 = arith.addi %mul3A_428, %add3A_430 : vector<16xi32>
      tpu.vector_store_idx %arg14[%add3A_431], %convert_element_type3A_389 : memref<512xf32, #tpu.memory_space<vmem>>[vector<16xi32>], vector<16xf32>,
      %mul3A_432 = arith.constant 16 : i32
      %mul3A_433 = vector.broadcast %mul3A_432 : i32 to vector<16xi32>
      %mul3A_434 = arith.muli %iota3A, %mul3A_433 : vector<16xi32>
      %add3A_435 = arith.constant 263 : i32
      %add3A_436 = vector.broadcast %add3A_435 : i32 to vector<16xi32>
      %add3A_437 = arith.addi %mul3A_434, %add3A_436 : vector<16xi32>
      tpu.vector_store_idx %arg14[%add3A_437], %convert_element_type3A_389 : memref<512xf32, #tpu.memory_space<vmem>>[vector<16xi32>], vector<16xf32>,
      %mul3A_438 = arith.constant 16 : i32
      %mul3A_439 = vector.broadcast %mul3A_438 : i32 to vector<16xi32>
      %mul3A_440 = arith.muli %iota3A, %mul3A_439 : vector<16xi32>
      %add3A_441 = arith.constant 264 : i32
      %add3A_442 = vector.broadcast %add3A_441 : i32 to vector<16xi32>
      %add3A_443 = arith.addi %mul3A_440, %add3A_442 : vector<16xi32>
      tpu.vector_store_idx %arg14[%add3A_443], %convert_element_type3A_389 : memref<512xf32, #tpu.memory_space<vmem>>[vector<16xi32>], vector<16xf32>,
      %mul3A_444 = arith.constant 16 : i32
      %mul3A_445 = vector.broadcast %mul3A_444 : i32 to vector<16xi32>
      %mul3A_446 = arith.muli %iota3A, %mul3A_445 : vector<16xi32>
      %add3A_447 = arith.constant 265 : i32
      %add3A_448 = vector.broadcast %add3A_447 : i32 to vector<16xi32>
      %add3A_449 = arith.addi %mul3A_446, %add3A_448 : vector<16xi32>
      tpu.vector_store_idx %arg14[%add3A_449], %convert_element_type3A_389 : memref<512xf32, #tpu.memory_space<vmem>>[vector<16xi32>], vector<16xf32>,
      %mul3A_450 = arith.constant 16 : i32
      %mul3A_451 = vector.broadcast %mul3A_450 : i32 to vector<16xi32>
      %mul3A_452 = arith.muli %iota3A, %mul3A_451 : vector<16xi32>
      %add3A_453 = arith.constant 266 : i32
      %add3A_454 = vector.broadcast %add3A_453 : i32 to vector<16xi32>
      %add3A_455 = arith.addi %mul3A_452, %add3A_454 : vector<16xi32>
      tpu.vector_store_idx %arg14[%add3A_455], %convert_element_type3A_389 : memref<512xf32, #tpu.memory_space<vmem>>[vector<16xi32>], vector<16xf32>,
      %mul3A_456 = arith.constant 16 : i32
      %mul3A_457 = vector.broadcast %mul3A_456 : i32 to vector<16xi32>
      %mul3A_458 = arith.muli %iota3A, %mul3A_457 : vector<16xi32>
      %add3A_459 = arith.constant 267 : i32
      %add3A_460 = vector.broadcast %add3A_459 : i32 to vector<16xi32>
      %add3A_461 = arith.addi %mul3A_458, %add3A_460 : vector<16xi32>
      tpu.vector_store_idx %arg14[%add3A_461], %convert_element_type3A_389 : memref<512xf32, #tpu.memory_space<vmem>>[vector<16xi32>], vector<16xf32>,
      %mul3A_462 = arith.constant 16 : i32
      %mul3A_463 = vector.broadcast %mul3A_462 : i32 to vector<16xi32>
      %mul3A_464 = arith.muli %iota3A, %mul3A_463 : vector<16xi32>
      %add3A_465 = arith.constant 268 : i32
      %add3A_466 = vector.broadcast %add3A_465 : i32 to vector<16xi32>
      %add3A_467 = arith.addi %mul3A_464, %add3A_466 : vector<16xi32>
      tpu.vector_store_idx %arg14[%add3A_467], %convert_element_type3A_389 : memref<512xf32, #tpu.memory_space<vmem>>[vector<16xi32>], vector<16xf32>,
      %mul3A_468 = arith.constant 16 : i32
      %mul3A_469 = vector.broadcast %mul3A_468 : i32 to vector<16xi32>
      %mul3A_470 = arith.muli %iota3A, %mul3A_469 : vector<16xi32>
      %add3A_471 = arith.constant 269 : i32
      %add3A_472 = vector.broadcast %add3A_471 : i32 to vector<16xi32>
      %add3A_473 = arith.addi %mul3A_470, %add3A_472 : vector<16xi32>
      tpu.vector_store_idx %arg14[%add3A_473], %convert_element_type3A_389 : memref<512xf32, #tpu.memory_space<vmem>>[vector<16xi32>], vector<16xf32>,
      %mul3A_474 = arith.constant 16 : i32
      %mul3A_475 = vector.broadcast %mul3A_474 : i32 to vector<16xi32>
      %mul3A_476 = arith.muli %iota3A, %mul3A_475 : vector<16xi32>
      %add3A_477 = arith.constant 270 : i32
      %add3A_478 = vector.broadcast %add3A_477 : i32 to vector<16xi32>
      %add3A_479 = arith.addi %mul3A_476, %add3A_478 : vector<16xi32>
      tpu.vector_store_idx %arg14[%add3A_479], %convert_element_type3A_389 : memref<512xf32, #tpu.memory_space<vmem>>[vector<16xi32>], vector<16xf32>,
      %mul3A_480 = arith.constant 16 : i32
      %mul3A_481 = vector.broadcast %mul3A_480 : i32 to vector<16xi32>
      %mul3A_482 = arith.muli %iota3A, %mul3A_481 : vector<16xi32>
      %add3A_483 = arith.constant 271 : i32
      %add3A_484 = vector.broadcast %add3A_483 : i32 to vector<16xi32>
      %add3A_485 = arith.addi %mul3A_482, %add3A_484 : vector<16xi32>
      tpu.vector_store_idx %arg14[%add3A_485], %convert_element_type3A_389 : memref<512xf32, #tpu.memory_space<vmem>>[vector<16xi32>], vector<16xf32>,
      %get3A_486 = arith.constant 0 : index
      %get3A_487 = tpu.vector_load %arg18[%get3A_486] {strides = array<i32>} : memref<768xf32, #tpu.memory_space<vmem>>, vector<16xf32>,
      %get3A_488 = arith.constant 16 : index
      %get3A_489 = tpu.vector_load %arg18[%get3A_488] {strides = array<i32>} : memref<768xf32, #tpu.memory_space<vmem>>, vector<16xf32>,
      %get3A_490 = arith.constant 32 : index
      %get3A_491 = tpu.vector_load %arg18[%get3A_490] {strides = array<i32>} : memref<768xf32, #tpu.memory_space<vmem>>, vector<16xf32>,
      %get3A_492 = arith.constant 48 : index
      %get3A_493 = tpu.vector_load %arg18[%get3A_492] {strides = array<i32>} : memref<768xf32, #tpu.memory_space<vmem>>, vector<16xf32>,
      %get3A_494 = arith.constant 64 : index
      %get3A_495 = tpu.vector_load %arg18[%get3A_494] {strides = array<i32>} : memref<768xf32, #tpu.memory_space<vmem>>, vector<16xf32>,
      %get3A_496 = arith.constant 80 : index
      %get3A_497 = tpu.vector_load %arg18[%get3A_496] {strides = array<i32>} : memref<768xf32, #tpu.memory_space<vmem>>, vector<16xf32>,
      %get3A_498 = arith.constant 96 : index
      %get3A_499 = tpu.vector_load %arg18[%get3A_498] {strides = array<i32>} : memref<768xf32, #tpu.memory_space<vmem>>, vector<16xf32>,
      %get3A_500 = arith.constant 112 : index
      %get3A_501 = tpu.vector_load %arg18[%get3A_500] {strides = array<i32>} : memref<768xf32, #tpu.memory_space<vmem>>, vector<16xf32>,
      %get3A_502 = arith.constant 0 : index
      %get3A_503 = tpu.vector_load %arg19[%get3A_502] {strides = array<i32>} : memref<768xf32, #tpu.memory_space<vmem>>, vector<16xf32>,
      %get3A_504 = arith.constant 16 : index
      %get3A_505 = tpu.vector_load %arg19[%get3A_504] {strides = array<i32>} : memref<768xf32, #tpu.memory_space<vmem>>, vector<16xf32>,
      %get3A_506 = arith.constant 32 : index
      %get3A_507 = tpu.vector_load %arg19[%get3A_506] {strides = array<i32>} : memref<768xf32, #tpu.memory_space<vmem>>, vector<16xf32>,
      %get3A_508 = arith.constant 48 : index
      %get3A_509 = tpu.vector_load %arg19[%get3A_508] {strides = array<i32>} : memref<768xf32, #tpu.memory_space<vmem>>, vector<16xf32>,
      %get3A_510 = arith.constant 64 : index
      %get3A_511 = tpu.vector_load %arg19[%get3A_510] {strides = array<i32>} : memref<768xf32, #tpu.memory_space<vmem>>, vector<16xf32>,
      %get3A_512 = arith.constant 80 : index
      %get3A_513 = tpu.vector_load %arg19[%get3A_512] {strides = array<i32>} : memref<768xf32, #tpu.memory_space<vmem>>, vector<16xf32>,
      %get3A_514 = arith.constant 96 : index
      %get3A_515 = tpu.vector_load %arg19[%get3A_514] {strides = array<i32>} : memref<768xf32, #tpu.memory_space<vmem>>, vector<16xf32>,
      %get3A_516 = arith.constant 112 : index
      %get3A_517 = tpu.vector_load %arg19[%get3A_516] {strides = array<i32>} : memref<768xf32, #tpu.memory_space<vmem>>, vector<16xf32>,
      %scan3A_518 = arith.constant 0 : i32
      %scan3A_519 = arith.constant 0 : i32
      %scan3A_520 = arith.constant 32 : i32
      %scan3A_521 = arith.addi %scan3A_519, %scan3A_520 : i32
      %scan3A_522 = arith.constant 1 : i32
      %scan3A_523 = scf.for %scan3A_1189 = %scan3A_519 to %scan3A_521 step %scan3A_522 iter_args(%scan3A_1190 = %scan3A_518) -> (i32)  : i32 {
        %mul3A_1191 = arith.constant 16 : i32
        %mul3A_1192 = arith.muli %scan3A_1189, %mul3A_1191 : i32
        %get3A_1193 = arith.index_cast %mul3A_1192 : i32 to index
        %get3A_1194 = tpu.vector_load %arg14[%get3A_1193] {strides = array<i32>} : memref<512xf32, #tpu.memory_space<vmem>>, vector<16xf32>,
        %get3A_1195 = arith.index_cast %scan3A_1189 : i32 to index
        %get3A_1196 = arith.constant 0 : index
        %get3A_1197 = tpu.vector_load %arg20[%get3A_1195, %get3A_1196] {strides = array<i32>} : memref<32x768xf32, #tpu.memory_space<vmem>>, vector<16xf32>,
        %get3A_1198 = arith.index_cast %scan3A_1189 : i32 to index
        %get3A_1199 = arith.constant 0 : index
        %get3A_1200 = tpu.vector_load %arg21[%get3A_1198, %get3A_1199] {strides = array<i32>} : memref<32x768xf32, #tpu.memory_space<vmem>>, vector<16xf32>,
        %add3A_1201 = arith.addf %get3A_1197, %get3A_1200 : vector<16xf32>
        %mul3A_1202 = arith.mulf %get3A_1194, %get3A_503 : vector<16xf32>
        %add3A_1203 = arith.addf %get3A_487, %mul3A_1202 : vector<16xf32>
        %add3A_1204 = arith.addf %add3A_1201, %add3A_1203 : vector<16xf32>
        %swap3A_1205 = arith.index_cast %scan3A_1189 : i32 to index
        %swap3A_1206 = arith.constant 0 : index
        %swap3A_1207 = tpu.vector_load %arg20[%swap3A_1205, %swap3A_1206] {strides = array<i32>} : memref<32x768xf32, #tpu.memory_space<vmem>>, vector<16xf32>,
        tpu.vector_store %arg20[%swap3A_1205, %swap3A_1206], %add3A_1204 {strides = array<i32>} : memref<32x768xf32, #tpu.memory_space<vmem>>, vector<16xf32>,
        %get3A_1208 = arith.index_cast %scan3A_1189 : i32 to index
        %get3A_1209 = arith.constant 16 : index
        %get3A_1210 = tpu.vector_load %arg20[%get3A_1208, %get3A_1209] {strides = array<i32>} : memref<32x768xf32, #tpu.memory_space<vmem>>, vector<16xf32>,
        %get3A_1211 = arith.index_cast %scan3A_1189 : i32 to index
        %get3A_1212 = arith.constant 16 : index
        %get3A_1213 = tpu.vector_load %arg21[%get3A_1211, %get3A_1212] {strides = array<i32>} : memref<32x768xf32, #tpu.memory_space<vmem>>, vector<16xf32>,
        %add3A_1214 = arith.addf %get3A_1210, %get3A_1213 : vector<16xf32>
        %mul3A_1215 = arith.mulf %get3A_1194, %get3A_505 : vector<16xf32>
        %add3A_1216 = arith.addf %get3A_489, %mul3A_1215 : vector<16xf32>
        %add3A_1217 = arith.addf %add3A_1214, %add3A_1216 : vector<16xf32>
        %swap3A_1218 = arith.index_cast %scan3A_1189 : i32 to index
        %swap3A_1219 = arith.constant 16 : index
        %swap3A_1220 = tpu.vector_load %arg20[%swap3A_1218, %swap3A_1219] {strides = array<i32>} : memref<32x768xf32, #tpu.memory_space<vmem>>, vector<16xf32>,
        tpu.vector_store %arg20[%swap3A_1218, %swap3A_1219], %add3A_1217 {strides = array<i32>} : memref<32x768xf32, #tpu.memory_space<vmem>>, vector<16xf32>,
        %get3A_1221 = arith.index_cast %scan3A_1189 : i32 to index
        %get3A_1222 = arith.constant 32 : index
        %get3A_1223 = tpu.vector_load %arg20[%get3A_1221, %get3A_1222] {strides = array<i32>} : memref<32x768xf32, #tpu.memory_space<vmem>>, vector<16xf32>,
        %get3A_1224 = arith.index_cast %scan3A_1189 : i32 to index
        %get3A_1225 = arith.constant 32 : index
        %get3A_1226 = tpu.vector_load %arg21[%get3A_1224, %get3A_1225] {strides = array<i32>} : memref<32x768xf32, #tpu.memory_space<vmem>>, vector<16xf32>,
        %add3A_1227 = arith.addf %get3A_1223, %get3A_1226 : vector<16xf32>
        %mul3A_1228 = arith.mulf %get3A_1194, %get3A_507 : vector<16xf32>
        %add3A_1229 = arith.addf %get3A_491, %mul3A_1228 : vector<16xf32>
        %add3A_1230 = arith.addf %add3A_1227, %add3A_1229 : vector<16xf32>
        %swap3A_1231 = arith.index_cast %scan3A_1189 : i32 to index
        %swap3A_1232 = arith.constant 32 : index
        %swap3A_1233 = tpu.vector_load %arg20[%swap3A_1231, %swap3A_1232] {strides = array<i32>} : memref<32x768xf32, #tpu.memory_space<vmem>>, vector<16xf32>,
        tpu.vector_store %arg20[%swap3A_1231, %swap3A_1232], %add3A_1230 {strides = array<i32>} : memref<32x768xf32, #tpu.memory_space<vmem>>, vector<16xf32>,
        %get3A_1234 = arith.index_cast %scan3A_1189 : i32 to index
        %get3A_1235 = arith.constant 48 : index
        %get3A_1236 = tpu.vector_load %arg20[%get3A_1234, %get3A_1235] {strides = array<i32>} : memref<32x768xf32, #tpu.memory_space<vmem>>, vector<16xf32>,
        %get3A_1237 = arith.index_cast %scan3A_1189 : i32 to index
        %get3A_1238 = arith.constant 48 : index
        %get3A_1239 = tpu.vector_load %arg21[%get3A_1237, %get3A_1238] {strides = array<i32>} : memref<32x768xf32, #tpu.memory_space<vmem>>, vector<16xf32>,
        %add3A_1240 = arith.addf %get3A_1236, %get3A_1239 : vector<16xf32>
        %mul3A_1241 = arith.mulf %get3A_1194, %get3A_509 : vector<16xf32>
        %add3A_1242 = arith.addf %get3A_493, %mul3A_1241 : vector<16xf32>
        %add3A_1243 = arith.addf %add3A_1240, %add3A_1242 : vector<16xf32>
        %swap3A_1244 = arith.index_cast %scan3A_1189 : i32 to index
        %swap3A_1245 = arith.constant 48 : index
        %swap3A_1246 = tpu.vector_load %arg20[%swap3A_1244, %swap3A_1245] {strides = array<i32>} : memref<32x768xf32, #tpu.memory_space<vmem>>, vector<16xf32>,
        tpu.vector_store %arg20[%swap3A_1244, %swap3A_1245], %add3A_1243 {strides = array<i32>} : memref<32x768xf32, #tpu.memory_space<vmem>>, vector<16xf32>,
        %get3A_1247 = arith.index_cast %scan3A_1189 : i32 to index
        %get3A_1248 = arith.constant 64 : index
        %get3A_1249 = tpu.vector_load %arg20[%get3A_1247, %get3A_1248] {strides = array<i32>} : memref<32x768xf32, #tpu.memory_space<vmem>>, vector<16xf32>,
        %get3A_1250 = arith.index_cast %scan3A_1189 : i32 to index
        %get3A_1251 = arith.constant 64 : index
        %get3A_1252 = tpu.vector_load %arg21[%get3A_1250, %get3A_1251] {strides = array<i32>} : memref<32x768xf32, #tpu.memory_space<vmem>>, vector<16xf32>,
        %add3A_1253 = arith.addf %get3A_1249, %get3A_1252 : vector<16xf32>
        %mul3A_1254 = arith.mulf %get3A_1194, %get3A_511 : vector<16xf32>
        %add3A_1255 = arith.addf %get3A_495, %mul3A_1254 : vector<16xf32>
        %add3A_1256 = arith.addf %add3A_1253, %add3A_1255 : vector<16xf32>
        %swap3A_1257 = arith.index_cast %scan3A_1189 : i32 to index
        %swap3A_1258 = arith.constant 64 : index
        %swap3A_1259 = tpu.vector_load %arg20[%swap3A_1257, %swap3A_1258] {strides = array<i32>} : memref<32x768xf32, #tpu.memory_space<vmem>>, vector<16xf32>,
        tpu.vector_store %arg20[%swap3A_1257, %swap3A_1258], %add3A_1256 {strides = array<i32>} : memref<32x768xf32, #tpu.memory_space<vmem>>, vector<16xf32>,
        %get3A_1260 = arith.index_cast %scan3A_1189 : i32 to index
        %get3A_1261 = arith.constant 80 : index
        %get3A_1262 = tpu.vector_load %arg20[%get3A_1260, %get3A_1261] {strides = array<i32>} : memref<32x768xf32, #tpu.memory_space<vmem>>, vector<16xf32>,
        %get3A_1263 = arith.index_cast %scan3A_1189 : i32 to index
        %get3A_1264 = arith.constant 80 : index
        %get3A_1265 = tpu.vector_load %arg21[%get3A_1263, %get3A_1264] {strides = array<i32>} : memref<32x768xf32, #tpu.memory_space<vmem>>, vector<16xf32>,
        %add3A_1266 = arith.addf %get3A_1262, %get3A_1265 : vector<16xf32>
        %mul3A_1267 = arith.mulf %get3A_1194, %get3A_513 : vector<16xf32>
        %add3A_1268 = arith.addf %get3A_497, %mul3A_1267 : vector<16xf32>
        %add3A_1269 = arith.addf %add3A_1266, %add3A_1268 : vector<16xf32>
        %swap3A_1270 = arith.index_cast %scan3A_1189 : i32 to index
        %swap3A_1271 = arith.constant 80 : index
        %swap3A_1272 = tpu.vector_load %arg20[%swap3A_1270, %swap3A_1271] {strides = array<i32>} : memref<32x768xf32, #tpu.memory_space<vmem>>, vector<16xf32>,
        tpu.vector_store %arg20[%swap3A_1270, %swap3A_1271], %add3A_1269 {strides = array<i32>} : memref<32x768xf32, #tpu.memory_space<vmem>>, vector<16xf32>,
        %get3A_1273 = arith.index_cast %scan3A_1189 : i32 to index
        %get3A_1274 = arith.constant 96 : index
        %get3A_1275 = tpu.vector_load %arg20[%get3A_1273, %get3A_1274] {strides = array<i32>} : memref<32x768xf32, #tpu.memory_space<vmem>>, vector<16xf32>,
        %get3A_1276 = arith.index_cast %scan3A_1189 : i32 to index
        %get3A_1277 = arith.constant 96 : index
        %get3A_1278 = tpu.vector_load %arg21[%get3A_1276, %get3A_1277] {strides = array<i32>} : memref<32x768xf32, #tpu.memory_space<vmem>>, vector<16xf32>,
        %add3A_1279 = arith.addf %get3A_1275, %get3A_1278 : vector<16xf32>
        %mul3A_1280 = arith.mulf %get3A_1194, %get3A_515 : vector<16xf32>
        %add3A_1281 = arith.addf %get3A_499, %mul3A_1280 : vector<16xf32>
        %add3A_1282 = arith.addf %add3A_1279, %add3A_1281 : vector<16xf32>
        %swap3A_1283 = arith.index_cast %scan3A_1189 : i32 to index
        %swap3A_1284 = arith.constant 96 : index
        %swap3A_1285 = tpu.vector_load %arg20[%swap3A_1283, %swap3A_1284] {strides = array<i32>} : memref<32x768xf32, #tpu.memory_space<vmem>>, vector<16xf32>,
        tpu.vector_store %arg20[%swap3A_1283, %swap3A_1284], %add3A_1282 {strides = array<i32>} : memref<32x768xf32, #tpu.memory_space<vmem>>, vector<16xf32>,
        %get3A_1286 = arith.index_cast %scan3A_1189 : i32 to index
        %get3A_1287 = arith.constant 112 : index
        %get3A_1288 = tpu.vector_load %arg20[%get3A_1286, %get3A_1287] {strides = array<i32>} : memref<32x768xf32, #tpu.memory_space<vmem>>, vector<16xf32>,
        %get3A_1289 = arith.index_cast %scan3A_1189 : i32 to index
        %get3A_1290 = arith.constant 112 : index
        %get3A_1291 = tpu.vector_load %arg21[%get3A_1289, %get3A_1290] {strides = array<i32>} : memref<32x768xf32, #tpu.memory_space<vmem>>, vector<16xf32>,
        %add3A_1292 = arith.addf %get3A_1288, %get3A_1291 : vector<16xf32>
        %mul3A_1293 = arith.mulf %get3A_1194, %get3A_517 : vector<16xf32>
        %add3A_1294 = arith.addf %get3A_501, %mul3A_1293 : vector<16xf32>
        %add3A_1295 = arith.addf %add3A_1292, %add3A_1294 : vector<16xf32>
        %swap3A_1296 = arith.index_cast %scan3A_1189 : i32 to index
        %swap3A_1297 = arith.constant 112 : index
        %swap3A_1298 = tpu.vector_load %arg20[%swap3A_1296, %swap3A_1297] {strides = array<i32>} : memref<32x768xf32, #tpu.memory_space<vmem>>, vector<16xf32>,
        tpu.vector_store %arg20[%swap3A_1296, %swap3A_1297], %add3A_1295 {strides = array<i32>} : memref<32x768xf32, #tpu.memory_space<vmem>>, vector<16xf32>,
        %scan3A_1299 = arith.constant 0 : i32
        scf.yield %scan3A_1299 : i32
      }
      %scan3A_524 = arith.constant 32 : i32
      %get3A_525 = arith.constant 128 : index
      %get3A_526 = tpu.vector_load %arg18[%get3A_525] {strides = array<i32>} : memref<768xf32, #tpu.memory_space<vmem>>, vector<16xf32>,
      %get3A_527 = arith.constant 144 : index
      %get3A_528 = tpu.vector_load %arg18[%get3A_527] {strides = array<i32>} : memref<768xf32, #tpu.memory_space<vmem>>, vector<16xf32>,
      %get3A_529 = arith.constant 160 : index
      %get3A_530 = tpu.vector_load %arg18[%get3A_529] {strides = array<i32>} : memref<768xf32, #tpu.memory_space<vmem>>, vector<16xf32>,
      %get3A_531 = arith.constant 176 : index
      %get3A_532 = tpu.vector_load %arg18[%get3A_531] {strides = array<i32>} : memref<768xf32, #tpu.memory_space<vmem>>, vector<16xf32>,
      %get3A_533 = arith.constant 192 : index
      %get3A_534 = tpu.vector_load %arg18[%get3A_533] {strides = array<i32>} : memref<768xf32, #tpu.memory_space<vmem>>, vector<16xf32>,
      %get3A_535 = arith.constant 208 : index
      %get3A_536 = tpu.vector_load %arg18[%get3A_535] {strides = array<i32>} : memref<768xf32, #tpu.memory_space<vmem>>, vector<16xf32>,
      %get3A_537 = arith.constant 224 : index
      %get3A_538 = tpu.vector_load %arg18[%get3A_537] {strides = array<i32>} : memref<768xf32, #tpu.memory_space<vmem>>, vector<16xf32>,
      %get3A_539 = arith.constant 240 : index
      %get3A_540 = tpu.vector_load %arg18[%get3A_539] {strides = array<i32>} : memref<768xf32, #tpu.memory_space<vmem>>, vector<16xf32>,
      %get3A_541 = arith.constant 128 : index
      %get3A_542 = tpu.vector_load %arg19[%get3A_541] {strides = array<i32>} : memref<768xf32, #tpu.memory_space<vmem>>, vector<16xf32>,
      %get3A_543 = arith.constant 144 : index
      %get3A_544 = tpu.vector_load %arg19[%get3A_543] {strides = array<i32>} : memref<768xf32, #tpu.memory_space<vmem>>, vector<16xf32>,
      %get3A_545 = arith.constant 160 : index
      %get3A_546 = tpu.vector_load %arg19[%get3A_545] {strides = array<i32>} : memref<768xf32, #tpu.memory_space<vmem>>, vector<16xf32>,
      %get3A_547 = arith.constant 176 : index
      %get3A_548 = tpu.vector_load %arg19[%get3A_547] {strides = array<i32>} : memref<768xf32, #tpu.memory_space<vmem>>, vector<16xf32>,
      %get3A_549 = arith.constant 192 : index
      %get3A_550 = tpu.vector_load %arg19[%get3A_549] {strides = array<i32>} : memref<768xf32, #tpu.memory_space<vmem>>, vector<16xf32>,
      %get3A_551 = arith.constant 208 : index
      %get3A_552 = tpu.vector_load %arg19[%get3A_551] {strides = array<i32>} : memref<768xf32, #tpu.memory_space<vmem>>, vector<16xf32>,
      %get3A_553 = arith.constant 224 : index
      %get3A_554 = tpu.vector_load %arg19[%get3A_553] {strides = array<i32>} : memref<768xf32, #tpu.memory_space<vmem>>, vector<16xf32>,
      %get3A_555 = arith.constant 240 : index
      %get3A_556 = tpu.vector_load %arg19[%get3A_555] {strides = array<i32>} : memref<768xf32, #tpu.memory_space<vmem>>, vector<16xf32>,
      %scan3A_557 = arith.constant 0 : i32
      %scan3A_558 = arith.constant 0 : i32
      %scan3A_559 = arith.constant 32 : i32
      %scan3A_560 = arith.addi %scan3A_558, %scan3A_559 : i32
      %scan3A_561 = arith.constant 1 : i32
      %scan3A_562 = scf.for %scan3A_1189 = %scan3A_558 to %scan3A_560 step %scan3A_561 iter_args(%scan3A_1190 = %scan3A_557) -> (i32)  : i32 {
        %mul3A_1191 = arith.constant 16 : i32
        %mul3A_1192 = arith.muli %scan3A_1189, %mul3A_1191 : i32
        %get3A_1193 = arith.index_cast %mul3A_1192 : i32 to index
        %get3A_1194 = tpu.vector_load %arg14[%get3A_1193] {strides = array<i32>} : memref<512xf32, #tpu.memory_space<vmem>>, vector<16xf32>,
        %get3A_1195 = arith.index_cast %scan3A_1189 : i32 to index
        %get3A_1196 = arith.constant 128 : index
        %get3A_1197 = tpu.vector_load %arg20[%get3A_1195, %get3A_1196] {strides = array<i32>} : memref<32x768xf32, #tpu.memory_space<vmem>>, vector<16xf32>,
        %get3A_1198 = arith.index_cast %scan3A_1189 : i32 to index
        %get3A_1199 = arith.constant 128 : index
        %get3A_1200 = tpu.vector_load %arg21[%get3A_1198, %get3A_1199] {strides = array<i32>} : memref<32x768xf32, #tpu.memory_space<vmem>>, vector<16xf32>,
        %add3A_1201 = arith.addf %get3A_1197, %get3A_1200 : vector<16xf32>
        %mul3A_1202 = arith.mulf %get3A_1194, %get3A_542 : vector<16xf32>
        %add3A_1203 = arith.addf %get3A_526, %mul3A_1202 : vector<16xf32>
        %add3A_1204 = arith.addf %add3A_1201, %add3A_1203 : vector<16xf32>
        %swap3A_1205 = arith.index_cast %scan3A_1189 : i32 to index
        %swap3A_1206 = arith.constant 128 : index
        %swap3A_1207 = tpu.vector_load %arg20[%swap3A_1205, %swap3A_1206] {strides = array<i32>} : memref<32x768xf32, #tpu.memory_space<vmem>>, vector<16xf32>,
        tpu.vector_store %arg20[%swap3A_1205, %swap3A_1206], %add3A_1204 {strides = array<i32>} : memref<32x768xf32, #tpu.memory_space<vmem>>, vector<16xf32>,
        %get3A_1208 = arith.index_cast %scan3A_1189 : i32 to index
        %get3A_1209 = arith.constant 144 : index
        %get3A_1210 = tpu.vector_load %arg20[%get3A_1208, %get3A_1209] {strides = array<i32>} : memref<32x768xf32, #tpu.memory_space<vmem>>, vector<16xf32>,
        %get3A_1211 = arith.index_cast %scan3A_1189 : i32 to index
        %get3A_1212 = arith.constant 144 : index
        %get3A_1213 = tpu.vector_load %arg21[%get3A_1211, %get3A_1212] {strides = array<i32>} : memref<32x768xf32, #tpu.memory_space<vmem>>, vector<16xf32>,
        %add3A_1214 = arith.addf %get3A_1210, %get3A_1213 : vector<16xf32>
        %mul3A_1215 = arith.mulf %get3A_1194, %get3A_544 : vector<16xf32>
        %add3A_1216 = arith.addf %get3A_528, %mul3A_1215 : vector<16xf32>
        %add3A_1217 = arith.addf %add3A_1214, %add3A_1216 : vector<16xf32>
        %swap3A_1218 = arith.index_cast %scan3A_1189 : i32 to index
        %swap3A_1219 = arith.constant 144 : index
        %swap3A_1220 = tpu.vector_load %arg20[%swap3A_1218, %swap3A_1219] {strides = array<i32>} : memref<32x768xf32, #tpu.memory_space<vmem>>, vector<16xf32>,
        tpu.vector_store %arg20[%swap3A_1218, %swap3A_1219], %add3A_1217 {strides = array<i32>} : memref<32x768xf32, #tpu.memory_space<vmem>>, vector<16xf32>,
        %get3A_1221 = arith.index_cast %scan3A_1189 : i32 to index
        %get3A_1222 = arith.constant 160 : index
        %get3A_1223 = tpu.vector_load %arg20[%get3A_1221, %get3A_1222] {strides = array<i32>} : memref<32x768xf32, #tpu.memory_space<vmem>>, vector<16xf32>,
        %get3A_1224 = arith.index_cast %scan3A_1189 : i32 to index
        %get3A_1225 = arith.constant 160 : index
        %get3A_1226 = tpu.vector_load %arg21[%get3A_1224, %get3A_1225] {strides = array<i32>} : memref<32x768xf32, #tpu.memory_space<vmem>>, vector<16xf32>,
        %add3A_1227 = arith.addf %get3A_1223, %get3A_1226 : vector<16xf32>
        %mul3A_1228 = arith.mulf %get3A_1194, %get3A_546 : vector<16xf32>
        %add3A_1229 = arith.addf %get3A_530, %mul3A_1228 : vector<16xf32>
        %add3A_1230 = arith.addf %add3A_1227, %add3A_1229 : vector<16xf32>
        %swap3A_1231 = arith.index_cast %scan3A_1189 : i32 to index
        %swap3A_1232 = arith.constant 160 : index
        %swap3A_1233 = tpu.vector_load %arg20[%swap3A_1231, %swap3A_1232] {strides = array<i32>} : memref<32x768xf32, #tpu.memory_space<vmem>>, vector<16xf32>,
        tpu.vector_store %arg20[%swap3A_1231, %swap3A_1232], %add3A_1230 {strides = array<i32>} : memref<32x768xf32, #tpu.memory_space<vmem>>, vector<16xf32>,
        %get3A_1234 = arith.index_cast %scan3A_1189 : i32 to index
        %get3A_1235 = arith.constant 176 : index
        %get3A_1236 = tpu.vector_load %arg20[%get3A_1234, %get3A_1235] {strides = array<i32>} : memref<32x768xf32, #tpu.memory_space<vmem>>, vector<16xf32>,
        %get3A_1237 = arith.index_cast %scan3A_1189 : i32 to index
        %get3A_1238 = arith.constant 176 : index
        %get3A_1239 = tpu.vector_load %arg21[%get3A_1237, %get3A_1238] {strides = array<i32>} : memref<32x768xf32, #tpu.memory_space<vmem>>, vector<16xf32>,
        %add3A_1240 = arith.addf %get3A_1236, %get3A_1239 : vector<16xf32>
        %mul3A_1241 = arith.mulf %get3A_1194, %get3A_548 : vector<16xf32>
        %add3A_1242 = arith.addf %get3A_532, %mul3A_1241 : vector<16xf32>
        %add3A_1243 = arith.addf %add3A_1240, %add3A_1242 : vector<16xf32>
        %swap3A_1244 = arith.index_cast %scan3A_1189 : i32 to index
        %swap3A_1245 = arith.constant 176 : index
        %swap3A_1246 = tpu.vector_load %arg20[%swap3A_1244, %swap3A_1245] {strides = array<i32>} : memref<32x768xf32, #tpu.memory_space<vmem>>, vector<16xf32>,
        tpu.vector_store %arg20[%swap3A_1244, %swap3A_1245], %add3A_1243 {strides = array<i32>} : memref<32x768xf32, #tpu.memory_space<vmem>>, vector<16xf32>,
        %get3A_1247 = arith.index_cast %scan3A_1189 : i32 to index
        %get3A_1248 = arith.constant 192 : index
        %get3A_1249 = tpu.vector_load %arg20[%get3A_1247, %get3A_1248] {strides = array<i32>} : memref<32x768xf32, #tpu.memory_space<vmem>>, vector<16xf32>,
        %get3A_1250 = arith.index_cast %scan3A_1189 : i32 to index
        %get3A_1251 = arith.constant 192 : index
        %get3A_1252 = tpu.vector_load %arg21[%get3A_1250, %get3A_1251] {strides = array<i32>} : memref<32x768xf32, #tpu.memory_space<vmem>>, vector<16xf32>,
        %add3A_1253 = arith.addf %get3A_1249, %get3A_1252 : vector<16xf32>
        %mul3A_1254 = arith.mulf %get3A_1194, %get3A_550 : vector<16xf32>
        %add3A_1255 = arith.addf %get3A_534, %mul3A_1254 : vector<16xf32>
        %add3A_1256 = arith.addf %add3A_1253, %add3A_1255 : vector<16xf32>
        %swap3A_1257 = arith.index_cast %scan3A_1189 : i32 to index
        %swap3A_1258 = arith.constant 192 : index
        %swap3A_1259 = tpu.vector_load %arg20[%swap3A_1257, %swap3A_1258] {strides = array<i32>} : memref<32x768xf32, #tpu.memory_space<vmem>>, vector<16xf32>,
        tpu.vector_store %arg20[%swap3A_1257, %swap3A_1258], %add3A_1256 {strides = array<i32>} : memref<32x768xf32, #tpu.memory_space<vmem>>, vector<16xf32>,
        %get3A_1260 = arith.index_cast %scan3A_1189 : i32 to index
        %get3A_1261 = arith.constant 208 : index
        %get3A_1262 = tpu.vector_load %arg20[%get3A_1260, %get3A_1261] {strides = array<i32>} : memref<32x768xf32, #tpu.memory_space<vmem>>, vector<16xf32>,
        %get3A_1263 = arith.index_cast %scan3A_1189 : i32 to index
        %get3A_1264 = arith.constant 208 : index
        %get3A_1265 = tpu.vector_load %arg21[%get3A_1263, %get3A_1264] {strides = array<i32>} : memref<32x768xf32, #tpu.memory_space<vmem>>, vector<16xf32>,
        %add3A_1266 = arith.addf %get3A_1262, %get3A_1265 : vector<16xf32>
        %mul3A_1267 = arith.mulf %get3A_1194, %get3A_552 : vector<16xf32>
        %add3A_1268 = arith.addf %get3A_536, %mul3A_1267 : vector<16xf32>
        %add3A_1269 = arith.addf %add3A_1266, %add3A_1268 : vector<16xf32>
        %swap3A_1270 = arith.index_cast %scan3A_1189 : i32 to index
        %swap3A_1271 = arith.constant 208 : index
        %swap3A_1272 = tpu.vector_load %arg20[%swap3A_1270, %swap3A_1271] {strides = array<i32>} : memref<32x768xf32, #tpu.memory_space<vmem>>, vector<16xf32>,
        tpu.vector_store %arg20[%swap3A_1270, %swap3A_1271], %add3A_1269 {strides = array<i32>} : memref<32x768xf32, #tpu.memory_space<vmem>>, vector<16xf32>,
        %get3A_1273 = arith.index_cast %scan3A_1189 : i32 to index
        %get3A_1274 = arith.constant 224 : index
        %get3A_1275 = tpu.vector_load %arg20[%get3A_1273, %get3A_1274] {strides = array<i32>} : memref<32x768xf32, #tpu.memory_space<vmem>>, vector<16xf32>,
        %get3A_1276 = arith.index_cast %scan3A_1189 : i32 to index
        %get3A_1277 = arith.constant 224 : index
        %get3A_1278 = tpu.vector_load %arg21[%get3A_1276, %get3A_1277] {strides = array<i32>} : memref<32x768xf32, #tpu.memory_space<vmem>>, vector<16xf32>,
        %add3A_1279 = arith.addf %get3A_1275, %get3A_1278 : vector<16xf32>
        %mul3A_1280 = arith.mulf %get3A_1194, %get3A_554 : vector<16xf32>
        %add3A_1281 = arith.addf %get3A_538, %mul3A_1280 : vector<16xf32>
        %add3A_1282 = arith.addf %add3A_1279, %add3A_1281 : vector<16xf32>
        %swap3A_1283 = arith.index_cast %scan3A_1189 : i32 to index
        %swap3A_1284 = arith.constant 224 : index
        %swap3A_1285 = tpu.vector_load %arg20[%swap3A_1283, %swap3A_1284] {strides = array<i32>} : memref<32x768xf32, #tpu.memory_space<vmem>>, vector<16xf32>,
        tpu.vector_store %arg20[%swap3A_1283, %swap3A_1284], %add3A_1282 {strides = array<i32>} : memref<32x768xf32, #tpu.memory_space<vmem>>, vector<16xf32>,
        %get3A_1286 = arith.index_cast %scan3A_1189 : i32 to index
        %get3A_1287 = arith.constant 240 : index
        %get3A_1288 = tpu.vector_load %arg20[%get3A_1286, %get3A_1287] {strides = array<i32>} : memref<32x768xf32, #tpu.memory_space<vmem>>, vector<16xf32>,
        %get3A_1289 = arith.index_cast %scan3A_1189 : i32 to index
        %get3A_1290 = arith.constant 240 : index
        %get3A_1291 = tpu.vector_load %arg21[%get3A_1289, %get3A_1290] {strides = array<i32>} : memref<32x768xf32, #tpu.memory_space<vmem>>, vector<16xf32>,
        %add3A_1292 = arith.addf %get3A_1288, %get3A_1291 : vector<16xf32>
        %mul3A_1293 = arith.mulf %get3A_1194, %get3A_556 : vector<16xf32>
        %add3A_1294 = arith.addf %get3A_540, %mul3A_1293 : vector<16xf32>
        %add3A_1295 = arith.addf %add3A_1292, %add3A_1294 : vector<16xf32>
        %swap3A_1296 = arith.index_cast %scan3A_1189 : i32 to index
        %swap3A_1297 = arith.constant 240 : index
        %swap3A_1298 = tpu.vector_load %arg20[%swap3A_1296, %swap3A_1297] {strides = array<i32>} : memref<32x768xf32, #tpu.memory_space<vmem>>, vector<16xf32>,
        tpu.vector_store %arg20[%swap3A_1296, %swap3A_1297], %add3A_1295 {strides = array<i32>} : memref<32x768xf32, #tpu.memory_space<vmem>>, vector<16xf32>,
        %scan3A_1299 = arith.constant 0 : i32
        scf.yield %scan3A_1299 : i32
      }
      %scan3A_563 = arith.constant 32 : i32
      %get3A_564 = arith.constant 256 : index
      %get3A_565 = tpu.vector_load %arg18[%get3A_564] {strides = array<i32>} : memref<768xf32, #tpu.memory_space<vmem>>, vector<16xf32>,
      %get3A_566 = arith.constant 272 : index
      %get3A_567 = tpu.vector_load %arg18[%get3A_566] {strides = array<i32>} : memref<768xf32, #tpu.memory_space<vmem>>, vector<16xf32>,
      %get3A_568 = arith.constant 288 : index
      %get3A_569 = tpu.vector_load %arg18[%get3A_568] {strides = array<i32>} : memref<768xf32, #tpu.memory_space<vmem>>, vector<16xf32>,
      %get3A_570 = arith.constant 304 : index
      %get3A_571 = tpu.vector_load %arg18[%get3A_570] {strides = array<i32>} : memref<768xf32, #tpu.memory_space<vmem>>, vector<16xf32>,
      %get3A_572 = arith.constant 320 : index
      %get3A_573 = tpu.vector_load %arg18[%get3A_572] {strides = array<i32>} : memref<768xf32, #tpu.memory_space<vmem>>, vector<16xf32>,
      %get3A_574 = arith.constant 336 : index
      %get3A_575 = tpu.vector_load %arg18[%get3A_574] {strides = array<i32>} : memref<768xf32, #tpu.memory_space<vmem>>, vector<16xf32>,
      %get3A_576 = arith.constant 352 : index
      %get3A_577 = tpu.vector_load %arg18[%get3A_576] {strides = array<i32>} : memref<768xf32, #tpu.memory_space<vmem>>, vector<16xf32>,
      %get3A_578 = arith.constant 368 : index
      %get3A_579 = tpu.vector_load %arg18[%get3A_578] {strides = array<i32>} : memref<768xf32, #tpu.memory_space<vmem>>, vector<16xf32>,
      %get3A_580 = arith.constant 256 : index
      %get3A_581 = tpu.vector_load %arg19[%get3A_580] {strides = array<i32>} : memref<768xf32, #tpu.memory_space<vmem>>, vector<16xf32>,
      %get3A_582 = arith.constant 272 : index
      %get3A_583 = tpu.vector_load %arg19[%get3A_582] {strides = array<i32>} : memref<768xf32, #tpu.memory_space<vmem>>, vector<16xf32>,
      %get3A_584 = arith.constant 288 : index
      %get3A_585 = tpu.vector_load %arg19[%get3A_584] {strides = array<i32>} : memref<768xf32, #tpu.memory_space<vmem>>, vector<16xf32>,
      %get3A_586 = arith.constant 304 : index
      %get3A_587 = tpu.vector_load %arg19[%get3A_586] {strides = array<i32>} : memref<768xf32, #tpu.memory_space<vmem>>, vector<16xf32>,
      %get3A_588 = arith.constant 320 : index
      %get3A_589 = tpu.vector_load %arg19[%get3A_588] {strides = array<i32>} : memref<768xf32, #tpu.memory_space<vmem>>, vector<16xf32>,
      %get3A_590 = arith.constant 336 : index
      %get3A_591 = tpu.vector_load %arg19[%get3A_590] {strides = array<i32>} : memref<768xf32, #tpu.memory_space<vmem>>, vector<16xf32>,
      %get3A_592 = arith.constant 352 : index
      %get3A_593 = tpu.vector_load %arg19[%get3A_592] {strides = array<i32>} : memref<768xf32, #tpu.memory_space<vmem>>, vector<16xf32>,
      %get3A_594 = arith.constant 368 : index
      %get3A_595 = tpu.vector_load %arg19[%get3A_594] {strides = array<i32>} : memref<768xf32, #tpu.memory_space<vmem>>, vector<16xf32>,
      %scan3A_596 = arith.constant 0 : i32
      %scan3A_597 = arith.constant 0 : i32
      %scan3A_598 = arith.constant 32 : i32
      %scan3A_599 = arith.addi %scan3A_597, %scan3A_598 : i32
      %scan3A_600 = arith.constant 1 : i32
      %scan3A_601 = scf.for %scan3A_1189 = %scan3A_597 to %scan3A_599 step %scan3A_600 iter_args(%scan3A_1190 = %scan3A_596) -> (i32)  : i32 {
        %mul3A_1191 = arith.constant 16 : i32
        %mul3A_1192 = arith.muli %scan3A_1189, %mul3A_1191 : i32
        %get3A_1193 = arith.index_cast %mul3A_1192 : i32 to index
        %get3A_1194 = tpu.vector_load %arg14[%get3A_1193] {strides = array<i32>} : memref<512xf32, #tpu.memory_space<vmem>>, vector<16xf32>,
        %get3A_1195 = arith.index_cast %scan3A_1189 : i32 to index
        %get3A_1196 = arith.constant 256 : index
        %get3A_1197 = tpu.vector_load %arg20[%get3A_1195, %get3A_1196] {strides = array<i32>} : memref<32x768xf32, #tpu.memory_space<vmem>>, vector<16xf32>,
        %get3A_1198 = arith.index_cast %scan3A_1189 : i32 to index
        %get3A_1199 = arith.constant 256 : index
        %get3A_1200 = tpu.vector_load %arg21[%get3A_1198, %get3A_1199] {strides = array<i32>} : memref<32x768xf32, #tpu.memory_space<vmem>>, vector<16xf32>,
        %add3A_1201 = arith.addf %get3A_1197, %get3A_1200 : vector<16xf32>
        %mul3A_1202 = arith.mulf %get3A_1194, %get3A_581 : vector<16xf32>
        %add3A_1203 = arith.addf %get3A_565, %mul3A_1202 : vector<16xf32>
        %add3A_1204 = arith.addf %add3A_1201, %add3A_1203 : vector<16xf32>
        %swap3A_1205 = arith.index_cast %scan3A_1189 : i32 to index
        %swap3A_1206 = arith.constant 256 : index
        %swap3A_1207 = tpu.vector_load %arg20[%swap3A_1205, %swap3A_1206] {strides = array<i32>} : memref<32x768xf32, #tpu.memory_space<vmem>>, vector<16xf32>,
        tpu.vector_store %arg20[%swap3A_1205, %swap3A_1206], %add3A_1204 {strides = array<i32>} : memref<32x768xf32, #tpu.memory_space<vmem>>, vector<16xf32>,
        %get3A_1208 = arith.index_cast %scan3A_1189 : i32 to index
        %get3A_1209 = arith.constant 272 : index
        %get3A_1210 = tpu.vector_load %arg20[%get3A_1208, %get3A_1209] {strides = array<i32>} : memref<32x768xf32, #tpu.memory_space<vmem>>, vector<16xf32>,
        %get3A_1211 = arith.index_cast %scan3A_1189 : i32 to index
        %get3A_1212 = arith.constant 272 : index
        %get3A_1213 = tpu.vector_load %arg21[%get3A_1211, %get3A_1212] {strides = array<i32>} : memref<32x768xf32, #tpu.memory_space<vmem>>, vector<16xf32>,
        %add3A_1214 = arith.addf %get3A_1210, %get3A_1213 : vector<16xf32>
        %mul3A_1215 = arith.mulf %get3A_1194, %get3A_583 : vector<16xf32>
        %add3A_1216 = arith.addf %get3A_567, %mul3A_1215 : vector<16xf32>
        %add3A_1217 = arith.addf %add3A_1214, %add3A_1216 : vector<16xf32>
        %swap3A_1218 = arith.index_cast %scan3A_1189 : i32 to index
        %swap3A_1219 = arith.constant 272 : index
        %swap3A_1220 = tpu.vector_load %arg20[%swap3A_1218, %swap3A_1219] {strides = array<i32>} : memref<32x768xf32, #tpu.memory_space<vmem>>, vector<16xf32>,
        tpu.vector_store %arg20[%swap3A_1218, %swap3A_1219], %add3A_1217 {strides = array<i32>} : memref<32x768xf32, #tpu.memory_space<vmem>>, vector<16xf32>,
        %get3A_1221 = arith.index_cast %scan3A_1189 : i32 to index
        %get3A_1222 = arith.constant 288 : index
        %get3A_1223 = tpu.vector_load %arg20[%get3A_1221, %get3A_1222] {strides = array<i32>} : memref<32x768xf32, #tpu.memory_space<vmem>>, vector<16xf32>,
        %get3A_1224 = arith.index_cast %scan3A_1189 : i32 to index
        %get3A_1225 = arith.constant 288 : index
        %get3A_1226 = tpu.vector_load %arg21[%get3A_1224, %get3A_1225] {strides = array<i32>} : memref<32x768xf32, #tpu.memory_space<vmem>>, vector<16xf32>,
        %add3A_1227 = arith.addf %get3A_1223, %get3A_1226 : vector<16xf32>
        %mul3A_1228 = arith.mulf %get3A_1194, %get3A_585 : vector<16xf32>
        %add3A_1229 = arith.addf %get3A_569, %mul3A_1228 : vector<16xf32>
        %add3A_1230 = arith.addf %add3A_1227, %add3A_1229 : vector<16xf32>
        %swap3A_1231 = arith.index_cast %scan3A_1189 : i32 to index
        %swap3A_1232 = arith.constant 288 : index
        %swap3A_1233 = tpu.vector_load %arg20[%swap3A_1231, %swap3A_1232] {strides = array<i32>} : memref<32x768xf32, #tpu.memory_space<vmem>>, vector<16xf32>,
        tpu.vector_store %arg20[%swap3A_1231, %swap3A_1232], %add3A_1230 {strides = array<i32>} : memref<32x768xf32, #tpu.memory_space<vmem>>, vector<16xf32>,
        %get3A_1234 = arith.index_cast %scan3A_1189 : i32 to index
        %get3A_1235 = arith.constant 304 : index
        %get3A_1236 = tpu.vector_load %arg20[%get3A_1234, %get3A_1235] {strides = array<i32>} : memref<32x768xf32, #tpu.memory_space<vmem>>, vector<16xf32>,
        %get3A_1237 = arith.index_cast %scan3A_1189 : i32 to index
        %get3A_1238 = arith.constant 304 : index
        %get3A_1239 = tpu.vector_load %arg21[%get3A_1237, %get3A_1238] {strides = array<i32>} : memref<32x768xf32, #tpu.memory_space<vmem>>, vector<16xf32>,
        %add3A_1240 = arith.addf %get3A_1236, %get3A_1239 : vector<16xf32>
        %mul3A_1241 = arith.mulf %get3A_1194, %get3A_587 : vector<16xf32>
        %add3A_1242 = arith.addf %get3A_571, %mul3A_1241 : vector<16xf32>
        %add3A_1243 = arith.addf %add3A_1240, %add3A_1242 : vector<16xf32>
        %swap3A_1244 = arith.index_cast %scan3A_1189 : i32 to index
        %swap3A_1245 = arith.constant 304 : index
        %swap3A_1246 = tpu.vector_load %arg20[%swap3A_1244, %swap3A_1245] {strides = array<i32>} : memref<32x768xf32, #tpu.memory_space<vmem>>, vector<16xf32>,
        tpu.vector_store %arg20[%swap3A_1244, %swap3A_1245], %add3A_1243 {strides = array<i32>} : memref<32x768xf32, #tpu.memory_space<vmem>>, vector<16xf32>,
        %get3A_1247 = arith.index_cast %scan3A_1189 : i32 to index
        %get3A_1248 = arith.constant 320 : index
        %get3A_1249 = tpu.vector_load %arg20[%get3A_1247, %get3A_1248] {strides = array<i32>} : memref<32x768xf32, #tpu.memory_space<vmem>>, vector<16xf32>,
        %get3A_1250 = arith.index_cast %scan3A_1189 : i32 to index
        %get3A_1251 = arith.constant 320 : index
        %get3A_1252 = tpu.vector_load %arg21[%get3A_1250, %get3A_1251] {strides = array<i32>} : memref<32x768xf32, #tpu.memory_space<vmem>>, vector<16xf32>,
        %add3A_1253 = arith.addf %get3A_1249, %get3A_1252 : vector<16xf32>
        %mul3A_1254 = arith.mulf %get3A_1194, %get3A_589 : vector<16xf32>
        %add3A_1255 = arith.addf %get3A_573, %mul3A_1254 : vector<16xf32>
        %add3A_1256 = arith.addf %add3A_1253, %add3A_1255 : vector<16xf32>
        %swap3A_1257 = arith.index_cast %scan3A_1189 : i32 to index
        %swap3A_1258 = arith.constant 320 : index
        %swap3A_1259 = tpu.vector_load %arg20[%swap3A_1257, %swap3A_1258] {strides = array<i32>} : memref<32x768xf32, #tpu.memory_space<vmem>>, vector<16xf32>,
        tpu.vector_store %arg20[%swap3A_1257, %swap3A_1258], %add3A_1256 {strides = array<i32>} : memref<32x768xf32, #tpu.memory_space<vmem>>, vector<16xf32>,
        %get3A_1260 = arith.index_cast %scan3A_1189 : i32 to index
        %get3A_1261 = arith.constant 336 : index
        %get3A_1262 = tpu.vector_load %arg20[%get3A_1260, %get3A_1261] {strides = array<i32>} : memref<32x768xf32, #tpu.memory_space<vmem>>, vector<16xf32>,
        %get3A_1263 = arith.index_cast %scan3A_1189 : i32 to index
        %get3A_1264 = arith.constant 336 : index
        %get3A_1265 = tpu.vector_load %arg21[%get3A_1263, %get3A_1264] {strides = array<i32>} : memref<32x768xf32, #tpu.memory_space<vmem>>, vector<16xf32>,
        %add3A_1266 = arith.addf %get3A_1262, %get3A_1265 : vector<16xf32>
        %mul3A_1267 = arith.mulf %get3A_1194, %get3A_591 : vector<16xf32>
        %add3A_1268 = arith.addf %get3A_575, %mul3A_1267 : vector<16xf32>
        %add3A_1269 = arith.addf %add3A_1266, %add3A_1268 : vector<16xf32>
        %swap3A_1270 = arith.index_cast %scan3A_1189 : i32 to index
        %swap3A_1271 = arith.constant 336 : index
        %swap3A_1272 = tpu.vector_load %arg20[%swap3A_1270, %swap3A_1271] {strides = array<i32>} : memref<32x768xf32, #tpu.memory_space<vmem>>, vector<16xf32>,
        tpu.vector_store %arg20[%swap3A_1270, %swap3A_1271], %add3A_1269 {strides = array<i32>} : memref<32x768xf32, #tpu.memory_space<vmem>>, vector<16xf32>,
        %get3A_1273 = arith.index_cast %scan3A_1189 : i32 to index
        %get3A_1274 = arith.constant 352 : index
        %get3A_1275 = tpu.vector_load %arg20[%get3A_1273, %get3A_1274] {strides = array<i32>} : memref<32x768xf32, #tpu.memory_space<vmem>>, vector<16xf32>,
        %get3A_1276 = arith.index_cast %scan3A_1189 : i32 to index
        %get3A_1277 = arith.constant 352 : index
        %get3A_1278 = tpu.vector_load %arg21[%get3A_1276, %get3A_1277] {strides = array<i32>} : memref<32x768xf32, #tpu.memory_space<vmem>>, vector<16xf32>,
        %add3A_1279 = arith.addf %get3A_1275, %get3A_1278 : vector<16xf32>
        %mul3A_1280 = arith.mulf %get3A_1194, %get3A_593 : vector<16xf32>
        %add3A_1281 = arith.addf %get3A_577, %mul3A_1280 : vector<16xf32>
        %add3A_1282 = arith.addf %add3A_1279, %add3A_1281 : vector<16xf32>
        %swap3A_1283 = arith.index_cast %scan3A_1189 : i32 to index
        %swap3A_1284 = arith.constant 352 : index
        %swap3A_1285 = tpu.vector_load %arg20[%swap3A_1283, %swap3A_1284] {strides = array<i32>} : memref<32x768xf32, #tpu.memory_space<vmem>>, vector<16xf32>,
        tpu.vector_store %arg20[%swap3A_1283, %swap3A_1284], %add3A_1282 {strides = array<i32>} : memref<32x768xf32, #tpu.memory_space<vmem>>, vector<16xf32>,
        %get3A_1286 = arith.index_cast %scan3A_1189 : i32 to index
        %get3A_1287 = arith.constant 368 : index
        %get3A_1288 = tpu.vector_load %arg20[%get3A_1286, %get3A_1287] {strides = array<i32>} : memref<32x768xf32, #tpu.memory_space<vmem>>, vector<16xf32>,
        %get3A_1289 = arith.index_cast %scan3A_1189 : i32 to index
        %get3A_1290 = arith.constant 368 : index
        %get3A_1291 = tpu.vector_load %arg21[%get3A_1289, %get3A_1290] {strides = array<i32>} : memref<32x768xf32, #tpu.memory_space<vmem>>, vector<16xf32>,
        %add3A_1292 = arith.addf %get3A_1288, %get3A_1291 : vector<16xf32>
        %mul3A_1293 = arith.mulf %get3A_1194, %get3A_595 : vector<16xf32>
        %add3A_1294 = arith.addf %get3A_579, %mul3A_1293 : vector<16xf32>
        %add3A_1295 = arith.addf %add3A_1292, %add3A_1294 : vector<16xf32>
        %swap3A_1296 = arith.index_cast %scan3A_1189 : i32 to index
        %swap3A_1297 = arith.constant 368 : index
        %swap3A_1298 = tpu.vector_load %arg20[%swap3A_1296, %swap3A_1297] {strides = array<i32>} : memref<32x768xf32, #tpu.memory_space<vmem>>, vector<16xf32>,
        tpu.vector_store %arg20[%swap3A_1296, %swap3A_1297], %add3A_1295 {strides = array<i32>} : memref<32x768xf32, #tpu.memory_space<vmem>>, vector<16xf32>,
        %scan3A_1299 = arith.constant 0 : i32
        scf.yield %scan3A_1299 : i32
      }
      %scan3A_602 = arith.constant 32 : i32
      %get3A_603 = arith.constant 384 : index
      %get3A_604 = tpu.vector_load %arg18[%get3A_603] {strides = array<i32>} : memref<768xf32, #tpu.memory_space<vmem>>, vector<16xf32>,
      %get3A_605 = arith.constant 400 : index
      %get3A_606 = tpu.vector_load %arg18[%get3A_605] {strides = array<i32>} : memref<768xf32, #tpu.memory_space<vmem>>, vector<16xf32>,
      %get3A_607 = arith.constant 416 : index
      %get3A_608 = tpu.vector_load %arg18[%get3A_607] {strides = array<i32>} : memref<768xf32, #tpu.memory_space<vmem>>, vector<16xf32>,
      %get3A_609 = arith.constant 432 : index
      %get3A_610 = tpu.vector_load %arg18[%get3A_609] {strides = array<i32>} : memref<768xf32, #tpu.memory_space<vmem>>, vector<16xf32>,
      %get3A_611 = arith.constant 448 : index
      %get3A_612 = tpu.vector_load %arg18[%get3A_611] {strides = array<i32>} : memref<768xf32, #tpu.memory_space<vmem>>, vector<16xf32>,
      %get3A_613 = arith.constant 464 : index
      %get3A_614 = tpu.vector_load %arg18[%get3A_613] {strides = array<i32>} : memref<768xf32, #tpu.memory_space<vmem>>, vector<16xf32>,
      %get3A_615 = arith.constant 480 : index
      %get3A_616 = tpu.vector_load %arg18[%get3A_615] {strides = array<i32>} : memref<768xf32, #tpu.memory_space<vmem>>, vector<16xf32>,
      %get3A_617 = arith.constant 496 : index
      %get3A_618 = tpu.vector_load %arg18[%get3A_617] {strides = array<i32>} : memref<768xf32, #tpu.memory_space<vmem>>, vector<16xf32>,
      %get3A_619 = arith.constant 384 : index
      %get3A_620 = tpu.vector_load %arg19[%get3A_619] {strides = array<i32>} : memref<768xf32, #tpu.memory_space<vmem>>, vector<16xf32>,
      %get3A_621 = arith.constant 400 : index
      %get3A_622 = tpu.vector_load %arg19[%get3A_621] {strides = array<i32>} : memref<768xf32, #tpu.memory_space<vmem>>, vector<16xf32>,
      %get3A_623 = arith.constant 416 : index
      %get3A_624 = tpu.vector_load %arg19[%get3A_623] {strides = array<i32>} : memref<768xf32, #tpu.memory_space<vmem>>, vector<16xf32>,
      %get3A_625 = arith.constant 432 : index
      %get3A_626 = tpu.vector_load %arg19[%get3A_625] {strides = array<i32>} : memref<768xf32, #tpu.memory_space<vmem>>, vector<16xf32>,
      %get3A_627 = arith.constant 448 : index
      %get3A_628 = tpu.vector_load %arg19[%get3A_627] {strides = array<i32>} : memref<768xf32, #tpu.memory_space<vmem>>, vector<16xf32>,
      %get3A_629 = arith.constant 464 : index
      %get3A_630 = tpu.vector_load %arg19[%get3A_629] {strides = array<i32>} : memref<768xf32, #tpu.memory_space<vmem>>, vector<16xf32>,
      %get3A_631 = arith.constant 480 : index
      %get3A_632 = tpu.vector_load %arg19[%get3A_631] {strides = array<i32>} : memref<768xf32, #tpu.memory_space<vmem>>, vector<16xf32>,
      %get3A_633 = arith.constant 496 : index
      %get3A_634 = tpu.vector_load %arg19[%get3A_633] {strides = array<i32>} : memref<768xf32, #tpu.memory_space<vmem>>, vector<16xf32>,
      %scan3A_635 = arith.constant 0 : i32
      %scan3A_636 = arith.constant 0 : i32
      %scan3A_637 = arith.constant 32 : i32
      %scan3A_638 = arith.addi %scan3A_636, %scan3A_637 : i32
      %scan3A_639 = arith.constant 1 : i32
      %scan3A_640 = scf.for %scan3A_1189 = %scan3A_636 to %scan3A_638 step %scan3A_639 iter_args(%scan3A_1190 = %scan3A_635) -> (i32)  : i32 {
        %mul3A_1191 = arith.constant 16 : i32
        %mul3A_1192 = arith.muli %scan3A_1189, %mul3A_1191 : i32
        %get3A_1193 = arith.index_cast %mul3A_1192 : i32 to index
        %get3A_1194 = tpu.vector_load %arg14[%get3A_1193] {strides = array<i32>} : memref<512xf32, #tpu.memory_space<vmem>>, vector<16xf32>,
        %get3A_1195 = arith.index_cast %scan3A_1189 : i32 to index
        %get3A_1196 = arith.constant 384 : index
        %get3A_1197 = tpu.vector_load %arg20[%get3A_1195, %get3A_1196] {strides = array<i32>} : memref<32x768xf32, #tpu.memory_space<vmem>>, vector<16xf32>,
        %get3A_1198 = arith.index_cast %scan3A_1189 : i32 to index
        %get3A_1199 = arith.constant 384 : index
        %get3A_1200 = tpu.vector_load %arg21[%get3A_1198, %get3A_1199] {strides = array<i32>} : memref<32x768xf32, #tpu.memory_space<vmem>>, vector<16xf32>,
        %add3A_1201 = arith.addf %get3A_1197, %get3A_1200 : vector<16xf32>
        %mul3A_1202 = arith.mulf %get3A_1194, %get3A_620 : vector<16xf32>
        %add3A_1203 = arith.addf %get3A_604, %mul3A_1202 : vector<16xf32>
        %add3A_1204 = arith.addf %add3A_1201, %add3A_1203 : vector<16xf32>
        %swap3A_1205 = arith.index_cast %scan3A_1189 : i32 to index
        %swap3A_1206 = arith.constant 384 : index
        %swap3A_1207 = tpu.vector_load %arg20[%swap3A_1205, %swap3A_1206] {strides = array<i32>} : memref<32x768xf32, #tpu.memory_space<vmem>>, vector<16xf32>,
        tpu.vector_store %arg20[%swap3A_1205, %swap3A_1206], %add3A_1204 {strides = array<i32>} : memref<32x768xf32, #tpu.memory_space<vmem>>, vector<16xf32>,
        %get3A_1208 = arith.index_cast %scan3A_1189 : i32 to index
        %get3A_1209 = arith.constant 400 : index
        %get3A_1210 = tpu.vector_load %arg20[%get3A_1208, %get3A_1209] {strides = array<i32>} : memref<32x768xf32, #tpu.memory_space<vmem>>, vector<16xf32>,
        %get3A_1211 = arith.index_cast %scan3A_1189 : i32 to index
        %get3A_1212 = arith.constant 400 : index
        %get3A_1213 = tpu.vector_load %arg21[%get3A_1211, %get3A_1212] {strides = array<i32>} : memref<32x768xf32, #tpu.memory_space<vmem>>, vector<16xf32>,
        %add3A_1214 = arith.addf %get3A_1210, %get3A_1213 : vector<16xf32>
        %mul3A_1215 = arith.mulf %get3A_1194, %get3A_622 : vector<16xf32>
        %add3A_1216 = arith.addf %get3A_606, %mul3A_1215 : vector<16xf32>
        %add3A_1217 = arith.addf %add3A_1214, %add3A_1216 : vector<16xf32>
        %swap3A_1218 = arith.index_cast %scan3A_1189 : i32 to index
        %swap3A_1219 = arith.constant 400 : index
        %swap3A_1220 = tpu.vector_load %arg20[%swap3A_1218, %swap3A_1219] {strides = array<i32>} : memref<32x768xf32, #tpu.memory_space<vmem>>, vector<16xf32>,
        tpu.vector_store %arg20[%swap3A_1218, %swap3A_1219], %add3A_1217 {strides = array<i32>} : memref<32x768xf32, #tpu.memory_space<vmem>>, vector<16xf32>,
        %get3A_1221 = arith.index_cast %scan3A_1189 : i32 to index
        %get3A_1222 = arith.constant 416 : index
        %get3A_1223 = tpu.vector_load %arg20[%get3A_1221, %get3A_1222] {strides = array<i32>} : memref<32x768xf32, #tpu.memory_space<vmem>>, vector<16xf32>,
        %get3A_1224 = arith.index_cast %scan3A_1189 : i32 to index
        %get3A_1225 = arith.constant 416 : index
        %get3A_1226 = tpu.vector_load %arg21[%get3A_1224, %get3A_1225] {strides = array<i32>} : memref<32x768xf32, #tpu.memory_space<vmem>>, vector<16xf32>,
        %add3A_1227 = arith.addf %get3A_1223, %get3A_1226 : vector<16xf32>
        %mul3A_1228 = arith.mulf %get3A_1194, %get3A_624 : vector<16xf32>
        %add3A_1229 = arith.addf %get3A_608, %mul3A_1228 : vector<16xf32>
        %add3A_1230 = arith.addf %add3A_1227, %add3A_1229 : vector<16xf32>
        %swap3A_1231 = arith.index_cast %scan3A_1189 : i32 to index
        %swap3A_1232 = arith.constant 416 : index
        %swap3A_1233 = tpu.vector_load %arg20[%swap3A_1231, %swap3A_1232] {strides = array<i32>} : memref<32x768xf32, #tpu.memory_space<vmem>>, vector<16xf32>,
        tpu.vector_store %arg20[%swap3A_1231, %swap3A_1232], %add3A_1230 {strides = array<i32>} : memref<32x768xf32, #tpu.memory_space<vmem>>, vector<16xf32>,
        %get3A_1234 = arith.index_cast %scan3A_1189 : i32 to index
        %get3A_1235 = arith.constant 432 : index
        %get3A_1236 = tpu.vector_load %arg20[%get3A_1234, %get3A_1235] {strides = array<i32>} : memref<32x768xf32, #tpu.memory_space<vmem>>, vector<16xf32>,
        %get3A_1237 = arith.index_cast %scan3A_1189 : i32 to index
        %get3A_1238 = arith.constant 432 : index
        %get3A_1239 = tpu.vector_load %arg21[%get3A_1237, %get3A_1238] {strides = array<i32>} : memref<32x768xf32, #tpu.memory_space<vmem>>, vector<16xf32>,
        %add3A_1240 = arith.addf %get3A_1236, %get3A_1239 : vector<16xf32>
        %mul3A_1241 = arith.mulf %get3A_1194, %get3A_626 : vector<16xf32>
        %add3A_1242 = arith.addf %get3A_610, %mul3A_1241 : vector<16xf32>
        %add3A_1243 = arith.addf %add3A_1240, %add3A_1242 : vector<16xf32>
        %swap3A_1244 = arith.index_cast %scan3A_1189 : i32 to index
        %swap3A_1245 = arith.constant 432 : index
        %swap3A_1246 = tpu.vector_load %arg20[%swap3A_1244, %swap3A_1245] {strides = array<i32>} : memref<32x768xf32, #tpu.memory_space<vmem>>, vector<16xf32>,
        tpu.vector_store %arg20[%swap3A_1244, %swap3A_1245], %add3A_1243 {strides = array<i32>} : memref<32x768xf32, #tpu.memory_space<vmem>>, vector<16xf32>,
        %get3A_1247 = arith.index_cast %scan3A_1189 : i32 to index
        %get3A_1248 = arith.constant 448 : index
        %get3A_1249 = tpu.vector_load %arg20[%get3A_1247, %get3A_1248] {strides = array<i32>} : memref<32x768xf32, #tpu.memory_space<vmem>>, vector<16xf32>,
        %get3A_1250 = arith.index_cast %scan3A_1189 : i32 to index
        %get3A_1251 = arith.constant 448 : index
        %get3A_1252 = tpu.vector_load %arg21[%get3A_1250, %get3A_1251] {strides = array<i32>} : memref<32x768xf32, #tpu.memory_space<vmem>>, vector<16xf32>,
        %add3A_1253 = arith.addf %get3A_1249, %get3A_1252 : vector<16xf32>
        %mul3A_1254 = arith.mulf %get3A_1194, %get3A_628 : vector<16xf32>
        %add3A_1255 = arith.addf %get3A_612, %mul3A_1254 : vector<16xf32>
        %add3A_1256 = arith.addf %add3A_1253, %add3A_1255 : vector<16xf32>
        %swap3A_1257 = arith.index_cast %scan3A_1189 : i32 to index
        %swap3A_1258 = arith.constant 448 : index
        %swap3A_1259 = tpu.vector_load %arg20[%swap3A_1257, %swap3A_1258] {strides = array<i32>} : memref<32x768xf32, #tpu.memory_space<vmem>>, vector<16xf32>,
        tpu.vector_store %arg20[%swap3A_1257, %swap3A_1258], %add3A_1256 {strides = array<i32>} : memref<32x768xf32, #tpu.memory_space<vmem>>, vector<16xf32>,
        %get3A_1260 = arith.index_cast %scan3A_1189 : i32 to index
        %get3A_1261 = arith.constant 464 : index
        %get3A_1262 = tpu.vector_load %arg20[%get3A_1260, %get3A_1261] {strides = array<i32>} : memref<32x768xf32, #tpu.memory_space<vmem>>, vector<16xf32>,
        %get3A_1263 = arith.index_cast %scan3A_1189 : i32 to index
        %get3A_1264 = arith.constant 464 : index
        %get3A_1265 = tpu.vector_load %arg21[%get3A_1263, %get3A_1264] {strides = array<i32>} : memref<32x768xf32, #tpu.memory_space<vmem>>, vector<16xf32>,
        %add3A_1266 = arith.addf %get3A_1262, %get3A_1265 : vector<16xf32>
        %mul3A_1267 = arith.mulf %get3A_1194, %get3A_630 : vector<16xf32>
        %add3A_1268 = arith.addf %get3A_614, %mul3A_1267 : vector<16xf32>
        %add3A_1269 = arith.addf %add3A_1266, %add3A_1268 : vector<16xf32>
        %swap3A_1270 = arith.index_cast %scan3A_1189 : i32 to index
        %swap3A_1271 = arith.constant 464 : index
        %swap3A_1272 = tpu.vector_load %arg20[%swap3A_1270, %swap3A_1271] {strides = array<i32>} : memref<32x768xf32, #tpu.memory_space<vmem>>, vector<16xf32>,
        tpu.vector_store %arg20[%swap3A_1270, %swap3A_1271], %add3A_1269 {strides = array<i32>} : memref<32x768xf32, #tpu.memory_space<vmem>>, vector<16xf32>,
        %get3A_1273 = arith.index_cast %scan3A_1189 : i32 to index
        %get3A_1274 = arith.constant 480 : index
        %get3A_1275 = tpu.vector_load %arg20[%get3A_1273, %get3A_1274] {strides = array<i32>} : memref<32x768xf32, #tpu.memory_space<vmem>>, vector<16xf32>,
        %get3A_1276 = arith.index_cast %scan3A_1189 : i32 to index
        %get3A_1277 = arith.constant 480 : index
        %get3A_1278 = tpu.vector_load %arg21[%get3A_1276, %get3A_1277] {strides = array<i32>} : memref<32x768xf32, #tpu.memory_space<vmem>>, vector<16xf32>,
        %add3A_1279 = arith.addf %get3A_1275, %get3A_1278 : vector<16xf32>
        %mul3A_1280 = arith.mulf %get3A_1194, %get3A_632 : vector<16xf32>
        %add3A_1281 = arith.addf %get3A_616, %mul3A_1280 : vector<16xf32>
        %add3A_1282 = arith.addf %add3A_1279, %add3A_1281 : vector<16xf32>
        %swap3A_1283 = arith.index_cast %scan3A_1189 : i32 to index
        %swap3A_1284 = arith.constant 480 : index
        %swap3A_1285 = tpu.vector_load %arg20[%swap3A_1283, %swap3A_1284] {strides = array<i32>} : memref<32x768xf32, #tpu.memory_space<vmem>>, vector<16xf32>,
        tpu.vector_store %arg20[%swap3A_1283, %swap3A_1284], %add3A_1282 {strides = array<i32>} : memref<32x768xf32, #tpu.memory_space<vmem>>, vector<16xf32>,
        %get3A_1286 = arith.index_cast %scan3A_1189 : i32 to index
        %get3A_1287 = arith.constant 496 : index
        %get3A_1288 = tpu.vector_load %arg20[%get3A_1286, %get3A_1287] {strides = array<i32>} : memref<32x768xf32, #tpu.memory_space<vmem>>, vector<16xf32>,
        %get3A_1289 = arith.index_cast %scan3A_1189 : i32 to index
        %get3A_1290 = arith.constant 496 : index
        %get3A_1291 = tpu.vector_load %arg21[%get3A_1289, %get3A_1290] {strides = array<i32>} : memref<32x768xf32, #tpu.memory_space<vmem>>, vector<16xf32>,
        %add3A_1292 = arith.addf %get3A_1288, %get3A_1291 : vector<16xf32>
        %mul3A_1293 = arith.mulf %get3A_1194, %get3A_634 : vector<16xf32>
        %add3A_1294 = arith.addf %get3A_618, %mul3A_1293 : vector<16xf32>
        %add3A_1295 = arith.addf %add3A_1292, %add3A_1294 : vector<16xf32>
        %swap3A_1296 = arith.index_cast %scan3A_1189 : i32 to index
        %swap3A_1297 = arith.constant 496 : index
        %swap3A_1298 = tpu.vector_load %arg20[%swap3A_1296, %swap3A_1297] {strides = array<i32>} : memref<32x768xf32, #tpu.memory_space<vmem>>, vector<16xf32>,
        tpu.vector_store %arg20[%swap3A_1296, %swap3A_1297], %add3A_1295 {strides = array<i32>} : memref<32x768xf32, #tpu.memory_space<vmem>>, vector<16xf32>,
        %scan3A_1299 = arith.constant 0 : i32
        scf.yield %scan3A_1299 : i32
      }
      %scan3A_641 = arith.constant 32 : i32
      %get3A_642 = arith.constant 512 : index
      %get3A_643 = tpu.vector_load %arg18[%get3A_642] {strides = array<i32>} : memref<768xf32, #tpu.memory_space<vmem>>, vector<16xf32>,
      %get3A_644 = arith.constant 528 : index
      %get3A_645 = tpu.vector_load %arg18[%get3A_644] {strides = array<i32>} : memref<768xf32, #tpu.memory_space<vmem>>, vector<16xf32>,
      %get3A_646 = arith.constant 544 : index
      %get3A_647 = tpu.vector_load %arg18[%get3A_646] {strides = array<i32>} : memref<768xf32, #tpu.memory_space<vmem>>, vector<16xf32>,
      %get3A_648 = arith.constant 560 : index
      %get3A_649 = tpu.vector_load %arg18[%get3A_648] {strides = array<i32>} : memref<768xf32, #tpu.memory_space<vmem>>, vector<16xf32>,
      %get3A_650 = arith.constant 576 : index
      %get3A_651 = tpu.vector_load %arg18[%get3A_650] {strides = array<i32>} : memref<768xf32, #tpu.memory_space<vmem>>, vector<16xf32>,
      %get3A_652 = arith.constant 592 : index
      %get3A_653 = tpu.vector_load %arg18[%get3A_652] {strides = array<i32>} : memref<768xf32, #tpu.memory_space<vmem>>, vector<16xf32>,
      %get3A_654 = arith.constant 608 : index
      %get3A_655 = tpu.vector_load %arg18[%get3A_654] {strides = array<i32>} : memref<768xf32, #tpu.memory_space<vmem>>, vector<16xf32>,
      %get3A_656 = arith.constant 624 : index
      %get3A_657 = tpu.vector_load %arg18[%get3A_656] {strides = array<i32>} : memref<768xf32, #tpu.memory_space<vmem>>, vector<16xf32>,
      %get3A_658 = arith.constant 512 : index
      %get3A_659 = tpu.vector_load %arg19[%get3A_658] {strides = array<i32>} : memref<768xf32, #tpu.memory_space<vmem>>, vector<16xf32>,
      %get3A_660 = arith.constant 528 : index
      %get3A_661 = tpu.vector_load %arg19[%get3A_660] {strides = array<i32>} : memref<768xf32, #tpu.memory_space<vmem>>, vector<16xf32>,
      %get3A_662 = arith.constant 544 : index
      %get3A_663 = tpu.vector_load %arg19[%get3A_662] {strides = array<i32>} : memref<768xf32, #tpu.memory_space<vmem>>, vector<16xf32>,
      %get3A_664 = arith.constant 560 : index
      %get3A_665 = tpu.vector_load %arg19[%get3A_664] {strides = array<i32>} : memref<768xf32, #tpu.memory_space<vmem>>, vector<16xf32>,
      %get3A_666 = arith.constant 576 : index
      %get3A_667 = tpu.vector_load %arg19[%get3A_666] {strides = array<i32>} : memref<768xf32, #tpu.memory_space<vmem>>, vector<16xf32>,
      %get3A_668 = arith.constant 592 : index
      %get3A_669 = tpu.vector_load %arg19[%get3A_668] {strides = array<i32>} : memref<768xf32, #tpu.memory_space<vmem>>, vector<16xf32>,
      %get3A_670 = arith.constant 608 : index
      %get3A_671 = tpu.vector_load %arg19[%get3A_670] {strides = array<i32>} : memref<768xf32, #tpu.memory_space<vmem>>, vector<16xf32>,
      %get3A_672 = arith.constant 624 : index
      %get3A_673 = tpu.vector_load %arg19[%get3A_672] {strides = array<i32>} : memref<768xf32, #tpu.memory_space<vmem>>, vector<16xf32>,
      %scan3A_674 = arith.constant 0 : i32
      %scan3A_675 = arith.constant 0 : i32
      %scan3A_676 = arith.constant 32 : i32
      %scan3A_677 = arith.addi %scan3A_675, %scan3A_676 : i32
      %scan3A_678 = arith.constant 1 : i32
      %scan3A_679 = scf.for %scan3A_1189 = %scan3A_675 to %scan3A_677 step %scan3A_678 iter_args(%scan3A_1190 = %scan3A_674) -> (i32)  : i32 {
        %mul3A_1191 = arith.constant 16 : i32
        %mul3A_1192 = arith.muli %scan3A_1189, %mul3A_1191 : i32
        %get3A_1193 = arith.index_cast %mul3A_1192 : i32 to index
        %get3A_1194 = tpu.vector_load %arg14[%get3A_1193] {strides = array<i32>} : memref<512xf32, #tpu.memory_space<vmem>>, vector<16xf32>,
        %get3A_1195 = arith.index_cast %scan3A_1189 : i32 to index
        %get3A_1196 = arith.constant 512 : index
        %get3A_1197 = tpu.vector_load %arg20[%get3A_1195, %get3A_1196] {strides = array<i32>} : memref<32x768xf32, #tpu.memory_space<vmem>>, vector<16xf32>,
        %get3A_1198 = arith.index_cast %scan3A_1189 : i32 to index
        %get3A_1199 = arith.constant 512 : index
        %get3A_1200 = tpu.vector_load %arg21[%get3A_1198, %get3A_1199] {strides = array<i32>} : memref<32x768xf32, #tpu.memory_space<vmem>>, vector<16xf32>,
        %add3A_1201 = arith.addf %get3A_1197, %get3A_1200 : vector<16xf32>
        %mul3A_1202 = arith.mulf %get3A_1194, %get3A_659 : vector<16xf32>
        %add3A_1203 = arith.addf %get3A_643, %mul3A_1202 : vector<16xf32>
        %add3A_1204 = arith.addf %add3A_1201, %add3A_1203 : vector<16xf32>
        %swap3A_1205 = arith.index_cast %scan3A_1189 : i32 to index
        %swap3A_1206 = arith.constant 512 : index
        %swap3A_1207 = tpu.vector_load %arg20[%swap3A_1205, %swap3A_1206] {strides = array<i32>} : memref<32x768xf32, #tpu.memory_space<vmem>>, vector<16xf32>,
        tpu.vector_store %arg20[%swap3A_1205, %swap3A_1206], %add3A_1204 {strides = array<i32>} : memref<32x768xf32, #tpu.memory_space<vmem>>, vector<16xf32>,
        %get3A_1208 = arith.index_cast %scan3A_1189 : i32 to index
        %get3A_1209 = arith.constant 528 : index
        %get3A_1210 = tpu.vector_load %arg20[%get3A_1208, %get3A_1209] {strides = array<i32>} : memref<32x768xf32, #tpu.memory_space<vmem>>, vector<16xf32>,
        %get3A_1211 = arith.index_cast %scan3A_1189 : i32 to index
        %get3A_1212 = arith.constant 528 : index
        %get3A_1213 = tpu.vector_load %arg21[%get3A_1211, %get3A_1212] {strides = array<i32>} : memref<32x768xf32, #tpu.memory_space<vmem>>, vector<16xf32>,
        %add3A_1214 = arith.addf %get3A_1210, %get3A_1213 : vector<16xf32>
        %mul3A_1215 = arith.mulf %get3A_1194, %get3A_661 : vector<16xf32>
        %add3A_1216 = arith.addf %get3A_645, %mul3A_1215 : vector<16xf32>
        %add3A_1217 = arith.addf %add3A_1214, %add3A_1216 : vector<16xf32>
        %swap3A_1218 = arith.index_cast %scan3A_1189 : i32 to index
        %swap3A_1219 = arith.constant 528 : index
        %swap3A_1220 = tpu.vector_load %arg20[%swap3A_1218, %swap3A_1219] {strides = array<i32>} : memref<32x768xf32, #tpu.memory_space<vmem>>, vector<16xf32>,
        tpu.vector_store %arg20[%swap3A_1218, %swap3A_1219], %add3A_1217 {strides = array<i32>} : memref<32x768xf32, #tpu.memory_space<vmem>>, vector<16xf32>,
        %get3A_1221 = arith.index_cast %scan3A_1189 : i32 to index
        %get3A_1222 = arith.constant 544 : index
        %get3A_1223 = tpu.vector_load %arg20[%get3A_1221, %get3A_1222] {strides = array<i32>} : memref<32x768xf32, #tpu.memory_space<vmem>>, vector<16xf32>,
        %get3A_1224 = arith.index_cast %scan3A_1189 : i32 to index
        %get3A_1225 = arith.constant 544 : index
        %get3A_1226 = tpu.vector_load %arg21[%get3A_1224, %get3A_1225] {strides = array<i32>} : memref<32x768xf32, #tpu.memory_space<vmem>>, vector<16xf32>,
        %add3A_1227 = arith.addf %get3A_1223, %get3A_1226 : vector<16xf32>
        %mul3A_1228 = arith.mulf %get3A_1194, %get3A_663 : vector<16xf32>
        %add3A_1229 = arith.addf %get3A_647, %mul3A_1228 : vector<16xf32>
        %add3A_1230 = arith.addf %add3A_1227, %add3A_1229 : vector<16xf32>
        %swap3A_1231 = arith.index_cast %scan3A_1189 : i32 to index
        %swap3A_1232 = arith.constant 544 : index
        %swap3A_1233 = tpu.vector_load %arg20[%swap3A_1231, %swap3A_1232] {strides = array<i32>} : memref<32x768xf32, #tpu.memory_space<vmem>>, vector<16xf32>,
        tpu.vector_store %arg20[%swap3A_1231, %swap3A_1232], %add3A_1230 {strides = array<i32>} : memref<32x768xf32, #tpu.memory_space<vmem>>, vector<16xf32>,
        %get3A_1234 = arith.index_cast %scan3A_1189 : i32 to index
        %get3A_1235 = arith.constant 560 : index
        %get3A_1236 = tpu.vector_load %arg20[%get3A_1234, %get3A_1235] {strides = array<i32>} : memref<32x768xf32, #tpu.memory_space<vmem>>, vector<16xf32>,
        %get3A_1237 = arith.index_cast %scan3A_1189 : i32 to index
        %get3A_1238 = arith.constant 560 : index
        %get3A_1239 = tpu.vector_load %arg21[%get3A_1237, %get3A_1238] {strides = array<i32>} : memref<32x768xf32, #tpu.memory_space<vmem>>, vector<16xf32>,
        %add3A_1240 = arith.addf %get3A_1236, %get3A_1239 : vector<16xf32>
        %mul3A_1241 = arith.mulf %get3A_1194, %get3A_665 : vector<16xf32>
        %add3A_1242 = arith.addf %get3A_649, %mul3A_1241 : vector<16xf32>
        %add3A_1243 = arith.addf %add3A_1240, %add3A_1242 : vector<16xf32>
        %swap3A_1244 = arith.index_cast %scan3A_1189 : i32 to index
        %swap3A_1245 = arith.constant 560 : index
        %swap3A_1246 = tpu.vector_load %arg20[%swap3A_1244, %swap3A_1245] {strides = array<i32>} : memref<32x768xf32, #tpu.memory_space<vmem>>, vector<16xf32>,
        tpu.vector_store %arg20[%swap3A_1244, %swap3A_1245], %add3A_1243 {strides = array<i32>} : memref<32x768xf32, #tpu.memory_space<vmem>>, vector<16xf32>,
        %get3A_1247 = arith.index_cast %scan3A_1189 : i32 to index
        %get3A_1248 = arith.constant 576 : index
        %get3A_1249 = tpu.vector_load %arg20[%get3A_1247, %get3A_1248] {strides = array<i32>} : memref<32x768xf32, #tpu.memory_space<vmem>>, vector<16xf32>,
        %get3A_1250 = arith.index_cast %scan3A_1189 : i32 to index
        %get3A_1251 = arith.constant 576 : index
        %get3A_1252 = tpu.vector_load %arg21[%get3A_1250, %get3A_1251] {strides = array<i32>} : memref<32x768xf32, #tpu.memory_space<vmem>>, vector<16xf32>,
        %add3A_1253 = arith.addf %get3A_1249, %get3A_1252 : vector<16xf32>
        %mul3A_1254 = arith.mulf %get3A_1194, %get3A_667 : vector<16xf32>
        %add3A_1255 = arith.addf %get3A_651, %mul3A_1254 : vector<16xf32>
        %add3A_1256 = arith.addf %add3A_1253, %add3A_1255 : vector<16xf32>
        %swap3A_1257 = arith.index_cast %scan3A_1189 : i32 to index
        %swap3A_1258 = arith.constant 576 : index
        %swap3A_1259 = tpu.vector_load %arg20[%swap3A_1257, %swap3A_1258] {strides = array<i32>} : memref<32x768xf32, #tpu.memory_space<vmem>>, vector<16xf32>,
        tpu.vector_store %arg20[%swap3A_1257, %swap3A_1258], %add3A_1256 {strides = array<i32>} : memref<32x768xf32, #tpu.memory_space<vmem>>, vector<16xf32>,
        %get3A_1260 = arith.index_cast %scan3A_1189 : i32 to index
        %get3A_1261 = arith.constant 592 : index
        %get3A_1262 = tpu.vector_load %arg20[%get3A_1260, %get3A_1261] {strides = array<i32>} : memref<32x768xf32, #tpu.memory_space<vmem>>, vector<16xf32>,
        %get3A_1263 = arith.index_cast %scan3A_1189 : i32 to index
        %get3A_1264 = arith.constant 592 : index
        %get3A_1265 = tpu.vector_load %arg21[%get3A_1263, %get3A_1264] {strides = array<i32>} : memref<32x768xf32, #tpu.memory_space<vmem>>, vector<16xf32>,
        %add3A_1266 = arith.addf %get3A_1262, %get3A_1265 : vector<16xf32>
        %mul3A_1267 = arith.mulf %get3A_1194, %get3A_669 : vector<16xf32>
        %add3A_1268 = arith.addf %get3A_653, %mul3A_1267 : vector<16xf32>
        %add3A_1269 = arith.addf %add3A_1266, %add3A_1268 : vector<16xf32>
        %swap3A_1270 = arith.index_cast %scan3A_1189 : i32 to index
        %swap3A_1271 = arith.constant 592 : index
        %swap3A_1272 = tpu.vector_load %arg20[%swap3A_1270, %swap3A_1271] {strides = array<i32>} : memref<32x768xf32, #tpu.memory_space<vmem>>, vector<16xf32>,
        tpu.vector_store %arg20[%swap3A_1270, %swap3A_1271], %add3A_1269 {strides = array<i32>} : memref<32x768xf32, #tpu.memory_space<vmem>>, vector<16xf32>,
        %get3A_1273 = arith.index_cast %scan3A_1189 : i32 to index
        %get3A_1274 = arith.constant 608 : index
        %get3A_1275 = tpu.vector_load %arg20[%get3A_1273, %get3A_1274] {strides = array<i32>} : memref<32x768xf32, #tpu.memory_space<vmem>>, vector<16xf32>,
        %get3A_1276 = arith.index_cast %scan3A_1189 : i32 to index
        %get3A_1277 = arith.constant 608 : index
        %get3A_1278 = tpu.vector_load %arg21[%get3A_1276, %get3A_1277] {strides = array<i32>} : memref<32x768xf32, #tpu.memory_space<vmem>>, vector<16xf32>,
        %add3A_1279 = arith.addf %get3A_1275, %get3A_1278 : vector<16xf32>
        %mul3A_1280 = arith.mulf %get3A_1194, %get3A_671 : vector<16xf32>
        %add3A_1281 = arith.addf %get3A_655, %mul3A_1280 : vector<16xf32>
        %add3A_1282 = arith.addf %add3A_1279, %add3A_1281 : vector<16xf32>
        %swap3A_1283 = arith.index_cast %scan3A_1189 : i32 to index
        %swap3A_1284 = arith.constant 608 : index
        %swap3A_1285 = tpu.vector_load %arg20[%swap3A_1283, %swap3A_1284] {strides = array<i32>} : memref<32x768xf32, #tpu.memory_space<vmem>>, vector<16xf32>,
        tpu.vector_store %arg20[%swap3A_1283, %swap3A_1284], %add3A_1282 {strides = array<i32>} : memref<32x768xf32, #tpu.memory_space<vmem>>, vector<16xf32>,
        %get3A_1286 = arith.index_cast %scan3A_1189 : i32 to index
        %get3A_1287 = arith.constant 624 : index
        %get3A_1288 = tpu.vector_load %arg20[%get3A_1286, %get3A_1287] {strides = array<i32>} : memref<32x768xf32, #tpu.memory_space<vmem>>, vector<16xf32>,
        %get3A_1289 = arith.index_cast %scan3A_1189 : i32 to index
        %get3A_1290 = arith.constant 624 : index
        %get3A_1291 = tpu.vector_load %arg21[%get3A_1289, %get3A_1290] {strides = array<i32>} : memref<32x768xf32, #tpu.memory_space<vmem>>, vector<16xf32>,
        %add3A_1292 = arith.addf %get3A_1288, %get3A_1291 : vector<16xf32>
        %mul3A_1293 = arith.mulf %get3A_1194, %get3A_673 : vector<16xf32>
        %add3A_1294 = arith.addf %get3A_657, %mul3A_1293 : vector<16xf32>
        %add3A_1295 = arith.addf %add3A_1292, %add3A_1294 : vector<16xf32>
        %swap3A_1296 = arith.index_cast %scan3A_1189 : i32 to index
        %swap3A_1297 = arith.constant 624 : index
        %swap3A_1298 = tpu.vector_load %arg20[%swap3A_1296, %swap3A_1297] {strides = array<i32>} : memref<32x768xf32, #tpu.memory_space<vmem>>, vector<16xf32>,
        tpu.vector_store %arg20[%swap3A_1296, %swap3A_1297], %add3A_1295 {strides = array<i32>} : memref<32x768xf32, #tpu.memory_space<vmem>>, vector<16xf32>,
        %scan3A_1299 = arith.constant 0 : i32
        scf.yield %scan3A_1299 : i32
      }
      %scan3A_680 = arith.constant 32 : i32
      %get3A_681 = arith.constant 640 : index
      %get3A_682 = tpu.vector_load %arg18[%get3A_681] {strides = array<i32>} : memref<768xf32, #tpu.memory_space<vmem>>, vector<16xf32>,
      %get3A_683 = arith.constant 656 : index
      %get3A_684 = tpu.vector_load %arg18[%get3A_683] {strides = array<i32>} : memref<768xf32, #tpu.memory_space<vmem>>, vector<16xf32>,
      %get3A_685 = arith.constant 672 : index
      %get3A_686 = tpu.vector_load %arg18[%get3A_685] {strides = array<i32>} : memref<768xf32, #tpu.memory_space<vmem>>, vector<16xf32>,
      %get3A_687 = arith.constant 688 : index
      %get3A_688 = tpu.vector_load %arg18[%get3A_687] {strides = array<i32>} : memref<768xf32, #tpu.memory_space<vmem>>, vector<16xf32>,
      %get3A_689 = arith.constant 704 : index
      %get3A_690 = tpu.vector_load %arg18[%get3A_689] {strides = array<i32>} : memref<768xf32, #tpu.memory_space<vmem>>, vector<16xf32>,
      %get3A_691 = arith.constant 720 : index
      %get3A_692 = tpu.vector_load %arg18[%get3A_691] {strides = array<i32>} : memref<768xf32, #tpu.memory_space<vmem>>, vector<16xf32>,
      %get3A_693 = arith.constant 736 : index
      %get3A_694 = tpu.vector_load %arg18[%get3A_693] {strides = array<i32>} : memref<768xf32, #tpu.memory_space<vmem>>, vector<16xf32>,
      %get3A_695 = arith.constant 752 : index
      %get3A_696 = tpu.vector_load %arg18[%get3A_695] {strides = array<i32>} : memref<768xf32, #tpu.memory_space<vmem>>, vector<16xf32>,
      %get3A_697 = arith.constant 640 : index
      %get3A_698 = tpu.vector_load %arg19[%get3A_697] {strides = array<i32>} : memref<768xf32, #tpu.memory_space<vmem>>, vector<16xf32>,
      %get3A_699 = arith.constant 656 : index
      %get3A_700 = tpu.vector_load %arg19[%get3A_699] {strides = array<i32>} : memref<768xf32, #tpu.memory_space<vmem>>, vector<16xf32>,
      %get3A_701 = arith.constant 672 : index
      %get3A_702 = tpu.vector_load %arg19[%get3A_701] {strides = array<i32>} : memref<768xf32, #tpu.memory_space<vmem>>, vector<16xf32>,
      %get3A_703 = arith.constant 688 : index
      %get3A_704 = tpu.vector_load %arg19[%get3A_703] {strides = array<i32>} : memref<768xf32, #tpu.memory_space<vmem>>, vector<16xf32>,
      %get3A_705 = arith.constant 704 : index
      %get3A_706 = tpu.vector_load %arg19[%get3A_705] {strides = array<i32>} : memref<768xf32, #tpu.memory_space<vmem>>, vector<16xf32>,
      %get3A_707 = arith.constant 720 : index
      %get3A_708 = tpu.vector_load %arg19[%get3A_707] {strides = array<i32>} : memref<768xf32, #tpu.memory_space<vmem>>, vector<16xf32>,
      %get3A_709 = arith.constant 736 : index
      %get3A_710 = tpu.vector_load %arg19[%get3A_709] {strides = array<i32>} : memref<768xf32, #tpu.memory_space<vmem>>, vector<16xf32>,
      %get3A_711 = arith.constant 752 : index
      %get3A_712 = tpu.vector_load %arg19[%get3A_711] {strides = array<i32>} : memref<768xf32, #tpu.memory_space<vmem>>, vector<16xf32>,
      %scan3A_713 = arith.constant 0 : i32
      %scan3A_714 = arith.constant 0 : i32
      %scan3A_715 = arith.constant 32 : i32
      %scan3A_716 = arith.addi %scan3A_714, %scan3A_715 : i32
      %scan3A_717 = arith.constant 1 : i32
      %scan3A_718 = scf.for %scan3A_1189 = %scan3A_714 to %scan3A_716 step %scan3A_717 iter_args(%scan3A_1190 = %scan3A_713) -> (i32)  : i32 {
        %mul3A_1191 = arith.constant 16 : i32
        %mul3A_1192 = arith.muli %scan3A_1189, %mul3A_1191 : i32
        %get3A_1193 = arith.index_cast %mul3A_1192 : i32 to index
        %get3A_1194 = tpu.vector_load %arg14[%get3A_1193] {strides = array<i32>} : memref<512xf32, #tpu.memory_space<vmem>>, vector<16xf32>,
        %get3A_1195 = arith.index_cast %scan3A_1189 : i32 to index
        %get3A_1196 = arith.constant 640 : index
        %get3A_1197 = tpu.vector_load %arg20[%get3A_1195, %get3A_1196] {strides = array<i32>} : memref<32x768xf32, #tpu.memory_space<vmem>>, vector<16xf32>,
        %get3A_1198 = arith.index_cast %scan3A_1189 : i32 to index
        %get3A_1199 = arith.constant 640 : index
        %get3A_1200 = tpu.vector_load %arg21[%get3A_1198, %get3A_1199] {strides = array<i32>} : memref<32x768xf32, #tpu.memory_space<vmem>>, vector<16xf32>,
        %add3A_1201 = arith.addf %get3A_1197, %get3A_1200 : vector<16xf32>
        %mul3A_1202 = arith.mulf %get3A_1194, %get3A_698 : vector<16xf32>
        %add3A_1203 = arith.addf %get3A_682, %mul3A_1202 : vector<16xf32>
        %add3A_1204 = arith.addf %add3A_1201, %add3A_1203 : vector<16xf32>
        %swap3A_1205 = arith.index_cast %scan3A_1189 : i32 to index
        %swap3A_1206 = arith.constant 640 : index
        %swap3A_1207 = tpu.vector_load %arg20[%swap3A_1205, %swap3A_1206] {strides = array<i32>} : memref<32x768xf32, #tpu.memory_space<vmem>>, vector<16xf32>,
        tpu.vector_store %arg20[%swap3A_1205, %swap3A_1206], %add3A_1204 {strides = array<i32>} : memref<32x768xf32, #tpu.memory_space<vmem>>, vector<16xf32>,
        %get3A_1208 = arith.index_cast %scan3A_1189 : i32 to index
        %get3A_1209 = arith.constant 656 : index
        %get3A_1210 = tpu.vector_load %arg20[%get3A_1208, %get3A_1209] {strides = array<i32>} : memref<32x768xf32, #tpu.memory_space<vmem>>, vector<16xf32>,
        %get3A_1211 = arith.index_cast %scan3A_1189 : i32 to index
        %get3A_1212 = arith.constant 656 : index
        %get3A_1213 = tpu.vector_load %arg21[%get3A_1211, %get3A_1212] {strides = array<i32>} : memref<32x768xf32, #tpu.memory_space<vmem>>, vector<16xf32>,
        %add3A_1214 = arith.addf %get3A_1210, %get3A_1213 : vector<16xf32>
        %mul3A_1215 = arith.mulf %get3A_1194, %get3A_700 : vector<16xf32>
        %add3A_1216 = arith.addf %get3A_684, %mul3A_1215 : vector<16xf32>
        %add3A_1217 = arith.addf %add3A_1214, %add3A_1216 : vector<16xf32>
        %swap3A_1218 = arith.index_cast %scan3A_1189 : i32 to index
        %swap3A_1219 = arith.constant 656 : index
        %swap3A_1220 = tpu.vector_load %arg20[%swap3A_1218, %swap3A_1219] {strides = array<i32>} : memref<32x768xf32, #tpu.memory_space<vmem>>, vector<16xf32>,
        tpu.vector_store %arg20[%swap3A_1218, %swap3A_1219], %add3A_1217 {strides = array<i32>} : memref<32x768xf32, #tpu.memory_space<vmem>>, vector<16xf32>,
        %get3A_1221 = arith.index_cast %scan3A_1189 : i32 to index
        %get3A_1222 = arith.constant 672 : index
        %get3A_1223 = tpu.vector_load %arg20[%get3A_1221, %get3A_1222] {strides = array<i32>} : memref<32x768xf32, #tpu.memory_space<vmem>>, vector<16xf32>,
        %get3A_1224 = arith.index_cast %scan3A_1189 : i32 to index
        %get3A_1225 = arith.constant 672 : index
        %get3A_1226 = tpu.vector_load %arg21[%get3A_1224, %get3A_1225] {strides = array<i32>} : memref<32x768xf32, #tpu.memory_space<vmem>>, vector<16xf32>,
        %add3A_1227 = arith.addf %get3A_1223, %get3A_1226 : vector<16xf32>
        %mul3A_1228 = arith.mulf %get3A_1194, %get3A_702 : vector<16xf32>
        %add3A_1229 = arith.addf %get3A_686, %mul3A_1228 : vector<16xf32>
        %add3A_1230 = arith.addf %add3A_1227, %add3A_1229 : vector<16xf32>
        %swap3A_1231 = arith.index_cast %scan3A_1189 : i32 to index
        %swap3A_1232 = arith.constant 672 : index
        %swap3A_1233 = tpu.vector_load %arg20[%swap3A_1231, %swap3A_1232] {strides = array<i32>} : memref<32x768xf32, #tpu.memory_space<vmem>>, vector<16xf32>,
        tpu.vector_store %arg20[%swap3A_1231, %swap3A_1232], %add3A_1230 {strides = array<i32>} : memref<32x768xf32, #tpu.memory_space<vmem>>, vector<16xf32>,
        %get3A_1234 = arith.index_cast %scan3A_1189 : i32 to index
        %get3A_1235 = arith.constant 688 : index
        %get3A_1236 = tpu.vector_load %arg20[%get3A_1234, %get3A_1235] {strides = array<i32>} : memref<32x768xf32, #tpu.memory_space<vmem>>, vector<16xf32>,
        %get3A_1237 = arith.index_cast %scan3A_1189 : i32 to index
        %get3A_1238 = arith.constant 688 : index
        %get3A_1239 = tpu.vector_load %arg21[%get3A_1237, %get3A_1238] {strides = array<i32>} : memref<32x768xf32, #tpu.memory_space<vmem>>, vector<16xf32>,
        %add3A_1240 = arith.addf %get3A_1236, %get3A_1239 : vector<16xf32>
        %mul3A_1241 = arith.mulf %get3A_1194, %get3A_704 : vector<16xf32>
        %add3A_1242 = arith.addf %get3A_688, %mul3A_1241 : vector<16xf32>
        %add3A_1243 = arith.addf %add3A_1240, %add3A_1242 : vector<16xf32>
        %swap3A_1244 = arith.index_cast %scan3A_1189 : i32 to index
        %swap3A_1245 = arith.constant 688 : index
        %swap3A_1246 = tpu.vector_load %arg20[%swap3A_1244, %swap3A_1245] {strides = array<i32>} : memref<32x768xf32, #tpu.memory_space<vmem>>, vector<16xf32>,
        tpu.vector_store %arg20[%swap3A_1244, %swap3A_1245], %add3A_1243 {strides = array<i32>} : memref<32x768xf32, #tpu.memory_space<vmem>>, vector<16xf32>,
        %get3A_1247 = arith.index_cast %scan3A_1189 : i32 to index
        %get3A_1248 = arith.constant 704 : index
        %get3A_1249 = tpu.vector_load %arg20[%get3A_1247, %get3A_1248] {strides = array<i32>} : memref<32x768xf32, #tpu.memory_space<vmem>>, vector<16xf32>,
        %get3A_1250 = arith.index_cast %scan3A_1189 : i32 to index
        %get3A_1251 = arith.constant 704 : index
        %get3A_1252 = tpu.vector_load %arg21[%get3A_1250, %get3A_1251] {strides = array<i32>} : memref<32x768xf32, #tpu.memory_space<vmem>>, vector<16xf32>,
        %add3A_1253 = arith.addf %get3A_1249, %get3A_1252 : vector<16xf32>
        %mul3A_1254 = arith.mulf %get3A_1194, %get3A_706 : vector<16xf32>
        %add3A_1255 = arith.addf %get3A_690, %mul3A_1254 : vector<16xf32>
        %add3A_1256 = arith.addf %add3A_1253, %add3A_1255 : vector<16xf32>
        %swap3A_1257 = arith.index_cast %scan3A_1189 : i32 to index
        %swap3A_1258 = arith.constant 704 : index
        %swap3A_1259 = tpu.vector_load %arg20[%swap3A_1257, %swap3A_1258] {strides = array<i32>} : memref<32x768xf32, #tpu.memory_space<vmem>>, vector<16xf32>,
        tpu.vector_store %arg20[%swap3A_1257, %swap3A_1258], %add3A_1256 {strides = array<i32>} : memref<32x768xf32, #tpu.memory_space<vmem>>, vector<16xf32>,
        %get3A_1260 = arith.index_cast %scan3A_1189 : i32 to index
        %get3A_1261 = arith.constant 720 : index
        %get3A_1262 = tpu.vector_load %arg20[%get3A_1260, %get3A_1261] {strides = array<i32>} : memref<32x768xf32, #tpu.memory_space<vmem>>, vector<16xf32>,
        %get3A_1263 = arith.index_cast %scan3A_1189 : i32 to index
        %get3A_1264 = arith.constant 720 : index
        %get3A_1265 = tpu.vector_load %arg21[%get3A_1263, %get3A_1264] {strides = array<i32>} : memref<32x768xf32, #tpu.memory_space<vmem>>, vector<16xf32>,
        %add3A_1266 = arith.addf %get3A_1262, %get3A_1265 : vector<16xf32>
        %mul3A_1267 = arith.mulf %get3A_1194, %get3A_708 : vector<16xf32>
        %add3A_1268 = arith.addf %get3A_692, %mul3A_1267 : vector<16xf32>
        %add3A_1269 = arith.addf %add3A_1266, %add3A_1268 : vector<16xf32>
        %swap3A_1270 = arith.index_cast %scan3A_1189 : i32 to index
        %swap3A_1271 = arith.constant 720 : index
        %swap3A_1272 = tpu.vector_load %arg20[%swap3A_1270, %swap3A_1271] {strides = array<i32>} : memref<32x768xf32, #tpu.memory_space<vmem>>, vector<16xf32>,
        tpu.vector_store %arg20[%swap3A_1270, %swap3A_1271], %add3A_1269 {strides = array<i32>} : memref<32x768xf32, #tpu.memory_space<vmem>>, vector<16xf32>,
        %get3A_1273 = arith.index_cast %scan3A_1189 : i32 to index
        %get3A_1274 = arith.constant 736 : index
        %get3A_1275 = tpu.vector_load %arg20[%get3A_1273, %get3A_1274] {strides = array<i32>} : memref<32x768xf32, #tpu.memory_space<vmem>>, vector<16xf32>,
        %get3A_1276 = arith.index_cast %scan3A_1189 : i32 to index
        %get3A_1277 = arith.constant 736 : index
        %get3A_1278 = tpu.vector_load %arg21[%get3A_1276, %get3A_1277] {strides = array<i32>} : memref<32x768xf32, #tpu.memory_space<vmem>>, vector<16xf32>,
        %add3A_1279 = arith.addf %get3A_1275, %get3A_1278 : vector<16xf32>
        %mul3A_1280 = arith.mulf %get3A_1194, %get3A_710 : vector<16xf32>
        %add3A_1281 = arith.addf %get3A_694, %mul3A_1280 : vector<16xf32>
        %add3A_1282 = arith.addf %add3A_1279, %add3A_1281 : vector<16xf32>
        %swap3A_1283 = arith.index_cast %scan3A_1189 : i32 to index
        %swap3A_1284 = arith.constant 736 : index
        %swap3A_1285 = tpu.vector_load %arg20[%swap3A_1283, %swap3A_1284] {strides = array<i32>} : memref<32x768xf32, #tpu.memory_space<vmem>>, vector<16xf32>,
        tpu.vector_store %arg20[%swap3A_1283, %swap3A_1284], %add3A_1282 {strides = array<i32>} : memref<32x768xf32, #tpu.memory_space<vmem>>, vector<16xf32>,
        %get3A_1286 = arith.index_cast %scan3A_1189 : i32 to index
        %get3A_1287 = arith.constant 752 : index
        %get3A_1288 = tpu.vector_load %arg20[%get3A_1286, %get3A_1287] {strides = array<i32>} : memref<32x768xf32, #tpu.memory_space<vmem>>, vector<16xf32>,
        %get3A_1289 = arith.index_cast %scan3A_1189 : i32 to index
        %get3A_1290 = arith.constant 752 : index
        %get3A_1291 = tpu.vector_load %arg21[%get3A_1289, %get3A_1290] {strides = array<i32>} : memref<32x768xf32, #tpu.memory_space<vmem>>, vector<16xf32>,
        %add3A_1292 = arith.addf %get3A_1288, %get3A_1291 : vector<16xf32>
        %mul3A_1293 = arith.mulf %get3A_1194, %get3A_712 : vector<16xf32>
        %add3A_1294 = arith.addf %get3A_696, %mul3A_1293 : vector<16xf32>
        %add3A_1295 = arith.addf %add3A_1292, %add3A_1294 : vector<16xf32>
        %swap3A_1296 = arith.index_cast %scan3A_1189 : i32 to index
        %swap3A_1297 = arith.constant 752 : index
        %swap3A_1298 = tpu.vector_load %arg20[%swap3A_1296, %swap3A_1297] {strides = array<i32>} : memref<32x768xf32, #tpu.memory_space<vmem>>, vector<16xf32>,
        tpu.vector_store %arg20[%swap3A_1296, %swap3A_1297], %add3A_1295 {strides = array<i32>} : memref<32x768xf32, #tpu.memory_space<vmem>>, vector<16xf32>,
        %scan3A_1299 = arith.constant 0 : i32
        scf.yield %scan3A_1299 : i32
      }
      %scan3A_719 = arith.constant 32 : i32
      %add3A_720 = arith.addi %mul3A_20, %mul3A_273 : i32
      %dma_start3A_721 = arith.constant 0 : i32
      %dma_start3A_722 = tpu.memref_slice %arg8[%add3A_720, %dma_start3A_721] : memref<16384x768xf32, #tpu.memory_space<hbm>> -> memref<32x768xf32, #tpu.memory_space<hbm>>
      %dma_start3A_723 = arith.constant 0 : i32
      %dma_start3A_724 = tpu.memref_slice %arg8[%add3A_720, %dma_start3A_723] : memref<16384x768xf32, #tpu.memory_space<hbm>> -> memref<32x768xf32, #tpu.memory_space<hbm>>
      tpu.enqueue_dma source(%arg20 : memref<32x768xf32, #tpu.memory_space<vmem>>) target(%dma_start3A_724 : memref<32x768xf32, #tpu.memory_space<hbm>>) target_semaphore(%arg28 : memref<!tpu.dma_semaphore, #tpu.memory_space<semaphore_mem>>)
      %mul3A_725 = arith.constant 2 : i32
      %mul3A_726 = arith.muli %mul3A_725, %scan3A_266 : i32
      %add3A_727 = arith.constant 1 : i32
      %add3A_728 = arith.addi %mul3A_726, %add3A_727 : i32
      %mul3A_729 = arith.constant 32 : i32
      %mul3A_730 = arith.muli %add3A_728, %mul3A_729 : i32
      %dma_wait3A_731 = arith.constant 0 : i32
      %dma_wait3A_732 = arith.constant 0 : i32
      %dma_wait3A_733 = tpu.memref_slice %arg4[%dma_wait3A_731, %dma_wait3A_732] : memref<50265x768xf32, #tpu.memory_space<hbm>> -> memref<32x768xf32, #tpu.memory_space<hbm>>
      %dma_wait3A_734 = arith.constant 0 : i32
      %dma_wait3A_735 = arith.constant 0 : i32
      %dma_wait3A_736 = tpu.memref_slice %arg4[%dma_wait3A_734, %dma_wait3A_735] : memref<50265x768xf32, #tpu.memory_space<hbm>> -> memref<32x768xf32, #tpu.memory_space<hbm>>
      tpu.wait_dma2 semaphore(%arg26 : memref<!tpu.dma_semaphore, #tpu.memory_space<semaphore_mem>>) src(%dma_wait3A_736 : memref<32x768xf32, #tpu.memory_space<hbm>>) dst(%arg22 : memref<32x768xf32, #tpu.memory_space<vmem>>)
      %dma_wait3A_737 = arith.constant 0 : i32
      %dma_wait3A_738 = arith.constant 0 : i32
      %dma_wait3A_739 = tpu.memref_slice %arg5[%dma_wait3A_737, %dma_wait3A_738] : memref<4104x768xf32, #tpu.memory_space<hbm>> -> memref<32x768xf32, #tpu.memory_space<hbm>>
      %dma_wait3A_740 = arith.constant 0 : i32
      %dma_wait3A_741 = arith.constant 0 : i32
      %dma_wait3A_742 = tpu.memref_slice %arg5[%dma_wait3A_740, %dma_wait3A_741] : memref<4104x768xf32, #tpu.memory_space<hbm>> -> memref<32x768xf32, #tpu.memory_space<hbm>>
      tpu.wait_dma2 semaphore(%arg27 : memref<!tpu.dma_semaphore, #tpu.memory_space<semaphore_mem>>) src(%dma_wait3A_742 : memref<32x768xf32, #tpu.memory_space<hbm>>) dst(%arg23 : memref<32x768xf32, #tpu.memory_space<vmem>>)
      %add3A_743 = arith.constant 0 : i32
      %add3A_744 = arith.addi %mul3A_730, %add3A_743 : i32
      %get3A_745 = arith.index_cast %add3A_744 : i32 to index
      %get3A_746 = tpu.vector_load %arg11[%get3A_745] {strides = array<i32>} : memref<512xi32, #tpu.memory_space<vmem>>, vector<16xi32>,
      %convert_element_type3A_747 = arith.sitofp %get3A_746 : vector<16xi32> to vector<16xf32>
      %mul3A_748 = arith.constant 16 : i32
      %mul3A_749 = vector.broadcast %mul3A_748 : i32 to vector<16xi32>
      %mul3A_750 = arith.muli %iota3A, %mul3A_749 : vector<16xi32>
      %add3A_751 = arith.constant 0 : i32
      %add3A_752 = vector.broadcast %add3A_751 : i32 to vector<16xi32>
      %add3A_753 = arith.addi %mul3A_750, %add3A_752 : vector<16xi32>
      tpu.vector_store_idx %arg14[%add3A_753], %convert_element_type3A_747 : memref<512xf32, #tpu.memory_space<vmem>>[vector<16xi32>], vector<16xf32>,
      %mul3A_754 = arith.constant 16 : i32
      %mul3A_755 = vector.broadcast %mul3A_754 : i32 to vector<16xi32>
      %mul3A_756 = arith.muli %iota3A, %mul3A_755 : vector<16xi32>
      %add3A_757 = arith.constant 1 : i32
      %add3A_758 = vector.broadcast %add3A_757 : i32 to vector<16xi32>
      %add3A_759 = arith.addi %mul3A_756, %add3A_758 : vector<16xi32>
      tpu.vector_store_idx %arg14[%add3A_759], %convert_element_type3A_747 : memref<512xf32, #tpu.memory_space<vmem>>[vector<16xi32>], vector<16xf32>,
      %mul3A_760 = arith.constant 16 : i32
      %mul3A_761 = vector.broadcast %mul3A_760 : i32 to vector<16xi32>
      %mul3A_762 = arith.muli %iota3A, %mul3A_761 : vector<16xi32>
      %add3A_763 = arith.constant 2 : i32
      %add3A_764 = vector.broadcast %add3A_763 : i32 to vector<16xi32>
      %add3A_765 = arith.addi %mul3A_762, %add3A_764 : vector<16xi32>
      tpu.vector_store_idx %arg14[%add3A_765], %convert_element_type3A_747 : memref<512xf32, #tpu.memory_space<vmem>>[vector<16xi32>], vector<16xf32>,
      %mul3A_766 = arith.constant 16 : i32
      %mul3A_767 = vector.broadcast %mul3A_766 : i32 to vector<16xi32>
      %mul3A_768 = arith.muli %iota3A, %mul3A_767 : vector<16xi32>
      %add3A_769 = arith.constant 3 : i32
      %add3A_770 = vector.broadcast %add3A_769 : i32 to vector<16xi32>
      %add3A_771 = arith.addi %mul3A_768, %add3A_770 : vector<16xi32>
      tpu.vector_store_idx %arg14[%add3A_771], %convert_element_type3A_747 : memref<512xf32, #tpu.memory_space<vmem>>[vector<16xi32>], vector<16xf32>,
      %mul3A_772 = arith.constant 16 : i32
      %mul3A_773 = vector.broadcast %mul3A_772 : i32 to vector<16xi32>
      %mul3A_774 = arith.muli %iota3A, %mul3A_773 : vector<16xi32>
      %add3A_775 = arith.constant 4 : i32
      %add3A_776 = vector.broadcast %add3A_775 : i32 to vector<16xi32>
      %add3A_777 = arith.addi %mul3A_774, %add3A_776 : vector<16xi32>
      tpu.vector_store_idx %arg14[%add3A_777], %convert_element_type3A_747 : memref<512xf32, #tpu.memory_space<vmem>>[vector<16xi32>], vector<16xf32>,
      %mul3A_778 = arith.constant 16 : i32
      %mul3A_779 = vector.broadcast %mul3A_778 : i32 to vector<16xi32>
      %mul3A_780 = arith.muli %iota3A, %mul3A_779 : vector<16xi32>
      %add3A_781 = arith.constant 5 : i32
      %add3A_782 = vector.broadcast %add3A_781 : i32 to vector<16xi32>
      %add3A_783 = arith.addi %mul3A_780, %add3A_782 : vector<16xi32>
      tpu.vector_store_idx %arg14[%add3A_783], %convert_element_type3A_747 : memref<512xf32, #tpu.memory_space<vmem>>[vector<16xi32>], vector<16xf32>,
      %mul3A_784 = arith.constant 16 : i32
      %mul3A_785 = vector.broadcast %mul3A_784 : i32 to vector<16xi32>
      %mul3A_786 = arith.muli %iota3A, %mul3A_785 : vector<16xi32>
      %add3A_787 = arith.constant 6 : i32
      %add3A_788 = vector.broadcast %add3A_787 : i32 to vector<16xi32>
      %add3A_789 = arith.addi %mul3A_786, %add3A_788 : vector<16xi32>
      tpu.vector_store_idx %arg14[%add3A_789], %convert_element_type3A_747 : memref<512xf32, #tpu.memory_space<vmem>>[vector<16xi32>], vector<16xf32>,
      %mul3A_790 = arith.constant 16 : i32
      %mul3A_791 = vector.broadcast %mul3A_790 : i32 to vector<16xi32>
      %mul3A_792 = arith.muli %iota3A, %mul3A_791 : vector<16xi32>
      %add3A_793 = arith.constant 7 : i32
      %add3A_794 = vector.broadcast %add3A_793 : i32 to vector<16xi32>
      %add3A_795 = arith.addi %mul3A_792, %add3A_794 : vector<16xi32>
      tpu.vector_store_idx %arg14[%add3A_795], %convert_element_type3A_747 : memref<512xf32, #tpu.memory_space<vmem>>[vector<16xi32>], vector<16xf32>,
      %mul3A_796 = arith.constant 16 : i32
      %mul3A_797 = vector.broadcast %mul3A_796 : i32 to vector<16xi32>
      %mul3A_798 = arith.muli %iota3A, %mul3A_797 : vector<16xi32>
      %add3A_799 = arith.constant 8 : i32
      %add3A_800 = vector.broadcast %add3A_799 : i32 to vector<16xi32>
      %add3A_801 = arith.addi %mul3A_798, %add3A_800 : vector<16xi32>
      tpu.vector_store_idx %arg14[%add3A_801], %convert_element_type3A_747 : memref<512xf32, #tpu.memory_space<vmem>>[vector<16xi32>], vector<16xf32>,
      %mul3A_802 = arith.constant 16 : i32
      %mul3A_803 = vector.broadcast %mul3A_802 : i32 to vector<16xi32>
      %mul3A_804 = arith.muli %iota3A, %mul3A_803 : vector<16xi32>
      %add3A_805 = arith.constant 9 : i32
      %add3A_806 = vector.broadcast %add3A_805 : i32 to vector<16xi32>
      %add3A_807 = arith.addi %mul3A_804, %add3A_806 : vector<16xi32>
      tpu.vector_store_idx %arg14[%add3A_807], %convert_element_type3A_747 : memref<512xf32, #tpu.memory_space<vmem>>[vector<16xi32>], vector<16xf32>,
      %mul3A_808 = arith.constant 16 : i32
      %mul3A_809 = vector.broadcast %mul3A_808 : i32 to vector<16xi32>
      %mul3A_810 = arith.muli %iota3A, %mul3A_809 : vector<16xi32>
      %add3A_811 = arith.constant 10 : i32
      %add3A_812 = vector.broadcast %add3A_811 : i32 to vector<16xi32>
      %add3A_813 = arith.addi %mul3A_810, %add3A_812 : vector<16xi32>
      tpu.vector_store_idx %arg14[%add3A_813], %convert_element_type3A_747 : memref<512xf32, #tpu.memory_space<vmem>>[vector<16xi32>], vector<16xf32>,
      %mul3A_814 = arith.constant 16 : i32
      %mul3A_815 = vector.broadcast %mul3A_814 : i32 to vector<16xi32>
      %mul3A_816 = arith.muli %iota3A, %mul3A_815 : vector<16xi32>
      %add3A_817 = arith.constant 11 : i32
      %add3A_818 = vector.broadcast %add3A_817 : i32 to vector<16xi32>
      %add3A_819 = arith.addi %mul3A_816, %add3A_818 : vector<16xi32>
      tpu.vector_store_idx %arg14[%add3A_819], %convert_element_type3A_747 : memref<512xf32, #tpu.memory_space<vmem>>[vector<16xi32>], vector<16xf32>,
      %mul3A_820 = arith.constant 16 : i32
      %mul3A_821 = vector.broadcast %mul3A_820 : i32 to vector<16xi32>
      %mul3A_822 = arith.muli %iota3A, %mul3A_821 : vector<16xi32>
      %add3A_823 = arith.constant 12 : i32
      %add3A_824 = vector.broadcast %add3A_823 : i32 to vector<16xi32>
      %add3A_825 = arith.addi %mul3A_822, %add3A_824 : vector<16xi32>
      tpu.vector_store_idx %arg14[%add3A_825], %convert_element_type3A_747 : memref<512xf32, #tpu.memory_space<vmem>>[vector<16xi32>], vector<16xf32>,
      %mul3A_826 = arith.constant 16 : i32
      %mul3A_827 = vector.broadcast %mul3A_826 : i32 to vector<16xi32>
      %mul3A_828 = arith.muli %iota3A, %mul3A_827 : vector<16xi32>
      %add3A_829 = arith.constant 13 : i32
      %add3A_830 = vector.broadcast %add3A_829 : i32 to vector<16xi32>
      %add3A_831 = arith.addi %mul3A_828, %add3A_830 : vector<16xi32>
      tpu.vector_store_idx %arg14[%add3A_831], %convert_element_type3A_747 : memref<512xf32, #tpu.memory_space<vmem>>[vector<16xi32>], vector<16xf32>,
      %mul3A_832 = arith.constant 16 : i32
      %mul3A_833 = vector.broadcast %mul3A_832 : i32 to vector<16xi32>
      %mul3A_834 = arith.muli %iota3A, %mul3A_833 : vector<16xi32>
      %add3A_835 = arith.constant 14 : i32
      %add3A_836 = vector.broadcast %add3A_835 : i32 to vector<16xi32>
      %add3A_837 = arith.addi %mul3A_834, %add3A_836 : vector<16xi32>
      tpu.vector_store_idx %arg14[%add3A_837], %convert_element_type3A_747 : memref<512xf32, #tpu.memory_space<vmem>>[vector<16xi32>], vector<16xf32>,
      %mul3A_838 = arith.constant 16 : i32
      %mul3A_839 = vector.broadcast %mul3A_838 : i32 to vector<16xi32>
      %mul3A_840 = arith.muli %iota3A, %mul3A_839 : vector<16xi32>
      %add3A_841 = arith.constant 15 : i32
      %add3A_842 = vector.broadcast %add3A_841 : i32 to vector<16xi32>
      %add3A_843 = arith.addi %mul3A_840, %add3A_842 : vector<16xi32>
      tpu.vector_store_idx %arg14[%add3A_843], %convert_element_type3A_747 : memref<512xf32, #tpu.memory_space<vmem>>[vector<16xi32>], vector<16xf32>,
      %add3A_844 = arith.constant 16 : i32
      %add3A_845 = arith.addi %mul3A_730, %add3A_844 : i32
      %get3A_846 = arith.index_cast %add3A_845 : i32 to index
      %get3A_847 = tpu.vector_load %arg11[%get3A_846] {strides = array<i32>} : memref<512xi32, #tpu.memory_space<vmem>>, vector<16xi32>,
      %convert_element_type3A_848 = arith.sitofp %get3A_847 : vector<16xi32> to vector<16xf32>
      %mul3A_849 = arith.constant 16 : i32
      %mul3A_850 = vector.broadcast %mul3A_849 : i32 to vector<16xi32>
      %mul3A_851 = arith.muli %iota3A, %mul3A_850 : vector<16xi32>
      %add3A_852 = arith.constant 256 : i32
      %add3A_853 = vector.broadcast %add3A_852 : i32 to vector<16xi32>
      %add3A_854 = arith.addi %mul3A_851, %add3A_853 : vector<16xi32>
      tpu.vector_store_idx %arg14[%add3A_854], %convert_element_type3A_848 : memref<512xf32, #tpu.memory_space<vmem>>[vector<16xi32>], vector<16xf32>,
      %mul3A_855 = arith.constant 16 : i32
      %mul3A_856 = vector.broadcast %mul3A_855 : i32 to vector<16xi32>
      %mul3A_857 = arith.muli %iota3A, %mul3A_856 : vector<16xi32>
      %add3A_858 = arith.constant 257 : i32
      %add3A_859 = vector.broadcast %add3A_858 : i32 to vector<16xi32>
      %add3A_860 = arith.addi %mul3A_857, %add3A_859 : vector<16xi32>
      tpu.vector_store_idx %arg14[%add3A_860], %convert_element_type3A_848 : memref<512xf32, #tpu.memory_space<vmem>>[vector<16xi32>], vector<16xf32>,
      %mul3A_861 = arith.constant 16 : i32
      %mul3A_862 = vector.broadcast %mul3A_861 : i32 to vector<16xi32>
      %mul3A_863 = arith.muli %iota3A, %mul3A_862 : vector<16xi32>
      %add3A_864 = arith.constant 258 : i32
      %add3A_865 = vector.broadcast %add3A_864 : i32 to vector<16xi32>
      %add3A_866 = arith.addi %mul3A_863, %add3A_865 : vector<16xi32>
      tpu.vector_store_idx %arg14[%add3A_866], %convert_element_type3A_848 : memref<512xf32, #tpu.memory_space<vmem>>[vector<16xi32>], vector<16xf32>,
      %mul3A_867 = arith.constant 16 : i32
      %mul3A_868 = vector.broadcast %mul3A_867 : i32 to vector<16xi32>
      %mul3A_869 = arith.muli %iota3A, %mul3A_868 : vector<16xi32>
      %add3A_870 = arith.constant 259 : i32
      %add3A_871 = vector.broadcast %add3A_870 : i32 to vector<16xi32>
      %add3A_872 = arith.addi %mul3A_869, %add3A_871 : vector<16xi32>
      tpu.vector_store_idx %arg14[%add3A_872], %convert_element_type3A_848 : memref<512xf32, #tpu.memory_space<vmem>>[vector<16xi32>], vector<16xf32>,
      %mul3A_873 = arith.constant 16 : i32
      %mul3A_874 = vector.broadcast %mul3A_873 : i32 to vector<16xi32>
      %mul3A_875 = arith.muli %iota3A, %mul3A_874 : vector<16xi32>
      %add3A_876 = arith.constant 260 : i32
      %add3A_877 = vector.broadcast %add3A_876 : i32 to vector<16xi32>
      %add3A_878 = arith.addi %mul3A_875, %add3A_877 : vector<16xi32>
      tpu.vector_store_idx %arg14[%add3A_878], %convert_element_type3A_848 : memref<512xf32, #tpu.memory_space<vmem>>[vector<16xi32>], vector<16xf32>,
      %mul3A_879 = arith.constant 16 : i32
      %mul3A_880 = vector.broadcast %mul3A_879 : i32 to vector<16xi32>
      %mul3A_881 = arith.muli %iota3A, %mul3A_880 : vector<16xi32>
      %add3A_882 = arith.constant 261 : i32
      %add3A_883 = vector.broadcast %add3A_882 : i32 to vector<16xi32>
      %add3A_884 = arith.addi %mul3A_881, %add3A_883 : vector<16xi32>
      tpu.vector_store_idx %arg14[%add3A_884], %convert_element_type3A_848 : memref<512xf32, #tpu.memory_space<vmem>>[vector<16xi32>], vector<16xf32>,
      %mul3A_885 = arith.constant 16 : i32
      %mul3A_886 = vector.broadcast %mul3A_885 : i32 to vector<16xi32>
      %mul3A_887 = arith.muli %iota3A, %mul3A_886 : vector<16xi32>
      %add3A_888 = arith.constant 262 : i32
      %add3A_889 = vector.broadcast %add3A_888 : i32 to vector<16xi32>
      %add3A_890 = arith.addi %mul3A_887, %add3A_889 : vector<16xi32>
      tpu.vector_store_idx %arg14[%add3A_890], %convert_element_type3A_848 : memref<512xf32, #tpu.memory_space<vmem>>[vector<16xi32>], vector<16xf32>,
      %mul3A_891 = arith.constant 16 : i32
      %mul3A_892 = vector.broadcast %mul3A_891 : i32 to vector<16xi32>
      %mul3A_893 = arith.muli %iota3A, %mul3A_892 : vector<16xi32>
      %add3A_894 = arith.constant 263 : i32
      %add3A_895 = vector.broadcast %add3A_894 : i32 to vector<16xi32>
      %add3A_896 = arith.addi %mul3A_893, %add3A_895 : vector<16xi32>
      tpu.vector_store_idx %arg14[%add3A_896], %convert_element_type3A_848 : memref<512xf32, #tpu.memory_space<vmem>>[vector<16xi32>], vector<16xf32>,
      %mul3A_897 = arith.constant 16 : i32
      %mul3A_898 = vector.broadcast %mul3A_897 : i32 to vector<16xi32>
      %mul3A_899 = arith.muli %iota3A, %mul3A_898 : vector<16xi32>
      %add3A_900 = arith.constant 264 : i32
      %add3A_901 = vector.broadcast %add3A_900 : i32 to vector<16xi32>
      %add3A_902 = arith.addi %mul3A_899, %add3A_901 : vector<16xi32>
      tpu.vector_store_idx %arg14[%add3A_902], %convert_element_type3A_848 : memref<512xf32, #tpu.memory_space<vmem>>[vector<16xi32>], vector<16xf32>,
      %mul3A_903 = arith.constant 16 : i32
      %mul3A_904 = vector.broadcast %mul3A_903 : i32 to vector<16xi32>
      %mul3A_905 = arith.muli %iota3A, %mul3A_904 : vector<16xi32>
      %add3A_906 = arith.constant 265 : i32
      %add3A_907 = vector.broadcast %add3A_906 : i32 to vector<16xi32>
      %add3A_908 = arith.addi %mul3A_905, %add3A_907 : vector<16xi32>
      tpu.vector_store_idx %arg14[%add3A_908], %convert_element_type3A_848 : memref<512xf32, #tpu.memory_space<vmem>>[vector<16xi32>], vector<16xf32>,
      %mul3A_909 = arith.constant 16 : i32
      %mul3A_910 = vector.broadcast %mul3A_909 : i32 to vector<16xi32>
      %mul3A_911 = arith.muli %iota3A, %mul3A_910 : vector<16xi32>
      %add3A_912 = arith.constant 266 : i32
      %add3A_913 = vector.broadcast %add3A_912 : i32 to vector<16xi32>
      %add3A_914 = arith.addi %mul3A_911, %add3A_913 : vector<16xi32>
      tpu.vector_store_idx %arg14[%add3A_914], %convert_element_type3A_848 : memref<512xf32, #tpu.memory_space<vmem>>[vector<16xi32>], vector<16xf32>,
      %mul3A_915 = arith.constant 16 : i32
      %mul3A_916 = vector.broadcast %mul3A_915 : i32 to vector<16xi32>
      %mul3A_917 = arith.muli %iota3A, %mul3A_916 : vector<16xi32>
      %add3A_918 = arith.constant 267 : i32
      %add3A_919 = vector.broadcast %add3A_918 : i32 to vector<16xi32>
      %add3A_920 = arith.addi %mul3A_917, %add3A_919 : vector<16xi32>
      tpu.vector_store_idx %arg14[%add3A_920], %convert_element_type3A_848 : memref<512xf32, #tpu.memory_space<vmem>>[vector<16xi32>], vector<16xf32>,
      %mul3A_921 = arith.constant 16 : i32
      %mul3A_922 = vector.broadcast %mul3A_921 : i32 to vector<16xi32>
      %mul3A_923 = arith.muli %iota3A, %mul3A_922 : vector<16xi32>
      %add3A_924 = arith.constant 268 : i32
      %add3A_925 = vector.broadcast %add3A_924 : i32 to vector<16xi32>
      %add3A_926 = arith.addi %mul3A_923, %add3A_925 : vector<16xi32>
      tpu.vector_store_idx %arg14[%add3A_926], %convert_element_type3A_848 : memref<512xf32, #tpu.memory_space<vmem>>[vector<16xi32>], vector<16xf32>,
      %mul3A_927 = arith.constant 16 : i32
      %mul3A_928 = vector.broadcast %mul3A_927 : i32 to vector<16xi32>
      %mul3A_929 = arith.muli %iota3A, %mul3A_928 : vector<16xi32>
      %add3A_930 = arith.constant 269 : i32
      %add3A_931 = vector.broadcast %add3A_930 : i32 to vector<16xi32>
      %add3A_932 = arith.addi %mul3A_929, %add3A_931 : vector<16xi32>
      tpu.vector_store_idx %arg14[%add3A_932], %convert_element_type3A_848 : memref<512xf32, #tpu.memory_space<vmem>>[vector<16xi32>], vector<16xf32>,
      %mul3A_933 = arith.constant 16 : i32
      %mul3A_934 = vector.broadcast %mul3A_933 : i32 to vector<16xi32>
      %mul3A_935 = arith.muli %iota3A, %mul3A_934 : vector<16xi32>
      %add3A_936 = arith.constant 270 : i32
      %add3A_937 = vector.broadcast %add3A_936 : i32 to vector<16xi32>
      %add3A_938 = arith.addi %mul3A_935, %add3A_937 : vector<16xi32>
      tpu.vector_store_idx %arg14[%add3A_938], %convert_element_type3A_848 : memref<512xf32, #tpu.memory_space<vmem>>[vector<16xi32>], vector<16xf32>,
      %mul3A_939 = arith.constant 16 : i32
      %mul3A_940 = vector.broadcast %mul3A_939 : i32 to vector<16xi32>
      %mul3A_941 = arith.muli %iota3A, %mul3A_940 : vector<16xi32>
      %add3A_942 = arith.constant 271 : i32
      %add3A_943 = vector.broadcast %add3A_942 : i32 to vector<16xi32>
      %add3A_944 = arith.addi %mul3A_941, %add3A_943 : vector<16xi32>
      tpu.vector_store_idx %arg14[%add3A_944], %convert_element_type3A_848 : memref<512xf32, #tpu.memory_space<vmem>>[vector<16xi32>], vector<16xf32>,
      %get3A_945 = arith.constant 0 : index
      %get3A_946 = tpu.vector_load %arg18[%get3A_945] {strides = array<i32>} : memref<768xf32, #tpu.memory_space<vmem>>, vector<16xf32>,
      %get3A_947 = arith.constant 16 : index
      %get3A_948 = tpu.vector_load %arg18[%get3A_947] {strides = array<i32>} : memref<768xf32, #tpu.memory_space<vmem>>, vector<16xf32>,
      %get3A_949 = arith.constant 32 : index
      %get3A_950 = tpu.vector_load %arg18[%get3A_949] {strides = array<i32>} : memref<768xf32, #tpu.memory_space<vmem>>, vector<16xf32>,
      %get3A_951 = arith.constant 48 : index
      %get3A_952 = tpu.vector_load %arg18[%get3A_951] {strides = array<i32>} : memref<768xf32, #tpu.memory_space<vmem>>, vector<16xf32>,
      %get3A_953 = arith.constant 64 : index
      %get3A_954 = tpu.vector_load %arg18[%get3A_953] {strides = array<i32>} : memref<768xf32, #tpu.memory_space<vmem>>, vector<16xf32>,
      %get3A_955 = arith.constant 80 : index
      %get3A_956 = tpu.vector_load %arg18[%get3A_955] {strides = array<i32>} : memref<768xf32, #tpu.memory_space<vmem>>, vector<16xf32>,
      %get3A_957 = arith.constant 96 : index
      %get3A_958 = tpu.vector_load %arg18[%get3A_957] {strides = array<i32>} : memref<768xf32, #tpu.memory_space<vmem>>, vector<16xf32>,
      %get3A_959 = arith.constant 112 : index
      %get3A_960 = tpu.vector_load %arg18[%get3A_959] {strides = array<i32>} : memref<768xf32, #tpu.memory_space<vmem>>, vector<16xf32>,
      %get3A_961 = arith.constant 0 : index
      %get3A_962 = tpu.vector_load %arg19[%get3A_961] {strides = array<i32>} : memref<768xf32, #tpu.memory_space<vmem>>, vector<16xf32>,
      %get3A_963 = arith.constant 16 : index
      %get3A_964 = tpu.vector_load %arg19[%get3A_963] {strides = array<i32>} : memref<768xf32, #tpu.memory_space<vmem>>, vector<16xf32>,
      %get3A_965 = arith.constant 32 : index
      %get3A_966 = tpu.vector_load %arg19[%get3A_965] {strides = array<i32>} : memref<768xf32, #tpu.memory_space<vmem>>, vector<16xf32>,
      %get3A_967 = arith.constant 48 : index
      %get3A_968 = tpu.vector_load %arg19[%get3A_967] {strides = array<i32>} : memref<768xf32, #tpu.memory_space<vmem>>, vector<16xf32>,
      %get3A_969 = arith.constant 64 : index
      %get3A_970 = tpu.vector_load %arg19[%get3A_969] {strides = array<i32>} : memref<768xf32, #tpu.memory_space<vmem>>, vector<16xf32>,
      %get3A_971 = arith.constant 80 : index
      %get3A_972 = tpu.vector_load %arg19[%get3A_971] {strides = array<i32>} : memref<768xf32, #tpu.memory_space<vmem>>, vector<16xf32>,
      %get3A_973 = arith.constant 96 : index
      %get3A_974 = tpu.vector_load %arg19[%get3A_973] {strides = array<i32>} : memref<768xf32, #tpu.memory_space<vmem>>, vector<16xf32>,
      %get3A_975 = arith.constant 112 : index
      %get3A_976 = tpu.vector_load %arg19[%get3A_975] {strides = array<i32>} : memref<768xf32, #tpu.memory_space<vmem>>, vector<16xf32>,
      %scan3A_977 = arith.constant 0 : i32
      %scan3A_978 = arith.constant 0 : i32
      %scan3A_979 = arith.constant 32 : i32
      %scan3A_980 = arith.addi %scan3A_978, %scan3A_979 : i32
      %scan3A_981 = arith.constant 1 : i32
      %scan3A_982 = scf.for %scan3A_1189 = %scan3A_978 to %scan3A_980 step %scan3A_981 iter_args(%scan3A_1190 = %scan3A_977) -> (i32)  : i32 {
        %mul3A_1191 = arith.constant 16 : i32
        %mul3A_1192 = arith.muli %scan3A_1189, %mul3A_1191 : i32
        %get3A_1193 = arith.index_cast %mul3A_1192 : i32 to index
        %get3A_1194 = tpu.vector_load %arg14[%get3A_1193] {strides = array<i32>} : memref<512xf32, #tpu.memory_space<vmem>>, vector<16xf32>,
        %get3A_1195 = arith.index_cast %scan3A_1189 : i32 to index
        %get3A_1196 = arith.constant 0 : index
        %get3A_1197 = tpu.vector_load %arg22[%get3A_1195, %get3A_1196] {strides = array<i32>} : memref<32x768xf32, #tpu.memory_space<vmem>>, vector<16xf32>,
        %get3A_1198 = arith.index_cast %scan3A_1189 : i32 to index
        %get3A_1199 = arith.constant 0 : index
        %get3A_1200 = tpu.vector_load %arg23[%get3A_1198, %get3A_1199] {strides = array<i32>} : memref<32x768xf32, #tpu.memory_space<vmem>>, vector<16xf32>,
        %add3A_1201 = arith.addf %get3A_1197, %get3A_1200 : vector<16xf32>
        %mul3A_1202 = arith.mulf %get3A_1194, %get3A_962 : vector<16xf32>
        %add3A_1203 = arith.addf %get3A_946, %mul3A_1202 : vector<16xf32>
        %add3A_1204 = arith.addf %add3A_1201, %add3A_1203 : vector<16xf32>
        %swap3A_1205 = arith.index_cast %scan3A_1189 : i32 to index
        %swap3A_1206 = arith.constant 0 : index
        %swap3A_1207 = tpu.vector_load %arg22[%swap3A_1205, %swap3A_1206] {strides = array<i32>} : memref<32x768xf32, #tpu.memory_space<vmem>>, vector<16xf32>,
        tpu.vector_store %arg22[%swap3A_1205, %swap3A_1206], %add3A_1204 {strides = array<i32>} : memref<32x768xf32, #tpu.memory_space<vmem>>, vector<16xf32>,
        %get3A_1208 = arith.index_cast %scan3A_1189 : i32 to index
        %get3A_1209 = arith.constant 16 : index
        %get3A_1210 = tpu.vector_load %arg22[%get3A_1208, %get3A_1209] {strides = array<i32>} : memref<32x768xf32, #tpu.memory_space<vmem>>, vector<16xf32>,
        %get3A_1211 = arith.index_cast %scan3A_1189 : i32 to index
        %get3A_1212 = arith.constant 16 : index
        %get3A_1213 = tpu.vector_load %arg23[%get3A_1211, %get3A_1212] {strides = array<i32>} : memref<32x768xf32, #tpu.memory_space<vmem>>, vector<16xf32>,
        %add3A_1214 = arith.addf %get3A_1210, %get3A_1213 : vector<16xf32>
        %mul3A_1215 = arith.mulf %get3A_1194, %get3A_964 : vector<16xf32>
        %add3A_1216 = arith.addf %get3A_948, %mul3A_1215 : vector<16xf32>
        %add3A_1217 = arith.addf %add3A_1214, %add3A_1216 : vector<16xf32>
        %swap3A_1218 = arith.index_cast %scan3A_1189 : i32 to index
        %swap3A_1219 = arith.constant 16 : index
        %swap3A_1220 = tpu.vector_load %arg22[%swap3A_1218, %swap3A_1219] {strides = array<i32>} : memref<32x768xf32, #tpu.memory_space<vmem>>, vector<16xf32>,
        tpu.vector_store %arg22[%swap3A_1218, %swap3A_1219], %add3A_1217 {strides = array<i32>} : memref<32x768xf32, #tpu.memory_space<vmem>>, vector<16xf32>,
        %get3A_1221 = arith.index_cast %scan3A_1189 : i32 to index
        %get3A_1222 = arith.constant 32 : index
        %get3A_1223 = tpu.vector_load %arg22[%get3A_1221, %get3A_1222] {strides = array<i32>} : memref<32x768xf32, #tpu.memory_space<vmem>>, vector<16xf32>,
        %get3A_1224 = arith.index_cast %scan3A_1189 : i32 to index
        %get3A_1225 = arith.constant 32 : index
        %get3A_1226 = tpu.vector_load %arg23[%get3A_1224, %get3A_1225] {strides = array<i32>} : memref<32x768xf32, #tpu.memory_space<vmem>>, vector<16xf32>,
        %add3A_1227 = arith.addf %get3A_1223, %get3A_1226 : vector<16xf32>
        %mul3A_1228 = arith.mulf %get3A_1194, %get3A_966 : vector<16xf32>
        %add3A_1229 = arith.addf %get3A_950, %mul3A_1228 : vector<16xf32>
        %add3A_1230 = arith.addf %add3A_1227, %add3A_1229 : vector<16xf32>
        %swap3A_1231 = arith.index_cast %scan3A_1189 : i32 to index
        %swap3A_1232 = arith.constant 32 : index
        %swap3A_1233 = tpu.vector_load %arg22[%swap3A_1231, %swap3A_1232] {strides = array<i32>} : memref<32x768xf32, #tpu.memory_space<vmem>>, vector<16xf32>,
        tpu.vector_store %arg22[%swap3A_1231, %swap3A_1232], %add3A_1230 {strides = array<i32>} : memref<32x768xf32, #tpu.memory_space<vmem>>, vector<16xf32>,
        %get3A_1234 = arith.index_cast %scan3A_1189 : i32 to index
        %get3A_1235 = arith.constant 48 : index
        %get3A_1236 = tpu.vector_load %arg22[%get3A_1234, %get3A_1235] {strides = array<i32>} : memref<32x768xf32, #tpu.memory_space<vmem>>, vector<16xf32>,
        %get3A_1237 = arith.index_cast %scan3A_1189 : i32 to index
        %get3A_1238 = arith.constant 48 : index
        %get3A_1239 = tpu.vector_load %arg23[%get3A_1237, %get3A_1238] {strides = array<i32>} : memref<32x768xf32, #tpu.memory_space<vmem>>, vector<16xf32>,
        %add3A_1240 = arith.addf %get3A_1236, %get3A_1239 : vector<16xf32>
        %mul3A_1241 = arith.mulf %get3A_1194, %get3A_968 : vector<16xf32>
        %add3A_1242 = arith.addf %get3A_952, %mul3A_1241 : vector<16xf32>
        %add3A_1243 = arith.addf %add3A_1240, %add3A_1242 : vector<16xf32>
        %swap3A_1244 = arith.index_cast %scan3A_1189 : i32 to index
        %swap3A_1245 = arith.constant 48 : index
        %swap3A_1246 = tpu.vector_load %arg22[%swap3A_1244, %swap3A_1245] {strides = array<i32>} : memref<32x768xf32, #tpu.memory_space<vmem>>, vector<16xf32>,
        tpu.vector_store %arg22[%swap3A_1244, %swap3A_1245], %add3A_1243 {strides = array<i32>} : memref<32x768xf32, #tpu.memory_space<vmem>>, vector<16xf32>,
        %get3A_1247 = arith.index_cast %scan3A_1189 : i32 to index
        %get3A_1248 = arith.constant 64 : index
        %get3A_1249 = tpu.vector_load %arg22[%get3A_1247, %get3A_1248] {strides = array<i32>} : memref<32x768xf32, #tpu.memory_space<vmem>>, vector<16xf32>,
        %get3A_1250 = arith.index_cast %scan3A_1189 : i32 to index
        %get3A_1251 = arith.constant 64 : index
        %get3A_1252 = tpu.vector_load %arg23[%get3A_1250, %get3A_1251] {strides = array<i32>} : memref<32x768xf32, #tpu.memory_space<vmem>>, vector<16xf32>,
        %add3A_1253 = arith.addf %get3A_1249, %get3A_1252 : vector<16xf32>
        %mul3A_1254 = arith.mulf %get3A_1194, %get3A_970 : vector<16xf32>
        %add3A_1255 = arith.addf %get3A_954, %mul3A_1254 : vector<16xf32>
        %add3A_1256 = arith.addf %add3A_1253, %add3A_1255 : vector<16xf32>
        %swap3A_1257 = arith.index_cast %scan3A_1189 : i32 to index
        %swap3A_1258 = arith.constant 64 : index
        %swap3A_1259 = tpu.vector_load %arg22[%swap3A_1257, %swap3A_1258] {strides = array<i32>} : memref<32x768xf32, #tpu.memory_space<vmem>>, vector<16xf32>,
        tpu.vector_store %arg22[%swap3A_1257, %swap3A_1258], %add3A_1256 {strides = array<i32>} : memref<32x768xf32, #tpu.memory_space<vmem>>, vector<16xf32>,
        %get3A_1260 = arith.index_cast %scan3A_1189 : i32 to index
        %get3A_1261 = arith.constant 80 : index
        %get3A_1262 = tpu.vector_load %arg22[%get3A_1260, %get3A_1261] {strides = array<i32>} : memref<32x768xf32, #tpu.memory_space<vmem>>, vector<16xf32>,
        %get3A_1263 = arith.index_cast %scan3A_1189 : i32 to index
        %get3A_1264 = arith.constant 80 : index
        %get3A_1265 = tpu.vector_load %arg23[%get3A_1263, %get3A_1264] {strides = array<i32>} : memref<32x768xf32, #tpu.memory_space<vmem>>, vector<16xf32>,
        %add3A_1266 = arith.addf %get3A_1262, %get3A_1265 : vector<16xf32>
        %mul3A_1267 = arith.mulf %get3A_1194, %get3A_972 : vector<16xf32>
        %add3A_1268 = arith.addf %get3A_956, %mul3A_1267 : vector<16xf32>
        %add3A_1269 = arith.addf %add3A_1266, %add3A_1268 : vector<16xf32>
        %swap3A_1270 = arith.index_cast %scan3A_1189 : i32 to index
        %swap3A_1271 = arith.constant 80 : index
        %swap3A_1272 = tpu.vector_load %arg22[%swap3A_1270, %swap3A_1271] {strides = array<i32>} : memref<32x768xf32, #tpu.memory_space<vmem>>, vector<16xf32>,
        tpu.vector_store %arg22[%swap3A_1270, %swap3A_1271], %add3A_1269 {strides = array<i32>} : memref<32x768xf32, #tpu.memory_space<vmem>>, vector<16xf32>,
        %get3A_1273 = arith.index_cast %scan3A_1189 : i32 to index
        %get3A_1274 = arith.constant 96 : index
        %get3A_1275 = tpu.vector_load %arg22[%get3A_1273, %get3A_1274] {strides = array<i32>} : memref<32x768xf32, #tpu.memory_space<vmem>>, vector<16xf32>,
        %get3A_1276 = arith.index_cast %scan3A_1189 : i32 to index
        %get3A_1277 = arith.constant 96 : index
        %get3A_1278 = tpu.vector_load %arg23[%get3A_1276, %get3A_1277] {strides = array<i32>} : memref<32x768xf32, #tpu.memory_space<vmem>>, vector<16xf32>,
        %add3A_1279 = arith.addf %get3A_1275, %get3A_1278 : vector<16xf32>
        %mul3A_1280 = arith.mulf %get3A_1194, %get3A_974 : vector<16xf32>
        %add3A_1281 = arith.addf %get3A_958, %mul3A_1280 : vector<16xf32>
        %add3A_1282 = arith.addf %add3A_1279, %add3A_1281 : vector<16xf32>
        %swap3A_1283 = arith.index_cast %scan3A_1189 : i32 to index
        %swap3A_1284 = arith.constant 96 : index
        %swap3A_1285 = tpu.vector_load %arg22[%swap3A_1283, %swap3A_1284] {strides = array<i32>} : memref<32x768xf32, #tpu.memory_space<vmem>>, vector<16xf32>,
        tpu.vector_store %arg22[%swap3A_1283, %swap3A_1284], %add3A_1282 {strides = array<i32>} : memref<32x768xf32, #tpu.memory_space<vmem>>, vector<16xf32>,
        %get3A_1286 = arith.index_cast %scan3A_1189 : i32 to index
        %get3A_1287 = arith.constant 112 : index
        %get3A_1288 = tpu.vector_load %arg22[%get3A_1286, %get3A_1287] {strides = array<i32>} : memref<32x768xf32, #tpu.memory_space<vmem>>, vector<16xf32>,
        %get3A_1289 = arith.index_cast %scan3A_1189 : i32 to index
        %get3A_1290 = arith.constant 112 : index
        %get3A_1291 = tpu.vector_load %arg23[%get3A_1289, %get3A_1290] {strides = array<i32>} : memref<32x768xf32, #tpu.memory_space<vmem>>, vector<16xf32>,
        %add3A_1292 = arith.addf %get3A_1288, %get3A_1291 : vector<16xf32>
        %mul3A_1293 = arith.mulf %get3A_1194, %get3A_976 : vector<16xf32>
        %add3A_1294 = arith.addf %get3A_960, %mul3A_1293 : vector<16xf32>
        %add3A_1295 = arith.addf %add3A_1292, %add3A_1294 : vector<16xf32>
        %swap3A_1296 = arith.index_cast %scan3A_1189 : i32 to index
        %swap3A_1297 = arith.constant 112 : index
        %swap3A_1298 = tpu.vector_load %arg22[%swap3A_1296, %swap3A_1297] {strides = array<i32>} : memref<32x768xf32, #tpu.memory_space<vmem>>, vector<16xf32>,
        tpu.vector_store %arg22[%swap3A_1296, %swap3A_1297], %add3A_1295 {strides = array<i32>} : memref<32x768xf32, #tpu.memory_space<vmem>>, vector<16xf32>,
        %scan3A_1299 = arith.constant 0 : i32
        scf.yield %scan3A_1299 : i32
      }
      %scan3A_983 = arith.constant 32 : i32
      %get3A_984 = arith.constant 128 : index
      %get3A_985 = tpu.vector_load %arg18[%get3A_984] {strides = array<i32>} : memref<768xf32, #tpu.memory_space<vmem>>, vector<16xf32>,
      %get3A_986 = arith.constant 144 : index
      %get3A_987 = tpu.vector_load %arg18[%get3A_986] {strides = array<i32>} : memref<768xf32, #tpu.memory_space<vmem>>, vector<16xf32>,
      %get3A_988 = arith.constant 160 : index
      %get3A_989 = tpu.vector_load %arg18[%get3A_988] {strides = array<i32>} : memref<768xf32, #tpu.memory_space<vmem>>, vector<16xf32>,
      %get3A_990 = arith.constant 176 : index
      %get3A_991 = tpu.vector_load %arg18[%get3A_990] {strides = array<i32>} : memref<768xf32, #tpu.memory_space<vmem>>, vector<16xf32>,
      %get3A_992 = arith.constant 192 : index
      %get3A_993 = tpu.vector_load %arg18[%get3A_992] {strides = array<i32>} : memref<768xf32, #tpu.memory_space<vmem>>, vector<16xf32>,
      %get3A_994 = arith.constant 208 : index
      %get3A_995 = tpu.vector_load %arg18[%get3A_994] {strides = array<i32>} : memref<768xf32, #tpu.memory_space<vmem>>, vector<16xf32>,
      %get3A_996 = arith.constant 224 : index
      %get3A_997 = tpu.vector_load %arg18[%get3A_996] {strides = array<i32>} : memref<768xf32, #tpu.memory_space<vmem>>, vector<16xf32>,
      %get3A_998 = arith.constant 240 : index
      %get3A_999 = tpu.vector_load %arg18[%get3A_998] {strides = array<i32>} : memref<768xf32, #tpu.memory_space<vmem>>, vector<16xf32>,
      %get3A_1000 = arith.constant 128 : index
      %get3A_1001 = tpu.vector_load %arg19[%get3A_1000] {strides = array<i32>} : memref<768xf32, #tpu.memory_space<vmem>>, vector<16xf32>,
      %get3A_1002 = arith.constant 144 : index
      %get3A_1003 = tpu.vector_load %arg19[%get3A_1002] {strides = array<i32>} : memref<768xf32, #tpu.memory_space<vmem>>, vector<16xf32>,
      %get3A_1004 = arith.constant 160 : index
      %get3A_1005 = tpu.vector_load %arg19[%get3A_1004] {strides = array<i32>} : memref<768xf32, #tpu.memory_space<vmem>>, vector<16xf32>,
      %get3A_1006 = arith.constant 176 : index
      %get3A_1007 = tpu.vector_load %arg19[%get3A_1006] {strides = array<i32>} : memref<768xf32, #tpu.memory_space<vmem>>, vector<16xf32>,
      %get3A_1008 = arith.constant 192 : index
      %get3A_1009 = tpu.vector_load %arg19[%get3A_1008] {strides = array<i32>} : memref<768xf32, #tpu.memory_space<vmem>>, vector<16xf32>,
      %get3A_1010 = arith.constant 208 : index
      %get3A_1011 = tpu.vector_load %arg19[%get3A_1010] {strides = array<i32>} : memref<768xf32, #tpu.memory_space<vmem>>, vector<16xf32>,
      %get3A_1012 = arith.constant 224 : index
      %get3A_1013 = tpu.vector_load %arg19[%get3A_1012] {strides = array<i32>} : memref<768xf32, #tpu.memory_space<vmem>>, vector<16xf32>,
      %get3A_1014 = arith.constant 240 : index
      %get3A_1015 = tpu.vector_load %arg19[%get3A_1014] {strides = array<i32>} : memref<768xf32, #tpu.memory_space<vmem>>, vector<16xf32>,
      %scan3A_1016 = arith.constant 0 : i32
      %scan3A_1017 = arith.constant 0 : i32
      %scan3A_1018 = arith.constant 32 : i32
      %scan3A_1019 = arith.addi %scan3A_1017, %scan3A_1018 : i32
      %scan3A_1020 = arith.constant 1 : i32
      %scan3A_1021 = scf.for %scan3A_1189 = %scan3A_1017 to %scan3A_1019 step %scan3A_1020 iter_args(%scan3A_1190 = %scan3A_1016) -> (i32)  : i32 {
        %mul3A_1191 = arith.constant 16 : i32
        %mul3A_1192 = arith.muli %scan3A_1189, %mul3A_1191 : i32
        %get3A_1193 = arith.index_cast %mul3A_1192 : i32 to index
        %get3A_1194 = tpu.vector_load %arg14[%get3A_1193] {strides = array<i32>} : memref<512xf32, #tpu.memory_space<vmem>>, vector<16xf32>,
        %get3A_1195 = arith.index_cast %scan3A_1189 : i32 to index
        %get3A_1196 = arith.constant 128 : index
        %get3A_1197 = tpu.vector_load %arg22[%get3A_1195, %get3A_1196] {strides = array<i32>} : memref<32x768xf32, #tpu.memory_space<vmem>>, vector<16xf32>,
        %get3A_1198 = arith.index_cast %scan3A_1189 : i32 to index
        %get3A_1199 = arith.constant 128 : index
        %get3A_1200 = tpu.vector_load %arg23[%get3A_1198, %get3A_1199] {strides = array<i32>} : memref<32x768xf32, #tpu.memory_space<vmem>>, vector<16xf32>,
        %add3A_1201 = arith.addf %get3A_1197, %get3A_1200 : vector<16xf32>
        %mul3A_1202 = arith.mulf %get3A_1194, %get3A_1001 : vector<16xf32>
        %add3A_1203 = arith.addf %get3A_985, %mul3A_1202 : vector<16xf32>
        %add3A_1204 = arith.addf %add3A_1201, %add3A_1203 : vector<16xf32>
        %swap3A_1205 = arith.index_cast %scan3A_1189 : i32 to index
        %swap3A_1206 = arith.constant 128 : index
        %swap3A_1207 = tpu.vector_load %arg22[%swap3A_1205, %swap3A_1206] {strides = array<i32>} : memref<32x768xf32, #tpu.memory_space<vmem>>, vector<16xf32>,
        tpu.vector_store %arg22[%swap3A_1205, %swap3A_1206], %add3A_1204 {strides = array<i32>} : memref<32x768xf32, #tpu.memory_space<vmem>>, vector<16xf32>,
        %get3A_1208 = arith.index_cast %scan3A_1189 : i32 to index
        %get3A_1209 = arith.constant 144 : index
        %get3A_1210 = tpu.vector_load %arg22[%get3A_1208, %get3A_1209] {strides = array<i32>} : memref<32x768xf32, #tpu.memory_space<vmem>>, vector<16xf32>,
        %get3A_1211 = arith.index_cast %scan3A_1189 : i32 to index
        %get3A_1212 = arith.constant 144 : index
        %get3A_1213 = tpu.vector_load %arg23[%get3A_1211, %get3A_1212] {strides = array<i32>} : memref<32x768xf32, #tpu.memory_space<vmem>>, vector<16xf32>,
        %add3A_1214 = arith.addf %get3A_1210, %get3A_1213 : vector<16xf32>
        %mul3A_1215 = arith.mulf %get3A_1194, %get3A_1003 : vector<16xf32>
        %add3A_1216 = arith.addf %get3A_987, %mul3A_1215 : vector<16xf32>
        %add3A_1217 = arith.addf %add3A_1214, %add3A_1216 : vector<16xf32>
        %swap3A_1218 = arith.index_cast %scan3A_1189 : i32 to index
        %swap3A_1219 = arith.constant 144 : index
        %swap3A_1220 = tpu.vector_load %arg22[%swap3A_1218, %swap3A_1219] {strides = array<i32>} : memref<32x768xf32, #tpu.memory_space<vmem>>, vector<16xf32>,
        tpu.vector_store %arg22[%swap3A_1218, %swap3A_1219], %add3A_1217 {strides = array<i32>} : memref<32x768xf32, #tpu.memory_space<vmem>>, vector<16xf32>,
        %get3A_1221 = arith.index_cast %scan3A_1189 : i32 to index
        %get3A_1222 = arith.constant 160 : index
        %get3A_1223 = tpu.vector_load %arg22[%get3A_1221, %get3A_1222] {strides = array<i32>} : memref<32x768xf32, #tpu.memory_space<vmem>>, vector<16xf32>,
        %get3A_1224 = arith.index_cast %scan3A_1189 : i32 to index
        %get3A_1225 = arith.constant 160 : index
        %get3A_1226 = tpu.vector_load %arg23[%get3A_1224, %get3A_1225] {strides = array<i32>} : memref<32x768xf32, #tpu.memory_space<vmem>>, vector<16xf32>,
        %add3A_1227 = arith.addf %get3A_1223, %get3A_1226 : vector<16xf32>
        %mul3A_1228 = arith.mulf %get3A_1194, %get3A_1005 : vector<16xf32>
        %add3A_1229 = arith.addf %get3A_989, %mul3A_1228 : vector<16xf32>
        %add3A_1230 = arith.addf %add3A_1227, %add3A_1229 : vector<16xf32>
        %swap3A_1231 = arith.index_cast %scan3A_1189 : i32 to index
        %swap3A_1232 = arith.constant 160 : index
        %swap3A_1233 = tpu.vector_load %arg22[%swap3A_1231, %swap3A_1232] {strides = array<i32>} : memref<32x768xf32, #tpu.memory_space<vmem>>, vector<16xf32>,
        tpu.vector_store %arg22[%swap3A_1231, %swap3A_1232], %add3A_1230 {strides = array<i32>} : memref<32x768xf32, #tpu.memory_space<vmem>>, vector<16xf32>,
        %get3A_1234 = arith.index_cast %scan3A_1189 : i32 to index
        %get3A_1235 = arith.constant 176 : index
        %get3A_1236 = tpu.vector_load %arg22[%get3A_1234, %get3A_1235] {strides = array<i32>} : memref<32x768xf32, #tpu.memory_space<vmem>>, vector<16xf32>,
        %get3A_1237 = arith.index_cast %scan3A_1189 : i32 to index
        %get3A_1238 = arith.constant 176 : index
        %get3A_1239 = tpu.vector_load %arg23[%get3A_1237, %get3A_1238] {strides = array<i32>} : memref<32x768xf32, #tpu.memory_space<vmem>>, vector<16xf32>,
        %add3A_1240 = arith.addf %get3A_1236, %get3A_1239 : vector<16xf32>
        %mul3A_1241 = arith.mulf %get3A_1194, %get3A_1007 : vector<16xf32>
        %add3A_1242 = arith.addf %get3A_991, %mul3A_1241 : vector<16xf32>
        %add3A_1243 = arith.addf %add3A_1240, %add3A_1242 : vector<16xf32>
        %swap3A_1244 = arith.index_cast %scan3A_1189 : i32 to index
        %swap3A_1245 = arith.constant 176 : index
        %swap3A_1246 = tpu.vector_load %arg22[%swap3A_1244, %swap3A_1245] {strides = array<i32>} : memref<32x768xf32, #tpu.memory_space<vmem>>, vector<16xf32>,
        tpu.vector_store %arg22[%swap3A_1244, %swap3A_1245], %add3A_1243 {strides = array<i32>} : memref<32x768xf32, #tpu.memory_space<vmem>>, vector<16xf32>,
        %get3A_1247 = arith.index_cast %scan3A_1189 : i32 to index
        %get3A_1248 = arith.constant 192 : index
        %get3A_1249 = tpu.vector_load %arg22[%get3A_1247, %get3A_1248] {strides = array<i32>} : memref<32x768xf32, #tpu.memory_space<vmem>>, vector<16xf32>,
        %get3A_1250 = arith.index_cast %scan3A_1189 : i32 to index
        %get3A_1251 = arith.constant 192 : index
        %get3A_1252 = tpu.vector_load %arg23[%get3A_1250, %get3A_1251] {strides = array<i32>} : memref<32x768xf32, #tpu.memory_space<vmem>>, vector<16xf32>,
        %add3A_1253 = arith.addf %get3A_1249, %get3A_1252 : vector<16xf32>
        %mul3A_1254 = arith.mulf %get3A_1194, %get3A_1009 : vector<16xf32>
        %add3A_1255 = arith.addf %get3A_993, %mul3A_1254 : vector<16xf32>
        %add3A_1256 = arith.addf %add3A_1253, %add3A_1255 : vector<16xf32>
        %swap3A_1257 = arith.index_cast %scan3A_1189 : i32 to index
        %swap3A_1258 = arith.constant 192 : index
        %swap3A_1259 = tpu.vector_load %arg22[%swap3A_1257, %swap3A_1258] {strides = array<i32>} : memref<32x768xf32, #tpu.memory_space<vmem>>, vector<16xf32>,
        tpu.vector_store %arg22[%swap3A_1257, %swap3A_1258], %add3A_1256 {strides = array<i32>} : memref<32x768xf32, #tpu.memory_space<vmem>>, vector<16xf32>,
        %get3A_1260 = arith.index_cast %scan3A_1189 : i32 to index
        %get3A_1261 = arith.constant 208 : index
        %get3A_1262 = tpu.vector_load %arg22[%get3A_1260, %get3A_1261] {strides = array<i32>} : memref<32x768xf32, #tpu.memory_space<vmem>>, vector<16xf32>,
        %get3A_1263 = arith.index_cast %scan3A_1189 : i32 to index
        %get3A_1264 = arith.constant 208 : index
        %get3A_1265 = tpu.vector_load %arg23[%get3A_1263, %get3A_1264] {strides = array<i32>} : memref<32x768xf32, #tpu.memory_space<vmem>>, vector<16xf32>,
        %add3A_1266 = arith.addf %get3A_1262, %get3A_1265 : vector<16xf32>
        %mul3A_1267 = arith.mulf %get3A_1194, %get3A_1011 : vector<16xf32>
        %add3A_1268 = arith.addf %get3A_995, %mul3A_1267 : vector<16xf32>
        %add3A_1269 = arith.addf %add3A_1266, %add3A_1268 : vector<16xf32>
        %swap3A_1270 = arith.index_cast %scan3A_1189 : i32 to index
        %swap3A_1271 = arith.constant 208 : index
        %swap3A_1272 = tpu.vector_load %arg22[%swap3A_1270, %swap3A_1271] {strides = array<i32>} : memref<32x768xf32, #tpu.memory_space<vmem>>, vector<16xf32>,
        tpu.vector_store %arg22[%swap3A_1270, %swap3A_1271], %add3A_1269 {strides = array<i32>} : memref<32x768xf32, #tpu.memory_space<vmem>>, vector<16xf32>,
        %get3A_1273 = arith.index_cast %scan3A_1189 : i32 to index
        %get3A_1274 = arith.constant 224 : index
        %get3A_1275 = tpu.vector_load %arg22[%get3A_1273, %get3A_1274] {strides = array<i32>} : memref<32x768xf32, #tpu.memory_space<vmem>>, vector<16xf32>,
        %get3A_1276 = arith.index_cast %scan3A_1189 : i32 to index
        %get3A_1277 = arith.constant 224 : index
        %get3A_1278 = tpu.vector_load %arg23[%get3A_1276, %get3A_1277] {strides = array<i32>} : memref<32x768xf32, #tpu.memory_space<vmem>>, vector<16xf32>,
        %add3A_1279 = arith.addf %get3A_1275, %get3A_1278 : vector<16xf32>
        %mul3A_1280 = arith.mulf %get3A_1194, %get3A_1013 : vector<16xf32>
        %add3A_1281 = arith.addf %get3A_997, %mul3A_1280 : vector<16xf32>
        %add3A_1282 = arith.addf %add3A_1279, %add3A_1281 : vector<16xf32>
        %swap3A_1283 = arith.index_cast %scan3A_1189 : i32 to index
        %swap3A_1284 = arith.constant 224 : index
        %swap3A_1285 = tpu.vector_load %arg22[%swap3A_1283, %swap3A_1284] {strides = array<i32>} : memref<32x768xf32, #tpu.memory_space<vmem>>, vector<16xf32>,
        tpu.vector_store %arg22[%swap3A_1283, %swap3A_1284], %add3A_1282 {strides = array<i32>} : memref<32x768xf32, #tpu.memory_space<vmem>>, vector<16xf32>,
        %get3A_1286 = arith.index_cast %scan3A_1189 : i32 to index
        %get3A_1287 = arith.constant 240 : index
        %get3A_1288 = tpu.vector_load %arg22[%get3A_1286, %get3A_1287] {strides = array<i32>} : memref<32x768xf32, #tpu.memory_space<vmem>>, vector<16xf32>,
        %get3A_1289 = arith.index_cast %scan3A_1189 : i32 to index
        %get3A_1290 = arith.constant 240 : index
        %get3A_1291 = tpu.vector_load %arg23[%get3A_1289, %get3A_1290] {strides = array<i32>} : memref<32x768xf32, #tpu.memory_space<vmem>>, vector<16xf32>,
        %add3A_1292 = arith.addf %get3A_1288, %get3A_1291 : vector<16xf32>
        %mul3A_1293 = arith.mulf %get3A_1194, %get3A_1015 : vector<16xf32>
        %add3A_1294 = arith.addf %get3A_999, %mul3A_1293 : vector<16xf32>
        %add3A_1295 = arith.addf %add3A_1292, %add3A_1294 : vector<16xf32>
        %swap3A_1296 = arith.index_cast %scan3A_1189 : i32 to index
        %swap3A_1297 = arith.constant 240 : index
        %swap3A_1298 = tpu.vector_load %arg22[%swap3A_1296, %swap3A_1297] {strides = array<i32>} : memref<32x768xf32, #tpu.memory_space<vmem>>, vector<16xf32>,
        tpu.vector_store %arg22[%swap3A_1296, %swap3A_1297], %add3A_1295 {strides = array<i32>} : memref<32x768xf32, #tpu.memory_space<vmem>>, vector<16xf32>,
        %scan3A_1299 = arith.constant 0 : i32
        scf.yield %scan3A_1299 : i32
      }
      %scan3A_1022 = arith.constant 32 : i32
      %get3A_1023 = arith.constant 256 : index
      %get3A_1024 = tpu.vector_load %arg18[%get3A_1023] {strides = array<i32>} : memref<768xf32, #tpu.memory_space<vmem>>, vector<16xf32>,
      %get3A_1025 = arith.constant 272 : index
      %get3A_1026 = tpu.vector_load %arg18[%get3A_1025] {strides = array<i32>} : memref<768xf32, #tpu.memory_space<vmem>>, vector<16xf32>,
      %get3A_1027 = arith.constant 288 : index
      %get3A_1028 = tpu.vector_load %arg18[%get3A_1027] {strides = array<i32>} : memref<768xf32, #tpu.memory_space<vmem>>, vector<16xf32>,
      %get3A_1029 = arith.constant 304 : index
      %get3A_1030 = tpu.vector_load %arg18[%get3A_1029] {strides = array<i32>} : memref<768xf32, #tpu.memory_space<vmem>>, vector<16xf32>,
      %get3A_1031 = arith.constant 320 : index
      %get3A_1032 = tpu.vector_load %arg18[%get3A_1031] {strides = array<i32>} : memref<768xf32, #tpu.memory_space<vmem>>, vector<16xf32>,
      %get3A_1033 = arith.constant 336 : index
      %get3A_1034 = tpu.vector_load %arg18[%get3A_1033] {strides = array<i32>} : memref<768xf32, #tpu.memory_space<vmem>>, vector<16xf32>,
      %get3A_1035 = arith.constant 352 : index
      %get3A_1036 = tpu.vector_load %arg18[%get3A_1035] {strides = array<i32>} : memref<768xf32, #tpu.memory_space<vmem>>, vector<16xf32>,
      %get3A_1037 = arith.constant 368 : index
      %get3A_1038 = tpu.vector_load %arg18[%get3A_1037] {strides = array<i32>} : memref<768xf32, #tpu.memory_space<vmem>>, vector<16xf32>,
      %get3A_1039 = arith.constant 256 : index
      %get3A_1040 = tpu.vector_load %arg19[%get3A_1039] {strides = array<i32>} : memref<768xf32, #tpu.memory_space<vmem>>, vector<16xf32>,
      %get3A_1041 = arith.constant 272 : index
      %get3A_1042 = tpu.vector_load %arg19[%get3A_1041] {strides = array<i32>} : memref<768xf32, #tpu.memory_space<vmem>>, vector<16xf32>,
      %get3A_1043 = arith.constant 288 : index
      %get3A_1044 = tpu.vector_load %arg19[%get3A_1043] {strides = array<i32>} : memref<768xf32, #tpu.memory_space<vmem>>, vector<16xf32>,
      %get3A_1045 = arith.constant 304 : index
      %get3A_1046 = tpu.vector_load %arg19[%get3A_1045] {strides = array<i32>} : memref<768xf32, #tpu.memory_space<vmem>>, vector<16xf32>,
      %get3A_1047 = arith.constant 320 : index
      %get3A_1048 = tpu.vector_load %arg19[%get3A_1047] {strides = array<i32>} : memref<768xf32, #tpu.memory_space<vmem>>, vector<16xf32>,
      %get3A_1049 = arith.constant 336 : index
      %get3A_1050 = tpu.vector_load %arg19[%get3A_1049] {strides = array<i32>} : memref<768xf32, #tpu.memory_space<vmem>>, vector<16xf32>,
      %get3A_1051 = arith.constant 352 : index
      %get3A_1052 = tpu.vector_load %arg19[%get3A_1051] {strides = array<i32>} : memref<768xf32, #tpu.memory_space<vmem>>, vector<16xf32>,
      %get3A_1053 = arith.constant 368 : index
      %get3A_1054 = tpu.vector_load %arg19[%get3A_1053] {strides = array<i32>} : memref<768xf32, #tpu.memory_space<vmem>>, vector<16xf32>,
      %scan3A_1055 = arith.constant 0 : i32
      %scan3A_1056 = arith.constant 0 : i32
      %scan3A_1057 = arith.constant 32 : i32
      %scan3A_1058 = arith.addi %scan3A_1056, %scan3A_1057 : i32
      %scan3A_1059 = arith.constant 1 : i32
      %scan3A_1060 = scf.for %scan3A_1189 = %scan3A_1056 to %scan3A_1058 step %scan3A_1059 iter_args(%scan3A_1190 = %scan3A_1055) -> (i32)  : i32 {
        %mul3A_1191 = arith.constant 16 : i32
        %mul3A_1192 = arith.muli %scan3A_1189, %mul3A_1191 : i32
        %get3A_1193 = arith.index_cast %mul3A_1192 : i32 to index
        %get3A_1194 = tpu.vector_load %arg14[%get3A_1193] {strides = array<i32>} : memref<512xf32, #tpu.memory_space<vmem>>, vector<16xf32>,
        %get3A_1195 = arith.index_cast %scan3A_1189 : i32 to index
        %get3A_1196 = arith.constant 256 : index
        %get3A_1197 = tpu.vector_load %arg22[%get3A_1195, %get3A_1196] {strides = array<i32>} : memref<32x768xf32, #tpu.memory_space<vmem>>, vector<16xf32>,
        %get3A_1198 = arith.index_cast %scan3A_1189 : i32 to index
        %get3A_1199 = arith.constant 256 : index
        %get3A_1200 = tpu.vector_load %arg23[%get3A_1198, %get3A_1199] {strides = array<i32>} : memref<32x768xf32, #tpu.memory_space<vmem>>, vector<16xf32>,
        %add3A_1201 = arith.addf %get3A_1197, %get3A_1200 : vector<16xf32>
        %mul3A_1202 = arith.mulf %get3A_1194, %get3A_1040 : vector<16xf32>
        %add3A_1203 = arith.addf %get3A_1024, %mul3A_1202 : vector<16xf32>
        %add3A_1204 = arith.addf %add3A_1201, %add3A_1203 : vector<16xf32>
        %swap3A_1205 = arith.index_cast %scan3A_1189 : i32 to index
        %swap3A_1206 = arith.constant 256 : index
        %swap3A_1207 = tpu.vector_load %arg22[%swap3A_1205, %swap3A_1206] {strides = array<i32>} : memref<32x768xf32, #tpu.memory_space<vmem>>, vector<16xf32>,
        tpu.vector_store %arg22[%swap3A_1205, %swap3A_1206], %add3A_1204 {strides = array<i32>} : memref<32x768xf32, #tpu.memory_space<vmem>>, vector<16xf32>,
        %get3A_1208 = arith.index_cast %scan3A_1189 : i32 to index
        %get3A_1209 = arith.constant 272 : index
        %get3A_1210 = tpu.vector_load %arg22[%get3A_1208, %get3A_1209] {strides = array<i32>} : memref<32x768xf32, #tpu.memory_space<vmem>>, vector<16xf32>,
        %get3A_1211 = arith.index_cast %scan3A_1189 : i32 to index
        %get3A_1212 = arith.constant 272 : index
        %get3A_1213 = tpu.vector_load %arg23[%get3A_1211, %get3A_1212] {strides = array<i32>} : memref<32x768xf32, #tpu.memory_space<vmem>>, vector<16xf32>,
        %add3A_1214 = arith.addf %get3A_1210, %get3A_1213 : vector<16xf32>
        %mul3A_1215 = arith.mulf %get3A_1194, %get3A_1042 : vector<16xf32>
        %add3A_1216 = arith.addf %get3A_1026, %mul3A_1215 : vector<16xf32>
        %add3A_1217 = arith.addf %add3A_1214, %add3A_1216 : vector<16xf32>
        %swap3A_1218 = arith.index_cast %scan3A_1189 : i32 to index
        %swap3A_1219 = arith.constant 272 : index
        %swap3A_1220 = tpu.vector_load %arg22[%swap3A_1218, %swap3A_1219] {strides = array<i32>} : memref<32x768xf32, #tpu.memory_space<vmem>>, vector<16xf32>,
        tpu.vector_store %arg22[%swap3A_1218, %swap3A_1219], %add3A_1217 {strides = array<i32>} : memref<32x768xf32, #tpu.memory_space<vmem>>, vector<16xf32>,
        %get3A_1221 = arith.index_cast %scan3A_1189 : i32 to index
        %get3A_1222 = arith.constant 288 : index
        %get3A_1223 = tpu.vector_load %arg22[%get3A_1221, %get3A_1222] {strides = array<i32>} : memref<32x768xf32, #tpu.memory_space<vmem>>, vector<16xf32>,
        %get3A_1224 = arith.index_cast %scan3A_1189 : i32 to index
        %get3A_1225 = arith.constant 288 : index
        %get3A_1226 = tpu.vector_load %arg23[%get3A_1224, %get3A_1225] {strides = array<i32>} : memref<32x768xf32, #tpu.memory_space<vmem>>, vector<16xf32>,
        %add3A_1227 = arith.addf %get3A_1223, %get3A_1226 : vector<16xf32>
        %mul3A_1228 = arith.mulf %get3A_1194, %get3A_1044 : vector<16xf32>
        %add3A_1229 = arith.addf %get3A_1028, %mul3A_1228 : vector<16xf32>
        %add3A_1230 = arith.addf %add3A_1227, %add3A_1229 : vector<16xf32>
        %swap3A_1231 = arith.index_cast %scan3A_1189 : i32 to index
        %swap3A_1232 = arith.constant 288 : index
        %swap3A_1233 = tpu.vector_load %arg22[%swap3A_1231, %swap3A_1232] {strides = array<i32>} : memref<32x768xf32, #tpu.memory_space<vmem>>, vector<16xf32>,
        tpu.vector_store %arg22[%swap3A_1231, %swap3A_1232], %add3A_1230 {strides = array<i32>} : memref<32x768xf32, #tpu.memory_space<vmem>>, vector<16xf32>,
        %get3A_1234 = arith.index_cast %scan3A_1189 : i32 to index
        %get3A_1235 = arith.constant 304 : index
        %get3A_1236 = tpu.vector_load %arg22[%get3A_1234, %get3A_1235] {strides = array<i32>} : memref<32x768xf32, #tpu.memory_space<vmem>>, vector<16xf32>,
        %get3A_1237 = arith.index_cast %scan3A_1189 : i32 to index
        %get3A_1238 = arith.constant 304 : index
        %get3A_1239 = tpu.vector_load %arg23[%get3A_1237, %get3A_1238] {strides = array<i32>} : memref<32x768xf32, #tpu.memory_space<vmem>>, vector<16xf32>,
        %add3A_1240 = arith.addf %get3A_1236, %get3A_1239 : vector<16xf32>
        %mul3A_1241 = arith.mulf %get3A_1194, %get3A_1046 : vector<16xf32>
        %add3A_1242 = arith.addf %get3A_1030, %mul3A_1241 : vector<16xf32>
        %add3A_1243 = arith.addf %add3A_1240, %add3A_1242 : vector<16xf32>
        %swap3A_1244 = arith.index_cast %scan3A_1189 : i32 to index
        %swap3A_1245 = arith.constant 304 : index
        %swap3A_1246 = tpu.vector_load %arg22[%swap3A_1244, %swap3A_1245] {strides = array<i32>} : memref<32x768xf32, #tpu.memory_space<vmem>>, vector<16xf32>,
        tpu.vector_store %arg22[%swap3A_1244, %swap3A_1245], %add3A_1243 {strides = array<i32>} : memref<32x768xf32, #tpu.memory_space<vmem>>, vector<16xf32>,
        %get3A_1247 = arith.index_cast %scan3A_1189 : i32 to index
        %get3A_1248 = arith.constant 320 : index
        %get3A_1249 = tpu.vector_load %arg22[%get3A_1247, %get3A_1248] {strides = array<i32>} : memref<32x768xf32, #tpu.memory_space<vmem>>, vector<16xf32>,
        %get3A_1250 = arith.index_cast %scan3A_1189 : i32 to index
        %get3A_1251 = arith.constant 320 : index
        %get3A_1252 = tpu.vector_load %arg23[%get3A_1250, %get3A_1251] {strides = array<i32>} : memref<32x768xf32, #tpu.memory_space<vmem>>, vector<16xf32>,
        %add3A_1253 = arith.addf %get3A_1249, %get3A_1252 : vector<16xf32>
        %mul3A_1254 = arith.mulf %get3A_1194, %get3A_1048 : vector<16xf32>
        %add3A_1255 = arith.addf %get3A_1032, %mul3A_1254 : vector<16xf32>
        %add3A_1256 = arith.addf %add3A_1253, %add3A_1255 : vector<16xf32>
        %swap3A_1257 = arith.index_cast %scan3A_1189 : i32 to index
        %swap3A_1258 = arith.constant 320 : index
        %swap3A_1259 = tpu.vector_load %arg22[%swap3A_1257, %swap3A_1258] {strides = array<i32>} : memref<32x768xf32, #tpu.memory_space<vmem>>, vector<16xf32>,
        tpu.vector_store %arg22[%swap3A_1257, %swap3A_1258], %add3A_1256 {strides = array<i32>} : memref<32x768xf32, #tpu.memory_space<vmem>>, vector<16xf32>,
        %get3A_1260 = arith.index_cast %scan3A_1189 : i32 to index
        %get3A_1261 = arith.constant 336 : index
        %get3A_1262 = tpu.vector_load %arg22[%get3A_1260, %get3A_1261] {strides = array<i32>} : memref<32x768xf32, #tpu.memory_space<vmem>>, vector<16xf32>,
        %get3A_1263 = arith.index_cast %scan3A_1189 : i32 to index
        %get3A_1264 = arith.constant 336 : index
        %get3A_1265 = tpu.vector_load %arg23[%get3A_1263, %get3A_1264] {strides = array<i32>} : memref<32x768xf32, #tpu.memory_space<vmem>>, vector<16xf32>,
        %add3A_1266 = arith.addf %get3A_1262, %get3A_1265 : vector<16xf32>
        %mul3A_1267 = arith.mulf %get3A_1194, %get3A_1050 : vector<16xf32>
        %add3A_1268 = arith.addf %get3A_1034, %mul3A_1267 : vector<16xf32>
        %add3A_1269 = arith.addf %add3A_1266, %add3A_1268 : vector<16xf32>
        %swap3A_1270 = arith.index_cast %scan3A_1189 : i32 to index
        %swap3A_1271 = arith.constant 336 : index
        %swap3A_1272 = tpu.vector_load %arg22[%swap3A_1270, %swap3A_1271] {strides = array<i32>} : memref<32x768xf32, #tpu.memory_space<vmem>>, vector<16xf32>,
        tpu.vector_store %arg22[%swap3A_1270, %swap3A_1271], %add3A_1269 {strides = array<i32>} : memref<32x768xf32, #tpu.memory_space<vmem>>, vector<16xf32>,
        %get3A_1273 = arith.index_cast %scan3A_1189 : i32 to index
        %get3A_1274 = arith.constant 352 : index
        %get3A_1275 = tpu.vector_load %arg22[%get3A_1273, %get3A_1274] {strides = array<i32>} : memref<32x768xf32, #tpu.memory_space<vmem>>, vector<16xf32>,
        %get3A_1276 = arith.index_cast %scan3A_1189 : i32 to index
        %get3A_1277 = arith.constant 352 : index
        %get3A_1278 = tpu.vector_load %arg23[%get3A_1276, %get3A_1277] {strides = array<i32>} : memref<32x768xf32, #tpu.memory_space<vmem>>, vector<16xf32>,
        %add3A_1279 = arith.addf %get3A_1275, %get3A_1278 : vector<16xf32>
        %mul3A_1280 = arith.mulf %get3A_1194, %get3A_1052 : vector<16xf32>
        %add3A_1281 = arith.addf %get3A_1036, %mul3A_1280 : vector<16xf32>
        %add3A_1282 = arith.addf %add3A_1279, %add3A_1281 : vector<16xf32>
        %swap3A_1283 = arith.index_cast %scan3A_1189 : i32 to index
        %swap3A_1284 = arith.constant 352 : index
        %swap3A_1285 = tpu.vector_load %arg22[%swap3A_1283, %swap3A_1284] {strides = array<i32>} : memref<32x768xf32, #tpu.memory_space<vmem>>, vector<16xf32>,
        tpu.vector_store %arg22[%swap3A_1283, %swap3A_1284], %add3A_1282 {strides = array<i32>} : memref<32x768xf32, #tpu.memory_space<vmem>>, vector<16xf32>,
        %get3A_1286 = arith.index_cast %scan3A_1189 : i32 to index
        %get3A_1287 = arith.constant 368 : index
        %get3A_1288 = tpu.vector_load %arg22[%get3A_1286, %get3A_1287] {strides = array<i32>} : memref<32x768xf32, #tpu.memory_space<vmem>>, vector<16xf32>,
        %get3A_1289 = arith.index_cast %scan3A_1189 : i32 to index
        %get3A_1290 = arith.constant 368 : index
        %get3A_1291 = tpu.vector_load %arg23[%get3A_1289, %get3A_1290] {strides = array<i32>} : memref<32x768xf32, #tpu.memory_space<vmem>>, vector<16xf32>,
        %add3A_1292 = arith.addf %get3A_1288, %get3A_1291 : vector<16xf32>
        %mul3A_1293 = arith.mulf %get3A_1194, %get3A_1054 : vector<16xf32>
        %add3A_1294 = arith.addf %get3A_1038, %mul3A_1293 : vector<16xf32>
        %add3A_1295 = arith.addf %add3A_1292, %add3A_1294 : vector<16xf32>
        %swap3A_1296 = arith.index_cast %scan3A_1189 : i32 to index
        %swap3A_1297 = arith.constant 368 : index
        %swap3A_1298 = tpu.vector_load %arg22[%swap3A_1296, %swap3A_1297] {strides = array<i32>} : memref<32x768xf32, #tpu.memory_space<vmem>>, vector<16xf32>,
        tpu.vector_store %arg22[%swap3A_1296, %swap3A_1297], %add3A_1295 {strides = array<i32>} : memref<32x768xf32, #tpu.memory_space<vmem>>, vector<16xf32>,
        %scan3A_1299 = arith.constant 0 : i32
        scf.yield %scan3A_1299 : i32
      }
      %scan3A_1061 = arith.constant 32 : i32
      %get3A_1062 = arith.constant 384 : index
      %get3A_1063 = tpu.vector_load %arg18[%get3A_1062] {strides = array<i32>} : memref<768xf32, #tpu.memory_space<vmem>>, vector<16xf32>,
      %get3A_1064 = arith.constant 400 : index
      %get3A_1065 = tpu.vector_load %arg18[%get3A_1064] {strides = array<i32>} : memref<768xf32, #tpu.memory_space<vmem>>, vector<16xf32>,
      %get3A_1066 = arith.constant 416 : index
      %get3A_1067 = tpu.vector_load %arg18[%get3A_1066] {strides = array<i32>} : memref<768xf32, #tpu.memory_space<vmem>>, vector<16xf32>,
      %get3A_1068 = arith.constant 432 : index
      %get3A_1069 = tpu.vector_load %arg18[%get3A_1068] {strides = array<i32>} : memref<768xf32, #tpu.memory_space<vmem>>, vector<16xf32>,
      %get3A_1070 = arith.constant 448 : index
      %get3A_1071 = tpu.vector_load %arg18[%get3A_1070] {strides = array<i32>} : memref<768xf32, #tpu.memory_space<vmem>>, vector<16xf32>,
      %get3A_1072 = arith.constant 464 : index
      %get3A_1073 = tpu.vector_load %arg18[%get3A_1072] {strides = array<i32>} : memref<768xf32, #tpu.memory_space<vmem>>, vector<16xf32>,
      %get3A_1074 = arith.constant 480 : index
      %get3A_1075 = tpu.vector_load %arg18[%get3A_1074] {strides = array<i32>} : memref<768xf32, #tpu.memory_space<vmem>>, vector<16xf32>,
      %get3A_1076 = arith.constant 496 : index
      %get3A_1077 = tpu.vector_load %arg18[%get3A_1076] {strides = array<i32>} : memref<768xf32, #tpu.memory_space<vmem>>, vector<16xf32>,
      %get3A_1078 = arith.constant 384 : index
      %get3A_1079 = tpu.vector_load %arg19[%get3A_1078] {strides = array<i32>} : memref<768xf32, #tpu.memory_space<vmem>>, vector<16xf32>,
      %get3A_1080 = arith.constant 400 : index
      %get3A_1081 = tpu.vector_load %arg19[%get3A_1080] {strides = array<i32>} : memref<768xf32, #tpu.memory_space<vmem>>, vector<16xf32>,
      %get3A_1082 = arith.constant 416 : index
      %get3A_1083 = tpu.vector_load %arg19[%get3A_1082] {strides = array<i32>} : memref<768xf32, #tpu.memory_space<vmem>>, vector<16xf32>,
      %get3A_1084 = arith.constant 432 : index
      %get3A_1085 = tpu.vector_load %arg19[%get3A_1084] {strides = array<i32>} : memref<768xf32, #tpu.memory_space<vmem>>, vector<16xf32>,
      %get3A_1086 = arith.constant 448 : index
      %get3A_1087 = tpu.vector_load %arg19[%get3A_1086] {strides = array<i32>} : memref<768xf32, #tpu.memory_space<vmem>>, vector<16xf32>,
      %get3A_1088 = arith.constant 464 : index
      %get3A_1089 = tpu.vector_load %arg19[%get3A_1088] {strides = array<i32>} : memref<768xf32, #tpu.memory_space<vmem>>, vector<16xf32>,
      %get3A_1090 = arith.constant 480 : index
      %get3A_1091 = tpu.vector_load %arg19[%get3A_1090] {strides = array<i32>} : memref<768xf32, #tpu.memory_space<vmem>>, vector<16xf32>,
      %get3A_1092 = arith.constant 496 : index
      %get3A_1093 = tpu.vector_load %arg19[%get3A_1092] {strides = array<i32>} : memref<768xf32, #tpu.memory_space<vmem>>, vector<16xf32>,
      %scan3A_1094 = arith.constant 0 : i32
      %scan3A_1095 = arith.constant 0 : i32
      %scan3A_1096 = arith.constant 32 : i32
      %scan3A_1097 = arith.addi %scan3A_1095, %scan3A_1096 : i32
      %scan3A_1098 = arith.constant 1 : i32
      %scan3A_1099 = scf.for %scan3A_1189 = %scan3A_1095 to %scan3A_1097 step %scan3A_1098 iter_args(%scan3A_1190 = %scan3A_1094) -> (i32)  : i32 {
        %mul3A_1191 = arith.constant 16 : i32
        %mul3A_1192 = arith.muli %scan3A_1189, %mul3A_1191 : i32
        %get3A_1193 = arith.index_cast %mul3A_1192 : i32 to index
        %get3A_1194 = tpu.vector_load %arg14[%get3A_1193] {strides = array<i32>} : memref<512xf32, #tpu.memory_space<vmem>>, vector<16xf32>,
        %get3A_1195 = arith.index_cast %scan3A_1189 : i32 to index
        %get3A_1196 = arith.constant 384 : index
        %get3A_1197 = tpu.vector_load %arg22[%get3A_1195, %get3A_1196] {strides = array<i32>} : memref<32x768xf32, #tpu.memory_space<vmem>>, vector<16xf32>,
        %get3A_1198 = arith.index_cast %scan3A_1189 : i32 to index
        %get3A_1199 = arith.constant 384 : index
        %get3A_1200 = tpu.vector_load %arg23[%get3A_1198, %get3A_1199] {strides = array<i32>} : memref<32x768xf32, #tpu.memory_space<vmem>>, vector<16xf32>,
        %add3A_1201 = arith.addf %get3A_1197, %get3A_1200 : vector<16xf32>
        %mul3A_1202 = arith.mulf %get3A_1194, %get3A_1079 : vector<16xf32>
        %add3A_1203 = arith.addf %get3A_1063, %mul3A_1202 : vector<16xf32>
        %add3A_1204 = arith.addf %add3A_1201, %add3A_1203 : vector<16xf32>
        %swap3A_1205 = arith.index_cast %scan3A_1189 : i32 to index
        %swap3A_1206 = arith.constant 384 : index
        %swap3A_1207 = tpu.vector_load %arg22[%swap3A_1205, %swap3A_1206] {strides = array<i32>} : memref<32x768xf32, #tpu.memory_space<vmem>>, vector<16xf32>,
        tpu.vector_store %arg22[%swap3A_1205, %swap3A_1206], %add3A_1204 {strides = array<i32>} : memref<32x768xf32, #tpu.memory_space<vmem>>, vector<16xf32>,
        %get3A_1208 = arith.index_cast %scan3A_1189 : i32 to index
        %get3A_1209 = arith.constant 400 : index
        %get3A_1210 = tpu.vector_load %arg22[%get3A_1208, %get3A_1209] {strides = array<i32>} : memref<32x768xf32, #tpu.memory_space<vmem>>, vector<16xf32>,
        %get3A_1211 = arith.index_cast %scan3A_1189 : i32 to index
        %get3A_1212 = arith.constant 400 : index
        %get3A_1213 = tpu.vector_load %arg23[%get3A_1211, %get3A_1212] {strides = array<i32>} : memref<32x768xf32, #tpu.memory_space<vmem>>, vector<16xf32>,
        %add3A_1214 = arith.addf %get3A_1210, %get3A_1213 : vector<16xf32>
        %mul3A_1215 = arith.mulf %get3A_1194, %get3A_1081 : vector<16xf32>
        %add3A_1216 = arith.addf %get3A_1065, %mul3A_1215 : vector<16xf32>
        %add3A_1217 = arith.addf %add3A_1214, %add3A_1216 : vector<16xf32>
        %swap3A_1218 = arith.index_cast %scan3A_1189 : i32 to index
        %swap3A_1219 = arith.constant 400 : index
        %swap3A_1220 = tpu.vector_load %arg22[%swap3A_1218, %swap3A_1219] {strides = array<i32>} : memref<32x768xf32, #tpu.memory_space<vmem>>, vector<16xf32>,
        tpu.vector_store %arg22[%swap3A_1218, %swap3A_1219], %add3A_1217 {strides = array<i32>} : memref<32x768xf32, #tpu.memory_space<vmem>>, vector<16xf32>,
        %get3A_1221 = arith.index_cast %scan3A_1189 : i32 to index
        %get3A_1222 = arith.constant 416 : index
        %get3A_1223 = tpu.vector_load %arg22[%get3A_1221, %get3A_1222] {strides = array<i32>} : memref<32x768xf32, #tpu.memory_space<vmem>>, vector<16xf32>,
        %get3A_1224 = arith.index_cast %scan3A_1189 : i32 to index
        %get3A_1225 = arith.constant 416 : index
        %get3A_1226 = tpu.vector_load %arg23[%get3A_1224, %get3A_1225] {strides = array<i32>} : memref<32x768xf32, #tpu.memory_space<vmem>>, vector<16xf32>,
        %add3A_1227 = arith.addf %get3A_1223, %get3A_1226 : vector<16xf32>
        %mul3A_1228 = arith.mulf %get3A_1194, %get3A_1083 : vector<16xf32>
        %add3A_1229 = arith.addf %get3A_1067, %mul3A_1228 : vector<16xf32>
        %add3A_1230 = arith.addf %add3A_1227, %add3A_1229 : vector<16xf32>
        %swap3A_1231 = arith.index_cast %scan3A_1189 : i32 to index
        %swap3A_1232 = arith.constant 416 : index
        %swap3A_1233 = tpu.vector_load %arg22[%swap3A_1231, %swap3A_1232] {strides = array<i32>} : memref<32x768xf32, #tpu.memory_space<vmem>>, vector<16xf32>,
        tpu.vector_store %arg22[%swap3A_1231, %swap3A_1232], %add3A_1230 {strides = array<i32>} : memref<32x768xf32, #tpu.memory_space<vmem>>, vector<16xf32>,
        %get3A_1234 = arith.index_cast %scan3A_1189 : i32 to index
        %get3A_1235 = arith.constant 432 : index
        %get3A_1236 = tpu.vector_load %arg22[%get3A_1234, %get3A_1235] {strides = array<i32>} : memref<32x768xf32, #tpu.memory_space<vmem>>, vector<16xf32>,
        %get3A_1237 = arith.index_cast %scan3A_1189 : i32 to index
        %get3A_1238 = arith.constant 432 : index
        %get3A_1239 = tpu.vector_load %arg23[%get3A_1237, %get3A_1238] {strides = array<i32>} : memref<32x768xf32, #tpu.memory_space<vmem>>, vector<16xf32>,
        %add3A_1240 = arith.addf %get3A_1236, %get3A_1239 : vector<16xf32>
        %mul3A_1241 = arith.mulf %get3A_1194, %get3A_1085 : vector<16xf32>
        %add3A_1242 = arith.addf %get3A_1069, %mul3A_1241 : vector<16xf32>
        %add3A_1243 = arith.addf %add3A_1240, %add3A_1242 : vector<16xf32>
        %swap3A_1244 = arith.index_cast %scan3A_1189 : i32 to index
        %swap3A_1245 = arith.constant 432 : index
        %swap3A_1246 = tpu.vector_load %arg22[%swap3A_1244, %swap3A_1245] {strides = array<i32>} : memref<32x768xf32, #tpu.memory_space<vmem>>, vector<16xf32>,
        tpu.vector_store %arg22[%swap3A_1244, %swap3A_1245], %add3A_1243 {strides = array<i32>} : memref<32x768xf32, #tpu.memory_space<vmem>>, vector<16xf32>,
        %get3A_1247 = arith.index_cast %scan3A_1189 : i32 to index
        %get3A_1248 = arith.constant 448 : index
        %get3A_1249 = tpu.vector_load %arg22[%get3A_1247, %get3A_1248] {strides = array<i32>} : memref<32x768xf32, #tpu.memory_space<vmem>>, vector<16xf32>,
        %get3A_1250 = arith.index_cast %scan3A_1189 : i32 to index
        %get3A_1251 = arith.constant 448 : index
        %get3A_1252 = tpu.vector_load %arg23[%get3A_1250, %get3A_1251] {strides = array<i32>} : memref<32x768xf32, #tpu.memory_space<vmem>>, vector<16xf32>,
        %add3A_1253 = arith.addf %get3A_1249, %get3A_1252 : vector<16xf32>
        %mul3A_1254 = arith.mulf %get3A_1194, %get3A_1087 : vector<16xf32>
        %add3A_1255 = arith.addf %get3A_1071, %mul3A_1254 : vector<16xf32>
        %add3A_1256 = arith.addf %add3A_1253, %add3A_1255 : vector<16xf32>
        %swap3A_1257 = arith.index_cast %scan3A_1189 : i32 to index
        %swap3A_1258 = arith.constant 448 : index
        %swap3A_1259 = tpu.vector_load %arg22[%swap3A_1257, %swap3A_1258] {strides = array<i32>} : memref<32x768xf32, #tpu.memory_space<vmem>>, vector<16xf32>,
        tpu.vector_store %arg22[%swap3A_1257, %swap3A_1258], %add3A_1256 {strides = array<i32>} : memref<32x768xf32, #tpu.memory_space<vmem>>, vector<16xf32>,
        %get3A_1260 = arith.index_cast %scan3A_1189 : i32 to index
        %get3A_1261 = arith.constant 464 : index
        %get3A_1262 = tpu.vector_load %arg22[%get3A_1260, %get3A_1261] {strides = array<i32>} : memref<32x768xf32, #tpu.memory_space<vmem>>, vector<16xf32>,
        %get3A_1263 = arith.index_cast %scan3A_1189 : i32 to index
        %get3A_1264 = arith.constant 464 : index
        %get3A_1265 = tpu.vector_load %arg23[%get3A_1263, %get3A_1264] {strides = array<i32>} : memref<32x768xf32, #tpu.memory_space<vmem>>, vector<16xf32>,
        %add3A_1266 = arith.addf %get3A_1262, %get3A_1265 : vector<16xf32>
        %mul3A_1267 = arith.mulf %get3A_1194, %get3A_1089 : vector<16xf32>
        %add3A_1268 = arith.addf %get3A_1073, %mul3A_1267 : vector<16xf32>
        %add3A_1269 = arith.addf %add3A_1266, %add3A_1268 : vector<16xf32>
        %swap3A_1270 = arith.index_cast %scan3A_1189 : i32 to index
        %swap3A_1271 = arith.constant 464 : index
        %swap3A_1272 = tpu.vector_load %arg22[%swap3A_1270, %swap3A_1271] {strides = array<i32>} : memref<32x768xf32, #tpu.memory_space<vmem>>, vector<16xf32>,
        tpu.vector_store %arg22[%swap3A_1270, %swap3A_1271], %add3A_1269 {strides = array<i32>} : memref<32x768xf32, #tpu.memory_space<vmem>>, vector<16xf32>,
        %get3A_1273 = arith.index_cast %scan3A_1189 : i32 to index
        %get3A_1274 = arith.constant 480 : index
        %get3A_1275 = tpu.vector_load %arg22[%get3A_1273, %get3A_1274] {strides = array<i32>} : memref<32x768xf32, #tpu.memory_space<vmem>>, vector<16xf32>,
        %get3A_1276 = arith.index_cast %scan3A_1189 : i32 to index
        %get3A_1277 = arith.constant 480 : index
        %get3A_1278 = tpu.vector_load %arg23[%get3A_1276, %get3A_1277] {strides = array<i32>} : memref<32x768xf32, #tpu.memory_space<vmem>>, vector<16xf32>,
        %add3A_1279 = arith.addf %get3A_1275, %get3A_1278 : vector<16xf32>
        %mul3A_1280 = arith.mulf %get3A_1194, %get3A_1091 : vector<16xf32>
        %add3A_1281 = arith.addf %get3A_1075, %mul3A_1280 : vector<16xf32>
        %add3A_1282 = arith.addf %add3A_1279, %add3A_1281 : vector<16xf32>
        %swap3A_1283 = arith.index_cast %scan3A_1189 : i32 to index
        %swap3A_1284 = arith.constant 480 : index
        %swap3A_1285 = tpu.vector_load %arg22[%swap3A_1283, %swap3A_1284] {strides = array<i32>} : memref<32x768xf32, #tpu.memory_space<vmem>>, vector<16xf32>,
        tpu.vector_store %arg22[%swap3A_1283, %swap3A_1284], %add3A_1282 {strides = array<i32>} : memref<32x768xf32, #tpu.memory_space<vmem>>, vector<16xf32>,
        %get3A_1286 = arith.index_cast %scan3A_1189 : i32 to index
        %get3A_1287 = arith.constant 496 : index
        %get3A_1288 = tpu.vector_load %arg22[%get3A_1286, %get3A_1287] {strides = array<i32>} : memref<32x768xf32, #tpu.memory_space<vmem>>, vector<16xf32>,
        %get3A_1289 = arith.index_cast %scan3A_1189 : i32 to index
        %get3A_1290 = arith.constant 496 : index
        %get3A_1291 = tpu.vector_load %arg23[%get3A_1289, %get3A_1290] {strides = array<i32>} : memref<32x768xf32, #tpu.memory_space<vmem>>, vector<16xf32>,
        %add3A_1292 = arith.addf %get3A_1288, %get3A_1291 : vector<16xf32>
        %mul3A_1293 = arith.mulf %get3A_1194, %get3A_1093 : vector<16xf32>
        %add3A_1294 = arith.addf %get3A_1077, %mul3A_1293 : vector<16xf32>
        %add3A_1295 = arith.addf %add3A_1292, %add3A_1294 : vector<16xf32>
        %swap3A_1296 = arith.index_cast %scan3A_1189 : i32 to index
        %swap3A_1297 = arith.constant 496 : index
        %swap3A_1298 = tpu.vector_load %arg22[%swap3A_1296, %swap3A_1297] {strides = array<i32>} : memref<32x768xf32, #tpu.memory_space<vmem>>, vector<16xf32>,
        tpu.vector_store %arg22[%swap3A_1296, %swap3A_1297], %add3A_1295 {strides = array<i32>} : memref<32x768xf32, #tpu.memory_space<vmem>>, vector<16xf32>,
        %scan3A_1299 = arith.constant 0 : i32
        scf.yield %scan3A_1299 : i32
      }
      %scan3A_1100 = arith.constant 32 : i32
      %get3A_1101 = arith.constant 512 : index
      %get3A_1102 = tpu.vector_load %arg18[%get3A_1101] {strides = array<i32>} : memref<768xf32, #tpu.memory_space<vmem>>, vector<16xf32>,
      %get3A_1103 = arith.constant 528 : index
      %get3A_1104 = tpu.vector_load %arg18[%get3A_1103] {strides = array<i32>} : memref<768xf32, #tpu.memory_space<vmem>>, vector<16xf32>,
      %get3A_1105 = arith.constant 544 : index
      %get3A_1106 = tpu.vector_load %arg18[%get3A_1105] {strides = array<i32>} : memref<768xf32, #tpu.memory_space<vmem>>, vector<16xf32>,
      %get3A_1107 = arith.constant 560 : index
      %get3A_1108 = tpu.vector_load %arg18[%get3A_1107] {strides = array<i32>} : memref<768xf32, #tpu.memory_space<vmem>>, vector<16xf32>,
      %get3A_1109 = arith.constant 576 : index
      %get3A_1110 = tpu.vector_load %arg18[%get3A_1109] {strides = array<i32>} : memref<768xf32, #tpu.memory_space<vmem>>, vector<16xf32>,
      %get3A_1111 = arith.constant 592 : index
      %get3A_1112 = tpu.vector_load %arg18[%get3A_1111] {strides = array<i32>} : memref<768xf32, #tpu.memory_space<vmem>>, vector<16xf32>,
      %get3A_1113 = arith.constant 608 : index
      %get3A_1114 = tpu.vector_load %arg18[%get3A_1113] {strides = array<i32>} : memref<768xf32, #tpu.memory_space<vmem>>, vector<16xf32>,
      %get3A_1115 = arith.constant 624 : index
      %get3A_1116 = tpu.vector_load %arg18[%get3A_1115] {strides = array<i32>} : memref<768xf32, #tpu.memory_space<vmem>>, vector<16xf32>,
      %get3A_1117 = arith.constant 512 : index
      %get3A_1118 = tpu.vector_load %arg19[%get3A_1117] {strides = array<i32>} : memref<768xf32, #tpu.memory_space<vmem>>, vector<16xf32>,
      %get3A_1119 = arith.constant 528 : index
      %get3A_1120 = tpu.vector_load %arg19[%get3A_1119] {strides = array<i32>} : memref<768xf32, #tpu.memory_space<vmem>>, vector<16xf32>,
      %get3A_1121 = arith.constant 544 : index
      %get3A_1122 = tpu.vector_load %arg19[%get3A_1121] {strides = array<i32>} : memref<768xf32, #tpu.memory_space<vmem>>, vector<16xf32>,
      %get3A_1123 = arith.constant 560 : index
      %get3A_1124 = tpu.vector_load %arg19[%get3A_1123] {strides = array<i32>} : memref<768xf32, #tpu.memory_space<vmem>>, vector<16xf32>,
      %get3A_1125 = arith.constant 576 : index
      %get3A_1126 = tpu.vector_load %arg19[%get3A_1125] {strides = array<i32>} : memref<768xf32, #tpu.memory_space<vmem>>, vector<16xf32>,
      %get3A_1127 = arith.constant 592 : index
      %get3A_1128 = tpu.vector_load %arg19[%get3A_1127] {strides = array<i32>} : memref<768xf32, #tpu.memory_space<vmem>>, vector<16xf32>,
      %get3A_1129 = arith.constant 608 : index
      %get3A_1130 = tpu.vector_load %arg19[%get3A_1129] {strides = array<i32>} : memref<768xf32, #tpu.memory_space<vmem>>, vector<16xf32>,
      %get3A_1131 = arith.constant 624 : index
      %get3A_1132 = tpu.vector_load %arg19[%get3A_1131] {strides = array<i32>} : memref<768xf32, #tpu.memory_space<vmem>>, vector<16xf32>,
      %scan3A_1133 = arith.constant 0 : i32
      %scan3A_1134 = arith.constant 0 : i32
      %scan3A_1135 = arith.constant 32 : i32
      %scan3A_1136 = arith.addi %scan3A_1134, %scan3A_1135 : i32
      %scan3A_1137 = arith.constant 1 : i32
      %scan3A_1138 = scf.for %scan3A_1189 = %scan3A_1134 to %scan3A_1136 step %scan3A_1137 iter_args(%scan3A_1190 = %scan3A_1133) -> (i32)  : i32 {
        %mul3A_1191 = arith.constant 16 : i32
        %mul3A_1192 = arith.muli %scan3A_1189, %mul3A_1191 : i32
        %get3A_1193 = arith.index_cast %mul3A_1192 : i32 to index
        %get3A_1194 = tpu.vector_load %arg14[%get3A_1193] {strides = array<i32>} : memref<512xf32, #tpu.memory_space<vmem>>, vector<16xf32>,
        %get3A_1195 = arith.index_cast %scan3A_1189 : i32 to index
        %get3A_1196 = arith.constant 512 : index
        %get3A_1197 = tpu.vector_load %arg22[%get3A_1195, %get3A_1196] {strides = array<i32>} : memref<32x768xf32, #tpu.memory_space<vmem>>, vector<16xf32>,
        %get3A_1198 = arith.index_cast %scan3A_1189 : i32 to index
        %get3A_1199 = arith.constant 512 : index
        %get3A_1200 = tpu.vector_load %arg23[%get3A_1198, %get3A_1199] {strides = array<i32>} : memref<32x768xf32, #tpu.memory_space<vmem>>, vector<16xf32>,
        %add3A_1201 = arith.addf %get3A_1197, %get3A_1200 : vector<16xf32>
        %mul3A_1202 = arith.mulf %get3A_1194, %get3A_1118 : vector<16xf32>
        %add3A_1203 = arith.addf %get3A_1102, %mul3A_1202 : vector<16xf32>
        %add3A_1204 = arith.addf %add3A_1201, %add3A_1203 : vector<16xf32>
        %swap3A_1205 = arith.index_cast %scan3A_1189 : i32 to index
        %swap3A_1206 = arith.constant 512 : index
        %swap3A_1207 = tpu.vector_load %arg22[%swap3A_1205, %swap3A_1206] {strides = array<i32>} : memref<32x768xf32, #tpu.memory_space<vmem>>, vector<16xf32>,
        tpu.vector_store %arg22[%swap3A_1205, %swap3A_1206], %add3A_1204 {strides = array<i32>} : memref<32x768xf32, #tpu.memory_space<vmem>>, vector<16xf32>,
        %get3A_1208 = arith.index_cast %scan3A_1189 : i32 to index
        %get3A_1209 = arith.constant 528 : index
        %get3A_1210 = tpu.vector_load %arg22[%get3A_1208, %get3A_1209] {strides = array<i32>} : memref<32x768xf32, #tpu.memory_space<vmem>>, vector<16xf32>,
        %get3A_1211 = arith.index_cast %scan3A_1189 : i32 to index
        %get3A_1212 = arith.constant 528 : index
        %get3A_1213 = tpu.vector_load %arg23[%get3A_1211, %get3A_1212] {strides = array<i32>} : memref<32x768xf32, #tpu.memory_space<vmem>>, vector<16xf32>,
        %add3A_1214 = arith.addf %get3A_1210, %get3A_1213 : vector<16xf32>
        %mul3A_1215 = arith.mulf %get3A_1194, %get3A_1120 : vector<16xf32>
        %add3A_1216 = arith.addf %get3A_1104, %mul3A_1215 : vector<16xf32>
        %add3A_1217 = arith.addf %add3A_1214, %add3A_1216 : vector<16xf32>
        %swap3A_1218 = arith.index_cast %scan3A_1189 : i32 to index
        %swap3A_1219 = arith.constant 528 : index
        %swap3A_1220 = tpu.vector_load %arg22[%swap3A_1218, %swap3A_1219] {strides = array<i32>} : memref<32x768xf32, #tpu.memory_space<vmem>>, vector<16xf32>,
        tpu.vector_store %arg22[%swap3A_1218, %swap3A_1219], %add3A_1217 {strides = array<i32>} : memref<32x768xf32, #tpu.memory_space<vmem>>, vector<16xf32>,
        %get3A_1221 = arith.index_cast %scan3A_1189 : i32 to index
        %get3A_1222 = arith.constant 544 : index
        %get3A_1223 = tpu.vector_load %arg22[%get3A_1221, %get3A_1222] {strides = array<i32>} : memref<32x768xf32, #tpu.memory_space<vmem>>, vector<16xf32>,
        %get3A_1224 = arith.index_cast %scan3A_1189 : i32 to index
        %get3A_1225 = arith.constant 544 : index
        %get3A_1226 = tpu.vector_load %arg23[%get3A_1224, %get3A_1225] {strides = array<i32>} : memref<32x768xf32, #tpu.memory_space<vmem>>, vector<16xf32>,
        %add3A_1227 = arith.addf %get3A_1223, %get3A_1226 : vector<16xf32>
        %mul3A_1228 = arith.mulf %get3A_1194, %get3A_1122 : vector<16xf32>
        %add3A_1229 = arith.addf %get3A_1106, %mul3A_1228 : vector<16xf32>
        %add3A_1230 = arith.addf %add3A_1227, %add3A_1229 : vector<16xf32>
        %swap3A_1231 = arith.index_cast %scan3A_1189 : i32 to index
        %swap3A_1232 = arith.constant 544 : index
        %swap3A_1233 = tpu.vector_load %arg22[%swap3A_1231, %swap3A_1232] {strides = array<i32>} : memref<32x768xf32, #tpu.memory_space<vmem>>, vector<16xf32>,
        tpu.vector_store %arg22[%swap3A_1231, %swap3A_1232], %add3A_1230 {strides = array<i32>} : memref<32x768xf32, #tpu.memory_space<vmem>>, vector<16xf32>,
        %get3A_1234 = arith.index_cast %scan3A_1189 : i32 to index
        %get3A_1235 = arith.constant 560 : index
        %get3A_1236 = tpu.vector_load %arg22[%get3A_1234, %get3A_1235] {strides = array<i32>} : memref<32x768xf32, #tpu.memory_space<vmem>>, vector<16xf32>,
        %get3A_1237 = arith.index_cast %scan3A_1189 : i32 to index
        %get3A_1238 = arith.constant 560 : index
        %get3A_1239 = tpu.vector_load %arg23[%get3A_1237, %get3A_1238] {strides = array<i32>} : memref<32x768xf32, #tpu.memory_space<vmem>>, vector<16xf32>,
        %add3A_1240 = arith.addf %get3A_1236, %get3A_1239 : vector<16xf32>
        %mul3A_1241 = arith.mulf %get3A_1194, %get3A_1124 : vector<16xf32>
        %add3A_1242 = arith.addf %get3A_1108, %mul3A_1241 : vector<16xf32>
        %add3A_1243 = arith.addf %add3A_1240, %add3A_1242 : vector<16xf32>
        %swap3A_1244 = arith.index_cast %scan3A_1189 : i32 to index
        %swap3A_1245 = arith.constant 560 : index
        %swap3A_1246 = tpu.vector_load %arg22[%swap3A_1244, %swap3A_1245] {strides = array<i32>} : memref<32x768xf32, #tpu.memory_space<vmem>>, vector<16xf32>,
        tpu.vector_store %arg22[%swap3A_1244, %swap3A_1245], %add3A_1243 {strides = array<i32>} : memref<32x768xf32, #tpu.memory_space<vmem>>, vector<16xf32>,
        %get3A_1247 = arith.index_cast %scan3A_1189 : i32 to index
        %get3A_1248 = arith.constant 576 : index
        %get3A_1249 = tpu.vector_load %arg22[%get3A_1247, %get3A_1248] {strides = array<i32>} : memref<32x768xf32, #tpu.memory_space<vmem>>, vector<16xf32>,
        %get3A_1250 = arith.index_cast %scan3A_1189 : i32 to index
        %get3A_1251 = arith.constant 576 : index
        %get3A_1252 = tpu.vector_load %arg23[%get3A_1250, %get3A_1251] {strides = array<i32>} : memref<32x768xf32, #tpu.memory_space<vmem>>, vector<16xf32>,
        %add3A_1253 = arith.addf %get3A_1249, %get3A_1252 : vector<16xf32>
        %mul3A_1254 = arith.mulf %get3A_1194, %get3A_1126 : vector<16xf32>
        %add3A_1255 = arith.addf %get3A_1110, %mul3A_1254 : vector<16xf32>
        %add3A_1256 = arith.addf %add3A_1253, %add3A_1255 : vector<16xf32>
        %swap3A_1257 = arith.index_cast %scan3A_1189 : i32 to index
        %swap3A_1258 = arith.constant 576 : index
        %swap3A_1259 = tpu.vector_load %arg22[%swap3A_1257, %swap3A_1258] {strides = array<i32>} : memref<32x768xf32, #tpu.memory_space<vmem>>, vector<16xf32>,
        tpu.vector_store %arg22[%swap3A_1257, %swap3A_1258], %add3A_1256 {strides = array<i32>} : memref<32x768xf32, #tpu.memory_space<vmem>>, vector<16xf32>,
        %get3A_1260 = arith.index_cast %scan3A_1189 : i32 to index
        %get3A_1261 = arith.constant 592 : index
        %get3A_1262 = tpu.vector_load %arg22[%get3A_1260, %get3A_1261] {strides = array<i32>} : memref<32x768xf32, #tpu.memory_space<vmem>>, vector<16xf32>,
        %get3A_1263 = arith.index_cast %scan3A_1189 : i32 to index
        %get3A_1264 = arith.constant 592 : index
        %get3A_1265 = tpu.vector_load %arg23[%get3A_1263, %get3A_1264] {strides = array<i32>} : memref<32x768xf32, #tpu.memory_space<vmem>>, vector<16xf32>,
        %add3A_1266 = arith.addf %get3A_1262, %get3A_1265 : vector<16xf32>
        %mul3A_1267 = arith.mulf %get3A_1194, %get3A_1128 : vector<16xf32>
        %add3A_1268 = arith.addf %get3A_1112, %mul3A_1267 : vector<16xf32>
        %add3A_1269 = arith.addf %add3A_1266, %add3A_1268 : vector<16xf32>
        %swap3A_1270 = arith.index_cast %scan3A_1189 : i32 to index
        %swap3A_1271 = arith.constant 592 : index
        %swap3A_1272 = tpu.vector_load %arg22[%swap3A_1270, %swap3A_1271] {strides = array<i32>} : memref<32x768xf32, #tpu.memory_space<vmem>>, vector<16xf32>,
        tpu.vector_store %arg22[%swap3A_1270, %swap3A_1271], %add3A_1269 {strides = array<i32>} : memref<32x768xf32, #tpu.memory_space<vmem>>, vector<16xf32>,
        %get3A_1273 = arith.index_cast %scan3A_1189 : i32 to index
        %get3A_1274 = arith.constant 608 : index
        %get3A_1275 = tpu.vector_load %arg22[%get3A_1273, %get3A_1274] {strides = array<i32>} : memref<32x768xf32, #tpu.memory_space<vmem>>, vector<16xf32>,
        %get3A_1276 = arith.index_cast %scan3A_1189 : i32 to index
        %get3A_1277 = arith.constant 608 : index
        %get3A_1278 = tpu.vector_load %arg23[%get3A_1276, %get3A_1277] {strides = array<i32>} : memref<32x768xf32, #tpu.memory_space<vmem>>, vector<16xf32>,
        %add3A_1279 = arith.addf %get3A_1275, %get3A_1278 : vector<16xf32>
        %mul3A_1280 = arith.mulf %get3A_1194, %get3A_1130 : vector<16xf32>
        %add3A_1281 = arith.addf %get3A_1114, %mul3A_1280 : vector<16xf32>
        %add3A_1282 = arith.addf %add3A_1279, %add3A_1281 : vector<16xf32>
        %swap3A_1283 = arith.index_cast %scan3A_1189 : i32 to index
        %swap3A_1284 = arith.constant 608 : index
        %swap3A_1285 = tpu.vector_load %arg22[%swap3A_1283, %swap3A_1284] {strides = array<i32>} : memref<32x768xf32, #tpu.memory_space<vmem>>, vector<16xf32>,
        tpu.vector_store %arg22[%swap3A_1283, %swap3A_1284], %add3A_1282 {strides = array<i32>} : memref<32x768xf32, #tpu.memory_space<vmem>>, vector<16xf32>,
        %get3A_1286 = arith.index_cast %scan3A_1189 : i32 to index
        %get3A_1287 = arith.constant 624 : index
        %get3A_1288 = tpu.vector_load %arg22[%get3A_1286, %get3A_1287] {strides = array<i32>} : memref<32x768xf32, #tpu.memory_space<vmem>>, vector<16xf32>,
        %get3A_1289 = arith.index_cast %scan3A_1189 : i32 to index
        %get3A_1290 = arith.constant 624 : index
        %get3A_1291 = tpu.vector_load %arg23[%get3A_1289, %get3A_1290] {strides = array<i32>} : memref<32x768xf32, #tpu.memory_space<vmem>>, vector<16xf32>,
        %add3A_1292 = arith.addf %get3A_1288, %get3A_1291 : vector<16xf32>
        %mul3A_1293 = arith.mulf %get3A_1194, %get3A_1132 : vector<16xf32>
        %add3A_1294 = arith.addf %get3A_1116, %mul3A_1293 : vector<16xf32>
        %add3A_1295 = arith.addf %add3A_1292, %add3A_1294 : vector<16xf32>
        %swap3A_1296 = arith.index_cast %scan3A_1189 : i32 to index
        %swap3A_1297 = arith.constant 624 : index
        %swap3A_1298 = tpu.vector_load %arg22[%swap3A_1296, %swap3A_1297] {strides = array<i32>} : memref<32x768xf32, #tpu.memory_space<vmem>>, vector<16xf32>,
        tpu.vector_store %arg22[%swap3A_1296, %swap3A_1297], %add3A_1295 {strides = array<i32>} : memref<32x768xf32, #tpu.memory_space<vmem>>, vector<16xf32>,
        %scan3A_1299 = arith.constant 0 : i32
        scf.yield %scan3A_1299 : i32
      }
      %scan3A_1139 = arith.constant 32 : i32
      %get3A_1140 = arith.constant 640 : index
      %get3A_1141 = tpu.vector_load %arg18[%get3A_1140] {strides = array<i32>} : memref<768xf32, #tpu.memory_space<vmem>>, vector<16xf32>,
      %get3A_1142 = arith.constant 656 : index
      %get3A_1143 = tpu.vector_load %arg18[%get3A_1142] {strides = array<i32>} : memref<768xf32, #tpu.memory_space<vmem>>, vector<16xf32>,
      %get3A_1144 = arith.constant 672 : index
      %get3A_1145 = tpu.vector_load %arg18[%get3A_1144] {strides = array<i32>} : memref<768xf32, #tpu.memory_space<vmem>>, vector<16xf32>,
      %get3A_1146 = arith.constant 688 : index
      %get3A_1147 = tpu.vector_load %arg18[%get3A_1146] {strides = array<i32>} : memref<768xf32, #tpu.memory_space<vmem>>, vector<16xf32>,
      %get3A_1148 = arith.constant 704 : index
      %get3A_1149 = tpu.vector_load %arg18[%get3A_1148] {strides = array<i32>} : memref<768xf32, #tpu.memory_space<vmem>>, vector<16xf32>,
      %get3A_1150 = arith.constant 720 : index
      %get3A_1151 = tpu.vector_load %arg18[%get3A_1150] {strides = array<i32>} : memref<768xf32, #tpu.memory_space<vmem>>, vector<16xf32>,
      %get3A_1152 = arith.constant 736 : index
      %get3A_1153 = tpu.vector_load %arg18[%get3A_1152] {strides = array<i32>} : memref<768xf32, #tpu.memory_space<vmem>>, vector<16xf32>,
      %get3A_1154 = arith.constant 752 : index
      %get3A_1155 = tpu.vector_load %arg18[%get3A_1154] {strides = array<i32>} : memref<768xf32, #tpu.memory_space<vmem>>, vector<16xf32>,
      %get3A_1156 = arith.constant 640 : index
      %get3A_1157 = tpu.vector_load %arg19[%get3A_1156] {strides = array<i32>} : memref<768xf32, #tpu.memory_space<vmem>>, vector<16xf32>,
      %get3A_1158 = arith.constant 656 : index
      %get3A_1159 = tpu.vector_load %arg19[%get3A_1158] {strides = array<i32>} : memref<768xf32, #tpu.memory_space<vmem>>, vector<16xf32>,
      %get3A_1160 = arith.constant 672 : index
      %get3A_1161 = tpu.vector_load %arg19[%get3A_1160] {strides = array<i32>} : memref<768xf32, #tpu.memory_space<vmem>>, vector<16xf32>,
      %get3A_1162 = arith.constant 688 : index
      %get3A_1163 = tpu.vector_load %arg19[%get3A_1162] {strides = array<i32>} : memref<768xf32, #tpu.memory_space<vmem>>, vector<16xf32>,
      %get3A_1164 = arith.constant 704 : index
      %get3A_1165 = tpu.vector_load %arg19[%get3A_1164] {strides = array<i32>} : memref<768xf32, #tpu.memory_space<vmem>>, vector<16xf32>,
      %get3A_1166 = arith.constant 720 : index
      %get3A_1167 = tpu.vector_load %arg19[%get3A_1166] {strides = array<i32>} : memref<768xf32, #tpu.memory_space<vmem>>, vector<16xf32>,
      %get3A_1168 = arith.constant 736 : index
      %get3A_1169 = tpu.vector_load %arg19[%get3A_1168] {strides = array<i32>} : memref<768xf32, #tpu.memory_space<vmem>>, vector<16xf32>,
      %get3A_1170 = arith.constant 752 : index
      %get3A_1171 = tpu.vector_load %arg19[%get3A_1170] {strides = array<i32>} : memref<768xf32, #tpu.memory_space<vmem>>, vector<16xf32>,
      %scan3A_1172 = arith.constant 0 : i32
      %scan3A_1173 = arith.constant 0 : i32
      %scan3A_1174 = arith.constant 32 : i32
      %scan3A_1175 = arith.addi %scan3A_1173, %scan3A_1174 : i32
      %scan3A_1176 = arith.constant 1 : i32
      %scan3A_1177 = scf.for %scan3A_1189 = %scan3A_1173 to %scan3A_1175 step %scan3A_1176 iter_args(%scan3A_1190 = %scan3A_1172) -> (i32)  : i32 {
        %mul3A_1191 = arith.constant 16 : i32
        %mul3A_1192 = arith.muli %scan3A_1189, %mul3A_1191 : i32
        %get3A_1193 = arith.index_cast %mul3A_1192 : i32 to index
        %get3A_1194 = tpu.vector_load %arg14[%get3A_1193] {strides = array<i32>} : memref<512xf32, #tpu.memory_space<vmem>>, vector<16xf32>,
        %get3A_1195 = arith.index_cast %scan3A_1189 : i32 to index
        %get3A_1196 = arith.constant 640 : index
        %get3A_1197 = tpu.vector_load %arg22[%get3A_1195, %get3A_1196] {strides = array<i32>} : memref<32x768xf32, #tpu.memory_space<vmem>>, vector<16xf32>,
        %get3A_1198 = arith.index_cast %scan3A_1189 : i32 to index
        %get3A_1199 = arith.constant 640 : index
        %get3A_1200 = tpu.vector_load %arg23[%get3A_1198, %get3A_1199] {strides = array<i32>} : memref<32x768xf32, #tpu.memory_space<vmem>>, vector<16xf32>,
        %add3A_1201 = arith.addf %get3A_1197, %get3A_1200 : vector<16xf32>
        %mul3A_1202 = arith.mulf %get3A_1194, %get3A_1157 : vector<16xf32>
        %add3A_1203 = arith.addf %get3A_1141, %mul3A_1202 : vector<16xf32>
        %add3A_1204 = arith.addf %add3A_1201, %add3A_1203 : vector<16xf32>
        %swap3A_1205 = arith.index_cast %scan3A_1189 : i32 to index
        %swap3A_1206 = arith.constant 640 : index
        %swap3A_1207 = tpu.vector_load %arg22[%swap3A_1205, %swap3A_1206] {strides = array<i32>} : memref<32x768xf32, #tpu.memory_space<vmem>>, vector<16xf32>,
        tpu.vector_store %arg22[%swap3A_1205, %swap3A_1206], %add3A_1204 {strides = array<i32>} : memref<32x768xf32, #tpu.memory_space<vmem>>, vector<16xf32>,
        %get3A_1208 = arith.index_cast %scan3A_1189 : i32 to index
        %get3A_1209 = arith.constant 656 : index
        %get3A_1210 = tpu.vector_load %arg22[%get3A_1208, %get3A_1209] {strides = array<i32>} : memref<32x768xf32, #tpu.memory_space<vmem>>, vector<16xf32>,
        %get3A_1211 = arith.index_cast %scan3A_1189 : i32 to index
        %get3A_1212 = arith.constant 656 : index
        %get3A_1213 = tpu.vector_load %arg23[%get3A_1211, %get3A_1212] {strides = array<i32>} : memref<32x768xf32, #tpu.memory_space<vmem>>, vector<16xf32>,
        %add3A_1214 = arith.addf %get3A_1210, %get3A_1213 : vector<16xf32>
        %mul3A_1215 = arith.mulf %get3A_1194, %get3A_1159 : vector<16xf32>
        %add3A_1216 = arith.addf %get3A_1143, %mul3A_1215 : vector<16xf32>
        %add3A_1217 = arith.addf %add3A_1214, %add3A_1216 : vector<16xf32>
        %swap3A_1218 = arith.index_cast %scan3A_1189 : i32 to index
        %swap3A_1219 = arith.constant 656 : index
        %swap3A_1220 = tpu.vector_load %arg22[%swap3A_1218, %swap3A_1219] {strides = array<i32>} : memref<32x768xf32, #tpu.memory_space<vmem>>, vector<16xf32>,
        tpu.vector_store %arg22[%swap3A_1218, %swap3A_1219], %add3A_1217 {strides = array<i32>} : memref<32x768xf32, #tpu.memory_space<vmem>>, vector<16xf32>,
        %get3A_1221 = arith.index_cast %scan3A_1189 : i32 to index
        %get3A_1222 = arith.constant 672 : index
        %get3A_1223 = tpu.vector_load %arg22[%get3A_1221, %get3A_1222] {strides = array<i32>} : memref<32x768xf32, #tpu.memory_space<vmem>>, vector<16xf32>,
        %get3A_1224 = arith.index_cast %scan3A_1189 : i32 to index
        %get3A_1225 = arith.constant 672 : index
        %get3A_1226 = tpu.vector_load %arg23[%get3A_1224, %get3A_1225] {strides = array<i32>} : memref<32x768xf32, #tpu.memory_space<vmem>>, vector<16xf32>,
        %add3A_1227 = arith.addf %get3A_1223, %get3A_1226 : vector<16xf32>
        %mul3A_1228 = arith.mulf %get3A_1194, %get3A_1161 : vector<16xf32>
        %add3A_1229 = arith.addf %get3A_1145, %mul3A_1228 : vector<16xf32>
        %add3A_1230 = arith.addf %add3A_1227, %add3A_1229 : vector<16xf32>
        %swap3A_1231 = arith.index_cast %scan3A_1189 : i32 to index
        %swap3A_1232 = arith.constant 672 : index
        %swap3A_1233 = tpu.vector_load %arg22[%swap3A_1231, %swap3A_1232] {strides = array<i32>} : memref<32x768xf32, #tpu.memory_space<vmem>>, vector<16xf32>,
        tpu.vector_store %arg22[%swap3A_1231, %swap3A_1232], %add3A_1230 {strides = array<i32>} : memref<32x768xf32, #tpu.memory_space<vmem>>, vector<16xf32>,
        %get3A_1234 = arith.index_cast %scan3A_1189 : i32 to index
        %get3A_1235 = arith.constant 688 : index
        %get3A_1236 = tpu.vector_load %arg22[%get3A_1234, %get3A_1235] {strides = array<i32>} : memref<32x768xf32, #tpu.memory_space<vmem>>, vector<16xf32>,
        %get3A_1237 = arith.index_cast %scan3A_1189 : i32 to index
        %get3A_1238 = arith.constant 688 : index
        %get3A_1239 = tpu.vector_load %arg23[%get3A_1237, %get3A_1238] {strides = array<i32>} : memref<32x768xf32, #tpu.memory_space<vmem>>, vector<16xf32>,
        %add3A_1240 = arith.addf %get3A_1236, %get3A_1239 : vector<16xf32>
        %mul3A_1241 = arith.mulf %get3A_1194, %get3A_1163 : vector<16xf32>
        %add3A_1242 = arith.addf %get3A_1147, %mul3A_1241 : vector<16xf32>
        %add3A_1243 = arith.addf %add3A_1240, %add3A_1242 : vector<16xf32>
        %swap3A_1244 = arith.index_cast %scan3A_1189 : i32 to index
        %swap3A_1245 = arith.constant 688 : index
        %swap3A_1246 = tpu.vector_load %arg22[%swap3A_1244, %swap3A_1245] {strides = array<i32>} : memref<32x768xf32, #tpu.memory_space<vmem>>, vector<16xf32>,
        tpu.vector_store %arg22[%swap3A_1244, %swap3A_1245], %add3A_1243 {strides = array<i32>} : memref<32x768xf32, #tpu.memory_space<vmem>>, vector<16xf32>,
        %get3A_1247 = arith.index_cast %scan3A_1189 : i32 to index
        %get3A_1248 = arith.constant 704 : index
        %get3A_1249 = tpu.vector_load %arg22[%get3A_1247, %get3A_1248] {strides = array<i32>} : memref<32x768xf32, #tpu.memory_space<vmem>>, vector<16xf32>,
        %get3A_1250 = arith.index_cast %scan3A_1189 : i32 to index
        %get3A_1251 = arith.constant 704 : index
        %get3A_1252 = tpu.vector_load %arg23[%get3A_1250, %get3A_1251] {strides = array<i32>} : memref<32x768xf32, #tpu.memory_space<vmem>>, vector<16xf32>,
        %add3A_1253 = arith.addf %get3A_1249, %get3A_1252 : vector<16xf32>
        %mul3A_1254 = arith.mulf %get3A_1194, %get3A_1165 : vector<16xf32>
        %add3A_1255 = arith.addf %get3A_1149, %mul3A_1254 : vector<16xf32>
        %add3A_1256 = arith.addf %add3A_1253, %add3A_1255 : vector<16xf32>
        %swap3A_1257 = arith.index_cast %scan3A_1189 : i32 to index
        %swap3A_1258 = arith.constant 704 : index
        %swap3A_1259 = tpu.vector_load %arg22[%swap3A_1257, %swap3A_1258] {strides = array<i32>} : memref<32x768xf32, #tpu.memory_space<vmem>>, vector<16xf32>,
        tpu.vector_store %arg22[%swap3A_1257, %swap3A_1258], %add3A_1256 {strides = array<i32>} : memref<32x768xf32, #tpu.memory_space<vmem>>, vector<16xf32>,
        %get3A_1260 = arith.index_cast %scan3A_1189 : i32 to index
        %get3A_1261 = arith.constant 720 : index
        %get3A_1262 = tpu.vector_load %arg22[%get3A_1260, %get3A_1261] {strides = array<i32>} : memref<32x768xf32, #tpu.memory_space<vmem>>, vector<16xf32>,
        %get3A_1263 = arith.index_cast %scan3A_1189 : i32 to index
        %get3A_1264 = arith.constant 720 : index
        %get3A_1265 = tpu.vector_load %arg23[%get3A_1263, %get3A_1264] {strides = array<i32>} : memref<32x768xf32, #tpu.memory_space<vmem>>, vector<16xf32>,
        %add3A_1266 = arith.addf %get3A_1262, %get3A_1265 : vector<16xf32>
        %mul3A_1267 = arith.mulf %get3A_1194, %get3A_1167 : vector<16xf32>
        %add3A_1268 = arith.addf %get3A_1151, %mul3A_1267 : vector<16xf32>
        %add3A_1269 = arith.addf %add3A_1266, %add3A_1268 : vector<16xf32>
        %swap3A_1270 = arith.index_cast %scan3A_1189 : i32 to index
        %swap3A_1271 = arith.constant 720 : index
        %swap3A_1272 = tpu.vector_load %arg22[%swap3A_1270, %swap3A_1271] {strides = array<i32>} : memref<32x768xf32, #tpu.memory_space<vmem>>, vector<16xf32>,
        tpu.vector_store %arg22[%swap3A_1270, %swap3A_1271], %add3A_1269 {strides = array<i32>} : memref<32x768xf32, #tpu.memory_space<vmem>>, vector<16xf32>,
        %get3A_1273 = arith.index_cast %scan3A_1189 : i32 to index
        %get3A_1274 = arith.constant 736 : index
        %get3A_1275 = tpu.vector_load %arg22[%get3A_1273, %get3A_1274] {strides = array<i32>} : memref<32x768xf32, #tpu.memory_space<vmem>>, vector<16xf32>,
        %get3A_1276 = arith.index_cast %scan3A_1189 : i32 to index
        %get3A_1277 = arith.constant 736 : index
        %get3A_1278 = tpu.vector_load %arg23[%get3A_1276, %get3A_1277] {strides = array<i32>} : memref<32x768xf32, #tpu.memory_space<vmem>>, vector<16xf32>,
        %add3A_1279 = arith.addf %get3A_1275, %get3A_1278 : vector<16xf32>
        %mul3A_1280 = arith.mulf %get3A_1194, %get3A_1169 : vector<16xf32>
        %add3A_1281 = arith.addf %get3A_1153, %mul3A_1280 : vector<16xf32>
        %add3A_1282 = arith.addf %add3A_1279, %add3A_1281 : vector<16xf32>
        %swap3A_1283 = arith.index_cast %scan3A_1189 : i32 to index
        %swap3A_1284 = arith.constant 736 : index
        %swap3A_1285 = tpu.vector_load %arg22[%swap3A_1283, %swap3A_1284] {strides = array<i32>} : memref<32x768xf32, #tpu.memory_space<vmem>>, vector<16xf32>,
        tpu.vector_store %arg22[%swap3A_1283, %swap3A_1284], %add3A_1282 {strides = array<i32>} : memref<32x768xf32, #tpu.memory_space<vmem>>, vector<16xf32>,
        %get3A_1286 = arith.index_cast %scan3A_1189 : i32 to index
        %get3A_1287 = arith.constant 752 : index
        %get3A_1288 = tpu.vector_load %arg22[%get3A_1286, %get3A_1287] {strides = array<i32>} : memref<32x768xf32, #tpu.memory_space<vmem>>, vector<16xf32>,
        %get3A_1289 = arith.index_cast %scan3A_1189 : i32 to index
        %get3A_1290 = arith.constant 752 : index
        %get3A_1291 = tpu.vector_load %arg23[%get3A_1289, %get3A_1290] {strides = array<i32>} : memref<32x768xf32, #tpu.memory_space<vmem>>, vector<16xf32>,
        %add3A_1292 = arith.addf %get3A_1288, %get3A_1291 : vector<16xf32>
        %mul3A_1293 = arith.mulf %get3A_1194, %get3A_1171 : vector<16xf32>
        %add3A_1294 = arith.addf %get3A_1155, %mul3A_1293 : vector<16xf32>
        %add3A_1295 = arith.addf %add3A_1292, %add3A_1294 : vector<16xf32>
        %swap3A_1296 = arith.index_cast %scan3A_1189 : i32 to index
        %swap3A_1297 = arith.constant 752 : index
        %swap3A_1298 = tpu.vector_load %arg22[%swap3A_1296, %swap3A_1297] {strides = array<i32>} : memref<32x768xf32, #tpu.memory_space<vmem>>, vector<16xf32>,
        tpu.vector_store %arg22[%swap3A_1296, %swap3A_1297], %add3A_1295 {strides = array<i32>} : memref<32x768xf32, #tpu.memory_space<vmem>>, vector<16xf32>,
        %scan3A_1299 = arith.constant 0 : i32
        scf.yield %scan3A_1299 : i32
      }
      %scan3A_1178 = arith.constant 32 : i32
      %add3A_1179 = arith.addi %mul3A_20, %mul3A_730 : i32
      %dma_start3A_1180 = arith.constant 0 : i32
      %dma_start3A_1181 = tpu.memref_slice %arg8[%add3A_1179, %dma_start3A_1180] : memref<16384x768xf32, #tpu.memory_space<hbm>> -> memref<32x768xf32, #tpu.memory_space<hbm>>
      %dma_start3A_1182 = arith.constant 0 : i32
      %dma_start3A_1183 = tpu.memref_slice %arg8[%add3A_1179, %dma_start3A_1182] : memref<16384x768xf32, #tpu.memory_space<hbm>> -> memref<32x768xf32, #tpu.memory_space<hbm>>
      tpu.enqueue_dma source(%arg22 : memref<32x768xf32, #tpu.memory_space<vmem>>) target(%dma_start3A_1183 : memref<32x768xf32, #tpu.memory_space<hbm>>) target_semaphore(%arg29 : memref<!tpu.dma_semaphore, #tpu.memory_space<semaphore_mem>>)
      %lt3A_1184 = arith.constant 7 : i32
      %lt3A_1185 = arith.cmpi slt, %scan3A_266, %lt3A_1184 : i32
      %convert_element_type3A_1186 = arith.extui %lt3A_1185 : i1 to i32
      %cond3A = arith.constant 0 : i32
      %cond3A_1187 = arith.cmpi ne, %convert_element_type3A_1186, %cond3A : i32
      scf.if %cond3A_1187 {
        %mul3A_1189 = arith.constant 2 : i32
        %mul3A_1190 = arith.muli %mul3A_1189, %scan3A_266 : i32
        %add3A_1191 = arith.constant 2 : i32
        %add3A_1192 = arith.addi %mul3A_1190, %add3A_1191 : i32
        %add3A_1193 = arith.constant 0 : i32
        %add3A_1194 = arith.addi %add3A_1192, %add3A_1193 : i32
        %mul3A_1195 = arith.constant 32 : i32
        %mul3A_1196 = arith.muli %add3A_1194, %mul3A_1195 : i32
        %dma_wait3A_1197 = arith.constant 0 : i32
        %dma_wait3A_1198 = tpu.memref_slice %arg8[%mul3A_20, %dma_wait3A_1197] : memref<16384x768xf32, #tpu.memory_space<hbm>> -> memref<32x768xf32, #tpu.memory_space<hbm>>
        %dma_wait3A_1199 = arith.constant 0 : i32
        %dma_wait3A_1200 = tpu.memref_slice %arg8[%mul3A_20, %dma_wait3A_1199] : memref<16384x768xf32, #tpu.memory_space<hbm>> -> memref<32x768xf32, #tpu.memory_space<hbm>>
        tpu.wait_dma2 semaphore(%arg28 : memref<!tpu.dma_semaphore, #tpu.memory_space<semaphore_mem>>) src(%arg20 : memref<32x768xf32, #tpu.memory_space<vmem>>) dst(%dma_wait3A_1200 : memref<32x768xf32, #tpu.memory_space<hbm>>)
        %dma_start3A_1201 = tpu.memref_slice %arg10[%mul3A_1196] : memref<512xi32, #tpu.memory_space<vmem>> -> memref<32xi32, #tpu.memory_space<vmem>>
        %dma_start3A_1202 = arith.constant 0 : i32
        %dma_start3A_1203 = arith.constant 0 : i32
        %dma_start3A_1204 = tpu.memref_slice %arg4[%dma_start3A_1202, %dma_start3A_1203] : memref<50265x768xf32, #tpu.memory_space<hbm>> -> memref<50265x768xf32, #tpu.memory_space<hbm>>
        tpu.enqueue_indirect_dma source(%dma_start3A_1204 : memref<50265x768xf32, #tpu.memory_space<hbm>>) target(%arg20 : memref<32x768xf32, #tpu.memory_space<vmem>>) offsets(%dma_start3A_1201 : memref<32xi32, #tpu.memory_space<vmem>>) semaphore(%arg24 : memref<!tpu.dma_semaphore, #tpu.memory_space<semaphore_mem>>)
        %dma_start3A_1205 = tpu.memref_slice %arg12[%mul3A_1196] : memref<512xi32, #tpu.memory_space<vmem>> -> memref<32xi32, #tpu.memory_space<vmem>>
        %dma_start3A_1206 = arith.constant 0 : i32
        %dma_start3A_1207 = arith.constant 0 : i32
        %dma_start3A_1208 = tpu.memref_slice %arg5[%dma_start3A_1206, %dma_start3A_1207] : memref<4104x768xf32, #tpu.memory_space<hbm>> -> memref<4104x768xf32, #tpu.memory_space<hbm>>
        tpu.enqueue_indirect_dma source(%dma_start3A_1208 : memref<4104x768xf32, #tpu.memory_space<hbm>>) target(%arg21 : memref<32x768xf32, #tpu.memory_space<vmem>>) offsets(%dma_start3A_1205 : memref<32xi32, #tpu.memory_space<vmem>>) semaphore(%arg25 : memref<!tpu.dma_semaphore, #tpu.memory_space<semaphore_mem>>)
        %mul3A_1209 = arith.constant 2 : i32
        %mul3A_1210 = arith.muli %mul3A_1209, %scan3A_266 : i32
        %add3A_1211 = arith.constant 2 : i32
        %add3A_1212 = arith.addi %mul3A_1210, %add3A_1211 : i32
        %add3A_1213 = arith.constant 1 : i32
        %add3A_1214 = arith.addi %add3A_1212, %add3A_1213 : i32
        %mul3A_1215 = arith.constant 32 : i32
        %mul3A_1216 = arith.muli %add3A_1214, %mul3A_1215 : i32
        %dma_wait3A_1217 = arith.constant 0 : i32
        %dma_wait3A_1218 = tpu.memref_slice %arg8[%mul3A_20, %dma_wait3A_1217] : memref<16384x768xf32, #tpu.memory_space<hbm>> -> memref<32x768xf32, #tpu.memory_space<hbm>>
        %dma_wait3A_1219 = arith.constant 0 : i32
        %dma_wait3A_1220 = tpu.memref_slice %arg8[%mul3A_20, %dma_wait3A_1219] : memref<16384x768xf32, #tpu.memory_space<hbm>> -> memref<32x768xf32, #tpu.memory_space<hbm>>
        tpu.wait_dma2 semaphore(%arg29 : memref<!tpu.dma_semaphore, #tpu.memory_space<semaphore_mem>>) src(%arg22 : memref<32x768xf32, #tpu.memory_space<vmem>>) dst(%dma_wait3A_1220 : memref<32x768xf32, #tpu.memory_space<hbm>>)
        %dma_start3A_1221 = tpu.memref_slice %arg10[%mul3A_1216] : memref<512xi32, #tpu.memory_space<vmem>> -> memref<32xi32, #tpu.memory_space<vmem>>
        %dma_start3A_1222 = arith.constant 0 : i32
        %dma_start3A_1223 = arith.constant 0 : i32
        %dma_start3A_1224 = tpu.memref_slice %arg4[%dma_start3A_1222, %dma_start3A_1223] : memref<50265x768xf32, #tpu.memory_space<hbm>> -> memref<50265x768xf32, #tpu.memory_space<hbm>>
        tpu.enqueue_indirect_dma source(%dma_start3A_1224 : memref<50265x768xf32, #tpu.memory_space<hbm>>) target(%arg22 : memref<32x768xf32, #tpu.memory_space<vmem>>) offsets(%dma_start3A_1221 : memref<32xi32, #tpu.memory_space<vmem>>) semaphore(%arg26 : memref<!tpu.dma_semaphore, #tpu.memory_space<semaphore_mem>>)
        %dma_start3A_1225 = tpu.memref_slice %arg12[%mul3A_1216] : memref<512xi32, #tpu.memory_space<vmem>> -> memref<32xi32, #tpu.memory_space<vmem>>
        %dma_start3A_1226 = arith.constant 0 : i32
        %dma_start3A_1227 = arith.constant 0 : i32
        %dma_start3A_1228 = tpu.memref_slice %arg5[%dma_start3A_1226, %dma_start3A_1227] : memref<4104x768xf32, #tpu.memory_space<hbm>> -> memref<4104x768xf32, #tpu.memory_space<hbm>>
        tpu.enqueue_indirect_dma source(%dma_start3A_1228 : memref<4104x768xf32, #tpu.memory_space<hbm>>) target(%arg23 : memref<32x768xf32, #tpu.memory_space<vmem>>) offsets(%dma_start3A_1225 : memref<32xi32, #tpu.memory_space<vmem>>) semaphore(%arg27 : memref<!tpu.dma_semaphore, #tpu.memory_space<semaphore_mem>>)
      } else {
      }
      %scan3A_1188 = arith.constant 0 : i32
      scf.yield %scan3A_1188 : i32
    }
    %scan3A_258 = arith.constant 8 : i32
    %dma_wait3A = arith.constant 0 : i32
    %dma_wait3A_259 = tpu.memref_slice %arg8[%mul3A_20, %dma_wait3A] : memref<16384x768xf32, #tpu.memory_space<hbm>> -> memref<32x768xf32, #tpu.memory_space<hbm>>
    %dma_wait3A_260 = arith.constant 0 : i32
    %dma_wait3A_261 = tpu.memref_slice %arg8[%mul3A_20, %dma_wait3A_260] : memref<16384x768xf32, #tpu.memory_space<hbm>> -> memref<32x768xf32, #tpu.memory_space<hbm>>
    tpu.wait_dma2 semaphore(%arg28 : memref<!tpu.dma_semaphore, #tpu.memory_space<semaphore_mem>>) src(%arg20 : memref<32x768xf32, #tpu.memory_space<vmem>>) dst(%dma_wait3A_261 : memref<32x768xf32, #tpu.memory_space<hbm>>)
    %dma_wait3A_262 = arith.constant 0 : i32
    %dma_wait3A_263 = tpu.memref_slice %arg8[%mul3A_20, %dma_wait3A_262] : memref<16384x768xf32, #tpu.memory_space<hbm>> -> memref<32x768xf32, #tpu.memory_space<hbm>>
    %dma_wait3A_264 = arith.constant 0 : i32
    %dma_wait3A_265 = tpu.memref_slice %arg8[%mul3A_20, %dma_wait3A_264] : memref<16384x768xf32, #tpu.memory_space<hbm>> -> memref<32x768xf32, #tpu.memory_space<hbm>>
    tpu.wait_dma2 semaphore(%arg29 : memref<!tpu.dma_semaphore, #tpu.memory_space<semaphore_mem>>) src(%arg22 : memref<32x768xf32, #tpu.memory_space<vmem>>) dst(%dma_wait3A_265 : memref<32x768xf32, #tpu.memory_space<hbm>>)
    return
  }
}

</mosaic_0001>

<sc_bundles>
// kernel: _emb.3.cloned.1.call-start
scs
__scs_entry_jumppad:
0x0: {  	(pc) =	sbr.rel $0x88, $3  }
0x1: {  	(tag) =	ssettag $0x0;
	lr =	simm.s32 $0x1  }
0x2: {  	[smem:$0x3F9B] =	sst lr;
	_ =	strace $0xD0000000  }
0x3: {  	_ = 	snop  }
0x4: {  	_ = 	snop  }
0x5: {  	_ = 	snop  }
0x6: {  	_ = 	snop  }
0x7: {  	_ = 	snop  }
__scs_overlays_trampoline_lowered:
0x8: {  	[smem:$0x3FAA] =	sst s0  }
0x9: {  	[smem:$0x3FAB] =	sst s1  }
0xa: {  	[smem:$0x3FAC] =	sst s2  }
0xb: {  	[smem:$0x3FAD] =	sst s3  }
0xc: {  	[smem:$0x3FAE] =	sst s4  }
0xd: {  	[smem:$0x3FAF] =	sst s5  }
0xe: {  	[smem:$0x3FB0] =	sst s6  }
0xf: {  	[smem:$0x3FB1] =	sst s7  }
0x10: {  	[smem:$0x3FB2] =	sst s8  }
0x11: {  	[smem:$0x3FB3] =	sst s9;
	s0 =	simm.s32 @!p0 $0x0  }
0x12: {  	s1 =	sld [smem:$0x3F99];
	s0 =	simm.s32 @p0 $0x1  }
0x13: {  	[smem:$0x3FB4] =	sst s0;
	s0 =	simm.s32 @!p1 $0x0  }
0x14: {  	s2 =	sld [smem:$0x3F98];
	s0 =	simm.s32 @p1 $0x1  }
0x15: {  	[smem:$0x3FB5] =	sst s0;
	s0 =	simm.s32 @!p2 $0x0  }
0x16: {  	s3 =	sld [smem:$0x3FDB];
	s0 =	simm.s32 @p2 $0x1  }
0x17: {  	s4 =	simm.s32 $0x1BF5;
	[smem:$0x3FB7] =	sst s0  }
0x18: {  	s0 =	sld [smem:$0x3F9A];
	_ =	swait.ge [sflag:s4], $0x0  }
0x19: {  	s7 =	sld [smem:$0x3F9B]  }
0x1a: {  	s8 =	sadd.s32 $0xFFFFE003, lr  }
0x1b: {  	s9 =	sadd.s32 $0xFFFFFEF7, lr;
	s5 =	simm.s32 $0xFFFFFFFF;
	p2 =	slt.u32 s8, $0xFFFFF086  }
0x1c: {  	p1 =	slt.u32 s9, $0xF7A;
	s5 =	simm.s32 @!p2 $0x0  }
0x1d: {  	s5 =	simm.s32 @p1 $0x1;
	p0 =	seq.s32 s7, s2  }
0x1e: {  	s7 =	smul.u32 @!p0 $0xF7A, s2;
	p2 =	seq.s32 @!p0 s5, $0x0  }
0x1f: {  	s9 =	smul.u32 $0xF7A, s1;
	s8 =	simm.s32 @!p0 $0x1BF5;
	p2 =	por !p2, p0  }
0x20: {  	[sflag:s8] =	ssyncset.s32 @!p0 $0xFFFFF086;
	s6 =	sadd.s32 @!p0 s3, s7;
	s7 =	simm.s32 @!p0 $0x108  }
0x21: {  	s3 =	sadd.s32 s3, s9;
	s6 =	sadd.s32 @!p0 $0x88, s6;
	s7 =	simm.s32 @p2 $0x1082  }
0x22: {  	[simem:s7], [sflag:s8] =	dma.local @!p0 [hbm:s6], $0xF7A  }
0x23: {  	s9 =	sor.u32 $0xD0000000, s2;
	s6 =	simm.s32 $0x108;
	_ =	swait.ge @!p0 [sflag:s8], $0x0  }
0x24: {  	s3 =	sadd.s32 $0x88, s3;
	s6 =	simm.s32 @!p1 $0x1082;
	[sflag:s4] =	ssyncset.s32 $0xFFFFF086  }
0x25: {  	[simem:s6], [sflag:s4] =	dma.local [hbm:s3], $0xF7A  }
0x26: {  	[smem:$0x3F9B] =	sst s1;
	(tag) =	ssettag s2;
	_ =	strace s9  }
0x27: {  	s1 =	sld [smem:$0x3FAB]  }
0x28: {  	s2 =	sld [smem:$0x3FAC]  }
0x29: {  	s4 =	sld [smem:$0x3FAE]  }
0x2a: {  	p0 =	seq.s32 s5, $0x0;
	s5 =	sld [smem:$0x3FAF]  }
0x2b: {  	s6 =	sld [smem:$0x3FB0]  }
0x2c: {  	s7 =	sld [smem:$0x3FB1]  }
0x2d: {  	s3 =	simm.s32 $0x108;
	s8 =	sld [smem:$0x3FB2]  }
0x2e: {  	s3 =	simm.s32 @!p0 $0x1082;
	s9 =	sld [smem:$0x3FB3]  }
0x2f: {  	lr =	sadd.s32 s0, s3;
	s0 =	sld [smem:$0x3FAA]  }
0x30: {  	s3 =	sld [smem:$0x3FAD]  }
0x31: {  	[smem:$0x3FB6] =	sst s10  }
0x32: {  	s10 =	sld [smem:$0x3FB4];
	_ =	sdelay $0x3  }
0x33: {  	p0 =	seq.s32 s10, $0x1;
	s10 =	sld [smem:$0x3FB6];
	_ =	sdelay $0x3  }
0x34: {  	[smem:$0x3FB6] =	sst s10  }
0x35: {  	s10 =	sld [smem:$0x3FB5];
	_ =	sdelay $0x3  }
0x36: {  	p1 =	seq.s32 s10, $0x1;
	s10 =	sld [smem:$0x3FB6];
	_ =	sdelay $0x3  }
0x37: {  	[smem:$0x3FB6] =	sst s10  }
0x38: {  	s10 =	sld [smem:$0x3FB7]  }
0x39: {  	_ = 	snop;
	(pc) =	sbr.ind lr, $3  }
0x3a: {  	_ = 	snop  }
0x3b: {  	_ = 	snop  }
0x3c: {  	p2 =	seq.s32 s10, $0x1;
	s10 =	sld [smem:$0x3FB6]  }
0x3d: {  	_ =	shalt  }
0x3e: {  	_ =	shalt  }
0x3f: {  	_ =	shalt  }
0x40: {  	_ =	shalt  }
0x41: {  	_ =	shalt  }
0x42: {  	_ =	shalt  }
0x43: {  	_ =	shalt  }
0x44: {  	_ =	shalt  }
0x45: {  	_ =	shalt  }
0x46: {  	_ =	shalt  }
0x47: {  	_ =	shalt  }
0x48: {  	_ =	shalt  }
0x49: {  	_ =	shalt  }
0x4a: {  	_ =	shalt  }
0x4b: {  	_ =	shalt  }
0x4c: {  	_ =	shalt  }
0x4d: {  	_ =	shalt  }
0x4e: {  	_ =	shalt  }
0x4f: {  	_ =	shalt  }
0x50: {  	_ =	shalt  }
0x51: {  	_ =	shalt  }
0x52: {  	_ =	shalt  }
0x53: {  	_ =	shalt  }
0x54: {  	_ =	shalt  }
0x55: {  	_ =	shalt  }
0x56: {  	_ =	shalt  }
0x57: {  	_ =	shalt  }
0x58: {  	_ =	shalt  }
0x59: {  	_ =	shalt  }
0x5a: {  	_ =	shalt  }
0x5b: {  	_ =	shalt  }
0x5c: {  	_ =	shalt  }
0x5d: {  	_ =	shalt  }
0x5e: {  	_ =	shalt  }
0x5f: {  	_ =	shalt  }
0x60: {  	_ =	shalt  }
0x61: {  	_ =	shalt  }
0x62: {  	_ =	shalt  }
0x63: {  	_ =	shalt  }
0x64: {  	_ =	shalt  }
0x65: {  	_ =	shalt  }
0x66: {  	_ =	shalt  }
0x67: {  	_ =	shalt  }
0x68: {  	_ =	shalt  }
0x69: {  	_ =	shalt  }
0x6a: {  	_ =	shalt  }
0x6b: {  	_ =	shalt  }
0x6c: {  	_ =	shalt  }
0x6d: {  	_ =	shalt  }
0x6e: {  	_ =	shalt  }
0x6f: {  	_ =	shalt  }
0x70: {  	_ =	shalt  }
0x71: {  	_ =	shalt  }
0x72: {  	_ =	shalt  }
0x73: {  	_ =	shalt  }
0x74: {  	_ =	shalt  }
0x75: {  	_ =	shalt  }
0x76: {  	_ =	shalt  }
0x77: {  	_ =	shalt  }
0x78: {  	_ =	shalt  }
0x79: {  	_ =	shalt  }
0x7a: {  	_ =	shalt  }
0x7b: {  	_ =	shalt  }
0x7c: {  	_ =	shalt  }
0x7d: {  	_ =	shalt  }
0x7e: {  	_ =	shalt  }
0x7f: {  	_ =	shalt  }
0x80: {  	_ =	shalt  }
0x81: {  	_ =	shalt  }
0x82: {  	_ =	shalt  }
0x83: {  	_ =	shalt  }
0x84: {  	_ =	shalt  }
0x85: {  	_ =	shalt  }
0x86: {  	_ =	shalt  }
0x87: {  	_ =	shalt  }
.Lfunc_end0:
.L_simem_size_0:
called_computation_lowered:
.L_overlay_start_0:
0x88: {  	s2 =	sld [smem:$0x3FD9]  }
0x89: {  	s3 =	sld [smem:$0x3FFE];
	_ =	sdelay $0x1  }
0x8a: {  	s1 =	srdreg.scid  }
0x8b: {  	s0 =	sand.u32 $0x1, s1  }
0x8c: {  	s18 =	sshll.u32 s0, $0xA;
	s2 =	sadd.s32 s3, s2  }
0x8d: {  	s2 =	sadd.s32 s2, s18  }
0x8e: {  	[smem:$0x3FC2] =	sst s2  }
0x8f: {  	_ = 	snop  }
0x90: {  	s2 =	sld [smem:$0x3FC9]  }
0x91: {  	s19 =	sld [smem:$0x3FC8]  }
0x92: {  	s4 =	sld [smem:$0x3FC7]  }
0x93: {  	s5 =	sld [smem:$0x3FC6]  }
0x94: {  	s6 =	sld [smem:$0x3FC5]  }
0x95: {  	s7 =	sld [smem:$0x3FC4]  }
0x96: {  	s8 =	sld [smem:$0x3FD0];
	(tm) =	ssettm $0x1  }
0x97: {  	s9 =	sld [smem:$0x3FFB];
	_ =	sdelay $0x3  }
0x98: {  	_ =	strace s9  }
0x99: {  	s9 =	sld [smem:$0x3FFC];
	_ =	sdelay $0x3  }
0x9a: {  	_ =	strace s9  }
0x9b: {  	s9 =	sld [smem:$0x3FFD];
	_ =	sdelay $0x3  }
0x9c: {  	_ =	strace s9  }
0x9d: {  	_ =	strace $0x8FFFFFFF  }
0x9e: {  	s20 =	sld [smem:$0x3FDB];
	_ =	sdelay $0x1  }
0x9f: {  	s10 =	simm.s32 $_scs_section_size  }
0xa0: {  	s11 =	simm.s32 $_size__tile_overlayer_lowered;
	s12 =	simm.s32 $_tile_overlayer_lowered  }
0xa1: {  	s23 =	simm.s32 $0x1BFF;
	s22 =	sshll.u32 s12, $0x1;
	s9 =	sadd.s32 s10, s20  }
0xa2: {  	s13 =	simm.s32 $0x0;
	s21 =	sshll.u32 s11, $0x1;
	s11 =	sadd.s32 s22, s9  }
0xa3: {  	[timem:s13], [sflag:s23] =	dma.local [hbm:s11], s21  }
0xa4: {  	_ =	swait.ge [sflag:s23], s21  }
0xa5: {  	s10 =	ssub.s32 $0x0, s21;
	[sflag:s23] =	ssyncset.done $0x0  }
0xa6: {  	[sflag:s23] =	ssyncadd.s32 s10;
	_ =	sdelay $0x1  }
0xa7: {  	s24 =	simm.s32 $0x1B8B  }
0xa8: {  	_ =	swait.ge [sflag:s24], $0x1  }
0xa9: {  	[sflag:s24] =	ssyncset.done $0x0  }
0xaa: {  	s25 =	simm.s32 $0x1B8E;
	[sflag:s24] =	ssyncadd.s32 $0xFFFFFFFF  }
0xab: {  	s26 =	simm.s32 $execute0_lowered;
	[smem:$0x3FD2] =	sst s25  }
0xac: {  	s10 =	sshll.u32 s26, $0x1;
	_ =	strace $0x80000046;
	[dreg:$0x1] =	wrdreg $0xFFFFFFFF  }
0xad: {  	s28 =	simm.s32 $_size_execute0_lowered;
	s9 =	sadd.s32 s9, s10;
	[dreg:$0x0] =	wrdreg $0x0  }
0xae: {  	s10 =	sshll.u32 s28, $0x1;
	[dreg:$0x2] =	wrdreg s9  }
0xaf: {  	[dreg:$0x3] =	wrdreg s10  }
0xb0: {  	[dreg:$0x4] =	wrdreg $0xC0  }
0xb1: {  	_ =	task [dreg:s13], $0x5FFFF  }
0xb2: {  	[dreg:$0x1] =	wrdreg $0xFFFFFFFF  }
0xb3: {  	[dreg:$0x0] =	wrdreg $0x60  }
0xb4: {  	[dreg:$0x2] =	wrdreg s2  }
0xb5: {  	[dreg:$0x3] =	wrdreg s19  }
0xb6: {  	[dreg:$0x4] =	wrdreg s4  }
0xb7: {  	[dreg:$0x5] =	wrdreg s5  }
0xb8: {  	[dreg:$0x6] =	wrdreg s6  }
0xb9: {  	[dreg:$0x7] =	wrdreg s7  }
0xba: {  	[dreg:$0x8] =	wrdreg s8  }
0xbb: {  	[dreg:$0x9] =	wrdreg $0x9  }
0xbc: {  	_ =	task.clear_ibuf [dreg:s13], $0xAFFFF;
	_ =	strace $0x90000046  }
0xbd: {  	s29 =	simm.s32 $0x9;
	_ =	strace $0x80000048  }
0xbe: {  	_ =	swait.ge [sflag:s29], $0x1  }
0xbf: {  	[sflag:s29] =	ssyncadd.s32 $0xFFFFFFFF  }
0xc0: {  	_ =	strace $0x90000048  }
0xc1: {  	_ =	sfence  }
0xc2: {  	s30 =	sld [smem:$0x0];
	_ =	sdelay $0x2  }
0xc3: {  	s31 =	sshll.u32 s1, $0xD;
	s1 =	sshrl.u32 s1, $0x2  }
0xc4: {  	s3 =	sand.u32 $0x4000, s31;
	s1 =	sadd.s32 s1, s30  }
0xc5: {  	s0 =	sor.u32 s3, s0;
	s1 =	sshll.u32 s1, $0x11  }
0xc6: {  	s0 =	sor.u32 s1, s0  }
0xc7: {  	s0 =	sadd.s32 $0x8F2B, s0  }
0xc8: {  	[sflag:s0] =	ssyncadd.remote.s32 $0x1  }
0xc9: {  	_ =	sfence.sel $0xFFFF  }
0xca: {  	[dreg:$0x0] =	wrdreg $0xFFFFFFFF;
	(pc) =	sbr.abs _section_cstart, $3  }
0xcb: {  	[dreg:$0x1] =	wrdreg $0xFFFFFFFF  }
0xcc: {  	_ =	task.clear_ibuf [dreg:s13], $0x2FFFF;
	_ =	strace $0x9FFFFFFF  }
0xcd: {  	(tm) =	ssettm $0x7FFFFFFF  }
tec
execute0_lowered:
.L_overlay_start_1:
0x0: {  	(tag) =	ssettag $0x1  }
0x1: {  	s0 =	rddreg [dreg:$0x0];
	v0 =	vimm.s32 $0xEDCBA987  }
0x2: {  	s3 =	rddreg [dreg:$0x1];
	v1 =	vimm.s32 $0x65432100;
	v0 =	vunpack.c.l.s4.s8 v0  }
0x3: {  	s1 =	rddreg [dreg:$0x2];
	v3 =	vunpack.c.l.s4.s8 v1  }
0x4: {  	s2 =	rddreg [dreg:$0x3];
	v0 =	vunpack.c.0.s8.s32 v0  }
0x5: {  	s13 =	rddreg [dreg:$0x5];
	v6 =	vunpack.c.0.s8.s32 v3  }
0x6: {  	s5 =	rddreg [dreg:$0x6];
	v7 =	vimm.s32 $0xDCBA9876;
	v0 =	vand.u32 $0xF, v0  }
0x7: {  	s4 =	srdreg.scid;
	s7 =	simm.s32 $0x0;
	s15 =	stileid.u32;
	v7 =	vunpack.c.l.s4.s8 v7;
	v0 =	vcombine.low v6, v0;
	v6 =	vimm.s32 $0x54321000  }
0x8: {  	s19 =	simm.s32 $0x1000;
	s20 =	simm.s32 $0x7;
	s22 =	simm.s32 $0x2780;
	v6 =	vunpack.c.l.s4.s8 v6  }
0x9: {  	s21 =	simm.s32 $0xE780;
	s26 =	simm.s32 $0x1400;
	v8 =	vimm.s32 $0xBA987654;
	s16 =	simm.s32 $0x6;
	v7 =	vunpack.c.0.s8.s32 v7  }
0xa: {  	v9 =	vimm.s32 $0x32100000;
	s18 =	simm.s32 $0x0;
	s4 =	sand.u32 $0x1, s4;
	[smem:$0x7FF] =	sst s7;
	v8 =	vunpack.c.l.s4.s8 v8;
	v6 =	vunpack.c.0.s8.s32 v6  }
0xb: {  	v10 =	vimm.s32 $0xE40000;
	s9 =	sshll.u32 s15, $0x1;
	s11 =	sshll.u32 s15, $0x7;
	s14 =	sadd.s32 $0x100, s2;
	v9 =	vunpack.c.l.s4.s8 v9;
	v7 =	vand.u32 $0xF, v7  }
0xc: {  	s30 =	sand.u32 $0x3, s15;
	s15 =	sadd.s32 $0x200, s2;
	s31 =	sadd.s32 $0x10, s13;
	v10 =	vunpack.c.l.s2.s4 v10;
	v8 =	vunpack.c.0.s8.s32 v8;
	v6 =	vcombine.low v6, v7  }
0xd: {  	vm1 =	vcmask $0x300;
	s13 =	simm.s32 $0x5;
	s6 =	ssub.s32 $0x2, s4;
	_ =	strace $0x80000047;
	v9 =	vunpack.c.0.s8.s32 v9;
	[tilespmem:$0x1FF80] =	vst v0  }
0xe: {  	s9 =	sor.u32 s4, s9;
	s28 =	sand.u32 $0x600, s11;
	s11 =	sadd.s32 $0x100, s1;
	v10 =	vunpack.c.l.s4.s8 v10;
	v0 =	vimm.s32 $0xFFFFFFFF;
	[tilespmem:$0x1FFA0] =	vst v6;
	v6 =	vand.u32 $0xF, v8  }
0xf: {  	s4 =	sshll.u32 s4, $0x5;
	[dreg:$0xb] =	wrdreg s31;
	s8 =	sshrl.u32 s6, $0x1;
	v11 =	vsel vm1, $0x0, v0;
	vm1 =	vcmask $0x700;
	v6 =	vcombine.low v9, v6  }
0x10: {  	s10 =	sshll.u32 s9, $0x6;
	s29 =	sand.u32 $0x7, s9;
	s6 =	ssub.s32 s6, s8;
	v63 =	vsel vm1, $0x0, v0  }
0x11: {  	s8 =	sshll.u32 s9, $0x9;
	s12 =	sadd.s32 s0, s10;
	s3 =	sadd.s32 s3, s10;
	vm1 =	vcmask $0xF00;
	v7 =	vunpack.c.0.s8.s32 v10;
	[tilespmem:$0x1FFB0] =	vst v6;
	v6 =	vimm.s32 $0x7060504  }
0x12: {  	s0 =	sadd.s32 s0, s28;
	p0 =	sne.s32 s29, $0x0;
	[dreg:$0x8] =	wrdreg s12;
	v0 =	vsel vm1, $0x0, v0;
	v6 =	vunpack.c.0.s8.s32 v6  }
.Ltmp0:
0x13: {  	v4 =	vlaneseq.u32;
	s9 =	simm.s32 $0x3;
	[dreg:$0x9] =	wrdreg s3;
	vm1 =	vcmask $0x3F30;
	[tilespmem:$0x1FFD0] =	vst v0;
	v0 =	vand.u32 $0x3, v7;
	(pc) =	sbr.rel .LBB2_1-.Ltmp0, $4  }
0x14: {  	v5 =	vshrl.u32 v4, $0x3;
	s10 =	simm.s32 $0x4;
	s12 =	sadd.s32 $0x200, s1;
	[dreg:$0xa] =	wrdreg s0;
	[tilespmem:$0x1FF90] =	vst v11;
	v0 =	vsel vm1, v6, v0  }
0x15: {  	s3 =	sshll.u32 s30, $0x6;
	s6 =	smax.u32 s6, $0x1;
	s0 =	simm.s32 $0x19780;
	[tilespmem:$0x1FFE0] =	vst v0;
	v0 =	vmul.u32 $0xFFFFFFFF, v5  }
0x16: {  	v1 =	vand.u32 $0x7, v4;
	v3 =	vor.u32 $0x8, v4;
	v4 =	vmul.u32 $0x20, v4;
	[dreg:$0xc] =	wrdreg s6;
	s3 =	sor.u32 s4, s3;
	s6 =	simm.s32 $0x19F80;
	[tilespmem:$0x1FFC0] =	vst v63  }
0x17: {  	vm0 =	vmmov $0xffff;
	v2 =	vmul.u32 $0x8, v5;
	s4 =	simm.s32 $0x2;
	[dreg:$0xd] =	wrdreg s3;
	s3 =	simm.s32 $0x1;
	[tilespmem:$0x1FFF0] =	vst v0  }
.LBB2_38:
0x18: {  	_ =	swait.ge [sflag:s13], $0x6000  }
0x19: {  	[sflag:s13] =	ssyncset.done $0x0  }
0x1a: {  	[sflag:s13] =	ssyncadd.s32 $0xFFFFA000  }
0x1b: {  	_ =	swait.ge [sflag:s16], $0x6000  }
0x1c: {  	s18 =	rddreg [dreg:$0xe]  }
0x1d: {  	s17 =	rddreg [dreg:$0xc];
	s18 =	sadd.s32 $0x1, s18  }
0x1e: {  	p1 =	sne.s32 s18, s17  }
.Ltmp1:
0x1f: {  	_ = 	snop;
	(pc) =	sbr.rel @!p1 .LBB2_39-.Ltmp1, $3  }
0x20: {  	_ =	sdelay $0x1  }
0x21: {  	[sflag:s16] =	ssyncset.done $0x0  }
0x22: {  	s20 =	simm.s32 $0x7;
	[sflag:s16] =	ssyncadd.s32 $0xFFFFA000  }
.LBB2_1:
0x23: {  	[dreg:$0xe] =	wrdreg s18  }
0x24: {  	s17 =	rddreg [dreg:$0x8]  }
0x25: {  	[tilespmem:s19], [sflag:$0x7] =	stream.linear.gather [hbm4b:s17+s7], $0x200, $0x38;
	[tilespmem:$0x1A780] =	vst v63  }
0x26: {  	_ =	swait.ge [sflag:s20], $0x200  }
0x27: {  	[sflag:s20] =	ssyncset.done $0x0  }
0x28: {  	s31 =	simm.s32 $0x1200;
	s30 =	rddreg [dreg:$0x9];
	[sflag:s20] =	ssyncadd.s32 $0xFFFFFE00  }
0x29: {  	[tilespmem:s31], [sflag:$0x7] =	stream.linear.gather [hbm4b:s30+s7], $0x200, $0x38;
	[tilespmem:$0x1A780] =	vst v63  }
0x2a: {  	_ =	swait.ge [sflag:s20], $0x200  }
0x2b: {  	[sflag:s20] =	ssyncset.done $0x0  }
0x2c: {  	[sflag:s20] =	ssyncadd.s32 $0xFFFFFE00  }
0x2d: {  	v0 =	vld [tilespmem:$0x1000];
	_ =	sdelay $0x4  }
0x2e: {  	v5 =	vshrl.u32 v0, $0x3  }
0x2f: {  	v5 =	vmul.u32 $0x30, v5  }
0x30: {  	v0 =	vand.u32 $0x7, v0  }
0x31: {  	v0 =	vor.u32 v0, v5  }
0x32: {  	v5 =	vperm.xlane v0, v1;
	_ =	sdelay $0x1  }
0x33: {  	v5 =	vadd.s32 v2, v5;
	_ =	sdelay $0x3  }
0x34: {  	v0 =	vperm.xlane v0, v3  }
0x35: {  	[tilespmem:s22], [sflag:$0x1] =	stream.indirect_vreg.gather [hbm4b:s1+s7], $0x80, v5, vm0, $0xb8;
	[tilespmem:$0x1A780] =	vst v63  }
0x36: {  	s23 =	simm.s32 $0x2F80;
	v0 =	vadd.s32 v2, v0  }
0x37: {  	[tilespmem:s23], [sflag:$0x1] =	stream.indirect_vreg.gather [hbm4b:s11+s7], $0x80, v5, vm0, $0xb8;
	[tilespmem:$0x1A780] =	vst v63  }
0x38: {  	s24 =	simm.s32 $0x3780  }
0x39: {  	[tilespmem:s24], [sflag:$0x1] =	stream.indirect_vreg.gather [hbm4b:s12+s7], $0x80, v5, vm0, $0xb8;
	[tilespmem:$0x1A780] =	vst v63  }
0x3a: {  	s25 =	simm.s32 $0x3F80  }
0x3b: {  	[tilespmem:s25], [sflag:$0x1] =	stream.indirect_vreg.gather [hbm4b:s1+s7], $0x80, v0, vm0, $0xb8;
	[tilespmem:$0x1A780] =	vst v63  }
0x3c: {  	s28 =	simm.s32 $0x4780  }
0x3d: {  	[tilespmem:s28], [sflag:$0x1] =	stream.indirect_vreg.gather [hbm4b:s11+s7], $0x80, v0, vm0, $0xb8;
	[tilespmem:$0x1A780] =	vst v63  }
0x3e: {  	s29 =	simm.s32 $0x4F80  }
0x3f: {  	[tilespmem:s29], [sflag:$0x1] =	stream.indirect_vreg.gather [hbm4b:s12+s7], $0x80, v0, vm0, $0xb8;
	[tilespmem:$0x1A780] =	vst v63  }
0x40: {  	v0 =	vld [tilespmem:$0x1010];
	_ =	sdelay $0x4  }
0x41: {  	v5 =	vshrl.u32 v0, $0x3  }
0x42: {  	v5 =	vmul.u32 $0x30, v5  }
0x43: {  	v0 =	vand.u32 $0x7, v0  }
0x44: {  	v0 =	vor.u32 v0, v5  }
0x45: {  	v5 =	vperm.xlane v0, v1;
	_ =	sdelay $0x1  }
0x46: {  	v5 =	vadd.s32 v2, v5;
	_ =	sdelay $0x3  }
0x47: {  	s30 =	simm.s32 $0x5780;
	v0 =	vperm.xlane v0, v3  }
0x48: {  	[tilespmem:s30], [sflag:$0x1] =	stream.indirect_vreg.gather [hbm4b:s1+s7], $0x80, v5, vm0, $0xb8;
	[tilespmem:$0x1A780] =	vst v63  }
0x49: {  	s31 =	simm.s32 $0x5F80;
	v0 =	vadd.s32 v2, v0  }
0x4a: {  	[tilespmem:s31], [sflag:$0x1] =	stream.indirect_vreg.gather [hbm4b:s11+s7], $0x80, v5, vm0, $0xb8;
	[tilespmem:$0x1A780] =	vst v63  }
0x4b: {  	s18 =	simm.s32 $0x6780  }
0x4c: {  	[tilespmem:s18], [sflag:$0x1] =	stream.indirect_vreg.gather [hbm4b:s12+s7], $0x80, v5, vm0, $0xb8;
	[tilespmem:$0x1A780] =	vst v63  }
0x4d: {  	s23 =	simm.s32 $0x6F80  }
0x4e: {  	[tilespmem:s23], [sflag:$0x1] =	stream.indirect_vreg.gather [hbm4b:s1+s7], $0x80, v0, vm0, $0xb8;
	[tilespmem:$0x1A780] =	vst v63  }
0x4f: {  	s24 =	simm.s32 $0x7780  }
0x50: {  	[tilespmem:s24], [sflag:$0x1] =	stream.indirect_vreg.gather [hbm4b:s11+s7], $0x80, v0, vm0, $0xb8;
	[tilespmem:$0x1A780] =	vst v63  }
0x51: {  	s25 =	simm.s32 $0x7F80  }
0x52: {  	[tilespmem:s25], [sflag:$0x1] =	stream.indirect_vreg.gather [hbm4b:s12+s7], $0x80, v0, vm0, $0xb8;
	[tilespmem:$0x1A780] =	vst v63  }
0x53: {  	v0 =	vld [tilespmem:$0x1020];
	_ =	sdelay $0x4  }
0x54: {  	v5 =	vshrl.u32 v0, $0x3  }
0x55: {  	v5 =	vmul.u32 $0x30, v5  }
0x56: {  	v0 =	vand.u32 $0x7, v0  }
0x57: {  	v0 =	vor.u32 v0, v5  }
0x58: {  	v5 =	vperm.xlane v0, v1;
	_ =	sdelay $0x1  }
0x59: {  	v5 =	vadd.s32 v2, v5;
	_ =	sdelay $0x3  }
0x5a: {  	v0 =	vperm.xlane v0, v3  }
0x5b: {  	[tilespmem:s21], [sflag:$0x3] =	stream.indirect_vreg.gather [hbm4b:s1+s7], $0x80, v5, vm0, $0xb8;
	[tilespmem:$0x1A780] =	vst v63  }
0x5c: {  	s28 =	simm.s32 $0xEF80;
	v0 =	vadd.s32 v2, v0  }
0x5d: {  	[tilespmem:s28], [sflag:$0x3] =	stream.indirect_vreg.gather [hbm4b:s11+s7], $0x80, v5, vm0, $0xb8;
	[tilespmem:$0x1A780] =	vst v63  }
0x5e: {  	s29 =	simm.s32 $0xF780  }
0x5f: {  	[tilespmem:s29], [sflag:$0x3] =	stream.indirect_vreg.gather [hbm4b:s12+s7], $0x80, v5, vm0, $0xb8;
	[tilespmem:$0x1A780] =	vst v63  }
0x60: {  	s30 =	simm.s32 $0xFF80  }
0x61: {  	[tilespmem:s30], [sflag:$0x3] =	stream.indirect_vreg.gather [hbm4b:s1+s7], $0x80, v0, vm0, $0xb8;
	[tilespmem:$0x1A780] =	vst v63  }
0x62: {  	s31 =	simm.s32 $0x10780  }
0x63: {  	[tilespmem:s31], [sflag:$0x3] =	stream.indirect_vreg.gather [hbm4b:s11+s7], $0x80, v0, vm0, $0xb8;
	[tilespmem:$0x1A780] =	vst v63  }
0x64: {  	s18 =	simm.s32 $0x10F80  }
0x65: {  	[tilespmem:s18], [sflag:$0x3] =	stream.indirect_vreg.gather [hbm4b:s12+s7], $0x80, v0, vm0, $0xb8;
	[tilespmem:$0x1A780] =	vst v63  }
0x66: {  	v0 =	vld [tilespmem:$0x1030];
	_ =	sdelay $0x4  }
0x67: {  	v5 =	vshrl.u32 v0, $0x3  }
0x68: {  	v5 =	vmul.u32 $0x30, v5  }
0x69: {  	v0 =	vand.u32 $0x7, v0  }
0x6a: {  	v0 =	vor.u32 v0, v5  }
0x6b: {  	v5 =	vperm.xlane v0, v1;
	_ =	sdelay $0x1  }
0x6c: {  	v5 =	vadd.s32 v2, v5;
	_ =	sdelay $0x3  }
0x6d: {  	s23 =	simm.s32 $0x11780;
	v0 =	vperm.xlane v0, v3  }
0x6e: {  	[tilespmem:s23], [sflag:$0x3] =	stream.indirect_vreg.gather [hbm4b:s1+s7], $0x80, v5, vm0, $0xb8;
	[tilespmem:$0x1A780] =	vst v63  }
0x6f: {  	s24 =	simm.s32 $0x11F80;
	v0 =	vadd.s32 v2, v0  }
0x70: {  	[tilespmem:s24], [sflag:$0x3] =	stream.indirect_vreg.gather [hbm4b:s11+s7], $0x80, v5, vm0, $0xb8;
	[tilespmem:$0x1A780] =	vst v63  }
0x71: {  	s25 =	simm.s32 $0x12780  }
0x72: {  	[tilespmem:s25], [sflag:$0x3] =	stream.indirect_vreg.gather [hbm4b:s12+s7], $0x80, v5, vm0, $0xb8;
	[tilespmem:$0x1A780] =	vst v63  }
0x73: {  	s28 =	simm.s32 $0x12F80  }
0x74: {  	[tilespmem:s28], [sflag:$0x3] =	stream.indirect_vreg.gather [hbm4b:s1+s7], $0x80, v0, vm0, $0xb8;
	[tilespmem:$0x1A780] =	vst v63  }
0x75: {  	s29 =	simm.s32 $0x13780  }
0x76: {  	[tilespmem:s29], [sflag:$0x3] =	stream.indirect_vreg.gather [hbm4b:s11+s7], $0x80, v0, vm0, $0xb8;
	[tilespmem:$0x1A780] =	vst v63  }
0x77: {  	s30 =	simm.s32 $0x13F80  }
0x78: {  	[tilespmem:s30], [sflag:$0x3] =	stream.indirect_vreg.gather [hbm4b:s12+s7], $0x80, v0, vm0, $0xb8;
	[tilespmem:$0x1A780] =	vst v63  }
.Ltmp2:
0x79: {  	s31 =	rddreg [dreg:$0xa];
	(pc) =	sbr.rel @!p0 .LBB2_2-.Ltmp2, $4  }
0x7a: {  	[tilespmem:s7], [sflag:$0x7] =	stream.linear.gather [hbm4b:s31+s7], $0x1000, $0x38;
	[tilespmem:$0x1A780] =	vst v63  }
0x7b: {  	_ =	swait.ge [sflag:s20], $0x1000  }
0x7c: {  	[sflag:s20] =	ssyncset.done $0x0  }
0x7d: {  	v5 =	vimm.s32 $0x0;
	v0 =	vimm.s32 $0x0;
	[sflag:s20] =	ssyncadd.s32 $0xFFFFF000  }
0x7e: {  	s17 =	rddreg [dreg:$0xd]  }
0x7f: {  	v0 =	vld [tilespmem:s7+$0x0];
	p1 =	seq.s32 s17, $0x1  }
.Ltmp3:
0x80: {  	_ = 	snop;
	(pc) =	sbr.rel @p1 .LBB2_37-.Ltmp3, $2  }
0x81: {  	_ =	sdelay $0x2  }
0x82: {  	s18 =	sadd.s32 $0x10, s7;
	s17 =	sadd.s32 $0xFFFFFFFF, s17;
	v6 =	vadd.s32 $0xFFFFFFFF, v0;
	v0 =	vimm.s32 $0x0  }
.LBB2_36:
0x83: {  	v7 =	vld [tilespmem:s18+$0x0];
	p1 =	seq.s32 s17, $0x1;
	s17 =	sadd.s32 $0xFFFFFFFF, s17;
	v8 =	vsub.s32 $0x0, v6  }
.Ltmp4:
0x84: {  	v6 =	vmin.u32 v6, v8;
	(pc) =	sbr.rel @!p1 .LBB2_36-.Ltmp4, $4  }
0x85: {  	vm1 =	vlt.s32 v6, $0x1  }
0x86: {  	v6 =	vnsel vm1, $0x1, v6  }
0x87: {  	v0 =	vadd.s32 v0, v6  }
0x88: {  	s18 =	sadd.s32 $0x10, s18;
	v6 =	vadd.s32 $0xFFFFFFFF, v7  }
.LBB2_37:
0x89: {  	v7 =	vsub.s32 $0x0, v6  }
0x8a: {  	v6 =	vmin.u32 v6, v7  }
0x8b: {  	vm1 =	vlt.s32 v6, $0x1  }
0x8c: {  	v6 =	vnsel vm1, $0x1, v6  }
0x8d: {  	v0 =	vadd.s32 v0, v6  }
.LBB2_2:
0x8e: {  	s17 =	simm.s32 $0x0  }
0x8f: {  	v6 =	vor.u32 s17, v4;
	_ =	sdelay $0x3  }
0x90: {  	s31 =	simm.s32 $0x1  }
0x91: {  	v7 =	vld.idx.msk [tilespmem:v6+s19+$0x0], $0xffff;
	v6 =	vor.u32 s31, v4;
	_ =	sdelay $0x4  }
0x92: {  	s17 =	simm.s32 $0x2;
	v6 =	vld.idx.msk [tilespmem:v6+s19+$0x0], $0xffff;
	v7 =	vadd.s32 $0xFFFFFFFF, v7  }
.LBB2_3:
0x93: {  	v8 =	vor.u32 s17, v4;
	p1 =	sne.s32 s17, $0x1F;
	s17 =	sadd.s32 $0x1, s17;
	v9 =	vsub.s32 $0x0, v7  }
.Ltmp5:
0x94: {  	v7 =	vmin.u32 v7, v9;
	(pc) =	sbr.rel @p1 .LBB2_3-.Ltmp5, $4  }
0x95: {  	vm1 =	vlt.s32 v7, $0x1  }
0x96: {  	v7 =	vnsel vm1, $0x1, v7  }
0x97: {  	v5 =	vadd.s32 v5, v7  }
0x98: {  	v7 =	vadd.s32 $0xFFFFFFFF, v6;
	v6 =	vld.idx.msk [tilespmem:v8+s19+$0x0], $0xffff  }
0x99: {  	v10 =	vld [tilespmem:$0x1FF80];
	_ =	sdelay $0x5  }
0x9a: {  	v11 =	vld [tilespmem:$0x1FF90]  }
0x9b: {  	[tilespmem:$0x1600] =	vst v0;
	s18 =	simm.s32 $0x1600;
	v12 =	vld [tilespmem:$0x1FFA0]  }
0x9c: {  	v8 =	vld.idx.msk [tilespmem:v10+s18+$0x0], $0xffff;
	_ =	sdelay $0x4  }
0x9d: {  	v8 =	vand.u32 v11, v8  }
0x9e: {  	v14 =	vld [tilespmem:$0x1FFC0];
	v0 =	vadd.s32 v0, v8  }
0x9f: {  	v13 =	vld [tilespmem:$0x1FFB0];
	[tilespmem:$0x1600] =	vst v0  }
0xa0: {  	v8 =	vld.idx.msk [tilespmem:v12+s18+$0x0], $0xffff;
	_ =	sdelay $0x4  }
0xa1: {  	v8 =	vand.u32 v14, v8  }
0xa2: {  	v15 =	vld [tilespmem:$0x1FFD0];
	v0 =	vadd.s32 v0, v8  }
0xa3: {  	v16 =	vld [tilespmem:$0x1FFE0];
	[tilespmem:$0x1600] =	vst v0  }
0xa4: {  	v8 =	vld.idx.msk [tilespmem:v13+s18+$0x0], $0xffff;
	_ =	sdelay $0x4  }
0xa5: {  	v8 =	vand.u32 v15, v8  }
0xa6: {  	v0 =	vadd.s32 v0, v8  }
0xa7: {  	v17 =	vld [tilespmem:$0x1FFF0];
	[tilespmem:$0x1600] =	vst v0  }
0xa8: {  	v8 =	vld.idx.msk [tilespmem:v16+s18+$0x0], $0xffff;
	_ =	sdelay $0x4  }
0xa9: {  	v8 =	vand.u32 v17, v8  }
0xaa: {  	v9 =	vsub.s32 $0x0, v7;
	v6 =	vadd.s32 $0xFFFFFFFF, v6;
	v0 =	vadd.s32 v0, v8  }
0xab: {  	v7 =	vmin.u32 v7, v9;
	v61 =	vsub.s32 $0x0, v6;
	[tilespmem:$0x1600] =	vst v0;
	v0 =	vimm.s32 $0xF  }
0xac: {  	vm1 =	vlt.s32 v7, $0x1;
	v6 =	vmin.u32 v6, v61  }
0xad: {  	v7 =	vnsel vm1, $0x1, v7;
	vm1 =	vlt.s32 v6, $0x1  }
0xae: {  	v5 =	vadd.s32 v5, v7;
	v6 =	vnsel vm1, $0x1, v6  }
0xaf: {  	v5 =	vadd.s32 v5, v6  }
0xb0: {  	v6 =	vld.idx.msk [tilespmem:v0+s18+$0x0], $0xffff;
	[tilespmem:$0x1600] =	vst v5  }
0xb1: {  	v0 =	vld.idx.msk [tilespmem:v10+s18+$0x0], $0xffff;
	_ =	sdelay $0x4  }
0xb2: {  	v0 =	vand.u32 v11, v0  }
0xb3: {  	v0 =	vadd.s32 v5, v0  }
0xb4: {  	[tilespmem:$0x1600] =	vst v0  }
0xb5: {  	v7 =	vld.idx.msk [tilespmem:v12+s18+$0x0], $0xffff;
	_ =	sdelay $0x4  }
0xb6: {  	v7 =	vand.u32 v14, v7  }
0xb7: {  	v7 =	vadd.s32 v0, v7  }
0xb8: {  	[tilespmem:$0x1600] =	vst v7  }
0xb9: {  	v8 =	vld.idx.msk [tilespmem:v13+s18+$0x0], $0xffff;
	_ =	sdelay $0x1  }
0xba: {  	s17 =	simm.s32 $0x0  }
0xbb: {  	v0 =	vor.u32 s17, v4;
	_ =	sdelay $0x1  }
0xbc: {  	v8 =	vand.u32 v15, v8  }
0xbd: {  	v7 =	vadd.s32 v7, v8  }
0xbe: {  	[tilespmem:$0x1600] =	vst v7  }
0xbf: {  	v8 =	vld.idx.msk [tilespmem:v0+s19+$0x0], $0xffff;
	_ =	sdelay $0x2  }
0xc0: {  	v62 =	vld.idx.msk [tilespmem:v16+s18+$0x0], $0xffff;
	_ =	sdelay $0x1  }
0xc1: {  	v8 =	vadd.s32 $0xFFFFFFFF, v8  }
0xc2: {  	v63 =	vsub.s32 $0x0, v8  }
0xc3: {  	v5 =	vsub.s32 v6, v5;
	v6 =	vmin.u32 v8, v63  }
0xc4: {  	v5 =	vadd.s32 v7, v5;
	v8 =	vand.u32 v17, v62;
	vm1 =	vlt.s32 v6, $0x1  }
0xc5: {  	s31 =	simm.s32 $0x1;
	v5 =	vadd.s32 v8, v5;
	v7 =	vnsel vm1, $0x1, v6  }
0xc6: {  	s17 =	simm.s32 $0x2;
	v6 =	vor.u32 s31, v4;
	v5 =	vadd.s32 v5, v7  }
.LBB2_5:
0xc7: {  	p1 =	sne.s32 s17, $0x1F;
	v7 =	vmul.u32 v7, v5;
	_ =	sdelay $0x1  }
0xc8: {  	v7 =	vadd.s32 $0x1, v7  }
0xc9: {  	[tilespmem:v0+s26+$0x0] =	vst.idx.msk $0xffff, v7;
	v0 =	vmov v6  }
0xca: {  	v6 =	vld.idx.msk [tilespmem:v6+s19+$0x0], $0xffff;
	_ =	sdelay $0x5  }
0xcb: {  	v6 =	vadd.s32 $0xFFFFFFFF, v6  }
.Ltmp6:
0xcc: {  	v7 =	vsub.s32 $0x0, v6;
	(pc) =	sbr.rel @p1 .LBB2_5-.Ltmp6, $4  }
0xcd: {  	v6 =	vmin.u32 v6, v7  }
0xce: {  	vm1 =	vlt.s32 v6, $0x1  }
0xcf: {  	v7 =	vnsel vm1, $0x1, v6  }
0xd0: {  	v6 =	vor.u32 s17, v4;
	s17 =	sadd.s32 $0x1, s17;
	v5 =	vadd.s32 v5, v7  }
0xd1: {  	_ = 	snop  }
0xd2: {  	v7 =	vmul.u32 v7, v5;
	_ =	sdelay $0x1  }
0xd3: {  	v7 =	vadd.s32 $0x1, v7  }
0xd4: {  	[tilespmem:v0+s26+$0x0] =	vst.idx.msk $0xffff, v7  }
0xd5: {  	v0 =	vld.idx.msk [tilespmem:v6+s19+$0x0], $0xffff;
	_ =	sdelay $0x4  }
0xd6: {  	v0 =	vadd.s32 $0xFFFFFFFF, v0  }
0xd7: {  	v7 =	vsub.s32 $0x0, v0  }
0xd8: {  	v0 =	vmin.u32 v0, v7  }
0xd9: {  	vm1 =	vlt.s32 v0, $0x1  }
0xda: {  	v0 =	vnsel vm1, $0x1, v0  }
0xdb: {  	v5 =	vadd.s32 v5, v0  }
0xdc: {  	v0 =	vmul.u32 v0, v5;
	_ =	sdelay $0x1  }
0xdd: {  	v0 =	vadd.s32 $0x1, v0  }
0xde: {  	[tilespmem:v6+s26+$0x0] =	vst.idx.msk $0xffff, v0  }
0xdf: {  	v0 =	vld [tilespmem:$0x1400];
	_ =	sdelay $0x4  }
0xe0: {  	v5 =	vshrl.u32 v0, $0x3  }
0xe1: {  	v5 =	vmul.u32 $0x30, v5  }
0xe2: {  	v0 =	vand.u32 $0x7, v0  }
0xe3: {  	v0 =	vor.u32 v0, v5  }
0xe4: {  	v5 =	vperm.xlane v0, v1;
	_ =	sdelay $0x1  }
0xe5: {  	v5 =	vadd.s32 v2, v5;
	_ =	sdelay $0x3  }
0xe6: {  	s17 =	simm.s32 $0x0;
	s18 =	simm.s32 $0x8780;
	v0 =	vperm.xlane v0, v3  }
0xe7: {  	[tilespmem:s18], [sflag:$0x2] =	stream.indirect_vreg.gather [hbm4b:s2+s17], $0x80, v5, vm0, $0xb8;
	[tilespmem:$0x1A780] =	vst v63  }
0xe8: {  	s31 =	simm.s32 $0x8F80;
	v0 =	vadd.s32 v2, v0  }
0xe9: {  	[tilespmem:s31], [sflag:$0x2] =	stream.indirect_vreg.gather [hbm4b:s14+s17], $0x80, v5, vm0, $0xb8;
	[tilespmem:$0x1A780] =	vst v63  }
0xea: {  	s23 =	simm.s32 $0x9780  }
0xeb: {  	[tilespmem:s23], [sflag:$0x2] =	stream.indirect_vreg.gather [hbm4b:s15+s17], $0x80, v5, vm0, $0xb8;
	[tilespmem:$0x1A780] =	vst v63  }
0xec: {  	s24 =	simm.s32 $0x9F80  }
0xed: {  	[tilespmem:s24], [sflag:$0x2] =	stream.indirect_vreg.gather [hbm4b:s2+s17], $0x80, v0, vm0, $0xb8;
	[tilespmem:$0x1A780] =	vst v63  }
0xee: {  	s25 =	simm.s32 $0xA780  }
0xef: {  	[tilespmem:s25], [sflag:$0x2] =	stream.indirect_vreg.gather [hbm4b:s14+s17], $0x80, v0, vm0, $0xb8;
	[tilespmem:$0x1A780] =	vst v63  }
0xf0: {  	s28 =	simm.s32 $0xAF80  }
0xf1: {  	[tilespmem:s28], [sflag:$0x2] =	stream.indirect_vreg.gather [hbm4b:s15+s17], $0x80, v0, vm0, $0xb8;
	[tilespmem:$0x1A780] =	vst v63  }
0xf2: {  	v0 =	vld [tilespmem:$0x1410];
	_ =	sdelay $0x4  }
0xf3: {  	v5 =	vshrl.u32 v0, $0x3  }
0xf4: {  	v5 =	vmul.u32 $0x30, v5  }
0xf5: {  	v0 =	vand.u32 $0x7, v0  }
0xf6: {  	v0 =	vor.u32 v0, v5  }
0xf7: {  	v5 =	vperm.xlane v0, v1;
	_ =	sdelay $0x1  }
0xf8: {  	v5 =	vadd.s32 v2, v5;
	_ =	sdelay $0x3  }
0xf9: {  	s29 =	simm.s32 $0xB780;
	v0 =	vperm.xlane v0, v3  }
0xfa: {  	[tilespmem:s29], [sflag:$0x2] =	stream.indirect_vreg.gather [hbm4b:s2+s17], $0x80, v5, vm0, $0xb8;
	[tilespmem:$0x1A780] =	vst v63  }
0xfb: {  	s30 =	simm.s32 $0xBF80;
	v0 =	vadd.s32 v2, v0  }
0xfc: {  	[tilespmem:s30], [sflag:$0x2] =	stream.indirect_vreg.gather [hbm4b:s14+s17], $0x80, v5, vm0, $0xb8;
	[tilespmem:$0x1A780] =	vst v63  }
0xfd: {  	s31 =	simm.s32 $0xC780  }
0xfe: {  	[tilespmem:s31], [sflag:$0x2] =	stream.indirect_vreg.gather [hbm4b:s15+s17], $0x80, v5, vm0, $0xb8;
	[tilespmem:$0x1A780] =	vst v63  }
0xff: {  	s23 =	simm.s32 $0xCF80  }
0x100: {  	[tilespmem:s23], [sflag:$0x2] =	stream.indirect_vreg.gather [hbm4b:s2+s17], $0x80, v0, vm0, $0xb8;
	[tilespmem:$0x1A780] =	vst v63  }
0x101: {  	s24 =	simm.s32 $0xD780  }
0x102: {  	[tilespmem:s24], [sflag:$0x2] =	stream.indirect_vreg.gather [hbm4b:s14+s17], $0x80, v0, vm0, $0xb8;
	[tilespmem:$0x1A780] =	vst v63  }
0x103: {  	s25 =	simm.s32 $0xDF80  }
0x104: {  	[tilespmem:s25], [sflag:$0x2] =	stream.indirect_vreg.gather [hbm4b:s15+s17], $0x80, v0, vm0, $0xb8;
	[tilespmem:$0x1A780] =	vst v63  }
0x105: {  	v0 =	vld [tilespmem:$0x1420];
	_ =	sdelay $0x4  }
0x106: {  	v5 =	vshrl.u32 v0, $0x3  }
0x107: {  	v5 =	vmul.u32 $0x30, v5  }
0x108: {  	v0 =	vand.u32 $0x7, v0  }
0x109: {  	v0 =	vor.u32 v0, v5  }
0x10a: {  	v5 =	vperm.xlane v0, v1;
	_ =	sdelay $0x1  }
0x10b: {  	v5 =	vadd.s32 v2, v5;
	_ =	sdelay $0x3  }
0x10c: {  	s28 =	simm.s32 $0x14780;
	v0 =	vperm.xlane v0, v3  }
0x10d: {  	[tilespmem:s28], [sflag:$0x4] =	stream.indirect_vreg.gather [hbm4b:s2+s17], $0x80, v5, vm0, $0xb8;
	[tilespmem:$0x1A780] =	vst v63  }
0x10e: {  	s29 =	simm.s32 $0x14F80;
	v0 =	vadd.s32 v2, v0  }
0x10f: {  	[tilespmem:s29], [sflag:$0x4] =	stream.indirect_vreg.gather [hbm4b:s14+s17], $0x80, v5, vm0, $0xb8;
	[tilespmem:$0x1A780] =	vst v63  }
0x110: {  	s30 =	simm.s32 $0x15780  }
0x111: {  	[tilespmem:s30], [sflag:$0x4] =	stream.indirect_vreg.gather [hbm4b:s15+s17], $0x80, v5, vm0, $0xb8;
	[tilespmem:$0x1A780] =	vst v63  }
0x112: {  	s31 =	simm.s32 $0x15F80  }
0x113: {  	[tilespmem:s31], [sflag:$0x4] =	stream.indirect_vreg.gather [hbm4b:s2+s17], $0x80, v0, vm0, $0xb8;
	[tilespmem:$0x1A780] =	vst v63  }
0x114: {  	s23 =	simm.s32 $0x16780  }
0x115: {  	[tilespmem:s23], [sflag:$0x4] =	stream.indirect_vreg.gather [hbm4b:s14+s17], $0x80, v0, vm0, $0xb8;
	[tilespmem:$0x1A780] =	vst v63  }
0x116: {  	s24 =	simm.s32 $0x16F80  }
0x117: {  	[tilespmem:s24], [sflag:$0x4] =	stream.indirect_vreg.gather [hbm4b:s15+s17], $0x80, v0, vm0, $0xb8;
	[tilespmem:$0x1A780] =	vst v63  }
0x118: {  	v0 =	vld [tilespmem:$0x1430];
	_ =	sdelay $0x4  }
0x119: {  	v5 =	vshrl.u32 v0, $0x3  }
0x11a: {  	v5 =	vmul.u32 $0x30, v5  }
0x11b: {  	v0 =	vand.u32 $0x7, v0  }
0x11c: {  	v0 =	vor.u32 v0, v5  }
0x11d: {  	v5 =	vperm.xlane v0, v1;
	_ =	sdelay $0x1  }
0x11e: {  	v5 =	vadd.s32 v2, v5;
	_ =	sdelay $0x3  }
0x11f: {  	s25 =	simm.s32 $0x17780;
	v0 =	vperm.xlane v0, v3  }
0x120: {  	[tilespmem:s25], [sflag:$0x4] =	stream.indirect_vreg.gather [hbm4b:s2+s17], $0x80, v5, vm0, $0xb8;
	[tilespmem:$0x1A780] =	vst v63  }
0x121: {  	s28 =	simm.s32 $0x17F80;
	v0 =	vadd.s32 v2, v0  }
0x122: {  	[tilespmem:s28], [sflag:$0x4] =	stream.indirect_vreg.gather [hbm4b:s14+s17], $0x80, v5, vm0, $0xb8;
	[tilespmem:$0x1A780] =	vst v63  }
0x123: {  	s29 =	simm.s32 $0x18780  }
0x124: {  	[tilespmem:s29], [sflag:$0x4] =	stream.indirect_vreg.gather [hbm4b:s15+s17], $0x80, v5, vm0, $0xb8;
	[tilespmem:$0x1A780] =	vst v63  }
0x125: {  	s30 =	simm.s32 $0x18F80  }
0x126: {  	[tilespmem:s30], [sflag:$0x4] =	stream.indirect_vreg.gather [hbm4b:s2+s17], $0x80, v0, vm0, $0xb8;
	[tilespmem:$0x1A780] =	vst v63  }
0x127: {  	_ = 	snop  }
0x128: {  	[tilespmem:s0], [sflag:$0x4] =	stream.indirect_vreg.gather [hbm4b:s14+s17], $0x80, v0, vm0, $0xb8;
	[tilespmem:$0x1A780] =	vst v63  }
0x129: {  	s31 =	rddreg [dreg:$0x4]  }
0x12a: {  	[tilespmem:s6], [sflag:$0x4] =	stream.indirect_vreg.gather [hbm4b:s15+s17], $0x80, v0, vm0, $0xb8;
	[tilespmem:$0x1A780] =	vst v63  }
0x12b: {  	s23 =	simm.s32 $0x80;
	s24 =	simm.s32 $0x100;
	s25 =	simm.s32 $0x1880  }
0x12c: {  	[tilespmem:s25], [sflag:$0x7] =	stream.strided.gather [hbm4b:s31+s23], $0x300, s24, s23, $0x38;
	[tilespmem:$0x1A780] =	vst v63  }
0x12d: {  	_ =	swait.ge [sflag:s20], $0x300  }
0x12e: {  	[sflag:s20] =	ssyncset.done $0x0  }
0x12f: {  	[sflag:s20] =	ssyncadd.s32 $0xFFFFFD00  }
0x130: {  	s29 =	simm.s32 $0x1B80;
	s28 =	rddreg [dreg:$0x5]  }
0x131: {  	[tilespmem:s29], [sflag:$0x7] =	stream.strided.gather [hbm4b:s28+s23], $0x300, s24, s23, $0x38;
	[tilespmem:$0x1A780] =	vst v63  }
0x132: {  	_ =	swait.ge [sflag:s20], $0x300  }
0x133: {  	[sflag:s20] =	ssyncset.done $0x0  }
0x134: {  	s31 =	simm.s32 $0x1E80;
	s30 =	rddreg [dreg:$0xb];
	[sflag:s20] =	ssyncadd.s32 $0xFFFFFD00  }
0x135: {  	[tilespmem:s31], [sflag:$0x7] =	stream.strided.gather [hbm4b:s30+s23], $0x300, s24, s23, $0x38;
	[tilespmem:$0x1A780] =	vst v63  }
0x136: {  	_ =	swait.ge [sflag:s20], $0x300  }
0x137: {  	[sflag:s20] =	ssyncset.done $0x0  }
0x138: {  	s18 =	simm.s32 $0x0;
	[sflag:s20] =	ssyncadd.s32 $0xFFFFFD00  }
0x139: {  	v0 =	vld [tilespmem:s18+$0x1B80]  }
0x13a: {  	v5 =	vld [tilespmem:s18+$0x1E80]  }
0x13b: {  	v6 =	vld [tilespmem:s18+$0x1880]  }
0x13c: {  	s20 =	simm.s32 $0x40  }
.LBB2_7:
0x13d: {  	p1 =	sne.s32 s20, $0xBC0  }
.Ltmp7:
0x13e: {  	s23 =	sshra.s32 s20, $0x2;
	v7 =	vmov v0;
	(pc) =	sbr.rel @p1 .LBB2_7-.Ltmp7, $4  }
0x13f: {  	s20 =	sadd.s32 $0x40, s20;
	v0 =	vld [tilespmem:s23+$0x1B80];
	v8 =	vsub.f32 v5, v7  }
0x140: {  	v5 =	vld [tilespmem:s23+$0x1E80];
	v7 =	vadd.f32 v7, v6  }
0x141: {  	v6 =	vld [tilespmem:s23+$0x1880];
	[tilespmem:s18+$0x2480] =	vst v8  }
0x142: {  	[tilespmem:s18+$0x2180] =	vst v7;
	s18 =	smov.u32 s23  }
0x143: {  	_ =	sdelay $0x1  }
0x144: {  	v5 =	vsub.f32 v5, v0  }
0x145: {  	v0 =	vadd.f32 v0, v6  }
0x146: {  	[tilespmem:s18+$0x2480] =	vst v5  }
0x147: {  	[tilespmem:s18+$0x2180] =	vst v0  }
.LBB2_9:
0x148: {  	_ =	swait.ge [sflag:s3], $0x6000  }
0x149: {  	[sflag:s3] =	ssyncset.done $0x0  }
0x14a: {  	[sflag:s3] =	ssyncadd.s32 $0xFFFFA000  }
0x14b: {  	_ =	swait.ge [sflag:s4], $0x6000  }
0x14c: {  	v5 =	vlaneseq.u32;
	[sflag:s4] =	ssyncset.done $0x0  }
0x14d: {  	s18 =	sshll.u32 s17, $0x6;
	v14 =	vmul.u32 $0x10, v5;
	[sflag:s4] =	ssyncadd.s32 $0xFFFFA000  }
0x14e: {  	v0 =	vld [tilespmem:s18+$0x1200]  }
0x14f: {  	v5 =	vor.u32 $0x1, v14  }
0x150: {  	v6 =	vor.u32 $0x2, v14;
	[tilespmem:$0x1FED0] =	vst v5  }
0x151: {  	v7 =	vor.u32 $0x3, v14;
	[tilespmem:$0x1FEE0] =	vst v6  }
0x152: {  	v8 =	vor.u32 $0x4, v14;
	[tilespmem:$0x1FEF0] =	vst v7  }
0x153: {  	v9 =	vor.u32 $0x5, v14;
	[tilespmem:$0x1FF00] =	vst v8;
	v0 =	vcvt.s32.f32 v0  }
0x154: {  	s20 =	simm.s32 $0x1680;
	[tilespmem:$0x1FF10] =	vst v9  }
0x155: {  	[tilespmem:v14+s20+$0x0] =	vst.idx.msk $0xffff, v0  }
0x156: {  	[tilespmem:v5+s20+$0x0] =	vst.idx.msk $0xffff, v0  }
0x157: {  	v5 =	vor.u32 $0x6, v14;
	[tilespmem:v6+s20+$0x0] =	vst.idx.msk $0xffff, v0  }
0x158: {  	v6 =	vor.u32 $0x7, v14;
	[tilespmem:$0x1FF20] =	vst v5  }
0x159: {  	[tilespmem:v7+s20+$0x0] =	vst.idx.msk $0xffff, v0;
	v7 =	vor.u32 $0x8, v14  }
0x15a: {  	[tilespmem:v8+s20+$0x0] =	vst.idx.msk $0xffff, v0;
	v8 =	vor.u32 $0x9, v14  }
0x15b: {  	[tilespmem:v9+s20+$0x0] =	vst.idx.msk $0xffff, v0;
	v9 =	vor.u32 $0xA, v14  }
0x15c: {  	[tilespmem:v5+s20+$0x0] =	vst.idx.msk $0xffff, v0;
	v5 =	vor.u32 $0xB, v14  }
0x15d: {  	v26 =	vor.u32 $0xC, v14;
	[tilespmem:v6+s20+$0x0] =	vst.idx.msk $0xffff, v0  }
0x15e: {  	v27 =	vor.u32 $0xD, v14;
	[tilespmem:v7+s20+$0x0] =	vst.idx.msk $0xffff, v0  }
0x15f: {  	v28 =	vor.u32 $0xE, v14;
	[tilespmem:v8+s20+$0x0] =	vst.idx.msk $0xffff, v0  }
0x160: {  	v29 =	vor.u32 $0xF, v14;
	[tilespmem:v9+s20+$0x0] =	vst.idx.msk $0xffff, v0  }
0x161: {  	[tilespmem:v5+s20+$0x0] =	vst.idx.msk $0xffff, v0  }
0x162: {  	[tilespmem:v26+s20+$0x0] =	vst.idx.msk $0xffff, v0  }
0x163: {  	[tilespmem:v27+s20+$0x0] =	vst.idx.msk $0xffff, v0  }
0x164: {  	[tilespmem:v28+s20+$0x0] =	vst.idx.msk $0xffff, v0  }
0x165: {  	[tilespmem:v29+s20+$0x0] =	vst.idx.msk $0xffff, v0  }
0x166: {  	v0 =	vld [tilespmem:s18+$0x1210];
	_ =	sdelay $0x1  }
0x167: {  	v30 =	vor.u32 $0x100, v14  }
0x168: {  	v31 =	vor.u32 $0x101, v14  }
0x169: {  	v32 =	vor.u32 $0x102, v14  }
0x16a: {  	v33 =	vor.u32 $0x103, v14;
	v0 =	vcvt.s32.f32 v0  }
0x16b: {  	v34 =	vor.u32 $0x104, v14  }
0x16c: {  	v35 =	vor.u32 $0x105, v14;
	[tilespmem:v30+s20+$0x0] =	vst.idx.msk $0xffff, v0  }
0x16d: {  	v36 =	vor.u32 $0x106, v14;
	[tilespmem:v31+s20+$0x0] =	vst.idx.msk $0xffff, v0  }
0x16e: {  	v37 =	vor.u32 $0x107, v14;
	[tilespmem:v32+s20+$0x0] =	vst.idx.msk $0xffff, v0  }
0x16f: {  	v38 =	vor.u32 $0x108, v14;
	[tilespmem:v33+s20+$0x0] =	vst.idx.msk $0xffff, v0  }
0x170: {  	v39 =	vor.u32 $0x109, v14;
	[tilespmem:v34+s20+$0x0] =	vst.idx.msk $0xffff, v0  }
0x171: {  	v40 =	vor.u32 $0x10A, v14;
	[tilespmem:v35+s20+$0x0] =	vst.idx.msk $0xffff, v0  }
0x172: {  	v41 =	vor.u32 $0x10B, v14;
	[tilespmem:v36+s20+$0x0] =	vst.idx.msk $0xffff, v0  }
0x173: {  	v42 =	vor.u32 $0x10C, v14;
	[tilespmem:v37+s20+$0x0] =	vst.idx.msk $0xffff, v0  }
0x174: {  	v43 =	vor.u32 $0x10D, v14;
	[tilespmem:v38+s20+$0x0] =	vst.idx.msk $0xffff, v0  }
0x175: {  	v44 =	vor.u32 $0x10E, v14;
	[tilespmem:v39+s20+$0x0] =	vst.idx.msk $0xffff, v0  }
0x176: {  	v45 =	vor.u32 $0x10F, v14;
	[tilespmem:v40+s20+$0x0] =	vst.idx.msk $0xffff, v0  }
0x177: {  	[tilespmem:v41+s20+$0x0] =	vst.idx.msk $0xffff, v0  }
0x178: {  	[tilespmem:v42+s20+$0x0] =	vst.idx.msk $0xffff, v0  }
0x179: {  	[tilespmem:v43+s20+$0x0] =	vst.idx.msk $0xffff, v0  }
0x17a: {  	[tilespmem:v44+s20+$0x0] =	vst.idx.msk $0xffff, v0  }
0x17b: {  	[tilespmem:v45+s20+$0x0] =	vst.idx.msk $0xffff, v0  }
0x17c: {  	v51 =	vld [tilespmem:$0x2180]  }
0x17d: {  	v53 =	vld [tilespmem:$0x2190]  }
0x17e: {  	v48 =	vld [tilespmem:$0x21A0]  }
0x17f: {  	v50 =	vld [tilespmem:$0x21B0]  }
0x180: {  	v47 =	vld [tilespmem:$0x21C0]  }
0x181: {  	v46 =	vld [tilespmem:$0x21D0]  }
0x182: {  	v55 =	vld [tilespmem:$0x21E0]  }
0x183: {  	v49 =	vld [tilespmem:$0x21F0]  }
0x184: {  	v59 =	vld [tilespmem:$0x2480]  }
0x185: {  	v60 =	vld [tilespmem:$0x2490]  }
0x186: {  	v56 =	vld [tilespmem:$0x24A0]  }
0x187: {  	v58 =	vld [tilespmem:$0x24B0]  }
0x188: {  	s23 =	simm.s32 $0x0;
	v54 =	vld [tilespmem:$0x24C0]  }
0x189: {  	s24 =	simm.s32 $0x0;
	s23 =	smul.u32 $0x1800, s23;
	v52 =	vld [tilespmem:$0x24D0]  }
0x18a: {  	s24 =	sand.u32 $0x380, s24;
	v61 =	vld [tilespmem:$0x24E0]  }
0x18b: {  	s23 =	sor.u32 s24, s23;
	v57 =	vld [tilespmem:$0x24F0]  }
0x18c: {  	v0 =	vld [tilespmem:s23+$0x87F0]  }
0x18d: {  	[tilespmem:$0x1FF30] =	vst v6;
	v6 =	vld [tilespmem:s23+$0x87E0]  }
0x18e: {  	[tilespmem:$0x1FF40] =	vst v7;
	v7 =	vld [tilespmem:s23+$0x8790]  }
0x18f: {  	[tilespmem:$0x1FF50] =	vst v8;
	v8 =	vld [tilespmem:s23+$0x87C0]  }
0x190: {  	[tilespmem:$0x1FF60] =	vst v9;
	v9 =	vld [tilespmem:s23+$0x87B0]  }
0x191: {  	v10 =	vld [tilespmem:s23+$0x8780]  }
0x192: {  	v11 =	vld [tilespmem:s23+$0x2790]  }
0x193: {  	v12 =	vld [tilespmem:s23+$0x27E0]  }
0x194: {  	v15 =	vld [tilespmem:s23+$0x2780]  }
0x195: {  	v22 =	vld [tilespmem:s20+$0x0]  }
0x196: {  	s31 =	simm.s32 $0x0;
	v16 =	vld [tilespmem:s23+$0x27F0]  }
0x197: {  	s24 =	simm.s32 $0x80;
	s20 =	smul.u32 $0x1800, s31;
	v17 =	vld [tilespmem:s23+$0x27C0]  }
0x198: {  	s25 =	sand.u32 $0x380, s24;
	v18 =	vld [tilespmem:s23+$0x27B0]  }
0x199: {  	[tilespmem:$0x1FF70] =	vst v5;
	v5 =	vld [tilespmem:s23+$0x87A0];
	s20 =	sor.u32 s25, s20  }
0x19a: {  	v62 =	vld [tilespmem:s20+$0x87F0];
	v19 =	vadd.f32 v7, v11;
	v20 =	vadd.f32 v6, v12;
	v6 =	vmul.f32 v22, v61  }
0x19b: {  	v13 =	vld [tilespmem:s20+$0x87E0];
	v12 =	vmul.f32 v22, v60;
	v11 =	vadd.f32 v10, v15;
	v7 =	vadd.f32 v0, v16  }
0x19c: {  	v8 =	vadd.f32 v8, v17;
	v0 =	vld [tilespmem:s23+$0x27A0];
	v10 =	vadd.f32 v6, v55  }
0x19d: {  	v15 =	vadd.f32 v12, v53;
	v6 =	vld [tilespmem:s20+$0x87A0];
	v12 =	vadd.f32 v9, v18;
	v9 =	vmul.f32 v22, v59  }
0x19e: {  	v63 =	vld [tilespmem:s20+$0x8790];
	v16 =	vmul.f32 v22, v58;
	v18 =	vmul.f32 v22, v56;
	v20 =	vadd.f32 v20, v10  }
0x19f: {  	v17 =	vadd.f32 v19, v15;
	v10 =	vmul.f32 v22, v54;
	v21 =	vadd.f32 v9, v51;
	v9 =	vld [tilespmem:s23+$0x27D0]  }
0x1a0: {  	s28 =	simm.s32 $0x1690;
	s29 =	simm.s32 $0x2;
	s25 =	simm.s32 $0x1690;
	v19 =	vadd.f32 v16, v50;
	v16 =	vmul.f32 v22, v52;
	v22 =	vmul.f32 v22, v57;
	v15 =	vld [tilespmem:s23+$0x87D0]  }
.LBB2_10:
0x1a1: {  	p1 =	sne.s32 s29, $0x1F;
	s24 =	sadd.s32 $0x80, s24;
	s28 =	sadd.s32 $0x10, s28;
	v11 =	vadd.f32 v11, v21;
	v18 =	vadd.f32 v18, v48;
	[tilespmem:s23+$0x27E0] =	vst v20  }
0x1a2: {  	v0 =	vadd.f32 v5, v0;
	v5 =	vmov v6;
	s30 =	smov.u32 s29;
	s29 =	sadd.s32 $0x1, s29;
	v20 =	vld [tilespmem:s20+$0x87C0];
	v21 =	vadd.f32 v22, v49  }
0x1a3: {  	v10 =	vadd.f32 v10, v47;
	v6 =	vadd.f32 v12, v19;
	v22 =	vld [tilespmem:s20+$0x87B0];
	[tilespmem:s23+$0x2780] =	vst v11  }
0x1a4: {  	v12 =	vadd.f32 v16, v46;
	v11 =	vld [tilespmem:s20+$0x8780];
	[tilespmem:s23+$0x2790] =	vst v17;
	v7 =	vadd.f32 v7, v21  }
0x1a5: {  	v0 =	vadd.f32 v0, v18;
	v16 =	vld [tilespmem:s20+$0x2790];
	[tilespmem:s23+$0x27B0] =	vst v6;
	v6 =	vadd.f32 v15, v9  }
0x1a6: {  	v8 =	vadd.f32 v8, v10;
	v9 =	vld [tilespmem:s20+$0x27E0];
	[tilespmem:s23+$0x27F0] =	vst v7  }
0x1a7: {  	v7 =	vld [tilespmem:s20+$0x2780];
	[tilespmem:s23+$0x27A0] =	vst v0;
	v0 =	vadd.f32 v6, v12  }
0x1a8: {  	s30 =	sshrl.u32 s30, $0x3;
	v10 =	vld [tilespmem:s20+$0x27F0];
	[tilespmem:s23+$0x27C0] =	vst v8  }
0x1a9: {  	s30 =	smul.u32 $0x1800, s30;
	v8 =	vld [tilespmem:s20+$0x27C0];
	[tilespmem:s23+$0x27D0] =	vst v0;
	s23 =	smov.u32 s20  }
0x1aa: {  	s20 =	sand.u32 $0x380, s24;
	v23 =	vld [tilespmem:s25+$0x0];
	v15 =	vadd.f32 v63, v16;
	s25 =	smov.u32 s28  }
0x1ab: {  	s20 =	sor.u32 s20, s30;
	v12 =	vld [tilespmem:s23+$0x27B0];
	v17 =	vadd.f32 v13, v9  }
0x1ac: {  	v9 =	vld [tilespmem:s20+$0x87F0]  }
0x1ad: {  	v11 =	vadd.f32 v11, v7;
	v13 =	vld [tilespmem:s20+$0x87E0]  }
0x1ae: {  	v63 =	vld [tilespmem:s20+$0x8790]  }
0x1af: {  	v7 =	vadd.f32 v62, v10;
	v6 =	vld [tilespmem:s20+$0x87A0];
	v16 =	vmul.f32 v23, v59;
	v19 =	vmul.f32 v23, v61  }
.Ltmp8:
0x1b0: {  	v21 =	vmul.f32 v23, v60;
	v10 =	vmul.f32 v23, v54;
	v0 =	vld [tilespmem:s23+$0x27A0];
	(pc) =	sbr.rel @p1 .LBB2_10-.Ltmp8, $4  }
0x1b1: {  	v18 =	vmul.f32 v23, v56;
	v12 =	vadd.f32 v22, v12;
	v19 =	vadd.f32 v19, v55;
	v62 =	vmovc v9  }
0x1b2: {  	v8 =	vadd.f32 v20, v8;
	v24 =	vmul.f32 v23, v58;
	v22 =	vadd.f32 v21, v53  }
0x1b3: {  	v21 =	vadd.f32 v16, v51;
	v16 =	vmul.f32 v23, v52;
	v9 =	vld [tilespmem:s23+$0x27D0];
	v20 =	vadd.f32 v17, v19  }
0x1b4: {  	v17 =	vadd.f32 v15, v22;
	v19 =	vadd.f32 v24, v50;
	v22 =	vmul.f32 v23, v57;
	v15 =	vld [tilespmem:s23+$0x87D0]  }
0x1b5: {  	[tilespmem:s23+$0x27E0] =	vst v20;
	v11 =	vadd.f32 v11, v21  }
0x1b6: {  	v0 =	vadd.f32 v5, v0;
	v20 =	vld [tilespmem:s20+$0x87C0]  }
0x1b7: {  	v21 =	vld [tilespmem:s20+$0x87B0];
	v22 =	vadd.f32 v22, v49;
	v12 =	vadd.f32 v12, v19;
	[tilespmem:s23+$0x2780] =	vst v11  }
0x1b8: {  	v10 =	vadd.f32 v10, v47;
	v11 =	vld [tilespmem:s20+$0x8780];
	[tilespmem:s23+$0x2790] =	vst v17;
	v17 =	vadd.f32 v18, v48  }
0x1b9: {  	v7 =	vadd.f32 v7, v22;
	v5 =	vld [tilespmem:s20+$0x2790];
	[tilespmem:s23+$0x27B0] =	vst v12;
	v12 =	vadd.f32 v16, v46  }
0x1ba: {  	v9 =	vadd.f32 v15, v9;
	v0 =	vadd.f32 v0, v17  }
0x1bb: {  	v8 =	vadd.f32 v8, v10;
	v16 =	vld [tilespmem:s20+$0x27E0];
	[tilespmem:s23+$0x27F0] =	vst v7  }
0x1bc: {  	v7 =	vld [tilespmem:s20+$0x2780];
	v9 =	vadd.f32 v9, v12;
	[tilespmem:s23+$0x27A0] =	vst v0  }
0x1bd: {  	v0 =	vld [tilespmem:s20+$0x27F0];
	[tilespmem:s23+$0x27C0] =	vst v8  }
0x1be: {  	v8 =	vld [tilespmem:s20+$0x27C0];
	[tilespmem:s23+$0x27D0] =	vst v9  }
0x1bf: {  	v9 =	vld [tilespmem:s25+$0x0];
	_ =	sdelay $0x2  }
0x1c0: {  	v10 =	vld [tilespmem:s20+$0x27B0];
	_ =	sdelay $0x1  }
0x1c1: {  	v5 =	vadd.f32 v63, v5;
	v12 =	vadd.f32 v13, v16;
	v13 =	vmul.f32 v9, v61  }
0x1c2: {  	v7 =	vadd.f32 v11, v7;
	v16 =	vld [tilespmem:s20+$0x27A0];
	v0 =	vadd.f32 v62, v0;
	v11 =	vmul.f32 v9, v60  }
0x1c3: {  	v8 =	vadd.f32 v20, v8;
	v15 =	vmul.f32 v9, v59;
	v13 =	vadd.f32 v13, v55  }
0x1c4: {  	v10 =	vadd.f32 v21, v10;
	v17 =	vmul.f32 v9, v58;
	v11 =	vadd.f32 v11, v53  }
0x1c5: {  	v19 =	vld [tilespmem:s20+$0x27D0];
	v18 =	vmul.f32 v9, v56;
	v15 =	vadd.f32 v15, v51;
	v12 =	vadd.f32 v12, v13  }
0x1c6: {  	v5 =	vadd.f32 v5, v11;
	v11 =	vadd.f32 v17, v50;
	v13 =	vld [tilespmem:s20+$0x87D0];
	v17 =	vmul.f32 v9, v57  }
0x1c7: {  	v20 =	vmul.f32 v9, v54;
	v6 =	vadd.f32 v6, v16;
	v7 =	vadd.f32 v7, v15  }
0x1c8: {  	v15 =	vadd.f32 v18, v48;
	v9 =	vmul.f32 v9, v52;
	[tilespmem:s20+$0x27E0] =	vst v12;
	v12 =	vadd.f32 v17, v49  }
0x1c9: {  	[tilespmem:s20+$0x2780] =	vst v7;
	v7 =	vadd.f32 v10, v11;
	v10 =	vadd.f32 v20, v47  }
0x1ca: {  	[tilespmem:s20+$0x2790] =	vst v5;
	v5 =	vadd.f32 v9, v46;
	v6 =	vadd.f32 v6, v15  }
0x1cb: {  	v0 =	vadd.f32 v0, v12;
	[tilespmem:s20+$0x27B0] =	vst v7;
	v7 =	vadd.f32 v13, v19  }
0x1cc: {  	v8 =	vadd.f32 v8, v10;
	[tilespmem:s20+$0x27A0] =	vst v6  }
0x1cd: {  	[tilespmem:s20+$0x27F0] =	vst v0;
	v0 =	vadd.f32 v7, v5  }
0x1ce: {  	[tilespmem:s20+$0x27C0] =	vst v8  }
0x1cf: {  	[tilespmem:s20+$0x27D0] =	vst v0  }
0x1d0: {  	v51 =	vld [tilespmem:$0x2200]  }
0x1d1: {  	v53 =	vld [tilespmem:$0x2210]  }
0x1d2: {  	v48 =	vld [tilespmem:$0x2220]  }
0x1d3: {  	v50 =	vld [tilespmem:$0x2230]  }
0x1d4: {  	v47 =	vld [tilespmem:$0x2240]  }
0x1d5: {  	v46 =	vld [tilespmem:$0x2250]  }
0x1d6: {  	v55 =	vld [tilespmem:$0x2260]  }
0x1d7: {  	v49 =	vld [tilespmem:$0x2270]  }
0x1d8: {  	v59 =	vld [tilespmem:$0x2500]  }
0x1d9: {  	v60 =	vld [tilespmem:$0x2510]  }
0x1da: {  	v56 =	vld [tilespmem:$0x2520]  }
0x1db: {  	v58 =	vld [tilespmem:$0x2530]  }
0x1dc: {  	v54 =	vld [tilespmem:$0x2540]  }
0x1dd: {  	s24 =	simm.s32 $0x0;
	v52 =	vld [tilespmem:$0x2550]  }
0x1de: {  	s25 =	simm.s32 $0x0;
	s20 =	smul.u32 $0x1800, s24;
	v61 =	vld [tilespmem:$0x2560]  }
0x1df: {  	s30 =	simm.s32 $0x1680;
	s23 =	sand.u32 $0x380, s25;
	v57 =	vld [tilespmem:$0x2570]  }
0x1e0: {  	v22 =	vld [tilespmem:s30+$0x0];
	s23 =	sor.u32 s23, s20  }
0x1e1: {  	v0 =	vld [tilespmem:s23+$0x8BF0]  }
0x1e2: {  	v5 =	vld [tilespmem:s23+$0x8BE0]  }
0x1e3: {  	v6 =	vld [tilespmem:s23+$0x8B90]  }
0x1e4: {  	v62 =	vld [tilespmem:s23+$0x8BA0]  }
0x1e5: {  	v8 =	vld [tilespmem:s23+$0x8BC0]  }
0x1e6: {  	v10 =	vld [tilespmem:s23+$0x8BB0]  }
0x1e7: {  	v7 =	vld [tilespmem:s23+$0x8B80]  }
0x1e8: {  	v9 =	vld [tilespmem:s23+$0x2B90]  }
0x1e9: {  	v11 =	vld [tilespmem:s23+$0x2BE0]  }
0x1ea: {  	s31 =	simm.s32 $0x0;
	v12 =	vld [tilespmem:s23+$0x2B80]  }
0x1eb: {  	s24 =	simm.s32 $0x80;
	s30 =	smul.u32 $0x1800, s31;
	v15 =	vld [tilespmem:s23+$0x2BF0]  }
0x1ec: {  	s31 =	sand.u32 $0x380, s24;
	v16 =	vld [tilespmem:s23+$0x2BB0]  }
0x1ed: {  	v18 =	vld [tilespmem:s23+$0x2BC0];
	s20 =	sor.u32 s31, s30  }
0x1ee: {  	v13 =	vld [tilespmem:s20+$0x8BF0];
	v20 =	vmul.f32 v22, v59;
	v23 =	vmul.f32 v22, v61  }
0x1ef: {  	v63 =	vld [tilespmem:s20+$0x8BE0];
	v17 =	vmul.f32 v22, v56;
	v19 =	vadd.f32 v6, v9;
	v21 =	vadd.f32 v5, v11  }
0x1f0: {  	v11 =	vadd.f32 v7, v12;
	v7 =	vadd.f32 v0, v15;
	v15 =	vmul.f32 v22, v60;
	v6 =	vld [tilespmem:s20+$0x8BA0]  }
0x1f1: {  	v24 =	vmul.f32 v22, v58;
	v12 =	vadd.f32 v10, v16;
	v16 =	vadd.f32 v23, v55;
	v0 =	vld [tilespmem:s23+$0x2BA0]  }
0x1f2: {  	v5 =	vld [tilespmem:s20+$0x8B90];
	v9 =	vmul.f32 v22, v54;
	v8 =	vadd.f32 v8, v18;
	v23 =	vadd.f32 v15, v53  }
0x1f3: {  	v20 =	vadd.f32 v20, v51;
	v10 =	vld [tilespmem:s23+$0x2BD0];
	v15 =	vmul.f32 v22, v52;
	v21 =	vadd.f32 v21, v16  }
0x1f4: {  	s28 =	simm.s32 $0x1690;
	s29 =	simm.s32 $0x2;
	s25 =	simm.s32 $0x1690;
	v16 =	vld [tilespmem:s23+$0x8BD0];
	v22 =	vmul.f32 v22, v57;
	v18 =	vadd.f32 v19, v23;
	v19 =	vadd.f32 v24, v50  }
.LBB2_12:
0x1f5: {  	p1 =	sne.s32 s29, $0x1F;
	s24 =	sadd.s32 $0x80, s24;
	s28 =	sadd.s32 $0x10, s28;
	v11 =	vadd.f32 v11, v20;
	v17 =	vadd.f32 v17, v48;
	[tilespmem:s23+$0x2BE0] =	vst v21  }
0x1f6: {  	v0 =	vadd.f32 v62, v0;
	v62 =	vmov v6;
	s30 =	smov.u32 s29;
	s29 =	sadd.s32 $0x1, s29;
	v20 =	vld [tilespmem:s20+$0x8BC0];
	v21 =	vadd.f32 v22, v49  }
0x1f7: {  	v9 =	vadd.f32 v9, v47;
	v6 =	vadd.f32 v12, v19;
	v22 =	vld [tilespmem:s20+$0x8BB0];
	[tilespmem:s23+$0x2B80] =	vst v11  }
0x1f8: {  	v12 =	vadd.f32 v15, v46;
	v11 =	vld [tilespmem:s20+$0x8B80];
	[tilespmem:s23+$0x2B90] =	vst v18;
	v7 =	vadd.f32 v7, v21  }
0x1f9: {  	v0 =	vadd.f32 v0, v17;
	v15 =	vld [tilespmem:s20+$0x2B90];
	[tilespmem:s23+$0x2BB0] =	vst v6;
	v6 =	vadd.f32 v16, v10  }
0x1fa: {  	v8 =	vadd.f32 v8, v9;
	v10 =	vld [tilespmem:s20+$0x2BE0];
	[tilespmem:s23+$0x2BF0] =	vst v7  }
0x1fb: {  	v7 =	vld [tilespmem:s20+$0x2B80];
	[tilespmem:s23+$0x2BA0] =	vst v0;
	v0 =	vadd.f32 v6, v12  }
0x1fc: {  	s30 =	sshrl.u32 s30, $0x3;
	v9 =	vld [tilespmem:s20+$0x2BF0];
	[tilespmem:s23+$0x2BC0] =	vst v8  }
0x1fd: {  	s30 =	smul.u32 $0x1800, s30;
	v8 =	vld [tilespmem:s20+$0x2BC0];
	[tilespmem:s23+$0x2BD0] =	vst v0;
	s23 =	smov.u32 s20  }
0x1fe: {  	s20 =	sand.u32 $0x380, s24;
	v23 =	vld [tilespmem:s25+$0x0];
	v16 =	vadd.f32 v5, v15;
	s25 =	smov.u32 s28  }
0x1ff: {  	s20 =	sor.u32 s20, s30;
	v12 =	vld [tilespmem:s23+$0x2BB0];
	v18 =	vadd.f32 v63, v10  }
0x200: {  	v10 =	vld [tilespmem:s20+$0x8BF0]  }
0x201: {  	v11 =	vadd.f32 v11, v7;
	v63 =	vld [tilespmem:s20+$0x8BE0]  }
0x202: {  	v5 =	vld [tilespmem:s20+$0x8B90]  }
0x203: {  	v7 =	vadd.f32 v13, v9;
	v6 =	vld [tilespmem:s20+$0x8BA0];
	v15 =	vmul.f32 v23, v59;
	v19 =	vmul.f32 v23, v61  }
.Ltmp9:
0x204: {  	v21 =	vmul.f32 v23, v60;
	v9 =	vmul.f32 v23, v54;
	v0 =	vld [tilespmem:s23+$0x2BA0];
	(pc) =	sbr.rel @p1 .LBB2_12-.Ltmp9, $4  }
0x205: {  	v17 =	vmul.f32 v23, v56;
	v12 =	vadd.f32 v22, v12;
	v19 =	vadd.f32 v19, v55;
	v13 =	vmovc v10  }
0x206: {  	v8 =	vadd.f32 v20, v8;
	v24 =	vmul.f32 v23, v58;
	v22 =	vadd.f32 v21, v53  }
0x207: {  	v20 =	vadd.f32 v15, v51;
	v15 =	vmul.f32 v23, v52;
	v10 =	vld [tilespmem:s23+$0x2BD0];
	v21 =	vadd.f32 v18, v19  }
0x208: {  	v18 =	vadd.f32 v16, v22;
	v19 =	vadd.f32 v24, v50;
	v22 =	vmul.f32 v23, v57;
	v16 =	vld [tilespmem:s23+$0x8BD0]  }
0x209: {  	[tilespmem:s23+$0x2BE0] =	vst v21;
	v11 =	vadd.f32 v11, v20;
	v17 =	vadd.f32 v17, v48  }
0x20a: {  	v0 =	vadd.f32 v62, v0;
	v20 =	vld [tilespmem:s20+$0x8BC0];
	v22 =	vadd.f32 v22, v49  }
0x20b: {  	v9 =	vadd.f32 v9, v47;
	v21 =	vld [tilespmem:s20+$0x8BB0];
	v12 =	vadd.f32 v12, v19;
	[tilespmem:s23+$0x2B80] =	vst v11  }
0x20c: {  	v0 =	vadd.f32 v0, v17;
	v11 =	vld [tilespmem:s20+$0x8B80];
	[tilespmem:s23+$0x2B90] =	vst v18;
	v7 =	vadd.f32 v7, v22  }
0x20d: {  	v18 =	vld [tilespmem:s20+$0x2B90];
	[tilespmem:s23+$0x2BB0] =	vst v12;
	v12 =	vadd.f32 v15, v46;
	v10 =	vadd.f32 v16, v10  }
0x20e: {  	v8 =	vadd.f32 v8, v9;
	v15 =	vld [tilespmem:s20+$0x2BE0];
	[tilespmem:s23+$0x2BF0] =	vst v7  }
0x20f: {  	v7 =	vld [tilespmem:s20+$0x2B80];
	[tilespmem:s23+$0x2BA0] =	vst v0;
	v9 =	vadd.f32 v10, v12  }
0x210: {  	v0 =	vld [tilespmem:s20+$0x2BF0];
	[tilespmem:s23+$0x2BC0] =	vst v8  }
0x211: {  	v8 =	vld [tilespmem:s20+$0x2BC0];
	[tilespmem:s23+$0x2BD0] =	vst v9  }
0x212: {  	v9 =	vld [tilespmem:s25+$0x0];
	_ =	sdelay $0x2  }
0x213: {  	v10 =	vld [tilespmem:s20+$0x2BB0];
	_ =	sdelay $0x1  }
0x214: {  	v5 =	vadd.f32 v5, v18;
	v12 =	vadd.f32 v63, v15;
	v15 =	vmul.f32 v9, v61  }
0x215: {  	v16 =	vld [tilespmem:s20+$0x2BA0];
	v7 =	vadd.f32 v11, v7;
	v0 =	vadd.f32 v13, v0;
	v11 =	vmul.f32 v9, v60  }
0x216: {  	v8 =	vadd.f32 v20, v8;
	v13 =	vmul.f32 v9, v59;
	v15 =	vadd.f32 v15, v55  }
0x217: {  	v10 =	vadd.f32 v21, v10;
	v17 =	vmul.f32 v9, v58;
	v11 =	vadd.f32 v11, v53  }
0x218: {  	v19 =	vld [tilespmem:s20+$0x2BD0];
	v18 =	vmul.f32 v9, v56;
	v13 =	vadd.f32 v13, v51;
	v12 =	vadd.f32 v12, v15  }
0x219: {  	v5 =	vadd.f32 v5, v11;
	v11 =	vadd.f32 v17, v50;
	v15 =	vld [tilespmem:s20+$0x8BD0];
	v17 =	vmul.f32 v9, v57  }
0x21a: {  	v20 =	vmul.f32 v9, v54;
	v6 =	vadd.f32 v6, v16;
	v7 =	vadd.f32 v7, v13  }
0x21b: {  	v13 =	vadd.f32 v18, v48;
	v9 =	vmul.f32 v9, v52;
	[tilespmem:s20+$0x2BE0] =	vst v12;
	v12 =	vadd.f32 v17, v49  }
0x21c: {  	[tilespmem:s20+$0x2B80] =	vst v7;
	v7 =	vadd.f32 v10, v11;
	v10 =	vadd.f32 v20, v47  }
0x21d: {  	[tilespmem:s20+$0x2B90] =	vst v5;
	v5 =	vadd.f32 v9, v46;
	v6 =	vadd.f32 v6, v13  }
0x21e: {  	v0 =	vadd.f32 v0, v12;
	[tilespmem:s20+$0x2BB0] =	vst v7;
	v7 =	vadd.f32 v15, v19  }
0x21f: {  	v8 =	vadd.f32 v8, v10;
	[tilespmem:s20+$0x2BA0] =	vst v6  }
0x220: {  	[tilespmem:s20+$0x2BF0] =	vst v0;
	v0 =	vadd.f32 v7, v5  }
0x221: {  	[tilespmem:s20+$0x2BC0] =	vst v8  }
0x222: {  	[tilespmem:s20+$0x2BD0] =	vst v0  }
0x223: {  	v51 =	vld [tilespmem:$0x2280]  }
0x224: {  	v53 =	vld [tilespmem:$0x2290]  }
0x225: {  	v48 =	vld [tilespmem:$0x22A0]  }
0x226: {  	v50 =	vld [tilespmem:$0x22B0]  }
0x227: {  	v47 =	vld [tilespmem:$0x22C0]  }
0x228: {  	v46 =	vld [tilespmem:$0x22D0]  }
0x229: {  	v55 =	vld [tilespmem:$0x22E0]  }
0x22a: {  	v49 =	vld [tilespmem:$0x22F0]  }
0x22b: {  	v59 =	vld [tilespmem:$0x2580]  }
0x22c: {  	v60 =	vld [tilespmem:$0x2590]  }
0x22d: {  	v56 =	vld [tilespmem:$0x25A0]  }
0x22e: {  	v58 =	vld [tilespmem:$0x25B0]  }
0x22f: {  	v54 =	vld [tilespmem:$0x25C0]  }
0x230: {  	s24 =	simm.s32 $0x0;
	v52 =	vld [tilespmem:$0x25D0]  }
0x231: {  	s25 =	simm.s32 $0x0;
	s20 =	smul.u32 $0x1800, s24;
	v61 =	vld [tilespmem:$0x25E0]  }
0x232: {  	s30 =	simm.s32 $0x1680;
	s23 =	sand.u32 $0x380, s25;
	v57 =	vld [tilespmem:$0x25F0]  }
0x233: {  	v22 =	vld [tilespmem:s30+$0x0];
	s23 =	sor.u32 s23, s20  }
0x234: {  	v0 =	vld [tilespmem:s23+$0x8FF0]  }
0x235: {  	v5 =	vld [tilespmem:s23+$0x8FE0]  }
0x236: {  	v6 =	vld [tilespmem:s23+$0x8F90]  }
0x237: {  	v62 =	vld [tilespmem:s23+$0x8FA0]  }
0x238: {  	v8 =	vld [tilespmem:s23+$0x8FC0]  }
0x239: {  	v10 =	vld [tilespmem:s23+$0x8FB0]  }
0x23a: {  	v7 =	vld [tilespmem:s23+$0x8F80]  }
0x23b: {  	v9 =	vld [tilespmem:s23+$0x2F90]  }
0x23c: {  	v11 =	vld [tilespmem:s23+$0x2FE0]  }
0x23d: {  	s31 =	simm.s32 $0x0;
	v12 =	vld [tilespmem:s23+$0x2F80]  }
0x23e: {  	s24 =	simm.s32 $0x80;
	s30 =	smul.u32 $0x1800, s31;
	v15 =	vld [tilespmem:s23+$0x2FF0]  }
0x23f: {  	s31 =	sand.u32 $0x380, s24;
	v16 =	vld [tilespmem:s23+$0x2FB0]  }
0x240: {  	v18 =	vld [tilespmem:s23+$0x2FC0];
	s20 =	sor.u32 s31, s30  }
0x241: {  	v13 =	vld [tilespmem:s20+$0x8FF0];
	v20 =	vmul.f32 v22, v59;
	v23 =	vmul.f32 v22, v61  }
0x242: {  	v63 =	vld [tilespmem:s20+$0x8FE0];
	v17 =	vmul.f32 v22, v56;
	v19 =	vadd.f32 v6, v9;
	v21 =	vadd.f32 v5, v11  }
0x243: {  	v11 =	vadd.f32 v7, v12;
	v7 =	vadd.f32 v0, v15;
	v15 =	vmul.f32 v22, v60;
	v6 =	vld [tilespmem:s20+$0x8FA0]  }
0x244: {  	v24 =	vmul.f32 v22, v58;
	v12 =	vadd.f32 v10, v16;
	v16 =	vadd.f32 v23, v55;
	v0 =	vld [tilespmem:s23+$0x2FA0]  }
0x245: {  	v5 =	vld [tilespmem:s20+$0x8F90];
	v9 =	vmul.f32 v22, v54;
	v8 =	vadd.f32 v8, v18;
	v23 =	vadd.f32 v15, v53  }
0x246: {  	v20 =	vadd.f32 v20, v51;
	v10 =	vld [tilespmem:s23+$0x2FD0];
	v15 =	vmul.f32 v22, v52;
	v21 =	vadd.f32 v21, v16  }
0x247: {  	s28 =	simm.s32 $0x1690;
	s29 =	simm.s32 $0x2;
	s25 =	simm.s32 $0x1690;
	v16 =	vld [tilespmem:s23+$0x8FD0];
	v22 =	vmul.f32 v22, v57;
	v18 =	vadd.f32 v19, v23;
	v19 =	vadd.f32 v24, v50  }
.LBB2_14:
0x248: {  	p1 =	sne.s32 s29, $0x1F;
	s24 =	sadd.s32 $0x80, s24;
	s28 =	sadd.s32 $0x10, s28;
	v11 =	vadd.f32 v11, v20;
	v17 =	vadd.f32 v17, v48;
	[tilespmem:s23+$0x2FE0] =	vst v21  }
0x249: {  	v0 =	vadd.f32 v62, v0;
	v62 =	vmov v6;
	s30 =	smov.u32 s29;
	s29 =	sadd.s32 $0x1, s29;
	v20 =	vld [tilespmem:s20+$0x8FC0];
	v21 =	vadd.f32 v22, v49  }
0x24a: {  	v9 =	vadd.f32 v9, v47;
	v6 =	vadd.f32 v12, v19;
	v22 =	vld [tilespmem:s20+$0x8FB0];
	[tilespmem:s23+$0x2F80] =	vst v11  }
0x24b: {  	v12 =	vadd.f32 v15, v46;
	v11 =	vld [tilespmem:s20+$0x8F80];
	[tilespmem:s23+$0x2F90] =	vst v18;
	v7 =	vadd.f32 v7, v21  }
0x24c: {  	v0 =	vadd.f32 v0, v17;
	v15 =	vld [tilespmem:s20+$0x2F90];
	[tilespmem:s23+$0x2FB0] =	vst v6;
	v6 =	vadd.f32 v16, v10  }
0x24d: {  	v8 =	vadd.f32 v8, v9;
	v10 =	vld [tilespmem:s20+$0x2FE0];
	[tilespmem:s23+$0x2FF0] =	vst v7  }
0x24e: {  	v7 =	vld [tilespmem:s20+$0x2F80];
	[tilespmem:s23+$0x2FA0] =	vst v0;
	v0 =	vadd.f32 v6, v12  }
0x24f: {  	s30 =	sshrl.u32 s30, $0x3;
	v9 =	vld [tilespmem:s20+$0x2FF0];
	[tilespmem:s23+$0x2FC0] =	vst v8  }
0x250: {  	s30 =	smul.u32 $0x1800, s30;
	v8 =	vld [tilespmem:s20+$0x2FC0];
	[tilespmem:s23+$0x2FD0] =	vst v0;
	s23 =	smov.u32 s20  }
0x251: {  	s20 =	sand.u32 $0x380, s24;
	v23 =	vld [tilespmem:s25+$0x0];
	v16 =	vadd.f32 v5, v15;
	s25 =	smov.u32 s28  }
0x252: {  	s20 =	sor.u32 s20, s30;
	v12 =	vld [tilespmem:s23+$0x2FB0];
	v18 =	vadd.f32 v63, v10  }
0x253: {  	v10 =	vld [tilespmem:s20+$0x8FF0]  }
0x254: {  	v11 =	vadd.f32 v11, v7;
	v63 =	vld [tilespmem:s20+$0x8FE0]  }
0x255: {  	v5 =	vld [tilespmem:s20+$0x8F90]  }
0x256: {  	v7 =	vadd.f32 v13, v9;
	v6 =	vld [tilespmem:s20+$0x8FA0];
	v15 =	vmul.f32 v23, v59;
	v19 =	vmul.f32 v23, v61  }
.Ltmp10:
0x257: {  	v21 =	vmul.f32 v23, v60;
	v9 =	vmul.f32 v23, v54;
	v0 =	vld [tilespmem:s23+$0x2FA0];
	(pc) =	sbr.rel @p1 .LBB2_14-.Ltmp10, $4  }
0x258: {  	v17 =	vmul.f32 v23, v56;
	v12 =	vadd.f32 v22, v12;
	v19 =	vadd.f32 v19, v55;
	v13 =	vmovc v10  }
0x259: {  	v8 =	vadd.f32 v20, v8;
	v24 =	vmul.f32 v23, v58;
	v22 =	vadd.f32 v21, v53  }
0x25a: {  	v20 =	vadd.f32 v15, v51;
	v15 =	vmul.f32 v23, v52;
	v10 =	vld [tilespmem:s23+$0x2FD0];
	v21 =	vadd.f32 v18, v19  }
0x25b: {  	v18 =	vadd.f32 v16, v22;
	v19 =	vadd.f32 v24, v50;
	v22 =	vmul.f32 v23, v57;
	v16 =	vld [tilespmem:s23+$0x8FD0]  }
0x25c: {  	[tilespmem:s23+$0x2FE0] =	vst v21;
	v11 =	vadd.f32 v11, v20;
	v17 =	vadd.f32 v17, v48  }
0x25d: {  	v0 =	vadd.f32 v62, v0;
	v20 =	vld [tilespmem:s20+$0x8FC0];
	v22 =	vadd.f32 v22, v49  }
0x25e: {  	v9 =	vadd.f32 v9, v47;
	v21 =	vld [tilespmem:s20+$0x8FB0];
	v12 =	vadd.f32 v12, v19;
	[tilespmem:s23+$0x2F80] =	vst v11  }
0x25f: {  	v0 =	vadd.f32 v0, v17;
	v11 =	vld [tilespmem:s20+$0x8F80];
	[tilespmem:s23+$0x2F90] =	vst v18;
	v7 =	vadd.f32 v7, v22  }
0x260: {  	v18 =	vld [tilespmem:s20+$0x2F90];
	[tilespmem:s23+$0x2FB0] =	vst v12;
	v12 =	vadd.f32 v15, v46;
	v10 =	vadd.f32 v16, v10  }
0x261: {  	v8 =	vadd.f32 v8, v9;
	v15 =	vld [tilespmem:s20+$0x2FE0];
	[tilespmem:s23+$0x2FF0] =	vst v7  }
0x262: {  	v7 =	vld [tilespmem:s20+$0x2F80];
	[tilespmem:s23+$0x2FA0] =	vst v0;
	v9 =	vadd.f32 v10, v12  }
0x263: {  	v0 =	vld [tilespmem:s20+$0x2FF0];
	[tilespmem:s23+$0x2FC0] =	vst v8  }
0x264: {  	v8 =	vld [tilespmem:s20+$0x2FC0];
	[tilespmem:s23+$0x2FD0] =	vst v9  }
0x265: {  	v9 =	vld [tilespmem:s25+$0x0];
	_ =	sdelay $0x2  }
0x266: {  	v10 =	vld [tilespmem:s20+$0x2FB0];
	_ =	sdelay $0x1  }
0x267: {  	v5 =	vadd.f32 v5, v18;
	v12 =	vadd.f32 v63, v15;
	v15 =	vmul.f32 v9, v61  }
0x268: {  	v16 =	vld [tilespmem:s20+$0x2FA0];
	v7 =	vadd.f32 v11, v7;
	v0 =	vadd.f32 v13, v0;
	v11 =	vmul.f32 v9, v60  }
0x269: {  	v8 =	vadd.f32 v20, v8;
	v13 =	vmul.f32 v9, v59;
	v15 =	vadd.f32 v15, v55  }
0x26a: {  	v10 =	vadd.f32 v21, v10;
	v17 =	vmul.f32 v9, v58;
	v11 =	vadd.f32 v11, v53  }
0x26b: {  	v19 =	vld [tilespmem:s20+$0x2FD0];
	v18 =	vmul.f32 v9, v56;
	v13 =	vadd.f32 v13, v51;
	v12 =	vadd.f32 v12, v15  }
0x26c: {  	v5 =	vadd.f32 v5, v11;
	v11 =	vadd.f32 v17, v50;
	v15 =	vld [tilespmem:s20+$0x8FD0];
	v17 =	vmul.f32 v9, v57  }
0x26d: {  	v20 =	vmul.f32 v9, v54;
	v6 =	vadd.f32 v6, v16;
	v7 =	vadd.f32 v7, v13  }
0x26e: {  	v13 =	vadd.f32 v18, v48;
	v9 =	vmul.f32 v9, v52;
	[tilespmem:s20+$0x2FE0] =	vst v12;
	v12 =	vadd.f32 v17, v49  }
0x26f: {  	[tilespmem:s20+$0x2F80] =	vst v7;
	v7 =	vadd.f32 v10, v11;
	v10 =	vadd.f32 v20, v47  }
0x270: {  	[tilespmem:s20+$0x2F90] =	vst v5;
	v5 =	vadd.f32 v9, v46;
	v6 =	vadd.f32 v6, v13  }
0x271: {  	v0 =	vadd.f32 v0, v12;
	[tilespmem:s20+$0x2FB0] =	vst v7;
	v7 =	vadd.f32 v15, v19  }
0x272: {  	v8 =	vadd.f32 v8, v10;
	[tilespmem:s20+$0x2FA0] =	vst v6  }
0x273: {  	[tilespmem:s20+$0x2FF0] =	vst v0;
	v0 =	vadd.f32 v7, v5  }
0x274: {  	[tilespmem:s20+$0x2FC0] =	vst v8  }
0x275: {  	[tilespmem:s20+$0x2FD0] =	vst v0  }
0x276: {  	v51 =	vld [tilespmem:$0x2300]  }
0x277: {  	v53 =	vld [tilespmem:$0x2310]  }
0x278: {  	v48 =	vld [tilespmem:$0x2320]  }
0x279: {  	v50 =	vld [tilespmem:$0x2330]  }
0x27a: {  	v47 =	vld [tilespmem:$0x2340]  }
0x27b: {  	v46 =	vld [tilespmem:$0x2350]  }
0x27c: {  	v55 =	vld [tilespmem:$0x2360]  }
0x27d: {  	v49 =	vld [tilespmem:$0x2370]  }
0x27e: {  	v59 =	vld [tilespmem:$0x2600]  }
0x27f: {  	v60 =	vld [tilespmem:$0x2610]  }
0x280: {  	v56 =	vld [tilespmem:$0x2620]  }
0x281: {  	v58 =	vld [tilespmem:$0x2630]  }
0x282: {  	v54 =	vld [tilespmem:$0x2640]  }
0x283: {  	s24 =	simm.s32 $0x0;
	v52 =	vld [tilespmem:$0x2650]  }
0x284: {  	s25 =	simm.s32 $0x0;
	s20 =	smul.u32 $0x1800, s24;
	v61 =	vld [tilespmem:$0x2660]  }
0x285: {  	s30 =	simm.s32 $0x1680;
	s23 =	sand.u32 $0x380, s25;
	v57 =	vld [tilespmem:$0x2670]  }
0x286: {  	v22 =	vld [tilespmem:s30+$0x0];
	s23 =	sor.u32 s23, s20  }
0x287: {  	v0 =	vld [tilespmem:s23+$0x93F0]  }
0x288: {  	v5 =	vld [tilespmem:s23+$0x93E0]  }
0x289: {  	v6 =	vld [tilespmem:s23+$0x9390]  }
0x28a: {  	v62 =	vld [tilespmem:s23+$0x93A0]  }
0x28b: {  	v8 =	vld [tilespmem:s23+$0x93C0]  }
0x28c: {  	v10 =	vld [tilespmem:s23+$0x93B0]  }
0x28d: {  	v7 =	vld [tilespmem:s23+$0x9380]  }
0x28e: {  	v9 =	vld [tilespmem:s23+$0x3390]  }
0x28f: {  	v11 =	vld [tilespmem:s23+$0x33E0]  }
0x290: {  	s31 =	simm.s32 $0x0;
	v12 =	vld [tilespmem:s23+$0x3380]  }
0x291: {  	s24 =	simm.s32 $0x80;
	s30 =	smul.u32 $0x1800, s31;
	v15 =	vld [tilespmem:s23+$0x33F0]  }
0x292: {  	s31 =	sand.u32 $0x380, s24;
	v16 =	vld [tilespmem:s23+$0x33B0]  }
0x293: {  	v18 =	vld [tilespmem:s23+$0x33C0];
	s20 =	sor.u32 s31, s30  }
0x294: {  	v13 =	vld [tilespmem:s20+$0x93F0];
	v20 =	vmul.f32 v22, v59;
	v23 =	vmul.f32 v22, v61  }
0x295: {  	v63 =	vld [tilespmem:s20+$0x93E0];
	v17 =	vmul.f32 v22, v56;
	v19 =	vadd.f32 v6, v9;
	v21 =	vadd.f32 v5, v11  }
0x296: {  	v11 =	vadd.f32 v7, v12;
	v7 =	vadd.f32 v0, v15;
	v15 =	vmul.f32 v22, v60;
	v6 =	vld [tilespmem:s20+$0x93A0]  }
0x297: {  	v24 =	vmul.f32 v22, v58;
	v12 =	vadd.f32 v10, v16;
	v16 =	vadd.f32 v23, v55;
	v0 =	vld [tilespmem:s23+$0x33A0]  }
0x298: {  	v5 =	vld [tilespmem:s20+$0x9390];
	v9 =	vmul.f32 v22, v54;
	v8 =	vadd.f32 v8, v18;
	v23 =	vadd.f32 v15, v53  }
0x299: {  	v20 =	vadd.f32 v20, v51;
	v10 =	vld [tilespmem:s23+$0x33D0];
	v15 =	vmul.f32 v22, v52;
	v21 =	vadd.f32 v21, v16  }
0x29a: {  	s28 =	simm.s32 $0x1690;
	s29 =	simm.s32 $0x2;
	s25 =	simm.s32 $0x1690;
	v16 =	vld [tilespmem:s23+$0x93D0];
	v22 =	vmul.f32 v22, v57;
	v18 =	vadd.f32 v19, v23;
	v19 =	vadd.f32 v24, v50  }
.LBB2_16:
0x29b: {  	p1 =	sne.s32 s29, $0x1F;
	s24 =	sadd.s32 $0x80, s24;
	s28 =	sadd.s32 $0x10, s28;
	v11 =	vadd.f32 v11, v20;
	v17 =	vadd.f32 v17, v48;
	[tilespmem:s23+$0x33E0] =	vst v21  }
0x29c: {  	v0 =	vadd.f32 v62, v0;
	v62 =	vmov v6;
	s30 =	smov.u32 s29;
	s29 =	sadd.s32 $0x1, s29;
	v20 =	vld [tilespmem:s20+$0x93C0];
	v21 =	vadd.f32 v22, v49  }
0x29d: {  	v9 =	vadd.f32 v9, v47;
	v6 =	vadd.f32 v12, v19;
	v22 =	vld [tilespmem:s20+$0x93B0];
	[tilespmem:s23+$0x3380] =	vst v11  }
0x29e: {  	v12 =	vadd.f32 v15, v46;
	v11 =	vld [tilespmem:s20+$0x9380];
	[tilespmem:s23+$0x3390] =	vst v18;
	v7 =	vadd.f32 v7, v21  }
0x29f: {  	v0 =	vadd.f32 v0, v17;
	v15 =	vld [tilespmem:s20+$0x3390];
	[tilespmem:s23+$0x33B0] =	vst v6;
	v6 =	vadd.f32 v16, v10  }
0x2a0: {  	v8 =	vadd.f32 v8, v9;
	v10 =	vld [tilespmem:s20+$0x33E0];
	[tilespmem:s23+$0x33F0] =	vst v7  }
0x2a1: {  	v7 =	vld [tilespmem:s20+$0x3380];
	[tilespmem:s23+$0x33A0] =	vst v0;
	v0 =	vadd.f32 v6, v12  }
0x2a2: {  	s30 =	sshrl.u32 s30, $0x3;
	v9 =	vld [tilespmem:s20+$0x33F0];
	[tilespmem:s23+$0x33C0] =	vst v8  }
0x2a3: {  	s30 =	smul.u32 $0x1800, s30;
	v8 =	vld [tilespmem:s20+$0x33C0];
	[tilespmem:s23+$0x33D0] =	vst v0;
	s23 =	smov.u32 s20  }
0x2a4: {  	s20 =	sand.u32 $0x380, s24;
	v23 =	vld [tilespmem:s25+$0x0];
	v16 =	vadd.f32 v5, v15;
	s25 =	smov.u32 s28  }
0x2a5: {  	s20 =	sor.u32 s20, s30;
	v12 =	vld [tilespmem:s23+$0x33B0];
	v18 =	vadd.f32 v63, v10  }
0x2a6: {  	v10 =	vld [tilespmem:s20+$0x93F0]  }
0x2a7: {  	v11 =	vadd.f32 v11, v7;
	v63 =	vld [tilespmem:s20+$0x93E0]  }
0x2a8: {  	v5 =	vld [tilespmem:s20+$0x9390]  }
0x2a9: {  	v7 =	vadd.f32 v13, v9;
	v6 =	vld [tilespmem:s20+$0x93A0];
	v15 =	vmul.f32 v23, v59;
	v19 =	vmul.f32 v23, v61  }
.Ltmp11:
0x2aa: {  	v21 =	vmul.f32 v23, v60;
	v9 =	vmul.f32 v23, v54;
	v0 =	vld [tilespmem:s23+$0x33A0];
	(pc) =	sbr.rel @p1 .LBB2_16-.Ltmp11, $4  }
0x2ab: {  	v17 =	vmul.f32 v23, v56;
	v12 =	vadd.f32 v22, v12;
	v19 =	vadd.f32 v19, v55;
	v13 =	vmovc v10  }
0x2ac: {  	v8 =	vadd.f32 v20, v8;
	v24 =	vmul.f32 v23, v58;
	v22 =	vadd.f32 v21, v53  }
0x2ad: {  	v20 =	vadd.f32 v15, v51;
	v15 =	vmul.f32 v23, v52;
	v10 =	vld [tilespmem:s23+$0x33D0];
	v21 =	vadd.f32 v18, v19  }
0x2ae: {  	v18 =	vadd.f32 v16, v22;
	v19 =	vadd.f32 v24, v50;
	v22 =	vmul.f32 v23, v57;
	v16 =	vld [tilespmem:s23+$0x93D0]  }
0x2af: {  	[tilespmem:s23+$0x33E0] =	vst v21;
	v11 =	vadd.f32 v11, v20;
	v17 =	vadd.f32 v17, v48  }
0x2b0: {  	v0 =	vadd.f32 v62, v0;
	v20 =	vld [tilespmem:s20+$0x93C0];
	v22 =	vadd.f32 v22, v49  }
0x2b1: {  	v9 =	vadd.f32 v9, v47;
	v21 =	vld [tilespmem:s20+$0x93B0];
	v12 =	vadd.f32 v12, v19;
	[tilespmem:s23+$0x3380] =	vst v11  }
0x2b2: {  	v0 =	vadd.f32 v0, v17;
	v11 =	vld [tilespmem:s20+$0x9380];
	[tilespmem:s23+$0x3390] =	vst v18;
	v7 =	vadd.f32 v7, v22  }
0x2b3: {  	v18 =	vld [tilespmem:s20+$0x3390];
	[tilespmem:s23+$0x33B0] =	vst v12;
	v12 =	vadd.f32 v15, v46;
	v10 =	vadd.f32 v16, v10  }
0x2b4: {  	v8 =	vadd.f32 v8, v9;
	v15 =	vld [tilespmem:s20+$0x33E0];
	[tilespmem:s23+$0x33F0] =	vst v7  }
0x2b5: {  	v7 =	vld [tilespmem:s20+$0x3380];
	[tilespmem:s23+$0x33A0] =	vst v0;
	v9 =	vadd.f32 v10, v12  }
0x2b6: {  	v0 =	vld [tilespmem:s20+$0x33F0];
	[tilespmem:s23+$0x33C0] =	vst v8  }
0x2b7: {  	v8 =	vld [tilespmem:s20+$0x33C0];
	[tilespmem:s23+$0x33D0] =	vst v9  }
0x2b8: {  	v9 =	vld [tilespmem:s25+$0x0];
	_ =	sdelay $0x2  }
0x2b9: {  	v10 =	vld [tilespmem:s20+$0x33B0];
	_ =	sdelay $0x1  }
0x2ba: {  	v5 =	vadd.f32 v5, v18;
	v12 =	vadd.f32 v63, v15;
	v15 =	vmul.f32 v9, v61  }
0x2bb: {  	v16 =	vld [tilespmem:s20+$0x33A0];
	v7 =	vadd.f32 v11, v7;
	v0 =	vadd.f32 v13, v0;
	v11 =	vmul.f32 v9, v60  }
0x2bc: {  	v8 =	vadd.f32 v20, v8;
	v13 =	vmul.f32 v9, v59;
	v15 =	vadd.f32 v15, v55  }
0x2bd: {  	v10 =	vadd.f32 v21, v10;
	v17 =	vmul.f32 v9, v58;
	v11 =	vadd.f32 v11, v53  }
0x2be: {  	v19 =	vld [tilespmem:s20+$0x33D0];
	v18 =	vmul.f32 v9, v56;
	v13 =	vadd.f32 v13, v51;
	v12 =	vadd.f32 v12, v15  }
0x2bf: {  	v5 =	vadd.f32 v5, v11;
	v11 =	vadd.f32 v17, v50;
	v15 =	vld [tilespmem:s20+$0x93D0];
	v17 =	vmul.f32 v9, v57  }
0x2c0: {  	v20 =	vmul.f32 v9, v54;
	v6 =	vadd.f32 v6, v16;
	v7 =	vadd.f32 v7, v13  }
0x2c1: {  	v13 =	vadd.f32 v18, v48;
	v9 =	vmul.f32 v9, v52;
	[tilespmem:s20+$0x33E0] =	vst v12;
	v12 =	vadd.f32 v17, v49  }
0x2c2: {  	[tilespmem:s20+$0x3380] =	vst v7;
	v7 =	vadd.f32 v10, v11;
	v10 =	vadd.f32 v20, v47  }
0x2c3: {  	[tilespmem:s20+$0x3390] =	vst v5;
	v5 =	vadd.f32 v9, v46;
	v6 =	vadd.f32 v6, v13  }
0x2c4: {  	v0 =	vadd.f32 v0, v12;
	[tilespmem:s20+$0x33B0] =	vst v7;
	v7 =	vadd.f32 v15, v19  }
0x2c5: {  	v8 =	vadd.f32 v8, v10;
	[tilespmem:s20+$0x33A0] =	vst v6  }
0x2c6: {  	[tilespmem:s20+$0x33F0] =	vst v0;
	v0 =	vadd.f32 v7, v5  }
0x2c7: {  	[tilespmem:s20+$0x33C0] =	vst v8  }
0x2c8: {  	[tilespmem:s20+$0x33D0] =	vst v0  }
0x2c9: {  	v51 =	vld [tilespmem:$0x2380]  }
0x2ca: {  	v53 =	vld [tilespmem:$0x2390]  }
0x2cb: {  	v48 =	vld [tilespmem:$0x23A0]  }
0x2cc: {  	v50 =	vld [tilespmem:$0x23B0]  }
0x2cd: {  	v47 =	vld [tilespmem:$0x23C0]  }
0x2ce: {  	v46 =	vld [tilespmem:$0x23D0]  }
0x2cf: {  	v55 =	vld [tilespmem:$0x23E0]  }
0x2d0: {  	v49 =	vld [tilespmem:$0x23F0]  }
0x2d1: {  	v59 =	vld [tilespmem:$0x2680]  }
0x2d2: {  	v60 =	vld [tilespmem:$0x2690]  }
0x2d3: {  	v56 =	vld [tilespmem:$0x26A0]  }
0x2d4: {  	v58 =	vld [tilespmem:$0x26B0]  }
0x2d5: {  	v54 =	vld [tilespmem:$0x26C0]  }
0x2d6: {  	s24 =	simm.s32 $0x0;
	v52 =	vld [tilespmem:$0x26D0]  }
0x2d7: {  	s25 =	simm.s32 $0x0;
	s20 =	smul.u32 $0x1800, s24;
	v61 =	vld [tilespmem:$0x26E0]  }
0x2d8: {  	s30 =	simm.s32 $0x1680;
	s23 =	sand.u32 $0x380, s25;
	v57 =	vld [tilespmem:$0x26F0]  }
0x2d9: {  	v22 =	vld [tilespmem:s30+$0x0];
	s23 =	sor.u32 s23, s20  }
0x2da: {  	v0 =	vld [tilespmem:s23+$0x97F0]  }
0x2db: {  	v5 =	vld [tilespmem:s23+$0x97E0]  }
0x2dc: {  	v6 =	vld [tilespmem:s23+$0x9790]  }
0x2dd: {  	v62 =	vld [tilespmem:s23+$0x97A0]  }
0x2de: {  	v8 =	vld [tilespmem:s23+$0x97C0]  }
0x2df: {  	v10 =	vld [tilespmem:s23+$0x97B0]  }
0x2e0: {  	v7 =	vld [tilespmem:s23+$0x9780]  }
0x2e1: {  	v9 =	vld [tilespmem:s23+$0x3790]  }
0x2e2: {  	v11 =	vld [tilespmem:s23+$0x37E0]  }
0x2e3: {  	s31 =	simm.s32 $0x0;
	v12 =	vld [tilespmem:s23+$0x3780]  }
0x2e4: {  	s24 =	simm.s32 $0x80;
	s30 =	smul.u32 $0x1800, s31;
	v15 =	vld [tilespmem:s23+$0x37F0]  }
0x2e5: {  	s31 =	sand.u32 $0x380, s24;
	v16 =	vld [tilespmem:s23+$0x37B0]  }
0x2e6: {  	v18 =	vld [tilespmem:s23+$0x37C0];
	s20 =	sor.u32 s31, s30  }
0x2e7: {  	v13 =	vld [tilespmem:s20+$0x97F0];
	v20 =	vmul.f32 v22, v59;
	v23 =	vmul.f32 v22, v61  }
0x2e8: {  	v63 =	vld [tilespmem:s20+$0x97E0];
	v17 =	vmul.f32 v22, v56;
	v19 =	vadd.f32 v6, v9;
	v21 =	vadd.f32 v5, v11  }
0x2e9: {  	v11 =	vadd.f32 v7, v12;
	v7 =	vadd.f32 v0, v15;
	v15 =	vmul.f32 v22, v60;
	v6 =	vld [tilespmem:s20+$0x97A0]  }
0x2ea: {  	v24 =	vmul.f32 v22, v58;
	v12 =	vadd.f32 v10, v16;
	v16 =	vadd.f32 v23, v55;
	v0 =	vld [tilespmem:s23+$0x37A0]  }
0x2eb: {  	v5 =	vld [tilespmem:s20+$0x9790];
	v9 =	vmul.f32 v22, v54;
	v8 =	vadd.f32 v8, v18;
	v23 =	vadd.f32 v15, v53  }
0x2ec: {  	v20 =	vadd.f32 v20, v51;
	v10 =	vld [tilespmem:s23+$0x37D0];
	v15 =	vmul.f32 v22, v52;
	v21 =	vadd.f32 v21, v16  }
0x2ed: {  	s28 =	simm.s32 $0x1690;
	s29 =	simm.s32 $0x2;
	s25 =	simm.s32 $0x1690;
	v16 =	vld [tilespmem:s23+$0x97D0];
	v22 =	vmul.f32 v22, v57;
	v18 =	vadd.f32 v19, v23;
	v19 =	vadd.f32 v24, v50  }
.LBB2_18:
0x2ee: {  	p1 =	sne.s32 s29, $0x1F;
	s24 =	sadd.s32 $0x80, s24;
	s28 =	sadd.s32 $0x10, s28;
	v11 =	vadd.f32 v11, v20;
	v17 =	vadd.f32 v17, v48;
	[tilespmem:s23+$0x37E0] =	vst v21  }
0x2ef: {  	v0 =	vadd.f32 v62, v0;
	v62 =	vmov v6;
	s30 =	smov.u32 s29;
	s29 =	sadd.s32 $0x1, s29;
	v20 =	vld [tilespmem:s20+$0x97C0];
	v21 =	vadd.f32 v22, v49  }
0x2f0: {  	v9 =	vadd.f32 v9, v47;
	v6 =	vadd.f32 v12, v19;
	v22 =	vld [tilespmem:s20+$0x97B0];
	[tilespmem:s23+$0x3780] =	vst v11  }
0x2f1: {  	v12 =	vadd.f32 v15, v46;
	v11 =	vld [tilespmem:s20+$0x9780];
	[tilespmem:s23+$0x3790] =	vst v18;
	v7 =	vadd.f32 v7, v21  }
0x2f2: {  	v0 =	vadd.f32 v0, v17;
	v15 =	vld [tilespmem:s20+$0x3790];
	[tilespmem:s23+$0x37B0] =	vst v6;
	v6 =	vadd.f32 v16, v10  }
0x2f3: {  	v8 =	vadd.f32 v8, v9;
	v10 =	vld [tilespmem:s20+$0x37E0];
	[tilespmem:s23+$0x37F0] =	vst v7  }
0x2f4: {  	v7 =	vld [tilespmem:s20+$0x3780];
	[tilespmem:s23+$0x37A0] =	vst v0;
	v0 =	vadd.f32 v6, v12  }
0x2f5: {  	s30 =	sshrl.u32 s30, $0x3;
	v9 =	vld [tilespmem:s20+$0x37F0];
	[tilespmem:s23+$0x37C0] =	vst v8  }
0x2f6: {  	s30 =	smul.u32 $0x1800, s30;
	v8 =	vld [tilespmem:s20+$0x37C0];
	[tilespmem:s23+$0x37D0] =	vst v0;
	s23 =	smov.u32 s20  }
0x2f7: {  	s20 =	sand.u32 $0x380, s24;
	v23 =	vld [tilespmem:s25+$0x0];
	v16 =	vadd.f32 v5, v15;
	s25 =	smov.u32 s28  }
0x2f8: {  	s20 =	sor.u32 s20, s30;
	v12 =	vld [tilespmem:s23+$0x37B0];
	v18 =	vadd.f32 v63, v10  }
0x2f9: {  	v10 =	vld [tilespmem:s20+$0x97F0]  }
0x2fa: {  	v11 =	vadd.f32 v11, v7;
	v63 =	vld [tilespmem:s20+$0x97E0]  }
0x2fb: {  	v5 =	vld [tilespmem:s20+$0x9790]  }
0x2fc: {  	v7 =	vadd.f32 v13, v9;
	v6 =	vld [tilespmem:s20+$0x97A0];
	v15 =	vmul.f32 v23, v59;
	v19 =	vmul.f32 v23, v61  }
.Ltmp12:
0x2fd: {  	v21 =	vmul.f32 v23, v60;
	v9 =	vmul.f32 v23, v54;
	v0 =	vld [tilespmem:s23+$0x37A0];
	(pc) =	sbr.rel @p1 .LBB2_18-.Ltmp12, $4  }
0x2fe: {  	v17 =	vmul.f32 v23, v56;
	v12 =	vadd.f32 v22, v12;
	v19 =	vadd.f32 v19, v55;
	v13 =	vmovc v10  }
0x2ff: {  	v8 =	vadd.f32 v20, v8;
	v24 =	vmul.f32 v23, v58;
	v22 =	vadd.f32 v21, v53  }
0x300: {  	v20 =	vadd.f32 v15, v51;
	v15 =	vmul.f32 v23, v52;
	v10 =	vld [tilespmem:s23+$0x37D0];
	v21 =	vadd.f32 v18, v19  }
0x301: {  	v18 =	vadd.f32 v16, v22;
	v19 =	vadd.f32 v24, v50;
	v22 =	vmul.f32 v23, v57;
	v16 =	vld [tilespmem:s23+$0x97D0]  }
0x302: {  	[tilespmem:s23+$0x37E0] =	vst v21;
	v11 =	vadd.f32 v11, v20;
	v17 =	vadd.f32 v17, v48  }
0x303: {  	v0 =	vadd.f32 v62, v0;
	v20 =	vld [tilespmem:s20+$0x97C0];
	v22 =	vadd.f32 v22, v49  }
0x304: {  	v9 =	vadd.f32 v9, v47;
	v21 =	vld [tilespmem:s20+$0x97B0];
	v12 =	vadd.f32 v12, v19;
	[tilespmem:s23+$0x3780] =	vst v11  }
0x305: {  	v0 =	vadd.f32 v0, v17;
	v11 =	vld [tilespmem:s20+$0x9780];
	[tilespmem:s23+$0x3790] =	vst v18;
	v7 =	vadd.f32 v7, v22  }
0x306: {  	v18 =	vld [tilespmem:s20+$0x3790];
	[tilespmem:s23+$0x37B0] =	vst v12;
	v12 =	vadd.f32 v15, v46;
	v10 =	vadd.f32 v16, v10  }
0x307: {  	v8 =	vadd.f32 v8, v9;
	v15 =	vld [tilespmem:s20+$0x37E0];
	[tilespmem:s23+$0x37F0] =	vst v7  }
0x308: {  	v7 =	vld [tilespmem:s20+$0x3780];
	[tilespmem:s23+$0x37A0] =	vst v0;
	v9 =	vadd.f32 v10, v12  }
0x309: {  	v0 =	vld [tilespmem:s20+$0x37F0];
	[tilespmem:s23+$0x37C0] =	vst v8  }
0x30a: {  	v8 =	vld [tilespmem:s20+$0x37C0];
	[tilespmem:s23+$0x37D0] =	vst v9  }
0x30b: {  	v9 =	vld [tilespmem:s25+$0x0];
	_ =	sdelay $0x2  }
0x30c: {  	v10 =	vld [tilespmem:s20+$0x37B0];
	_ =	sdelay $0x1  }
0x30d: {  	v5 =	vadd.f32 v5, v18;
	v12 =	vadd.f32 v63, v15;
	v15 =	vmul.f32 v9, v61  }
0x30e: {  	v16 =	vld [tilespmem:s20+$0x37A0];
	v7 =	vadd.f32 v11, v7;
	v0 =	vadd.f32 v13, v0;
	v11 =	vmul.f32 v9, v60  }
0x30f: {  	v8 =	vadd.f32 v20, v8;
	v13 =	vmul.f32 v9, v59;
	v15 =	vadd.f32 v15, v55  }
0x310: {  	v10 =	vadd.f32 v21, v10;
	v17 =	vmul.f32 v9, v58;
	v11 =	vadd.f32 v11, v53  }
0x311: {  	v19 =	vld [tilespmem:s20+$0x37D0];
	v18 =	vmul.f32 v9, v56;
	v13 =	vadd.f32 v13, v51;
	v12 =	vadd.f32 v12, v15  }
0x312: {  	v5 =	vadd.f32 v5, v11;
	v11 =	vadd.f32 v17, v50;
	v15 =	vld [tilespmem:s20+$0x97D0];
	v17 =	vmul.f32 v9, v57  }
0x313: {  	v20 =	vmul.f32 v9, v54;
	v6 =	vadd.f32 v6, v16;
	v7 =	vadd.f32 v7, v13  }
0x314: {  	v13 =	vadd.f32 v18, v48;
	v9 =	vmul.f32 v9, v52;
	[tilespmem:s20+$0x37E0] =	vst v12;
	v12 =	vadd.f32 v17, v49  }
0x315: {  	[tilespmem:s20+$0x3780] =	vst v7;
	v7 =	vadd.f32 v10, v11;
	v10 =	vadd.f32 v20, v47  }
0x316: {  	[tilespmem:s20+$0x3790] =	vst v5;
	v5 =	vadd.f32 v9, v46;
	v6 =	vadd.f32 v6, v13  }
0x317: {  	v0 =	vadd.f32 v0, v12;
	[tilespmem:s20+$0x37B0] =	vst v7;
	v7 =	vadd.f32 v15, v19  }
0x318: {  	v8 =	vadd.f32 v8, v10;
	[tilespmem:s20+$0x37A0] =	vst v6  }
0x319: {  	[tilespmem:s20+$0x37F0] =	vst v0;
	v0 =	vadd.f32 v7, v5  }
0x31a: {  	[tilespmem:s20+$0x37C0] =	vst v8  }
0x31b: {  	[tilespmem:s20+$0x37D0] =	vst v0  }
0x31c: {  	v51 =	vld [tilespmem:$0x2400]  }
0x31d: {  	v54 =	vld [tilespmem:$0x2410]  }
0x31e: {  	v48 =	vld [tilespmem:$0x2420]  }
0x31f: {  	v50 =	vld [tilespmem:$0x2430]  }
0x320: {  	v47 =	vld [tilespmem:$0x2440]  }
0x321: {  	v46 =	vld [tilespmem:$0x2450]  }
0x322: {  	v56 =	vld [tilespmem:$0x2460]  }
0x323: {  	v49 =	vld [tilespmem:$0x2470]  }
0x324: {  	v59 =	vld [tilespmem:$0x2700]  }
0x325: {  	v60 =	vld [tilespmem:$0x2710]  }
0x326: {  	v55 =	vld [tilespmem:$0x2720]  }
0x327: {  	v57 =	vld [tilespmem:$0x2730]  }
0x328: {  	v52 =	vld [tilespmem:$0x2740]  }
0x329: {  	s24 =	simm.s32 $0x0;
	v53 =	vld [tilespmem:$0x2750]  }
0x32a: {  	s25 =	simm.s32 $0x0;
	s20 =	smul.u32 $0x1800, s24;
	v61 =	vld [tilespmem:$0x2760]  }
0x32b: {  	s30 =	simm.s32 $0x1680;
	s23 =	sand.u32 $0x380, s25;
	v58 =	vld [tilespmem:$0x2770]  }
0x32c: {  	v21 =	vld [tilespmem:s30+$0x0];
	s23 =	sor.u32 s23, s20  }
0x32d: {  	v0 =	vld [tilespmem:s23+$0x9BF0]  }
0x32e: {  	v5 =	vld [tilespmem:s23+$0x9BE0]  }
0x32f: {  	v6 =	vld [tilespmem:s23+$0x9B90]  }
0x330: {  	v62 =	vld [tilespmem:s23+$0x9BA0]  }
0x331: {  	v9 =	vld [tilespmem:s23+$0x9BC0]  }
0x332: {  	v11 =	vld [tilespmem:s23+$0x9BB0]  }
0x333: {  	v7 =	vld [tilespmem:s23+$0x9B80]  }
0x334: {  	v8 =	vld [tilespmem:s23+$0x3B90]  }
0x335: {  	v10 =	vld [tilespmem:s23+$0x3BE0]  }
0x336: {  	s31 =	simm.s32 $0x0;
	v12 =	vld [tilespmem:s23+$0x3B80]  }
0x337: {  	s24 =	simm.s32 $0x80;
	s30 =	smul.u32 $0x1800, s31;
	v15 =	vld [tilespmem:s23+$0x3BF0]  }
0x338: {  	s31 =	sand.u32 $0x380, s24;
	v17 =	vld [tilespmem:s23+$0x3BB0]  }
0x339: {  	v18 =	vld [tilespmem:s23+$0x3BC0];
	s20 =	sor.u32 s31, s30  }
0x33a: {  	v13 =	vld [tilespmem:s20+$0x9BF0];
	v20 =	vmul.f32 v21, v59;
	v23 =	vmul.f32 v21, v61  }
0x33b: {  	v63 =	vld [tilespmem:s20+$0x9BE0];
	v16 =	vmul.f32 v21, v55;
	v19 =	vadd.f32 v6, v8;
	v22 =	vadd.f32 v5, v10  }
0x33c: {  	v10 =	vadd.f32 v7, v12;
	v7 =	vadd.f32 v0, v15;
	v0 =	vmul.f32 v21, v60;
	v6 =	vld [tilespmem:s20+$0x9BA0]  }
0x33d: {  	v24 =	vmul.f32 v21, v57;
	v12 =	vadd.f32 v11, v17;
	v17 =	vadd.f32 v23, v56;
	v15 =	vld [tilespmem:s23+$0x3BA0]  }
0x33e: {  	v5 =	vld [tilespmem:s20+$0x9B90];
	v8 =	vmul.f32 v21, v52;
	v9 =	vadd.f32 v9, v18;
	v23 =	vadd.f32 v0, v54  }
0x33f: {  	v20 =	vadd.f32 v20, v51;
	v11 =	vld [tilespmem:s23+$0x3BD0];
	v0 =	vmul.f32 v21, v53;
	v22 =	vadd.f32 v22, v17  }
0x340: {  	s28 =	simm.s32 $0x1690;
	s29 =	simm.s32 $0x2;
	s25 =	simm.s32 $0x1690;
	v17 =	vld [tilespmem:s23+$0x9BD0];
	v21 =	vmul.f32 v21, v58;
	v18 =	vadd.f32 v19, v23;
	v19 =	vadd.f32 v24, v50  }
.LBB2_20:
0x341: {  	p1 =	sne.s32 s29, $0x1F;
	s24 =	sadd.s32 $0x80, s24;
	s28 =	sadd.s32 $0x10, s28;
	v10 =	vadd.f32 v10, v20;
	v16 =	vadd.f32 v16, v48;
	[tilespmem:s23+$0x3BE0] =	vst v22  }
0x342: {  	v15 =	vadd.f32 v62, v15;
	v62 =	vmov v6;
	s30 =	smov.u32 s29;
	s29 =	sadd.s32 $0x1, s29;
	v20 =	vld [tilespmem:s20+$0x9BC0];
	v21 =	vadd.f32 v21, v49  }
0x343: {  	v8 =	vadd.f32 v8, v47;
	v6 =	vadd.f32 v12, v19;
	v22 =	vld [tilespmem:s20+$0x9BB0];
	[tilespmem:s23+$0x3B80] =	vst v10  }
0x344: {  	v0 =	vadd.f32 v0, v46;
	v10 =	vld [tilespmem:s20+$0x9B80];
	[tilespmem:s23+$0x3B90] =	vst v18;
	v7 =	vadd.f32 v7, v21  }
0x345: {  	v15 =	vadd.f32 v15, v16;
	v12 =	vld [tilespmem:s20+$0x3B90];
	[tilespmem:s23+$0x3BB0] =	vst v6;
	v6 =	vadd.f32 v17, v11  }
0x346: {  	v8 =	vadd.f32 v9, v8;
	v11 =	vld [tilespmem:s20+$0x3BE0];
	[tilespmem:s23+$0x3BF0] =	vst v7  }
0x347: {  	v7 =	vld [tilespmem:s20+$0x3B80];
	[tilespmem:s23+$0x3BA0] =	vst v15;
	v0 =	vadd.f32 v6, v0  }
0x348: {  	s30 =	sshrl.u32 s30, $0x3;
	v9 =	vld [tilespmem:s20+$0x3BF0];
	[tilespmem:s23+$0x3BC0] =	vst v8  }
0x349: {  	s30 =	smul.u32 $0x1800, s30;
	v17 =	vld [tilespmem:s20+$0x3BC0];
	[tilespmem:s23+$0x3BD0] =	vst v0;
	s23 =	smov.u32 s20  }
0x34a: {  	s20 =	sand.u32 $0x380, s24;
	v21 =	vld [tilespmem:s25+$0x0];
	v18 =	vadd.f32 v5, v12;
	s25 =	smov.u32 s28  }
0x34b: {  	s20 =	sor.u32 s20, s30;
	v0 =	vld [tilespmem:s23+$0x3BB0];
	v19 =	vadd.f32 v63, v11  }
0x34c: {  	v11 =	vld [tilespmem:s20+$0x9BF0]  }
0x34d: {  	v10 =	vadd.f32 v10, v7;
	v63 =	vld [tilespmem:s20+$0x9BE0]  }
0x34e: {  	v5 =	vld [tilespmem:s20+$0x9B90]  }
0x34f: {  	v7 =	vadd.f32 v13, v9;
	v6 =	vld [tilespmem:s20+$0x9BA0];
	v23 =	vmul.f32 v21, v59;
	v24 =	vmul.f32 v21, v61  }
.Ltmp13:
0x350: {  	v9 =	vmul.f32 v21, v60;
	v8 =	vmul.f32 v21, v52;
	v15 =	vld [tilespmem:s23+$0x3BA0];
	(pc) =	sbr.rel @p1 .LBB2_20-.Ltmp13, $4  }
0x351: {  	v16 =	vmul.f32 v21, v55;
	v12 =	vadd.f32 v22, v0;
	v22 =	vadd.f32 v24, v56;
	v13 =	vmovc v11  }
0x352: {  	v25 =	vmul.f32 v21, v57;
	v24 =	vadd.f32 v9, v54;
	v9 =	vadd.f32 v20, v17  }
0x353: {  	v0 =	vmul.f32 v21, v53;
	v20 =	vadd.f32 v23, v51;
	v11 =	vld [tilespmem:s23+$0x3BD0];
	v22 =	vadd.f32 v19, v22  }
0x354: {  	v21 =	vmul.f32 v21, v58;
	v18 =	vadd.f32 v18, v24;
	v19 =	vadd.f32 v25, v50;
	v17 =	vld [tilespmem:s23+$0x9BD0]  }
0x355: {  	[tilespmem:s23+$0x3BE0] =	vst v22;
	v10 =	vadd.f32 v10, v20  }
0x356: {  	v20 =	vld [tilespmem:s20+$0x9BC0]  }
0x357: {  	v15 =	vadd.f32 v62, v15;
	v22 =	vld [tilespmem:s20+$0x9BB0];
	[tilespmem:s23+$0x3B80] =	vst v10  }
0x358: {  	v16 =	vadd.f32 v16, v48;
	v10 =	vld [tilespmem:s20+$0x9B80];
	[tilespmem:s23+$0x3B90] =	vst v18;
	v18 =	vadd.f32 v21, v49  }
0x359: {  	v8 =	vadd.f32 v8, v47;
	v12 =	vadd.f32 v12, v19  }
0x35a: {  	v0 =	vadd.f32 v0, v46;
	v7 =	vadd.f32 v7, v18  }
0x35b: {  	v19 =	vld [tilespmem:s20+$0x3B90];
	[tilespmem:s23+$0x3BB0] =	vst v12;
	v12 =	vadd.f32 v15, v16;
	v11 =	vadd.f32 v17, v11  }
0x35c: {  	v8 =	vadd.f32 v9, v8;
	v15 =	vld [tilespmem:s20+$0x3BE0];
	[tilespmem:s23+$0x3BF0] =	vst v7  }
0x35d: {  	v0 =	vadd.f32 v11, v0;
	v7 =	vld [tilespmem:s20+$0x3B80];
	[tilespmem:s23+$0x3BA0] =	vst v12  }
0x35e: {  	v9 =	vld [tilespmem:s20+$0x3BF0];
	[tilespmem:s23+$0x3BC0] =	vst v8  }
0x35f: {  	v8 =	vld [tilespmem:s20+$0x3BC0];
	[tilespmem:s23+$0x3BD0] =	vst v0  }
0x360: {  	v0 =	vld [tilespmem:s25+$0x0];
	_ =	sdelay $0x2  }
0x361: {  	v11 =	vld [tilespmem:s20+$0x3BB0];
	_ =	sdelay $0x1  }
0x362: {  	v5 =	vadd.f32 v5, v19;
	v12 =	vadd.f32 v63, v15;
	v15 =	vmul.f32 v0, v61  }
0x363: {  	v7 =	vadd.f32 v10, v7;
	v9 =	vadd.f32 v13, v9;
	v10 =	vmul.f32 v0, v60  }
0x364: {  	v16 =	vld [tilespmem:s20+$0x3BA0];
	v8 =	vadd.f32 v20, v8;
	v13 =	vmul.f32 v0, v59;
	v15 =	vadd.f32 v15, v56  }
0x365: {  	v11 =	vadd.f32 v22, v11;
	v17 =	vmul.f32 v0, v57;
	v10 =	vadd.f32 v10, v54  }
0x366: {  	v18 =	vmul.f32 v0, v55;
	v13 =	vadd.f32 v13, v51;
	v12 =	vadd.f32 v12, v15;
	v15 =	vld [tilespmem:s20+$0x3BD0]  }
0x367: {  	v19 =	vmul.f32 v0, v58;
	v5 =	vadd.f32 v5, v10;
	v10 =	vadd.f32 v17, v50;
	v17 =	vld [tilespmem:s20+$0x9BD0]  }
0x368: {  	v7 =	vadd.f32 v7, v13;
	v13 =	vadd.f32 v18, v48;
	v18 =	vmul.f32 v0, v52  }
0x369: {  	v6 =	vadd.f32 v6, v16;
	v0 =	vmul.f32 v0, v53;
	[tilespmem:s20+$0x3BE0] =	vst v12;
	v12 =	vadd.f32 v19, v49  }
0x36a: {  	[tilespmem:s20+$0x3B80] =	vst v7;
	v7 =	vadd.f32 v11, v10;
	v10 =	vadd.f32 v18, v47  }
0x36b: {  	[tilespmem:s20+$0x3B90] =	vst v5;
	v0 =	vadd.f32 v0, v46;
	v6 =	vadd.f32 v6, v13  }
0x36c: {  	s24 =	sor.u32 s8, s18;
	v5 =	vadd.f32 v9, v12;
	[tilespmem:s20+$0x3BB0] =	vst v7;
	v7 =	vadd.f32 v17, v15  }
0x36d: {  	s23 =	sshrl.u32 s24, $0x3;
	v8 =	vadd.f32 v8, v10;
	[tilespmem:s20+$0x3BA0] =	vst v6  }
0x36e: {  	s23 =	smul.u32 $0x300, s23;
	[tilespmem:s20+$0x3BF0] =	vst v5;
	v0 =	vadd.f32 v7, v0  }
0x36f: {  	[tilespmem:s20+$0x3BC0] =	vst v8  }
0x370: {  	s31 =	simm.s32 $0x0;
	s25 =	sadd.s32 s5, s23;
	[tilespmem:s20+$0x3BD0] =	vst v0  }
0x371: {  	[hbm4b:s25+s31] =	stream.linear.scatter [tilespmem:s22], [sflag:$0x5], $0x6000, $0x38;
	[tilespmem:$0x1A780] =	vst v63  }
0x372: {  	_ =	swait.ge [sflag:s9], $0x6000  }
0x373: {  	[sflag:s9] =	ssyncset.done $0x0  }
0x374: {  	[sflag:s9] =	ssyncadd.s32 $0xFFFFA000  }
0x375: {  	_ =	swait.ge [sflag:s10], $0x6000  }
0x376: {  	[sflag:s10] =	ssyncset.done $0x0  }
0x377: {  	v5 =	vld [tilespmem:$0x1FED0];
	[sflag:s10] =	ssyncadd.s32 $0xFFFFA000  }
0x378: {  	v0 =	vld [tilespmem:s18+$0x1220];
	_ =	sdelay $0x4  }
0x379: {  	v0 =	vcvt.s32.f32 v0  }
0x37a: {  	s25 =	simm.s32 $0x1680  }
0x37b: {  	[tilespmem:v14+s25+$0x0] =	vst.idx.msk $0xffff, v0  }
0x37c: {  	[tilespmem:v5+s25+$0x0] =	vst.idx.msk $0xffff, v0;
	v5 =	vld [tilespmem:$0x1FEE0];
	_ =	sdelay $0x7  }
0x37d: {  	[tilespmem:v5+s25+$0x0] =	vst.idx.msk $0xffff, v0;
	v5 =	vld [tilespmem:$0x1FEF0];
	_ =	sdelay $0x7  }
0x37e: {  	[tilespmem:v5+s25+$0x0] =	vst.idx.msk $0xffff, v0;
	v5 =	vld [tilespmem:$0x1FF00];
	_ =	sdelay $0x7  }
0x37f: {  	[tilespmem:v5+s25+$0x0] =	vst.idx.msk $0xffff, v0;
	v5 =	vld [tilespmem:$0x1FF10];
	_ =	sdelay $0x7  }
0x380: {  	[tilespmem:v5+s25+$0x0] =	vst.idx.msk $0xffff, v0;
	v5 =	vld [tilespmem:$0x1FF20];
	_ =	sdelay $0x7  }
0x381: {  	[tilespmem:v5+s25+$0x0] =	vst.idx.msk $0xffff, v0;
	v5 =	vld [tilespmem:$0x1FF30];
	_ =	sdelay $0x7  }
0x382: {  	[tilespmem:v5+s25+$0x0] =	vst.idx.msk $0xffff, v0;
	v5 =	vld [tilespmem:$0x1FF40];
	_ =	sdelay $0x7  }
0x383: {  	[tilespmem:v5+s25+$0x0] =	vst.idx.msk $0xffff, v0;
	v5 =	vld [tilespmem:$0x1FF50];
	_ =	sdelay $0x7  }
0x384: {  	[tilespmem:v5+s25+$0x0] =	vst.idx.msk $0xffff, v0;
	v5 =	vld [tilespmem:$0x1FF60];
	_ =	sdelay $0x7  }
0x385: {  	[tilespmem:v5+s25+$0x0] =	vst.idx.msk $0xffff, v0;
	v5 =	vld [tilespmem:$0x1FF70];
	_ =	sdelay $0x7  }
0x386: {  	[tilespmem:v5+s25+$0x0] =	vst.idx.msk $0xffff, v0  }
0x387: {  	[tilespmem:v26+s25+$0x0] =	vst.idx.msk $0xffff, v0  }
0x388: {  	[tilespmem:v27+s25+$0x0] =	vst.idx.msk $0xffff, v0  }
0x389: {  	[tilespmem:v28+s25+$0x0] =	vst.idx.msk $0xffff, v0  }
0x38a: {  	[tilespmem:v29+s25+$0x0] =	vst.idx.msk $0xffff, v0  }
0x38b: {  	v0 =	vld [tilespmem:s18+$0x1230];
	_ =	sdelay $0x4  }
0x38c: {  	v0 =	vcvt.s32.f32 v0;
	_ =	sdelay $0x1  }
0x38d: {  	[tilespmem:v30+s25+$0x0] =	vst.idx.msk $0xffff, v0  }
0x38e: {  	[tilespmem:v31+s25+$0x0] =	vst.idx.msk $0xffff, v0  }
0x38f: {  	[tilespmem:v32+s25+$0x0] =	vst.idx.msk $0xffff, v0  }
0x390: {  	[tilespmem:v33+s25+$0x0] =	vst.idx.msk $0xffff, v0  }
0x391: {  	[tilespmem:v34+s25+$0x0] =	vst.idx.msk $0xffff, v0  }
0x392: {  	[tilespmem:v35+s25+$0x0] =	vst.idx.msk $0xffff, v0  }
0x393: {  	[tilespmem:v36+s25+$0x0] =	vst.idx.msk $0xffff, v0  }
0x394: {  	[tilespmem:v37+s25+$0x0] =	vst.idx.msk $0xffff, v0  }
0x395: {  	[tilespmem:v38+s25+$0x0] =	vst.idx.msk $0xffff, v0  }
0x396: {  	[tilespmem:v39+s25+$0x0] =	vst.idx.msk $0xffff, v0  }
0x397: {  	[tilespmem:v40+s25+$0x0] =	vst.idx.msk $0xffff, v0  }
0x398: {  	[tilespmem:v41+s25+$0x0] =	vst.idx.msk $0xffff, v0  }
0x399: {  	[tilespmem:v42+s25+$0x0] =	vst.idx.msk $0xffff, v0  }
0x39a: {  	[tilespmem:v43+s25+$0x0] =	vst.idx.msk $0xffff, v0  }
0x39b: {  	[tilespmem:v44+s25+$0x0] =	vst.idx.msk $0xffff, v0  }
0x39c: {  	[tilespmem:v45+s25+$0x0] =	vst.idx.msk $0xffff, v0  }
0x39d: {  	v19 =	vld [tilespmem:$0x2180]  }
0x39e: {  	v21 =	vld [tilespmem:$0x2190]  }
0x39f: {  	v16 =	vld [tilespmem:$0x21A0]  }
0x3a0: {  	v18 =	vld [tilespmem:$0x21B0]  }
0x3a1: {  	v15 =	vld [tilespmem:$0x21C0]  }
0x3a2: {  	v14 =	vld [tilespmem:$0x21D0]  }
0x3a3: {  	v23 =	vld [tilespmem:$0x21E0]  }
0x3a4: {  	v17 =	vld [tilespmem:$0x21F0]  }
0x3a5: {  	v27 =	vld [tilespmem:$0x2480]  }
0x3a6: {  	v28 =	vld [tilespmem:$0x2490]  }
0x3a7: {  	v24 =	vld [tilespmem:$0x24A0]  }
0x3a8: {  	v26 =	vld [tilespmem:$0x24B0]  }
0x3a9: {  	s24 =	simm.s32 $0x0;
	v22 =	vld [tilespmem:$0x24C0]  }
0x3aa: {  	s24 =	smul.u32 $0x1800, s24;
	v20 =	vld [tilespmem:$0x24D0]  }
0x3ab: {  	s23 =	sand.u32 $0x380, s31;
	v29 =	vld [tilespmem:$0x24E0]  }
0x3ac: {  	s24 =	sor.u32 s23, s24;
	v25 =	vld [tilespmem:$0x24F0]  }
0x3ad: {  	v0 =	vld [tilespmem:s24+$0x147F0]  }
0x3ae: {  	v5 =	vld [tilespmem:s24+$0x147E0]  }
0x3af: {  	v6 =	vld [tilespmem:s24+$0x14790]  }
0x3b0: {  	v30 =	vld [tilespmem:s24+$0x147A0]  }
0x3b1: {  	v7 =	vld [tilespmem:s24+$0x147C0]  }
0x3b2: {  	v9 =	vld [tilespmem:s24+$0x147B0]  }
0x3b3: {  	v8 =	vld [tilespmem:s24+$0x14780]  }
0x3b4: {  	v10 =	vld [tilespmem:s24+$0xE790]  }
0x3b5: {  	v11 =	vld [tilespmem:s24+$0xE7E0]  }
0x3b6: {  	v12 =	vld [tilespmem:s24+$0xE780]  }
0x3b7: {  	s31 =	simm.s32 $0x0;
	v39 =	vld [tilespmem:s25+$0x0]  }
0x3b8: {  	s23 =	smul.u32 $0x1800, s31;
	s25 =	simm.s32 $0x80;
	v33 =	vld [tilespmem:s24+$0xE7F0]  }
0x3b9: {  	v34 =	vld [tilespmem:s24+$0xE7B0];
	s31 =	sand.u32 $0x380, s25  }
0x3ba: {  	v35 =	vld [tilespmem:s24+$0xE7C0];
	s23 =	sor.u32 s31, s23  }
0x3bb: {  	v32 =	vld [tilespmem:s23+$0x147F0];
	v58 =	vadd.f32 v6, v10;
	v59 =	vadd.f32 v5, v11  }
0x3bc: {  	v31 =	vld [tilespmem:s23+$0x147E0];
	v10 =	vadd.f32 v8, v12;
	v12 =	vmul.f32 v39, v27;
	v60 =	vmul.f32 v39, v29  }
0x3bd: {  	v6 =	vadd.f32 v0, v33;
	v61 =	vmul.f32 v39, v28;
	v8 =	vmul.f32 v39, v22;
	v5 =	vld [tilespmem:s23+$0x147A0]  }
0x3be: {  	v33 =	vmul.f32 v39, v24;
	v11 =	vadd.f32 v9, v34;
	v0 =	vld [tilespmem:s24+$0xE7A0];
	v62 =	vadd.f32 v60, v23  }
0x3bf: {  	v13 =	vld [tilespmem:s23+$0x14790];
	v63 =	vmul.f32 v39, v26;
	v7 =	vadd.f32 v7, v35;
	v40 =	vadd.f32 v61, v21  }
0x3c0: {  	s29 =	simm.s32 $0x1690;
	v9 =	vld [tilespmem:s24+$0xE7D0];
	v37 =	vadd.f32 v12, v19;
	v12 =	vmul.f32 v39, v20;
	v38 =	vadd.f32 v59, v62  }
0x3c1: {  	s30 =	simm.s32 $0x2;
	s28 =	simm.s32 $0x1690;
	s20 =	sor.u32 $0x20, s18;
	v34 =	vld [tilespmem:s24+$0x147D0];
	v36 =	vadd.f32 v63, v18;
	v39 =	vmul.f32 v39, v25;
	v35 =	vadd.f32 v58, v40  }
.LBB2_22:
0x3c2: {  	p1 =	sne.s32 s30, $0x1F;
	s25 =	sadd.s32 $0x80, s25;
	s29 =	sadd.s32 $0x10, s29;
	v10 =	vadd.f32 v10, v37;
	v33 =	vadd.f32 v33, v16;
	[tilespmem:s24+$0xE7E0] =	vst v38  }
0x3c3: {  	v0 =	vadd.f32 v30, v0;
	v30 =	vmov v5;
	s31 =	smov.u32 s30;
	s30 =	sadd.s32 $0x1, s30;
	v37 =	vld [tilespmem:s23+$0x147C0];
	v38 =	vadd.f32 v39, v17  }
0x3c4: {  	v8 =	vadd.f32 v8, v15;
	v5 =	vadd.f32 v11, v36;
	v39 =	vld [tilespmem:s23+$0x147B0];
	[tilespmem:s24+$0xE780] =	vst v10  }
0x3c5: {  	v11 =	vadd.f32 v12, v14;
	v10 =	vld [tilespmem:s23+$0x14780];
	[tilespmem:s24+$0xE790] =	vst v35;
	v6 =	vadd.f32 v6, v38  }
0x3c6: {  	v0 =	vadd.f32 v0, v33;
	v12 =	vld [tilespmem:s23+$0xE790];
	[tilespmem:s24+$0xE7B0] =	vst v5;
	v5 =	vadd.f32 v34, v9  }
0x3c7: {  	v7 =	vadd.f32 v7, v8;
	v9 =	vld [tilespmem:s23+$0xE7E0];
	[tilespmem:s24+$0xE7F0] =	vst v6  }
0x3c8: {  	v6 =	vld [tilespmem:s23+$0xE780];
	[tilespmem:s24+$0xE7A0] =	vst v0;
	v0 =	vadd.f32 v5, v11  }
0x3c9: {  	s31 =	sshrl.u32 s31, $0x3;
	v8 =	vld [tilespmem:s23+$0xE7F0];
	[tilespmem:s24+$0xE7C0] =	vst v7  }
0x3ca: {  	s31 =	smul.u32 $0x1800, s31;
	v7 =	vld [tilespmem:s23+$0xE7C0];
	[tilespmem:s24+$0xE7D0] =	vst v0;
	s24 =	smov.u32 s23  }
0x3cb: {  	s23 =	sand.u32 $0x380, s25;
	v40 =	vld [tilespmem:s28+$0x0];
	v34 =	vadd.f32 v13, v12;
	s28 =	smov.u32 s29  }
0x3cc: {  	s23 =	sor.u32 s23, s31;
	v11 =	vld [tilespmem:s24+$0xE7B0];
	v35 =	vadd.f32 v31, v9  }
0x3cd: {  	v9 =	vld [tilespmem:s23+$0x147F0]  }
0x3ce: {  	v10 =	vadd.f32 v10, v6;
	v31 =	vld [tilespmem:s23+$0x147E0]  }
0x3cf: {  	v13 =	vld [tilespmem:s23+$0x14790]  }
0x3d0: {  	v6 =	vadd.f32 v32, v8;
	v5 =	vld [tilespmem:s23+$0x147A0];
	v12 =	vmul.f32 v40, v27;
	v36 =	vmul.f32 v40, v29  }
.Ltmp14:
0x3d1: {  	v38 =	vmul.f32 v40, v28;
	v8 =	vmul.f32 v40, v22;
	v0 =	vld [tilespmem:s24+$0xE7A0];
	(pc) =	sbr.rel @p1 .LBB2_22-.Ltmp14, $4  }
0x3d2: {  	v33 =	vmul.f32 v40, v24;
	v11 =	vadd.f32 v39, v11;
	v36 =	vadd.f32 v36, v23;
	v32 =	vmovc v9  }
0x3d3: {  	v7 =	vadd.f32 v37, v7;
	v41 =	vmul.f32 v40, v26;
	v39 =	vadd.f32 v38, v21  }
0x3d4: {  	v37 =	vadd.f32 v12, v19;
	v12 =	vmul.f32 v40, v20;
	v9 =	vld [tilespmem:s24+$0xE7D0];
	v38 =	vadd.f32 v35, v36  }
0x3d5: {  	v35 =	vadd.f32 v34, v39;
	v36 =	vadd.f32 v41, v18;
	v39 =	vmul.f32 v40, v25;
	v34 =	vld [tilespmem:s24+$0x147D0]  }
0x3d6: {  	[tilespmem:s24+$0xE7E0] =	vst v38;
	v10 =	vadd.f32 v10, v37;
	v33 =	vadd.f32 v33, v16  }
0x3d7: {  	v0 =	vadd.f32 v30, v0;
	v54 =	vld [tilespmem:s23+$0x147C0];
	v39 =	vadd.f32 v39, v17  }
0x3d8: {  	v8 =	vadd.f32 v8, v15;
	v38 =	vld [tilespmem:s23+$0x147B0];
	v11 =	vadd.f32 v11, v36;
	[tilespmem:s24+$0xE780] =	vst v10  }
0x3d9: {  	v0 =	vadd.f32 v0, v33;
	v10 =	vld [tilespmem:s23+$0x14780];
	[tilespmem:s24+$0xE790] =	vst v35;
	v6 =	vadd.f32 v6, v39  }
0x3da: {  	v30 =	vld [tilespmem:s23+$0xE790];
	[tilespmem:s24+$0xE7B0] =	vst v11;
	v11 =	vadd.f32 v12, v14;
	v9 =	vadd.f32 v34, v9  }
0x3db: {  	v7 =	vadd.f32 v7, v8;
	v12 =	vld [tilespmem:s23+$0xE7E0];
	[tilespmem:s24+$0xE7F0] =	vst v6  }
0x3dc: {  	v6 =	vld [tilespmem:s23+$0xE780];
	[tilespmem:s24+$0xE7A0] =	vst v0;
	v8 =	vadd.f32 v9, v11  }
0x3dd: {  	v0 =	vld [tilespmem:s23+$0xE7F0];
	[tilespmem:s24+$0xE7C0] =	vst v7  }
0x3de: {  	v7 =	vld [tilespmem:s23+$0xE7C0];
	[tilespmem:s24+$0xE7D0] =	vst v8  }
0x3df: {  	v8 =	vld [tilespmem:s28+$0x0];
	_ =	sdelay $0x2  }
0x3e0: {  	v9 =	vld [tilespmem:s23+$0xE7B0];
	_ =	sdelay $0x1  }
0x3e1: {  	v11 =	vadd.f32 v13, v30;
	v12 =	vadd.f32 v31, v12;
	v13 =	vmul.f32 v8, v29  }
0x3e2: {  	v6 =	vadd.f32 v10, v6;
	v0 =	vadd.f32 v32, v0;
	v10 =	vmul.f32 v8, v28  }
0x3e3: {  	v7 =	vadd.f32 v54, v7;
	v27 =	vmul.f32 v8, v27;
	v28 =	vld [tilespmem:s23+$0xE7A0];
	v13 =	vadd.f32 v13, v23  }
0x3e4: {  	v9 =	vadd.f32 v38, v9;
	v10 =	vadd.f32 v10, v21;
	v21 =	vmul.f32 v8, v26  }
0x3e5: {  	v23 =	vmul.f32 v8, v24;
	v19 =	vadd.f32 v27, v19;
	v24 =	vld [tilespmem:s23+$0xE7D0];
	v12 =	vadd.f32 v12, v13  }
0x3e6: {  	v10 =	vadd.f32 v11, v10;
	v11 =	vadd.f32 v21, v18;
	v13 =	vld [tilespmem:s23+$0x147D0];
	v18 =	vmul.f32 v8, v25  }
0x3e7: {  	v21 =	vmul.f32 v8, v22;
	v6 =	vadd.f32 v6, v19;
	v16 =	vadd.f32 v23, v16  }
0x3e8: {  	v8 =	vmul.f32 v8, v20;
	v5 =	vadd.f32 v5, v28;
	[tilespmem:s23+$0xE7E0] =	vst v12;
	v12 =	vadd.f32 v18, v17  }
0x3e9: {  	[tilespmem:s23+$0xE780] =	vst v6;
	v6 =	vadd.f32 v9, v11;
	v9 =	vadd.f32 v21, v15  }
0x3ea: {  	[tilespmem:s23+$0xE790] =	vst v10;
	v8 =	vadd.f32 v8, v14;
	v5 =	vadd.f32 v5, v16  }
0x3eb: {  	v0 =	vadd.f32 v0, v12;
	[tilespmem:s23+$0xE7B0] =	vst v6;
	v6 =	vadd.f32 v13, v24  }
0x3ec: {  	v7 =	vadd.f32 v7, v9;
	[tilespmem:s23+$0xE7A0] =	vst v5  }
0x3ed: {  	[tilespmem:s23+$0xE7F0] =	vst v0;
	v0 =	vadd.f32 v6, v8  }
0x3ee: {  	[tilespmem:s23+$0xE7C0] =	vst v7  }
0x3ef: {  	[tilespmem:s23+$0xE7D0] =	vst v0  }
0x3f0: {  	v19 =	vld [tilespmem:$0x2200]  }
0x3f1: {  	v21 =	vld [tilespmem:$0x2210]  }
0x3f2: {  	v16 =	vld [tilespmem:$0x2220]  }
0x3f3: {  	v18 =	vld [tilespmem:$0x2230]  }
0x3f4: {  	v15 =	vld [tilespmem:$0x2240]  }
0x3f5: {  	v14 =	vld [tilespmem:$0x2250]  }
0x3f6: {  	v23 =	vld [tilespmem:$0x2260]  }
0x3f7: {  	v17 =	vld [tilespmem:$0x2270]  }
0x3f8: {  	v27 =	vld [tilespmem:$0x2500]  }
0x3f9: {  	v28 =	vld [tilespmem:$0x2510]  }
0x3fa: {  	v24 =	vld [tilespmem:$0x2520]  }
0x3fb: {  	v26 =	vld [tilespmem:$0x2530]  }
0x3fc: {  	v22 =	vld [tilespmem:$0x2540]  }
0x3fd: {  	s25 =	simm.s32 $0x0;
	v20 =	vld [tilespmem:$0x2550]  }
0x3fe: {  	s31 =	simm.s32 $0x0;
	s23 =	smul.u32 $0x1800, s25;
	v29 =	vld [tilespmem:$0x2560]  }
0x3ff: {  	s24 =	sand.u32 $0x380, s31;
	s25 =	simm.s32 $0x1680;
	v25 =	vld [tilespmem:$0x2570]  }
0x400: {  	v55 =	vld [tilespmem:s25+$0x0];
	s24 =	sor.u32 s24, s23  }
0x401: {  	v0 =	vld [tilespmem:s24+$0x14BF0]  }
0x402: {  	v5 =	vld [tilespmem:s24+$0x14BE0]  }
0x403: {  	v6 =	vld [tilespmem:s24+$0x14B90]  }
0x404: {  	v30 =	vld [tilespmem:s24+$0x14BA0]  }
0x405: {  	v8 =	vld [tilespmem:s24+$0x14BC0]  }
0x406: {  	v10 =	vld [tilespmem:s24+$0x14BB0]  }
0x407: {  	v7 =	vld [tilespmem:s24+$0x14B80]  }
0x408: {  	v9 =	vld [tilespmem:s24+$0xEB90]  }
0x409: {  	v11 =	vld [tilespmem:s24+$0xEBE0]  }
0x40a: {  	v12 =	vld [tilespmem:s24+$0xEB80]  }
0x40b: {  	s28 =	simm.s32 $0x0;
	v56 =	vld [tilespmem:s24+$0xEBF0]  }
0x40c: {  	s31 =	smul.u32 $0x1800, s28;
	s25 =	simm.s32 $0x80;
	v57 =	vld [tilespmem:s24+$0xEBB0]  }
0x40d: {  	s28 =	sand.u32 $0x380, s25;
	v35 =	vld [tilespmem:s24+$0xEBC0]  }
0x40e: {  	s23 =	sor.u32 s28, s31;
	v33 =	vld [tilespmem:s24+$0x14BD0];
	v60 =	vmul.f32 v55, v27;
	v40 =	vmul.f32 v55, v29  }
0x40f: {  	v13 =	vld [tilespmem:s23+$0x14BF0];
	v61 =	vmul.f32 v55, v28;
	v58 =	vadd.f32 v6, v9;
	v59 =	vadd.f32 v5, v11  }
0x410: {  	v34 =	vmul.f32 v55, v24;
	v11 =	vadd.f32 v7, v12;
	v7 =	vadd.f32 v0, v56;
	v6 =	vld [tilespmem:s23+$0x14BA0]  }
0x411: {  	v41 =	vmul.f32 v55, v26;
	v12 =	vadd.f32 v10, v57;
	v62 =	vadd.f32 v40, v23;
	v0 =	vld [tilespmem:s24+$0xEBA0]  }
0x412: {  	v31 =	vld [tilespmem:s23+$0x14BE0];
	v32 =	vmul.f32 v55, v20;
	v63 =	vadd.f32 v61, v21;
	v8 =	vadd.f32 v8, v35  }
0x413: {  	v39 =	vmul.f32 v55, v25;
	v5 =	vld [tilespmem:s23+$0x14B90];
	v37 =	vadd.f32 v60, v19;
	v38 =	vadd.f32 v59, v62  }
0x414: {  	s29 =	simm.s32 $0x1690;
	s30 =	simm.s32 $0x2;
	s28 =	simm.s32 $0x1690;
	v9 =	vmul.f32 v55, v22;
	v10 =	vld [tilespmem:s24+$0xEBD0];
	v36 =	vadd.f32 v41, v18;
	v35 =	vadd.f32 v58, v63  }
.LBB2_24:
0x415: {  	p1 =	sne.s32 s30, $0x1F;
	s25 =	sadd.s32 $0x80, s25;
	s29 =	sadd.s32 $0x10, s29;
	v11 =	vadd.f32 v11, v37;
	v34 =	vadd.f32 v34, v16;
	[tilespmem:s24+$0xEBE0] =	vst v38  }
0x416: {  	v0 =	vadd.f32 v30, v0;
	v30 =	vmov v6;
	s31 =	smov.u32 s30;
	s30 =	sadd.s32 $0x1, s30;
	v37 =	vld [tilespmem:s23+$0x14BC0];
	v38 =	vadd.f32 v39, v17  }
0x417: {  	v9 =	vadd.f32 v9, v15;
	v6 =	vadd.f32 v12, v36;
	v39 =	vld [tilespmem:s23+$0x14BB0];
	[tilespmem:s24+$0xEB80] =	vst v11  }
0x418: {  	v12 =	vadd.f32 v32, v14;
	v11 =	vld [tilespmem:s23+$0x14B80];
	[tilespmem:s24+$0xEB90] =	vst v35;
	v7 =	vadd.f32 v7, v38  }
0x419: {  	v0 =	vadd.f32 v0, v34;
	v32 =	vld [tilespmem:s23+$0xEB90];
	[tilespmem:s24+$0xEBB0] =	vst v6;
	v6 =	vadd.f32 v33, v10  }
0x41a: {  	v8 =	vadd.f32 v8, v9;
	v10 =	vld [tilespmem:s23+$0xEBE0];
	[tilespmem:s24+$0xEBF0] =	vst v7  }
0x41b: {  	v7 =	vld [tilespmem:s23+$0xEB80];
	[tilespmem:s24+$0xEBA0] =	vst v0;
	v0 =	vadd.f32 v6, v12  }
0x41c: {  	s31 =	sshrl.u32 s31, $0x3;
	v9 =	vld [tilespmem:s23+$0xEBF0];
	[tilespmem:s24+$0xEBC0] =	vst v8  }
0x41d: {  	s31 =	smul.u32 $0x1800, s31;
	v8 =	vld [tilespmem:s23+$0xEBC0];
	[tilespmem:s24+$0xEBD0] =	vst v0;
	s24 =	smov.u32 s23  }
0x41e: {  	s23 =	sand.u32 $0x380, s25;
	v40 =	vld [tilespmem:s28+$0x0];
	v33 =	vadd.f32 v5, v32;
	s28 =	smov.u32 s29  }
0x41f: {  	s23 =	sor.u32 s23, s31;
	v12 =	vld [tilespmem:s24+$0xEBB0];
	v35 =	vadd.f32 v31, v10  }
0x420: {  	v10 =	vld [tilespmem:s23+$0x14BF0]  }
0x421: {  	v11 =	vadd.f32 v11, v7;
	v31 =	vld [tilespmem:s23+$0x14BE0]  }
0x422: {  	v5 =	vld [tilespmem:s23+$0x14B90]  }
0x423: {  	v7 =	vadd.f32 v13, v9;
	v6 =	vld [tilespmem:s23+$0x14BA0];
	v32 =	vmul.f32 v40, v27;
	v36 =	vmul.f32 v40, v29  }
.Ltmp15:
0x424: {  	v38 =	vmul.f32 v40, v28;
	v9 =	vmul.f32 v40, v22;
	v0 =	vld [tilespmem:s24+$0xEBA0];
	(pc) =	sbr.rel @p1 .LBB2_24-.Ltmp15, $4  }
0x425: {  	v34 =	vmul.f32 v40, v24;
	v12 =	vadd.f32 v39, v12;
	v36 =	vadd.f32 v36, v23;
	v13 =	vmovc v10  }
0x426: {  	v8 =	vadd.f32 v37, v8;
	v41 =	vmul.f32 v40, v26;
	v39 =	vadd.f32 v38, v21  }
0x427: {  	v37 =	vadd.f32 v32, v19;
	v32 =	vmul.f32 v40, v20;
	v10 =	vld [tilespmem:s24+$0xEBD0];
	v38 =	vadd.f32 v35, v36  }
0x428: {  	v35 =	vadd.f32 v33, v39;
	v36 =	vadd.f32 v41, v18;
	v39 =	vmul.f32 v40, v25;
	v33 =	vld [tilespmem:s24+$0x14BD0]  }
0x429: {  	[tilespmem:s24+$0xEBE0] =	vst v38;
	v11 =	vadd.f32 v11, v37;
	v34 =	vadd.f32 v34, v16  }
0x42a: {  	v0 =	vadd.f32 v30, v0;
	v53 =	vld [tilespmem:s23+$0x14BC0];
	v39 =	vadd.f32 v39, v17  }
0x42b: {  	v9 =	vadd.f32 v9, v15;
	v38 =	vld [tilespmem:s23+$0x14BB0];
	v12 =	vadd.f32 v12, v36;
	[tilespmem:s24+$0xEB80] =	vst v11  }
0x42c: {  	v0 =	vadd.f32 v0, v34;
	v11 =	vld [tilespmem:s23+$0x14B80];
	[tilespmem:s24+$0xEB90] =	vst v35;
	v7 =	vadd.f32 v7, v39  }
0x42d: {  	v30 =	vld [tilespmem:s23+$0xEB90];
	[tilespmem:s24+$0xEBB0] =	vst v12;
	v12 =	vadd.f32 v32, v14;
	v10 =	vadd.f32 v33, v10  }
0x42e: {  	v8 =	vadd.f32 v8, v9;
	v54 =	vld [tilespmem:s23+$0xEBE0];
	[tilespmem:s24+$0xEBF0] =	vst v7  }
0x42f: {  	v7 =	vld [tilespmem:s23+$0xEB80];
	[tilespmem:s24+$0xEBA0] =	vst v0;
	v9 =	vadd.f32 v10, v12  }
0x430: {  	v0 =	vld [tilespmem:s23+$0xEBF0];
	[tilespmem:s24+$0xEBC0] =	vst v8  }
0x431: {  	v8 =	vld [tilespmem:s23+$0xEBC0];
	[tilespmem:s24+$0xEBD0] =	vst v9  }
0x432: {  	v9 =	vld [tilespmem:s28+$0x0];
	_ =	sdelay $0x2  }
0x433: {  	v10 =	vld [tilespmem:s23+$0xEBB0];
	_ =	sdelay $0x1  }
0x434: {  	v5 =	vadd.f32 v5, v30;
	v12 =	vadd.f32 v31, v54;
	v29 =	vmul.f32 v9, v29  }
0x435: {  	v7 =	vadd.f32 v11, v7;
	v0 =	vadd.f32 v13, v0;
	v11 =	vmul.f32 v9, v28  }
0x436: {  	v8 =	vadd.f32 v53, v8;
	v13 =	vmul.f32 v9, v27;
	v27 =	vld [tilespmem:s23+$0xEBA0];
	v23 =	vadd.f32 v29, v23  }
0x437: {  	v10 =	vadd.f32 v38, v10;
	v11 =	vadd.f32 v11, v21;
	v21 =	vmul.f32 v9, v26  }
0x438: {  	v24 =	vmul.f32 v9, v24;
	v13 =	vadd.f32 v13, v19;
	v19 =	vld [tilespmem:s23+$0xEBD0];
	v12 =	vadd.f32 v12, v23  }
0x439: {  	v5 =	vadd.f32 v5, v11;
	v11 =	vadd.f32 v21, v18;
	v18 =	vld [tilespmem:s23+$0x14BD0];
	v21 =	vmul.f32 v9, v25  }
0x43a: {  	v22 =	vmul.f32 v9, v22;
	v7 =	vadd.f32 v7, v13;
	v13 =	vadd.f32 v24, v16  }
0x43b: {  	v9 =	vmul.f32 v9, v20;
	v6 =	vadd.f32 v6, v27;
	[tilespmem:s23+$0xEBE0] =	vst v12;
	v12 =	vadd.f32 v21, v17  }
0x43c: {  	[tilespmem:s23+$0xEB80] =	vst v7;
	v7 =	vadd.f32 v10, v11;
	v10 =	vadd.f32 v22, v15  }
0x43d: {  	[tilespmem:s23+$0xEB90] =	vst v5;
	v5 =	vadd.f32 v9, v14;
	v6 =	vadd.f32 v6, v13  }
0x43e: {  	v0 =	vadd.f32 v0, v12;
	[tilespmem:s23+$0xEBB0] =	vst v7;
	v7 =	vadd.f32 v18, v19  }
0x43f: {  	v8 =	vadd.f32 v8, v10;
	[tilespmem:s23+$0xEBA0] =	vst v6  }
0x440: {  	[tilespmem:s23+$0xEBF0] =	vst v0;
	v0 =	vadd.f32 v7, v5  }
0x441: {  	[tilespmem:s23+$0xEBC0] =	vst v8  }
0x442: {  	[tilespmem:s23+$0xEBD0] =	vst v0  }
0x443: {  	v19 =	vld [tilespmem:$0x2280]  }
0x444: {  	v21 =	vld [tilespmem:$0x2290]  }
0x445: {  	v16 =	vld [tilespmem:$0x22A0]  }
0x446: {  	v18 =	vld [tilespmem:$0x22B0]  }
0x447: {  	v15 =	vld [tilespmem:$0x22C0]  }
0x448: {  	v14 =	vld [tilespmem:$0x22D0]  }
0x449: {  	v23 =	vld [tilespmem:$0x22E0]  }
0x44a: {  	v17 =	vld [tilespmem:$0x22F0]  }
0x44b: {  	v27 =	vld [tilespmem:$0x2580]  }
0x44c: {  	v28 =	vld [tilespmem:$0x2590]  }
0x44d: {  	v24 =	vld [tilespmem:$0x25A0]  }
0x44e: {  	v26 =	vld [tilespmem:$0x25B0]  }
0x44f: {  	v22 =	vld [tilespmem:$0x25C0]  }
0x450: {  	s25 =	simm.s32 $0x0;
	v20 =	vld [tilespmem:$0x25D0]  }
0x451: {  	s31 =	simm.s32 $0x0;
	s23 =	smul.u32 $0x1800, s25;
	v29 =	vld [tilespmem:$0x25E0]  }
0x452: {  	s24 =	sand.u32 $0x380, s31;
	s25 =	simm.s32 $0x1680;
	v25 =	vld [tilespmem:$0x25F0]  }
0x453: {  	v55 =	vld [tilespmem:s25+$0x0];
	s24 =	sor.u32 s24, s23  }
0x454: {  	v0 =	vld [tilespmem:s24+$0x14FF0]  }
0x455: {  	v5 =	vld [tilespmem:s24+$0x14FE0]  }
0x456: {  	v6 =	vld [tilespmem:s24+$0x14F90]  }
0x457: {  	v30 =	vld [tilespmem:s24+$0x14FA0]  }
0x458: {  	v8 =	vld [tilespmem:s24+$0x14FC0]  }
0x459: {  	v10 =	vld [tilespmem:s24+$0x14FB0]  }
0x45a: {  	v7 =	vld [tilespmem:s24+$0x14F80]  }
0x45b: {  	v9 =	vld [tilespmem:s24+$0xEF90]  }
0x45c: {  	v11 =	vld [tilespmem:s24+$0xEFE0]  }
0x45d: {  	v12 =	vld [tilespmem:s24+$0xEF80]  }
0x45e: {  	s28 =	simm.s32 $0x0;
	v56 =	vld [tilespmem:s24+$0xEFF0]  }
0x45f: {  	s31 =	smul.u32 $0x1800, s28;
	s25 =	simm.s32 $0x80;
	v57 =	vld [tilespmem:s24+$0xEFB0]  }
0x460: {  	s28 =	sand.u32 $0x380, s25;
	v35 =	vld [tilespmem:s24+$0xEFC0]  }
0x461: {  	s23 =	sor.u32 s28, s31;
	v33 =	vld [tilespmem:s24+$0x14FD0];
	v60 =	vmul.f32 v55, v27;
	v40 =	vmul.f32 v55, v29  }
0x462: {  	v13 =	vld [tilespmem:s23+$0x14FF0];
	v61 =	vmul.f32 v55, v28;
	v58 =	vadd.f32 v6, v9;
	v59 =	vadd.f32 v5, v11  }
0x463: {  	v34 =	vmul.f32 v55, v24;
	v11 =	vadd.f32 v7, v12;
	v7 =	vadd.f32 v0, v56;
	v6 =	vld [tilespmem:s23+$0x14FA0]  }
0x464: {  	v41 =	vmul.f32 v55, v26;
	v12 =	vadd.f32 v10, v57;
	v62 =	vadd.f32 v40, v23;
	v0 =	vld [tilespmem:s24+$0xEFA0]  }
0x465: {  	v31 =	vld [tilespmem:s23+$0x14FE0];
	v32 =	vmul.f32 v55, v20;
	v63 =	vadd.f32 v61, v21;
	v8 =	vadd.f32 v8, v35  }
0x466: {  	v39 =	vmul.f32 v55, v25;
	v5 =	vld [tilespmem:s23+$0x14F90];
	v37 =	vadd.f32 v60, v19;
	v38 =	vadd.f32 v59, v62  }
0x467: {  	s29 =	simm.s32 $0x1690;
	s30 =	simm.s32 $0x2;
	s28 =	simm.s32 $0x1690;
	v9 =	vmul.f32 v55, v22;
	v10 =	vld [tilespmem:s24+$0xEFD0];
	v36 =	vadd.f32 v41, v18;
	v35 =	vadd.f32 v58, v63  }
.LBB2_26:
0x468: {  	p1 =	sne.s32 s30, $0x1F;
	s25 =	sadd.s32 $0x80, s25;
	s29 =	sadd.s32 $0x10, s29;
	v11 =	vadd.f32 v11, v37;
	v34 =	vadd.f32 v34, v16;
	[tilespmem:s24+$0xEFE0] =	vst v38  }
0x469: {  	v0 =	vadd.f32 v30, v0;
	v30 =	vmov v6;
	s31 =	smov.u32 s30;
	s30 =	sadd.s32 $0x1, s30;
	v37 =	vld [tilespmem:s23+$0x14FC0];
	v38 =	vadd.f32 v39, v17  }
0x46a: {  	v9 =	vadd.f32 v9, v15;
	v6 =	vadd.f32 v12, v36;
	v39 =	vld [tilespmem:s23+$0x14FB0];
	[tilespmem:s24+$0xEF80] =	vst v11  }
0x46b: {  	v12 =	vadd.f32 v32, v14;
	v11 =	vld [tilespmem:s23+$0x14F80];
	[tilespmem:s24+$0xEF90] =	vst v35;
	v7 =	vadd.f32 v7, v38  }
0x46c: {  	v0 =	vadd.f32 v0, v34;
	v32 =	vld [tilespmem:s23+$0xEF90];
	[tilespmem:s24+$0xEFB0] =	vst v6;
	v6 =	vadd.f32 v33, v10  }
0x46d: {  	v8 =	vadd.f32 v8, v9;
	v10 =	vld [tilespmem:s23+$0xEFE0];
	[tilespmem:s24+$0xEFF0] =	vst v7  }
0x46e: {  	v7 =	vld [tilespmem:s23+$0xEF80];
	[tilespmem:s24+$0xEFA0] =	vst v0;
	v0 =	vadd.f32 v6, v12  }
0x46f: {  	s31 =	sshrl.u32 s31, $0x3;
	v9 =	vld [tilespmem:s23+$0xEFF0];
	[tilespmem:s24+$0xEFC0] =	vst v8  }
0x470: {  	s31 =	smul.u32 $0x1800, s31;
	v8 =	vld [tilespmem:s23+$0xEFC0];
	[tilespmem:s24+$0xEFD0] =	vst v0;
	s24 =	smov.u32 s23  }
0x471: {  	s23 =	sand.u32 $0x380, s25;
	v40 =	vld [tilespmem:s28+$0x0];
	v33 =	vadd.f32 v5, v32;
	s28 =	smov.u32 s29  }
0x472: {  	s23 =	sor.u32 s23, s31;
	v12 =	vld [tilespmem:s24+$0xEFB0];
	v35 =	vadd.f32 v31, v10  }
0x473: {  	v10 =	vld [tilespmem:s23+$0x14FF0]  }
0x474: {  	v11 =	vadd.f32 v11, v7;
	v31 =	vld [tilespmem:s23+$0x14FE0]  }
0x475: {  	v5 =	vld [tilespmem:s23+$0x14F90]  }
0x476: {  	v7 =	vadd.f32 v13, v9;
	v6 =	vld [tilespmem:s23+$0x14FA0];
	v32 =	vmul.f32 v40, v27;
	v36 =	vmul.f32 v40, v29  }
.Ltmp16:
0x477: {  	v38 =	vmul.f32 v40, v28;
	v9 =	vmul.f32 v40, v22;
	v0 =	vld [tilespmem:s24+$0xEFA0];
	(pc) =	sbr.rel @p1 .LBB2_26-.Ltmp16, $4  }
0x478: {  	v34 =	vmul.f32 v40, v24;
	v12 =	vadd.f32 v39, v12;
	v36 =	vadd.f32 v36, v23;
	v13 =	vmovc v10  }
0x479: {  	v8 =	vadd.f32 v37, v8;
	v41 =	vmul.f32 v40, v26;
	v39 =	vadd.f32 v38, v21  }
0x47a: {  	v37 =	vadd.f32 v32, v19;
	v32 =	vmul.f32 v40, v20;
	v10 =	vld [tilespmem:s24+$0xEFD0];
	v38 =	vadd.f32 v35, v36  }
0x47b: {  	v35 =	vadd.f32 v33, v39;
	v36 =	vadd.f32 v41, v18;
	v39 =	vmul.f32 v40, v25;
	v33 =	vld [tilespmem:s24+$0x14FD0]  }
0x47c: {  	[tilespmem:s24+$0xEFE0] =	vst v38;
	v11 =	vadd.f32 v11, v37;
	v34 =	vadd.f32 v34, v16  }
0x47d: {  	v0 =	vadd.f32 v30, v0;
	v53 =	vld [tilespmem:s23+$0x14FC0];
	v39 =	vadd.f32 v39, v17  }
0x47e: {  	v9 =	vadd.f32 v9, v15;
	v38 =	vld [tilespmem:s23+$0x14FB0];
	v12 =	vadd.f32 v12, v36;
	[tilespmem:s24+$0xEF80] =	vst v11  }
0x47f: {  	v0 =	vadd.f32 v0, v34;
	v11 =	vld [tilespmem:s23+$0x14F80];
	[tilespmem:s24+$0xEF90] =	vst v35;
	v7 =	vadd.f32 v7, v39  }
0x480: {  	v30 =	vld [tilespmem:s23+$0xEF90];
	[tilespmem:s24+$0xEFB0] =	vst v12;
	v12 =	vadd.f32 v32, v14;
	v10 =	vadd.f32 v33, v10  }
0x481: {  	v8 =	vadd.f32 v8, v9;
	v54 =	vld [tilespmem:s23+$0xEFE0];
	[tilespmem:s24+$0xEFF0] =	vst v7  }
0x482: {  	v7 =	vld [tilespmem:s23+$0xEF80];
	[tilespmem:s24+$0xEFA0] =	vst v0;
	v9 =	vadd.f32 v10, v12  }
0x483: {  	v0 =	vld [tilespmem:s23+$0xEFF0];
	[tilespmem:s24+$0xEFC0] =	vst v8  }
0x484: {  	v8 =	vld [tilespmem:s23+$0xEFC0];
	[tilespmem:s24+$0xEFD0] =	vst v9  }
0x485: {  	v9 =	vld [tilespmem:s28+$0x0];
	_ =	sdelay $0x2  }
0x486: {  	v10 =	vld [tilespmem:s23+$0xEFB0];
	_ =	sdelay $0x1  }
0x487: {  	v5 =	vadd.f32 v5, v30;
	v12 =	vadd.f32 v31, v54;
	v29 =	vmul.f32 v9, v29  }
0x488: {  	v7 =	vadd.f32 v11, v7;
	v0 =	vadd.f32 v13, v0;
	v11 =	vmul.f32 v9, v28  }
0x489: {  	v8 =	vadd.f32 v53, v8;
	v13 =	vmul.f32 v9, v27;
	v27 =	vld [tilespmem:s23+$0xEFA0];
	v23 =	vadd.f32 v29, v23  }
0x48a: {  	v10 =	vadd.f32 v38, v10;
	v11 =	vadd.f32 v11, v21;
	v21 =	vmul.f32 v9, v26  }
0x48b: {  	v24 =	vmul.f32 v9, v24;
	v13 =	vadd.f32 v13, v19;
	v19 =	vld [tilespmem:s23+$0xEFD0];
	v12 =	vadd.f32 v12, v23  }
0x48c: {  	v5 =	vadd.f32 v5, v11;
	v11 =	vadd.f32 v21, v18;
	v18 =	vld [tilespmem:s23+$0x14FD0];
	v21 =	vmul.f32 v9, v25  }
0x48d: {  	v22 =	vmul.f32 v9, v22;
	v7 =	vadd.f32 v7, v13;
	v13 =	vadd.f32 v24, v16  }
0x48e: {  	v9 =	vmul.f32 v9, v20;
	v6 =	vadd.f32 v6, v27;
	[tilespmem:s23+$0xEFE0] =	vst v12;
	v12 =	vadd.f32 v21, v17  }
0x48f: {  	[tilespmem:s23+$0xEF80] =	vst v7;
	v7 =	vadd.f32 v10, v11;
	v10 =	vadd.f32 v22, v15  }
0x490: {  	[tilespmem:s23+$0xEF90] =	vst v5;
	v5 =	vadd.f32 v9, v14;
	v6 =	vadd.f32 v6, v13  }
0x491: {  	v0 =	vadd.f32 v0, v12;
	[tilespmem:s23+$0xEFB0] =	vst v7;
	v7 =	vadd.f32 v18, v19  }
0x492: {  	v8 =	vadd.f32 v8, v10;
	[tilespmem:s23+$0xEFA0] =	vst v6  }
0x493: {  	[tilespmem:s23+$0xEFF0] =	vst v0;
	v0 =	vadd.f32 v7, v5  }
0x494: {  	[tilespmem:s23+$0xEFC0] =	vst v8  }
0x495: {  	[tilespmem:s23+$0xEFD0] =	vst v0  }
0x496: {  	v19 =	vld [tilespmem:$0x2300]  }
0x497: {  	v21 =	vld [tilespmem:$0x2310]  }
0x498: {  	v16 =	vld [tilespmem:$0x2320]  }
0x499: {  	v18 =	vld [tilespmem:$0x2330]  }
0x49a: {  	v15 =	vld [tilespmem:$0x2340]  }
0x49b: {  	v14 =	vld [tilespmem:$0x2350]  }
0x49c: {  	v23 =	vld [tilespmem:$0x2360]  }
0x49d: {  	v17 =	vld [tilespmem:$0x2370]  }
0x49e: {  	v27 =	vld [tilespmem:$0x2600]  }
0x49f: {  	v28 =	vld [tilespmem:$0x2610]  }
0x4a0: {  	v24 =	vld [tilespmem:$0x2620]  }
0x4a1: {  	v26 =	vld [tilespmem:$0x2630]  }
0x4a2: {  	v22 =	vld [tilespmem:$0x2640]  }
0x4a3: {  	s25 =	simm.s32 $0x0;
	v20 =	vld [tilespmem:$0x2650]  }
0x4a4: {  	s31 =	simm.s32 $0x0;
	s23 =	smul.u32 $0x1800, s25;
	v29 =	vld [tilespmem:$0x2660]  }
0x4a5: {  	s24 =	sand.u32 $0x380, s31;
	s25 =	simm.s32 $0x1680;
	v25 =	vld [tilespmem:$0x2670]  }
0x4a6: {  	v55 =	vld [tilespmem:s25+$0x0];
	s24 =	sor.u32 s24, s23  }
0x4a7: {  	v0 =	vld [tilespmem:s24+$0x153F0]  }
0x4a8: {  	v5 =	vld [tilespmem:s24+$0x153E0]  }
0x4a9: {  	v6 =	vld [tilespmem:s24+$0x15390]  }
0x4aa: {  	v30 =	vld [tilespmem:s24+$0x153A0]  }
0x4ab: {  	v8 =	vld [tilespmem:s24+$0x153C0]  }
0x4ac: {  	v10 =	vld [tilespmem:s24+$0x153B0]  }
0x4ad: {  	v7 =	vld [tilespmem:s24+$0x15380]  }
0x4ae: {  	v9 =	vld [tilespmem:s24+$0xF390]  }
0x4af: {  	v11 =	vld [tilespmem:s24+$0xF3E0]  }
0x4b0: {  	v12 =	vld [tilespmem:s24+$0xF380]  }
0x4b1: {  	s28 =	simm.s32 $0x0;
	v56 =	vld [tilespmem:s24+$0xF3F0]  }
0x4b2: {  	s31 =	smul.u32 $0x1800, s28;
	s25 =	simm.s32 $0x80;
	v57 =	vld [tilespmem:s24+$0xF3B0]  }
0x4b3: {  	s28 =	sand.u32 $0x380, s25;
	v35 =	vld [tilespmem:s24+$0xF3C0]  }
0x4b4: {  	s23 =	sor.u32 s28, s31;
	v33 =	vld [tilespmem:s24+$0x153D0];
	v60 =	vmul.f32 v55, v27;
	v40 =	vmul.f32 v55, v29  }
0x4b5: {  	v13 =	vld [tilespmem:s23+$0x153F0];
	v61 =	vmul.f32 v55, v28;
	v58 =	vadd.f32 v6, v9;
	v59 =	vadd.f32 v5, v11  }
0x4b6: {  	v34 =	vmul.f32 v55, v24;
	v11 =	vadd.f32 v7, v12;
	v7 =	vadd.f32 v0, v56;
	v6 =	vld [tilespmem:s23+$0x153A0]  }
0x4b7: {  	v41 =	vmul.f32 v55, v26;
	v12 =	vadd.f32 v10, v57;
	v62 =	vadd.f32 v40, v23;
	v0 =	vld [tilespmem:s24+$0xF3A0]  }
0x4b8: {  	v31 =	vld [tilespmem:s23+$0x153E0];
	v32 =	vmul.f32 v55, v20;
	v63 =	vadd.f32 v61, v21;
	v8 =	vadd.f32 v8, v35  }
0x4b9: {  	v39 =	vmul.f32 v55, v25;
	v5 =	vld [tilespmem:s23+$0x15390];
	v37 =	vadd.f32 v60, v19;
	v38 =	vadd.f32 v59, v62  }
0x4ba: {  	s29 =	simm.s32 $0x1690;
	s30 =	simm.s32 $0x2;
	s28 =	simm.s32 $0x1690;
	v9 =	vmul.f32 v55, v22;
	v10 =	vld [tilespmem:s24+$0xF3D0];
	v36 =	vadd.f32 v41, v18;
	v35 =	vadd.f32 v58, v63  }
.LBB2_28:
0x4bb: {  	p1 =	sne.s32 s30, $0x1F;
	s25 =	sadd.s32 $0x80, s25;
	s29 =	sadd.s32 $0x10, s29;
	v11 =	vadd.f32 v11, v37;
	v34 =	vadd.f32 v34, v16;
	[tilespmem:s24+$0xF3E0] =	vst v38  }
0x4bc: {  	v0 =	vadd.f32 v30, v0;
	v30 =	vmov v6;
	s31 =	smov.u32 s30;
	s30 =	sadd.s32 $0x1, s30;
	v37 =	vld [tilespmem:s23+$0x153C0];
	v38 =	vadd.f32 v39, v17  }
0x4bd: {  	v9 =	vadd.f32 v9, v15;
	v6 =	vadd.f32 v12, v36;
	v39 =	vld [tilespmem:s23+$0x153B0];
	[tilespmem:s24+$0xF380] =	vst v11  }
0x4be: {  	v12 =	vadd.f32 v32, v14;
	v11 =	vld [tilespmem:s23+$0x15380];
	[tilespmem:s24+$0xF390] =	vst v35;
	v7 =	vadd.f32 v7, v38  }
0x4bf: {  	v0 =	vadd.f32 v0, v34;
	v32 =	vld [tilespmem:s23+$0xF390];
	[tilespmem:s24+$0xF3B0] =	vst v6;
	v6 =	vadd.f32 v33, v10  }
0x4c0: {  	v8 =	vadd.f32 v8, v9;
	v10 =	vld [tilespmem:s23+$0xF3E0];
	[tilespmem:s24+$0xF3F0] =	vst v7  }
0x4c1: {  	v7 =	vld [tilespmem:s23+$0xF380];
	[tilespmem:s24+$0xF3A0] =	vst v0;
	v0 =	vadd.f32 v6, v12  }
0x4c2: {  	s31 =	sshrl.u32 s31, $0x3;
	v9 =	vld [tilespmem:s23+$0xF3F0];
	[tilespmem:s24+$0xF3C0] =	vst v8  }
0x4c3: {  	s31 =	smul.u32 $0x1800, s31;
	v8 =	vld [tilespmem:s23+$0xF3C0];
	[tilespmem:s24+$0xF3D0] =	vst v0;
	s24 =	smov.u32 s23  }
0x4c4: {  	s23 =	sand.u32 $0x380, s25;
	v40 =	vld [tilespmem:s28+$0x0];
	v33 =	vadd.f32 v5, v32;
	s28 =	smov.u32 s29  }
0x4c5: {  	s23 =	sor.u32 s23, s31;
	v12 =	vld [tilespmem:s24+$0xF3B0];
	v35 =	vadd.f32 v31, v10  }
0x4c6: {  	v10 =	vld [tilespmem:s23+$0x153F0]  }
0x4c7: {  	v11 =	vadd.f32 v11, v7;
	v31 =	vld [tilespmem:s23+$0x153E0]  }
0x4c8: {  	v5 =	vld [tilespmem:s23+$0x15390]  }
0x4c9: {  	v7 =	vadd.f32 v13, v9;
	v6 =	vld [tilespmem:s23+$0x153A0];
	v32 =	vmul.f32 v40, v27;
	v36 =	vmul.f32 v40, v29  }
.Ltmp17:
0x4ca: {  	v38 =	vmul.f32 v40, v28;
	v9 =	vmul.f32 v40, v22;
	v0 =	vld [tilespmem:s24+$0xF3A0];
	(pc) =	sbr.rel @p1 .LBB2_28-.Ltmp17, $4  }
0x4cb: {  	v34 =	vmul.f32 v40, v24;
	v12 =	vadd.f32 v39, v12;
	v36 =	vadd.f32 v36, v23;
	v13 =	vmovc v10  }
0x4cc: {  	v8 =	vadd.f32 v37, v8;
	v41 =	vmul.f32 v40, v26;
	v39 =	vadd.f32 v38, v21  }
0x4cd: {  	v37 =	vadd.f32 v32, v19;
	v32 =	vmul.f32 v40, v20;
	v10 =	vld [tilespmem:s24+$0xF3D0];
	v38 =	vadd.f32 v35, v36  }
0x4ce: {  	v35 =	vadd.f32 v33, v39;
	v36 =	vadd.f32 v41, v18;
	v39 =	vmul.f32 v40, v25;
	v33 =	vld [tilespmem:s24+$0x153D0]  }
0x4cf: {  	[tilespmem:s24+$0xF3E0] =	vst v38;
	v11 =	vadd.f32 v11, v37;
	v34 =	vadd.f32 v34, v16  }
0x4d0: {  	v0 =	vadd.f32 v30, v0;
	v53 =	vld [tilespmem:s23+$0x153C0];
	v39 =	vadd.f32 v39, v17  }
0x4d1: {  	v9 =	vadd.f32 v9, v15;
	v38 =	vld [tilespmem:s23+$0x153B0];
	v12 =	vadd.f32 v12, v36;
	[tilespmem:s24+$0xF380] =	vst v11  }
0x4d2: {  	v0 =	vadd.f32 v0, v34;
	v11 =	vld [tilespmem:s23+$0x15380];
	[tilespmem:s24+$0xF390] =	vst v35;
	v7 =	vadd.f32 v7, v39  }
0x4d3: {  	v30 =	vld [tilespmem:s23+$0xF390];
	[tilespmem:s24+$0xF3B0] =	vst v12;
	v12 =	vadd.f32 v32, v14;
	v10 =	vadd.f32 v33, v10  }
0x4d4: {  	v8 =	vadd.f32 v8, v9;
	v54 =	vld [tilespmem:s23+$0xF3E0];
	[tilespmem:s24+$0xF3F0] =	vst v7  }
0x4d5: {  	v7 =	vld [tilespmem:s23+$0xF380];
	[tilespmem:s24+$0xF3A0] =	vst v0;
	v9 =	vadd.f32 v10, v12  }
0x4d6: {  	v0 =	vld [tilespmem:s23+$0xF3F0];
	[tilespmem:s24+$0xF3C0] =	vst v8  }
0x4d7: {  	v8 =	vld [tilespmem:s23+$0xF3C0];
	[tilespmem:s24+$0xF3D0] =	vst v9  }
0x4d8: {  	v9 =	vld [tilespmem:s28+$0x0];
	_ =	sdelay $0x2  }
0x4d9: {  	v10 =	vld [tilespmem:s23+$0xF3B0];
	_ =	sdelay $0x1  }
0x4da: {  	v5 =	vadd.f32 v5, v30;
	v12 =	vadd.f32 v31, v54;
	v29 =	vmul.f32 v9, v29  }
0x4db: {  	v7 =	vadd.f32 v11, v7;
	v0 =	vadd.f32 v13, v0;
	v11 =	vmul.f32 v9, v28  }
0x4dc: {  	v8 =	vadd.f32 v53, v8;
	v13 =	vmul.f32 v9, v27;
	v27 =	vld [tilespmem:s23+$0xF3A0];
	v23 =	vadd.f32 v29, v23  }
0x4dd: {  	v10 =	vadd.f32 v38, v10;
	v11 =	vadd.f32 v11, v21;
	v21 =	vmul.f32 v9, v26  }
0x4de: {  	v24 =	vmul.f32 v9, v24;
	v13 =	vadd.f32 v13, v19;
	v19 =	vld [tilespmem:s23+$0xF3D0];
	v12 =	vadd.f32 v12, v23  }
0x4df: {  	v5 =	vadd.f32 v5, v11;
	v11 =	vadd.f32 v21, v18;
	v18 =	vld [tilespmem:s23+$0x153D0];
	v21 =	vmul.f32 v9, v25  }
0x4e0: {  	v22 =	vmul.f32 v9, v22;
	v7 =	vadd.f32 v7, v13;
	v13 =	vadd.f32 v24, v16  }
0x4e1: {  	v9 =	vmul.f32 v9, v20;
	v6 =	vadd.f32 v6, v27;
	[tilespmem:s23+$0xF3E0] =	vst v12;
	v12 =	vadd.f32 v21, v17  }
0x4e2: {  	[tilespmem:s23+$0xF380] =	vst v7;
	v7 =	vadd.f32 v10, v11;
	v10 =	vadd.f32 v22, v15  }
0x4e3: {  	[tilespmem:s23+$0xF390] =	vst v5;
	v5 =	vadd.f32 v9, v14;
	v6 =	vadd.f32 v6, v13  }
0x4e4: {  	v0 =	vadd.f32 v0, v12;
	[tilespmem:s23+$0xF3B0] =	vst v7;
	v7 =	vadd.f32 v18, v19  }
0x4e5: {  	v8 =	vadd.f32 v8, v10;
	[tilespmem:s23+$0xF3A0] =	vst v6  }
0x4e6: {  	[tilespmem:s23+$0xF3F0] =	vst v0;
	v0 =	vadd.f32 v7, v5  }
0x4e7: {  	[tilespmem:s23+$0xF3C0] =	vst v8  }
0x4e8: {  	[tilespmem:s23+$0xF3D0] =	vst v0  }
0x4e9: {  	v19 =	vld [tilespmem:$0x2380]  }
0x4ea: {  	v21 =	vld [tilespmem:$0x2390]  }
0x4eb: {  	v16 =	vld [tilespmem:$0x23A0]  }
0x4ec: {  	v18 =	vld [tilespmem:$0x23B0]  }
0x4ed: {  	v15 =	vld [tilespmem:$0x23C0]  }
0x4ee: {  	v14 =	vld [tilespmem:$0x23D0]  }
0x4ef: {  	v23 =	vld [tilespmem:$0x23E0]  }
0x4f0: {  	v17 =	vld [tilespmem:$0x23F0]  }
0x4f1: {  	v27 =	vld [tilespmem:$0x2680]  }
0x4f2: {  	v28 =	vld [tilespmem:$0x2690]  }
0x4f3: {  	v24 =	vld [tilespmem:$0x26A0]  }
0x4f4: {  	v26 =	vld [tilespmem:$0x26B0]  }
0x4f5: {  	v22 =	vld [tilespmem:$0x26C0]  }
0x4f6: {  	s25 =	simm.s32 $0x0;
	v20 =	vld [tilespmem:$0x26D0]  }
0x4f7: {  	s31 =	simm.s32 $0x0;
	s23 =	smul.u32 $0x1800, s25;
	v29 =	vld [tilespmem:$0x26E0]  }
0x4f8: {  	s24 =	sand.u32 $0x380, s31;
	s25 =	simm.s32 $0x1680;
	v25 =	vld [tilespmem:$0x26F0]  }
0x4f9: {  	v55 =	vld [tilespmem:s25+$0x0];
	s24 =	sor.u32 s24, s23  }
0x4fa: {  	v0 =	vld [tilespmem:s24+$0x157F0]  }
0x4fb: {  	v5 =	vld [tilespmem:s24+$0x157E0]  }
0x4fc: {  	v6 =	vld [tilespmem:s24+$0x15790]  }
0x4fd: {  	v30 =	vld [tilespmem:s24+$0x157A0]  }
0x4fe: {  	v8 =	vld [tilespmem:s24+$0x157C0]  }
0x4ff: {  	v10 =	vld [tilespmem:s24+$0x157B0]  }
0x500: {  	v7 =	vld [tilespmem:s24+$0x15780]  }
0x501: {  	v9 =	vld [tilespmem:s24+$0xF790]  }
0x502: {  	v11 =	vld [tilespmem:s24+$0xF7E0]  }
0x503: {  	v12 =	vld [tilespmem:s24+$0xF780]  }
0x504: {  	s28 =	simm.s32 $0x0;
	v56 =	vld [tilespmem:s24+$0xF7F0]  }
0x505: {  	s31 =	smul.u32 $0x1800, s28;
	s25 =	simm.s32 $0x80;
	v57 =	vld [tilespmem:s24+$0xF7B0]  }
0x506: {  	s28 =	sand.u32 $0x380, s25;
	v35 =	vld [tilespmem:s24+$0xF7C0]  }
0x507: {  	s23 =	sor.u32 s28, s31;
	v33 =	vld [tilespmem:s24+$0x157D0];
	v60 =	vmul.f32 v55, v27;
	v40 =	vmul.f32 v55, v29  }
0x508: {  	v13 =	vld [tilespmem:s23+$0x157F0];
	v61 =	vmul.f32 v55, v28;
	v58 =	vadd.f32 v6, v9;
	v59 =	vadd.f32 v5, v11  }
0x509: {  	v34 =	vmul.f32 v55, v24;
	v11 =	vadd.f32 v7, v12;
	v7 =	vadd.f32 v0, v56;
	v6 =	vld [tilespmem:s23+$0x157A0]  }
0x50a: {  	v41 =	vmul.f32 v55, v26;
	v12 =	vadd.f32 v10, v57;
	v62 =	vadd.f32 v40, v23;
	v0 =	vld [tilespmem:s24+$0xF7A0]  }
0x50b: {  	v31 =	vld [tilespmem:s23+$0x157E0];
	v32 =	vmul.f32 v55, v20;
	v63 =	vadd.f32 v61, v21;
	v8 =	vadd.f32 v8, v35  }
0x50c: {  	v39 =	vmul.f32 v55, v25;
	v5 =	vld [tilespmem:s23+$0x15790];
	v37 =	vadd.f32 v60, v19;
	v38 =	vadd.f32 v59, v62  }
0x50d: {  	s29 =	simm.s32 $0x1690;
	s30 =	simm.s32 $0x2;
	s28 =	simm.s32 $0x1690;
	v9 =	vmul.f32 v55, v22;
	v10 =	vld [tilespmem:s24+$0xF7D0];
	v36 =	vadd.f32 v41, v18;
	v35 =	vadd.f32 v58, v63  }
.LBB2_30:
0x50e: {  	p1 =	sne.s32 s30, $0x1F;
	s25 =	sadd.s32 $0x80, s25;
	s29 =	sadd.s32 $0x10, s29;
	v11 =	vadd.f32 v11, v37;
	v34 =	vadd.f32 v34, v16;
	[tilespmem:s24+$0xF7E0] =	vst v38  }
0x50f: {  	v0 =	vadd.f32 v30, v0;
	v30 =	vmov v6;
	s31 =	smov.u32 s30;
	s30 =	sadd.s32 $0x1, s30;
	v37 =	vld [tilespmem:s23+$0x157C0];
	v38 =	vadd.f32 v39, v17  }
0x510: {  	v9 =	vadd.f32 v9, v15;
	v6 =	vadd.f32 v12, v36;
	v39 =	vld [tilespmem:s23+$0x157B0];
	[tilespmem:s24+$0xF780] =	vst v11  }
0x511: {  	v12 =	vadd.f32 v32, v14;
	v11 =	vld [tilespmem:s23+$0x15780];
	[tilespmem:s24+$0xF790] =	vst v35;
	v7 =	vadd.f32 v7, v38  }
0x512: {  	v0 =	vadd.f32 v0, v34;
	v32 =	vld [tilespmem:s23+$0xF790];
	[tilespmem:s24+$0xF7B0] =	vst v6;
	v6 =	vadd.f32 v33, v10  }
0x513: {  	v8 =	vadd.f32 v8, v9;
	v10 =	vld [tilespmem:s23+$0xF7E0];
	[tilespmem:s24+$0xF7F0] =	vst v7  }
0x514: {  	v7 =	vld [tilespmem:s23+$0xF780];
	[tilespmem:s24+$0xF7A0] =	vst v0;
	v0 =	vadd.f32 v6, v12  }
0x515: {  	s31 =	sshrl.u32 s31, $0x3;
	v9 =	vld [tilespmem:s23+$0xF7F0];
	[tilespmem:s24+$0xF7C0] =	vst v8  }
0x516: {  	s31 =	smul.u32 $0x1800, s31;
	v8 =	vld [tilespmem:s23+$0xF7C0];
	[tilespmem:s24+$0xF7D0] =	vst v0;
	s24 =	smov.u32 s23  }
0x517: {  	s23 =	sand.u32 $0x380, s25;
	v40 =	vld [tilespmem:s28+$0x0];
	v33 =	vadd.f32 v5, v32;
	s28 =	smov.u32 s29  }
0x518: {  	s23 =	sor.u32 s23, s31;
	v12 =	vld [tilespmem:s24+$0xF7B0];
	v35 =	vadd.f32 v31, v10  }
0x519: {  	v10 =	vld [tilespmem:s23+$0x157F0]  }
0x51a: {  	v11 =	vadd.f32 v11, v7;
	v31 =	vld [tilespmem:s23+$0x157E0]  }
0x51b: {  	v5 =	vld [tilespmem:s23+$0x15790]  }
0x51c: {  	v7 =	vadd.f32 v13, v9;
	v6 =	vld [tilespmem:s23+$0x157A0];
	v32 =	vmul.f32 v40, v27;
	v36 =	vmul.f32 v40, v29  }
.Ltmp18:
0x51d: {  	v38 =	vmul.f32 v40, v28;
	v9 =	vmul.f32 v40, v22;
	v0 =	vld [tilespmem:s24+$0xF7A0];
	(pc) =	sbr.rel @p1 .LBB2_30-.Ltmp18, $4  }
0x51e: {  	v34 =	vmul.f32 v40, v24;
	v12 =	vadd.f32 v39, v12;
	v36 =	vadd.f32 v36, v23;
	v13 =	vmovc v10  }
0x51f: {  	v8 =	vadd.f32 v37, v8;
	v41 =	vmul.f32 v40, v26;
	v39 =	vadd.f32 v38, v21  }
0x520: {  	v37 =	vadd.f32 v32, v19;
	v32 =	vmul.f32 v40, v20;
	v10 =	vld [tilespmem:s24+$0xF7D0];
	v38 =	vadd.f32 v35, v36  }
0x521: {  	v35 =	vadd.f32 v33, v39;
	v36 =	vadd.f32 v41, v18;
	v39 =	vmul.f32 v40, v25;
	v33 =	vld [tilespmem:s24+$0x157D0]  }
0x522: {  	[tilespmem:s24+$0xF7E0] =	vst v38;
	v11 =	vadd.f32 v11, v37;
	v34 =	vadd.f32 v34, v16  }
0x523: {  	v0 =	vadd.f32 v30, v0;
	v53 =	vld [tilespmem:s23+$0x157C0];
	v39 =	vadd.f32 v39, v17  }
0x524: {  	v9 =	vadd.f32 v9, v15;
	v38 =	vld [tilespmem:s23+$0x157B0];
	v12 =	vadd.f32 v12, v36;
	[tilespmem:s24+$0xF780] =	vst v11  }
0x525: {  	v0 =	vadd.f32 v0, v34;
	v11 =	vld [tilespmem:s23+$0x15780];
	[tilespmem:s24+$0xF790] =	vst v35;
	v7 =	vadd.f32 v7, v39  }
0x526: {  	v30 =	vld [tilespmem:s23+$0xF790];
	[tilespmem:s24+$0xF7B0] =	vst v12;
	v12 =	vadd.f32 v32, v14;
	v10 =	vadd.f32 v33, v10  }
0x527: {  	v8 =	vadd.f32 v8, v9;
	v54 =	vld [tilespmem:s23+$0xF7E0];
	[tilespmem:s24+$0xF7F0] =	vst v7  }
0x528: {  	v7 =	vld [tilespmem:s23+$0xF780];
	[tilespmem:s24+$0xF7A0] =	vst v0;
	v9 =	vadd.f32 v10, v12  }
0x529: {  	v0 =	vld [tilespmem:s23+$0xF7F0];
	[tilespmem:s24+$0xF7C0] =	vst v8  }
0x52a: {  	v8 =	vld [tilespmem:s23+$0xF7C0];
	[tilespmem:s24+$0xF7D0] =	vst v9  }
0x52b: {  	v9 =	vld [tilespmem:s28+$0x0];
	_ =	sdelay $0x2  }
0x52c: {  	v10 =	vld [tilespmem:s23+$0xF7B0];
	_ =	sdelay $0x1  }
0x52d: {  	v5 =	vadd.f32 v5, v30;
	v12 =	vadd.f32 v31, v54;
	v29 =	vmul.f32 v9, v29  }
0x52e: {  	v7 =	vadd.f32 v11, v7;
	v0 =	vadd.f32 v13, v0;
	v11 =	vmul.f32 v9, v28  }
0x52f: {  	v8 =	vadd.f32 v53, v8;
	v13 =	vmul.f32 v9, v27;
	v27 =	vld [tilespmem:s23+$0xF7A0];
	v23 =	vadd.f32 v29, v23  }
0x530: {  	v10 =	vadd.f32 v38, v10;
	v11 =	vadd.f32 v11, v21;
	v21 =	vmul.f32 v9, v26  }
0x531: {  	v24 =	vmul.f32 v9, v24;
	v13 =	vadd.f32 v13, v19;
	v19 =	vld [tilespmem:s23+$0xF7D0];
	v12 =	vadd.f32 v12, v23  }
0x532: {  	v5 =	vadd.f32 v5, v11;
	v11 =	vadd.f32 v21, v18;
	v18 =	vld [tilespmem:s23+$0x157D0];
	v21 =	vmul.f32 v9, v25  }
0x533: {  	v22 =	vmul.f32 v9, v22;
	v7 =	vadd.f32 v7, v13;
	v13 =	vadd.f32 v24, v16  }
0x534: {  	v9 =	vmul.f32 v9, v20;
	v6 =	vadd.f32 v6, v27;
	[tilespmem:s23+$0xF7E0] =	vst v12;
	v12 =	vadd.f32 v21, v17  }
0x535: {  	[tilespmem:s23+$0xF780] =	vst v7;
	v7 =	vadd.f32 v10, v11;
	v10 =	vadd.f32 v22, v15  }
0x536: {  	[tilespmem:s23+$0xF790] =	vst v5;
	v5 =	vadd.f32 v9, v14;
	v6 =	vadd.f32 v6, v13  }
0x537: {  	v0 =	vadd.f32 v0, v12;
	[tilespmem:s23+$0xF7B0] =	vst v7;
	v7 =	vadd.f32 v18, v19  }
0x538: {  	v8 =	vadd.f32 v8, v10;
	[tilespmem:s23+$0xF7A0] =	vst v6  }
0x539: {  	[tilespmem:s23+$0xF7F0] =	vst v0;
	v0 =	vadd.f32 v7, v5  }
0x53a: {  	[tilespmem:s23+$0xF7C0] =	vst v8  }
0x53b: {  	[tilespmem:s23+$0xF7D0] =	vst v0  }
0x53c: {  	v19 =	vld [tilespmem:$0x2400]  }
0x53d: {  	v21 =	vld [tilespmem:$0x2410]  }
0x53e: {  	v16 =	vld [tilespmem:$0x2420]  }
0x53f: {  	v18 =	vld [tilespmem:$0x2430]  }
0x540: {  	v15 =	vld [tilespmem:$0x2440]  }
0x541: {  	v14 =	vld [tilespmem:$0x2450]  }
0x542: {  	v23 =	vld [tilespmem:$0x2460]  }
0x543: {  	v17 =	vld [tilespmem:$0x2470]  }
0x544: {  	v27 =	vld [tilespmem:$0x2700]  }
0x545: {  	v28 =	vld [tilespmem:$0x2710]  }
0x546: {  	v24 =	vld [tilespmem:$0x2720]  }
0x547: {  	v26 =	vld [tilespmem:$0x2730]  }
0x548: {  	v22 =	vld [tilespmem:$0x2740]  }
0x549: {  	s25 =	simm.s32 $0x0;
	v20 =	vld [tilespmem:$0x2750]  }
0x54a: {  	s31 =	simm.s32 $0x0;
	s23 =	smul.u32 $0x1800, s25;
	v29 =	vld [tilespmem:$0x2760]  }
0x54b: {  	s24 =	sand.u32 $0x380, s31;
	s25 =	simm.s32 $0x1680;
	v25 =	vld [tilespmem:$0x2770]  }
0x54c: {  	v55 =	vld [tilespmem:s25+$0x0];
	s24 =	sor.u32 s24, s23  }
0x54d: {  	v0 =	vld [tilespmem:s24+$0x15BF0]  }
0x54e: {  	v5 =	vld [tilespmem:s24+$0x15BE0]  }
0x54f: {  	v6 =	vld [tilespmem:s24+$0x15B90]  }
0x550: {  	v30 =	vld [tilespmem:s24+$0x15BA0]  }
0x551: {  	v8 =	vld [tilespmem:s24+$0x15BC0]  }
0x552: {  	v10 =	vld [tilespmem:s24+$0x15BB0]  }
0x553: {  	v7 =	vld [tilespmem:s24+$0x15B80]  }
0x554: {  	v9 =	vld [tilespmem:s24+$0xFB90]  }
0x555: {  	v11 =	vld [tilespmem:s24+$0xFBE0]  }
0x556: {  	v12 =	vld [tilespmem:s24+$0xFB80]  }
0x557: {  	s28 =	simm.s32 $0x0;
	v56 =	vld [tilespmem:s24+$0xFBF0]  }
0x558: {  	s31 =	smul.u32 $0x1800, s28;
	s25 =	simm.s32 $0x80;
	v57 =	vld [tilespmem:s24+$0xFBB0]  }
0x559: {  	s28 =	sand.u32 $0x380, s25;
	v35 =	vld [tilespmem:s24+$0xFBC0]  }
0x55a: {  	s23 =	sor.u32 s28, s31;
	v33 =	vld [tilespmem:s24+$0x15BD0];
	v60 =	vmul.f32 v55, v27;
	v40 =	vmul.f32 v55, v29  }
0x55b: {  	v13 =	vld [tilespmem:s23+$0x15BF0];
	v61 =	vmul.f32 v55, v28;
	v58 =	vadd.f32 v6, v9;
	v59 =	vadd.f32 v5, v11  }
0x55c: {  	v34 =	vmul.f32 v55, v24;
	v11 =	vadd.f32 v7, v12;
	v7 =	vadd.f32 v0, v56;
	v6 =	vld [tilespmem:s23+$0x15BA0]  }
0x55d: {  	v41 =	vmul.f32 v55, v26;
	v12 =	vadd.f32 v10, v57;
	v62 =	vadd.f32 v40, v23;
	v0 =	vld [tilespmem:s24+$0xFBA0]  }
0x55e: {  	v31 =	vld [tilespmem:s23+$0x15BE0];
	v32 =	vmul.f32 v55, v20;
	v63 =	vadd.f32 v61, v21;
	v8 =	vadd.f32 v8, v35  }
0x55f: {  	v39 =	vmul.f32 v55, v25;
	v5 =	vld [tilespmem:s23+$0x15B90];
	v37 =	vadd.f32 v60, v19;
	v38 =	vadd.f32 v59, v62  }
0x560: {  	s29 =	simm.s32 $0x1690;
	s30 =	simm.s32 $0x2;
	s28 =	simm.s32 $0x1690;
	v9 =	vmul.f32 v55, v22;
	v10 =	vld [tilespmem:s24+$0xFBD0];
	v36 =	vadd.f32 v41, v18;
	v35 =	vadd.f32 v58, v63  }
.LBB2_32:
0x561: {  	p1 =	sne.s32 s30, $0x1F;
	s25 =	sadd.s32 $0x80, s25;
	s29 =	sadd.s32 $0x10, s29;
	v11 =	vadd.f32 v11, v37;
	v34 =	vadd.f32 v34, v16;
	[tilespmem:s24+$0xFBE0] =	vst v38  }
0x562: {  	v0 =	vadd.f32 v30, v0;
	v30 =	vmov v6;
	s31 =	smov.u32 s30;
	s30 =	sadd.s32 $0x1, s30;
	v37 =	vld [tilespmem:s23+$0x15BC0];
	v38 =	vadd.f32 v39, v17  }
0x563: {  	v9 =	vadd.f32 v9, v15;
	v6 =	vadd.f32 v12, v36;
	v39 =	vld [tilespmem:s23+$0x15BB0];
	[tilespmem:s24+$0xFB80] =	vst v11  }
0x564: {  	v12 =	vadd.f32 v32, v14;
	v11 =	vld [tilespmem:s23+$0x15B80];
	[tilespmem:s24+$0xFB90] =	vst v35;
	v7 =	vadd.f32 v7, v38  }
0x565: {  	v0 =	vadd.f32 v0, v34;
	v32 =	vld [tilespmem:s23+$0xFB90];
	[tilespmem:s24+$0xFBB0] =	vst v6;
	v6 =	vadd.f32 v33, v10  }
0x566: {  	v8 =	vadd.f32 v8, v9;
	v10 =	vld [tilespmem:s23+$0xFBE0];
	[tilespmem:s24+$0xFBF0] =	vst v7  }
0x567: {  	v7 =	vld [tilespmem:s23+$0xFB80];
	[tilespmem:s24+$0xFBA0] =	vst v0;
	v0 =	vadd.f32 v6, v12  }
0x568: {  	s31 =	sshrl.u32 s31, $0x3;
	v9 =	vld [tilespmem:s23+$0xFBF0];
	[tilespmem:s24+$0xFBC0] =	vst v8  }
0x569: {  	s31 =	smul.u32 $0x1800, s31;
	v8 =	vld [tilespmem:s23+$0xFBC0];
	[tilespmem:s24+$0xFBD0] =	vst v0;
	s24 =	smov.u32 s23  }
0x56a: {  	s23 =	sand.u32 $0x380, s25;
	v40 =	vld [tilespmem:s28+$0x0];
	v33 =	vadd.f32 v5, v32;
	s28 =	smov.u32 s29  }
0x56b: {  	s23 =	sor.u32 s23, s31;
	v12 =	vld [tilespmem:s24+$0xFBB0];
	v35 =	vadd.f32 v31, v10  }
0x56c: {  	v10 =	vld [tilespmem:s23+$0x15BF0]  }
0x56d: {  	v11 =	vadd.f32 v11, v7;
	v31 =	vld [tilespmem:s23+$0x15BE0]  }
0x56e: {  	v5 =	vld [tilespmem:s23+$0x15B90]  }
0x56f: {  	v7 =	vadd.f32 v13, v9;
	v6 =	vld [tilespmem:s23+$0x15BA0];
	v32 =	vmul.f32 v40, v27;
	v36 =	vmul.f32 v40, v29  }
.Ltmp19:
0x570: {  	v38 =	vmul.f32 v40, v28;
	v9 =	vmul.f32 v40, v22;
	v0 =	vld [tilespmem:s24+$0xFBA0];
	(pc) =	sbr.rel @p1 .LBB2_32-.Ltmp19, $4  }
0x571: {  	v34 =	vmul.f32 v40, v24;
	v12 =	vadd.f32 v39, v12;
	v36 =	vadd.f32 v36, v23;
	v13 =	vmovc v10  }
0x572: {  	v8 =	vadd.f32 v37, v8;
	v41 =	vmul.f32 v40, v26;
	v39 =	vadd.f32 v38, v21  }
0x573: {  	v37 =	vadd.f32 v32, v19;
	v32 =	vmul.f32 v40, v20;
	v10 =	vld [tilespmem:s24+$0xFBD0];
	v38 =	vadd.f32 v35, v36  }
0x574: {  	v35 =	vadd.f32 v33, v39;
	v36 =	vadd.f32 v41, v18;
	v39 =	vmul.f32 v40, v25;
	v33 =	vld [tilespmem:s24+$0x15BD0]  }
0x575: {  	[tilespmem:s24+$0xFBE0] =	vst v38;
	v11 =	vadd.f32 v11, v37;
	v34 =	vadd.f32 v34, v16  }
0x576: {  	v0 =	vadd.f32 v30, v0;
	v46 =	vld [tilespmem:s23+$0x15BC0];
	v39 =	vadd.f32 v39, v17  }
0x577: {  	v9 =	vadd.f32 v9, v15;
	v38 =	vld [tilespmem:s23+$0x15BB0];
	v12 =	vadd.f32 v12, v36;
	[tilespmem:s24+$0xFB80] =	vst v11  }
0x578: {  	v48 =	vadd.f32 v32, v14;
	v11 =	vld [tilespmem:s23+$0x15B80];
	[tilespmem:s24+$0xFB90] =	vst v35;
	v7 =	vadd.f32 v7, v39  }
0x579: {  	v0 =	vadd.f32 v0, v34;
	v47 =	vld [tilespmem:s23+$0xFB90];
	[tilespmem:s24+$0xFBB0] =	vst v12;
	v10 =	vadd.f32 v33, v10  }
0x57a: {  	v8 =	vadd.f32 v8, v9;
	v49 =	vld [tilespmem:s23+$0xFBE0];
	[tilespmem:s24+$0xFBF0] =	vst v7  }
0x57b: {  	v7 =	vld [tilespmem:s23+$0xFB80];
	[tilespmem:s24+$0xFBA0] =	vst v0;
	v50 =	vadd.f32 v10, v48  }
0x57c: {  	v0 =	vld [tilespmem:s23+$0xFBF0];
	[tilespmem:s24+$0xFBC0] =	vst v8  }
0x57d: {  	v8 =	vld [tilespmem:s23+$0xFBC0];
	[tilespmem:s24+$0xFBD0] =	vst v50  }
0x57e: {  	v9 =	vld [tilespmem:s28+$0x0]  }
0x57f: {  	v51 =	vld [tilespmem:s23+$0xFBB0]  }
0x580: {  	v55 =	vld [tilespmem:s23+$0xFBA0]  }
0x581: {  	v5 =	vadd.f32 v5, v47  }
0x582: {  	v52 =	vadd.f32 v31, v49;
	v7 =	vadd.f32 v11, v7  }
0x583: {  	v0 =	vadd.f32 v13, v0;
	v8 =	vadd.f32 v46, v8;
	v29 =	vmul.f32 v9, v29  }
0x584: {  	v53 =	vmul.f32 v9, v28;
	v54 =	vmul.f32 v9, v27;
	v10 =	vadd.f32 v38, v51  }
0x585: {  	v56 =	vmul.f32 v9, v26;
	v6 =	vadd.f32 v6, v55;
	v23 =	vadd.f32 v29, v23  }
0x586: {  	v57 =	vld [tilespmem:s23+$0xFBD0];
	v24 =	vmul.f32 v9, v24;
	v11 =	vadd.f32 v53, v21;
	v13 =	vadd.f32 v54, v19  }
0x587: {  	v59 =	vld [tilespmem:s23+$0x15BD0];
	v60 =	vmul.f32 v9, v25;
	v58 =	vadd.f32 v56, v18;
	v12 =	vadd.f32 v52, v23  }
0x588: {  	v22 =	vmul.f32 v9, v22;
	v61 =	vadd.f32 v24, v16;
	v7 =	vadd.f32 v7, v13  }
0x589: {  	v62 =	vadd.f32 v60, v17;
	v5 =	vadd.f32 v5, v11;
	[tilespmem:s23+$0xFBE0] =	vst v12  }
0x58a: {  	v9 =	vmul.f32 v9, v20;
	v63 =	vadd.f32 v22, v15;
	[tilespmem:s23+$0xFB80] =	vst v7;
	v7 =	vadd.f32 v10, v58  }
0x58b: {  	v0 =	vadd.f32 v0, v62;
	v6 =	vadd.f32 v6, v61;
	[tilespmem:s23+$0xFB90] =	vst v5  }
0x58c: {  	s20 =	sor.u32 s8, s20;
	p1 =	seq.s32 s17, $0x7;
	v5 =	vadd.f32 v9, v14;
	[tilespmem:s23+$0xFBB0] =	vst v7;
	v7 =	vadd.f32 v59, v57  }
.Ltmp20:
0x58d: {  	s20 =	sshrl.u32 s20, $0x3;
	v8 =	vadd.f32 v8, v63;
	[tilespmem:s23+$0xFBF0] =	vst v0;
	(pc) =	sbr.rel @p1 .LBB2_38-.Ltmp20, $4  }
0x58e: {  	s20 =	smul.u32 $0x300, s20;
	[tilespmem:s23+$0xFBA0] =	vst v6;
	v0 =	vadd.f32 v7, v5  }
0x58f: {  	[tilespmem:s23+$0xFBC0] =	vst v8  }
0x590: {  	s20 =	sadd.s32 s5, s20;
	[tilespmem:s23+$0xFBD0] =	vst v0  }
0x591: {  	[hbm4b:s20+s7] =	stream.linear.scatter [tilespmem:s21], [sflag:$0x6], $0x6000, $0x38;
	[tilespmem:$0x1A780] =	vst v63  }
0x592: {  	_ =	swait.ge [sflag:s13], $0x6000  }
0x593: {  	[sflag:s13] =	ssyncset.done $0x0  }
0x594: {  	[sflag:s13] =	ssyncadd.s32 $0xFFFFA000  }
0x595: {  	v0 =	vld [tilespmem:s18+$0x1040];
	_ =	sdelay $0x4  }
0x596: {  	v5 =	vshrl.u32 v0, $0x3  }
0x597: {  	v5 =	vmul.u32 $0x30, v5  }
0x598: {  	v0 =	vand.u32 $0x7, v0  }
0x599: {  	v0 =	vor.u32 v0, v5  }
0x59a: {  	v5 =	vperm.xlane v0, v1;
	_ =	sdelay $0x1  }
0x59b: {  	v5 =	vadd.s32 v2, v5;
	_ =	sdelay $0x3  }
0x59c: {  	v0 =	vperm.xlane v0, v3  }
0x59d: {  	[tilespmem:s22], [sflag:$0x1] =	stream.indirect_vreg.gather [hbm4b:s1+s7], $0x80, v5, vm0, $0xb8;
	[tilespmem:$0x1A780] =	vst v63  }
0x59e: {  	s20 =	simm.s32 $0x2F80;
	v0 =	vadd.s32 v2, v0  }
0x59f: {  	[tilespmem:s20], [sflag:$0x1] =	stream.indirect_vreg.gather [hbm4b:s11+s7], $0x80, v5, vm0, $0xb8;
	[tilespmem:$0x1A780] =	vst v63  }
0x5a0: {  	s31 =	simm.s32 $0x3780  }
0x5a1: {  	[tilespmem:s31], [sflag:$0x1] =	stream.indirect_vreg.gather [hbm4b:s12+s7], $0x80, v5, vm0, $0xb8;
	[tilespmem:$0x1A780] =	vst v63  }
0x5a2: {  	s23 =	simm.s32 $0x3F80  }
0x5a3: {  	[tilespmem:s23], [sflag:$0x1] =	stream.indirect_vreg.gather [hbm4b:s1+s7], $0x80, v0, vm0, $0xb8;
	[tilespmem:$0x1A780] =	vst v63  }
0x5a4: {  	s24 =	simm.s32 $0x4780  }
0x5a5: {  	[tilespmem:s24], [sflag:$0x1] =	stream.indirect_vreg.gather [hbm4b:s11+s7], $0x80, v0, vm0, $0xb8;
	[tilespmem:$0x1A780] =	vst v63  }
0x5a6: {  	s25 =	simm.s32 $0x4F80  }
0x5a7: {  	[tilespmem:s25], [sflag:$0x1] =	stream.indirect_vreg.gather [hbm4b:s12+s7], $0x80, v0, vm0, $0xb8;
	[tilespmem:$0x1A780] =	vst v63  }
0x5a8: {  	v0 =	vld [tilespmem:s18+$0x1050];
	_ =	sdelay $0x4  }
0x5a9: {  	v5 =	vshrl.u32 v0, $0x3  }
0x5aa: {  	v5 =	vmul.u32 $0x30, v5  }
0x5ab: {  	v0 =	vand.u32 $0x7, v0  }
0x5ac: {  	v0 =	vor.u32 v0, v5  }
0x5ad: {  	v5 =	vperm.xlane v0, v1;
	_ =	sdelay $0x1  }
0x5ae: {  	v5 =	vadd.s32 v2, v5;
	_ =	sdelay $0x3  }
0x5af: {  	s28 =	simm.s32 $0x5780;
	v0 =	vperm.xlane v0, v3  }
0x5b0: {  	[tilespmem:s28], [sflag:$0x1] =	stream.indirect_vreg.gather [hbm4b:s1+s7], $0x80, v5, vm0, $0xb8;
	[tilespmem:$0x1A780] =	vst v63  }
0x5b1: {  	s29 =	simm.s32 $0x5F80;
	v0 =	vadd.s32 v2, v0  }
0x5b2: {  	[tilespmem:s29], [sflag:$0x1] =	stream.indirect_vreg.gather [hbm4b:s11+s7], $0x80, v5, vm0, $0xb8;
	[tilespmem:$0x1A780] =	vst v63  }
0x5b3: {  	s30 =	simm.s32 $0x6780  }
0x5b4: {  	[tilespmem:s30], [sflag:$0x1] =	stream.indirect_vreg.gather [hbm4b:s12+s7], $0x80, v5, vm0, $0xb8;
	[tilespmem:$0x1A780] =	vst v63  }
0x5b5: {  	s31 =	simm.s32 $0x6F80  }
0x5b6: {  	[tilespmem:s31], [sflag:$0x1] =	stream.indirect_vreg.gather [hbm4b:s1+s7], $0x80, v0, vm0, $0xb8;
	[tilespmem:$0x1A780] =	vst v63  }
0x5b7: {  	s23 =	simm.s32 $0x7780  }
0x5b8: {  	[tilespmem:s23], [sflag:$0x1] =	stream.indirect_vreg.gather [hbm4b:s11+s7], $0x80, v0, vm0, $0xb8;
	[tilespmem:$0x1A780] =	vst v63  }
0x5b9: {  	s24 =	simm.s32 $0x7F80  }
0x5ba: {  	[tilespmem:s24], [sflag:$0x1] =	stream.indirect_vreg.gather [hbm4b:s12+s7], $0x80, v0, vm0, $0xb8;
	[tilespmem:$0x1A780] =	vst v63  }
0x5bb: {  	v0 =	vld [tilespmem:s18+$0x1440];
	_ =	sdelay $0x4  }
0x5bc: {  	v5 =	vshrl.u32 v0, $0x3  }
0x5bd: {  	v5 =	vmul.u32 $0x30, v5  }
0x5be: {  	v0 =	vand.u32 $0x7, v0  }
0x5bf: {  	v0 =	vor.u32 v0, v5  }
0x5c0: {  	v5 =	vperm.xlane v0, v1;
	_ =	sdelay $0x1  }
0x5c1: {  	v5 =	vadd.s32 v2, v5;
	_ =	sdelay $0x3  }
0x5c2: {  	s25 =	simm.s32 $0x8780;
	v0 =	vperm.xlane v0, v3  }
0x5c3: {  	[tilespmem:s25], [sflag:$0x2] =	stream.indirect_vreg.gather [hbm4b:s2+s7], $0x80, v5, vm0, $0xb8;
	[tilespmem:$0x1A780] =	vst v63  }
0x5c4: {  	s28 =	simm.s32 $0x8F80;
	v0 =	vadd.s32 v2, v0  }
0x5c5: {  	[tilespmem:s28], [sflag:$0x2] =	stream.indirect_vreg.gather [hbm4b:s14+s7], $0x80, v5, vm0, $0xb8;
	[tilespmem:$0x1A780] =	vst v63  }
0x5c6: {  	s29 =	simm.s32 $0x9780  }
0x5c7: {  	[tilespmem:s29], [sflag:$0x2] =	stream.indirect_vreg.gather [hbm4b:s15+s7], $0x80, v5, vm0, $0xb8;
	[tilespmem:$0x1A780] =	vst v63  }
0x5c8: {  	s30 =	simm.s32 $0x9F80  }
0x5c9: {  	[tilespmem:s30], [sflag:$0x2] =	stream.indirect_vreg.gather [hbm4b:s2+s7], $0x80, v0, vm0, $0xb8;
	[tilespmem:$0x1A780] =	vst v63  }
0x5ca: {  	s31 =	simm.s32 $0xA780  }
0x5cb: {  	[tilespmem:s31], [sflag:$0x2] =	stream.indirect_vreg.gather [hbm4b:s14+s7], $0x80, v0, vm0, $0xb8;
	[tilespmem:$0x1A780] =	vst v63  }
0x5cc: {  	s23 =	simm.s32 $0xAF80  }
0x5cd: {  	[tilespmem:s23], [sflag:$0x2] =	stream.indirect_vreg.gather [hbm4b:s15+s7], $0x80, v0, vm0, $0xb8;
	[tilespmem:$0x1A780] =	vst v63  }
0x5ce: {  	v0 =	vld [tilespmem:s18+$0x1450];
	_ =	sdelay $0x4  }
0x5cf: {  	v5 =	vshrl.u32 v0, $0x3  }
0x5d0: {  	v5 =	vmul.u32 $0x30, v5  }
0x5d1: {  	v0 =	vand.u32 $0x7, v0  }
0x5d2: {  	v0 =	vor.u32 v0, v5  }
0x5d3: {  	v5 =	vperm.xlane v0, v1;
	_ =	sdelay $0x1  }
0x5d4: {  	v5 =	vadd.s32 v2, v5;
	_ =	sdelay $0x3  }
0x5d5: {  	s24 =	simm.s32 $0xB780;
	v0 =	vperm.xlane v0, v3  }
0x5d6: {  	[tilespmem:s24], [sflag:$0x2] =	stream.indirect_vreg.gather [hbm4b:s2+s7], $0x80, v5, vm0, $0xb8;
	[tilespmem:$0x1A780] =	vst v63  }
0x5d7: {  	s25 =	simm.s32 $0xBF80;
	v0 =	vadd.s32 v2, v0  }
0x5d8: {  	[tilespmem:s25], [sflag:$0x2] =	stream.indirect_vreg.gather [hbm4b:s14+s7], $0x80, v5, vm0, $0xb8;
	[tilespmem:$0x1A780] =	vst v63  }
0x5d9: {  	s28 =	simm.s32 $0xC780  }
0x5da: {  	[tilespmem:s28], [sflag:$0x2] =	stream.indirect_vreg.gather [hbm4b:s15+s7], $0x80, v5, vm0, $0xb8;
	[tilespmem:$0x1A780] =	vst v63  }
0x5db: {  	s29 =	simm.s32 $0xCF80  }
0x5dc: {  	[tilespmem:s29], [sflag:$0x2] =	stream.indirect_vreg.gather [hbm4b:s2+s7], $0x80, v0, vm0, $0xb8;
	[tilespmem:$0x1A780] =	vst v63  }
0x5dd: {  	s30 =	simm.s32 $0xD780  }
0x5de: {  	[tilespmem:s30], [sflag:$0x2] =	stream.indirect_vreg.gather [hbm4b:s14+s7], $0x80, v0, vm0, $0xb8;
	[tilespmem:$0x1A780] =	vst v63  }
0x5df: {  	s31 =	simm.s32 $0xDF80  }
0x5e0: {  	[tilespmem:s31], [sflag:$0x2] =	stream.indirect_vreg.gather [hbm4b:s15+s7], $0x80, v0, vm0, $0xb8;
	[tilespmem:$0x1A780] =	vst v63  }
0x5e1: {  	_ =	swait.ge [sflag:s16], $0x6000  }
0x5e2: {  	[sflag:s16] =	ssyncset.done $0x0  }
0x5e3: {  	[sflag:s16] =	ssyncadd.s32 $0xFFFFA000  }
0x5e4: {  	v0 =	vld [tilespmem:s18+$0x1060];
	_ =	sdelay $0x4  }
0x5e5: {  	v5 =	vshrl.u32 v0, $0x3  }
0x5e6: {  	v5 =	vmul.u32 $0x30, v5  }
0x5e7: {  	v0 =	vand.u32 $0x7, v0  }
0x5e8: {  	v0 =	vor.u32 v0, v5  }
0x5e9: {  	v5 =	vperm.xlane v0, v1;
	_ =	sdelay $0x1  }
0x5ea: {  	v5 =	vadd.s32 v2, v5;
	_ =	sdelay $0x3  }
0x5eb: {  	v0 =	vperm.xlane v0, v3  }
0x5ec: {  	[tilespmem:s21], [sflag:$0x3] =	stream.indirect_vreg.gather [hbm4b:s1+s7], $0x80, v5, vm0, $0xb8;
	[tilespmem:$0x1A780] =	vst v63  }
0x5ed: {  	s23 =	simm.s32 $0xEF80;
	v0 =	vadd.s32 v2, v0  }
0x5ee: {  	[tilespmem:s23], [sflag:$0x3] =	stream.indirect_vreg.gather [hbm4b:s11+s7], $0x80, v5, vm0, $0xb8;
	[tilespmem:$0x1A780] =	vst v63  }
0x5ef: {  	s24 =	simm.s32 $0xF780  }
0x5f0: {  	[tilespmem:s24], [sflag:$0x3] =	stream.indirect_vreg.gather [hbm4b:s12+s7], $0x80, v5, vm0, $0xb8;
	[tilespmem:$0x1A780] =	vst v63  }
0x5f1: {  	s25 =	simm.s32 $0xFF80  }
0x5f2: {  	[tilespmem:s25], [sflag:$0x3] =	stream.indirect_vreg.gather [hbm4b:s1+s7], $0x80, v0, vm0, $0xb8;
	[tilespmem:$0x1A780] =	vst v63  }
0x5f3: {  	s28 =	simm.s32 $0x10780  }
0x5f4: {  	[tilespmem:s28], [sflag:$0x3] =	stream.indirect_vreg.gather [hbm4b:s11+s7], $0x80, v0, vm0, $0xb8;
	[tilespmem:$0x1A780] =	vst v63  }
0x5f5: {  	s29 =	simm.s32 $0x10F80  }
0x5f6: {  	[tilespmem:s29], [sflag:$0x3] =	stream.indirect_vreg.gather [hbm4b:s12+s7], $0x80, v0, vm0, $0xb8;
	[tilespmem:$0x1A780] =	vst v63  }
0x5f7: {  	v0 =	vld [tilespmem:s18+$0x1070];
	_ =	sdelay $0x4  }
0x5f8: {  	v5 =	vshrl.u32 v0, $0x3  }
0x5f9: {  	v5 =	vmul.u32 $0x30, v5  }
0x5fa: {  	v0 =	vand.u32 $0x7, v0  }
0x5fb: {  	v0 =	vor.u32 v0, v5  }
0x5fc: {  	v5 =	vperm.xlane v0, v1;
	_ =	sdelay $0x1  }
0x5fd: {  	v5 =	vadd.s32 v2, v5;
	_ =	sdelay $0x3  }
0x5fe: {  	s30 =	simm.s32 $0x11780;
	v0 =	vperm.xlane v0, v3  }
0x5ff: {  	[tilespmem:s30], [sflag:$0x3] =	stream.indirect_vreg.gather [hbm4b:s1+s7], $0x80, v5, vm0, $0xb8;
	[tilespmem:$0x1A780] =	vst v63  }
0x600: {  	s31 =	simm.s32 $0x11F80;
	v0 =	vadd.s32 v2, v0  }
0x601: {  	[tilespmem:s31], [sflag:$0x3] =	stream.indirect_vreg.gather [hbm4b:s11+s7], $0x80, v5, vm0, $0xb8;
	[tilespmem:$0x1A780] =	vst v63  }
0x602: {  	s23 =	simm.s32 $0x12780  }
0x603: {  	[tilespmem:s23], [sflag:$0x3] =	stream.indirect_vreg.gather [hbm4b:s12+s7], $0x80, v5, vm0, $0xb8;
	[tilespmem:$0x1A780] =	vst v63  }
0x604: {  	s24 =	simm.s32 $0x12F80  }
0x605: {  	[tilespmem:s24], [sflag:$0x3] =	stream.indirect_vreg.gather [hbm4b:s1+s7], $0x80, v0, vm0, $0xb8;
	[tilespmem:$0x1A780] =	vst v63  }
0x606: {  	s25 =	simm.s32 $0x13780  }
0x607: {  	[tilespmem:s25], [sflag:$0x3] =	stream.indirect_vreg.gather [hbm4b:s11+s7], $0x80, v0, vm0, $0xb8;
	[tilespmem:$0x1A780] =	vst v63  }
0x608: {  	s28 =	simm.s32 $0x13F80  }
0x609: {  	[tilespmem:s28], [sflag:$0x3] =	stream.indirect_vreg.gather [hbm4b:s12+s7], $0x80, v0, vm0, $0xb8;
	[tilespmem:$0x1A780] =	vst v63  }
0x60a: {  	v0 =	vld [tilespmem:s18+$0x1460];
	_ =	sdelay $0x4  }
0x60b: {  	v5 =	vshrl.u32 v0, $0x3  }
0x60c: {  	v5 =	vmul.u32 $0x30, v5  }
0x60d: {  	v0 =	vand.u32 $0x7, v0  }
0x60e: {  	v0 =	vor.u32 v0, v5  }
0x60f: {  	v5 =	vperm.xlane v0, v1;
	_ =	sdelay $0x1  }
0x610: {  	v5 =	vadd.s32 v2, v5;
	_ =	sdelay $0x3  }
0x611: {  	s29 =	simm.s32 $0x14780;
	v0 =	vperm.xlane v0, v3  }
0x612: {  	[tilespmem:s29], [sflag:$0x4] =	stream.indirect_vreg.gather [hbm4b:s2+s7], $0x80, v5, vm0, $0xb8;
	[tilespmem:$0x1A780] =	vst v63  }
0x613: {  	s30 =	simm.s32 $0x14F80;
	v0 =	vadd.s32 v2, v0  }
0x614: {  	[tilespmem:s30], [sflag:$0x4] =	stream.indirect_vreg.gather [hbm4b:s14+s7], $0x80, v5, vm0, $0xb8;
	[tilespmem:$0x1A780] =	vst v63  }
0x615: {  	s31 =	simm.s32 $0x15780  }
0x616: {  	[tilespmem:s31], [sflag:$0x4] =	stream.indirect_vreg.gather [hbm4b:s15+s7], $0x80, v5, vm0, $0xb8;
	[tilespmem:$0x1A780] =	vst v63  }
0x617: {  	s23 =	simm.s32 $0x15F80  }
0x618: {  	[tilespmem:s23], [sflag:$0x4] =	stream.indirect_vreg.gather [hbm4b:s2+s7], $0x80, v0, vm0, $0xb8;
	[tilespmem:$0x1A780] =	vst v63  }
0x619: {  	s24 =	simm.s32 $0x16780  }
0x61a: {  	[tilespmem:s24], [sflag:$0x4] =	stream.indirect_vreg.gather [hbm4b:s14+s7], $0x80, v0, vm0, $0xb8;
	[tilespmem:$0x1A780] =	vst v63  }
0x61b: {  	s25 =	simm.s32 $0x16F80  }
0x61c: {  	[tilespmem:s25], [sflag:$0x4] =	stream.indirect_vreg.gather [hbm4b:s15+s7], $0x80, v0, vm0, $0xb8;
	[tilespmem:$0x1A780] =	vst v63  }
0x61d: {  	v0 =	vld [tilespmem:s18+$0x1470];
	_ =	sdelay $0x4  }
0x61e: {  	v5 =	vshrl.u32 v0, $0x3  }
0x61f: {  	v5 =	vmul.u32 $0x30, v5  }
0x620: {  	v0 =	vand.u32 $0x7, v0  }
0x621: {  	v0 =	vor.u32 v0, v5  }
0x622: {  	v5 =	vperm.xlane v0, v1;
	_ =	sdelay $0x1  }
0x623: {  	v5 =	vadd.s32 v2, v5;
	_ =	sdelay $0x3  }
0x624: {  	s28 =	simm.s32 $0x17780;
	v0 =	vperm.xlane v0, v3  }
0x625: {  	[tilespmem:s28], [sflag:$0x4] =	stream.indirect_vreg.gather [hbm4b:s2+s7], $0x80, v5, vm0, $0xb8;
	[tilespmem:$0x1A780] =	vst v63  }
0x626: {  	s29 =	simm.s32 $0x17F80;
	v0 =	vadd.s32 v2, v0  }
0x627: {  	[tilespmem:s29], [sflag:$0x4] =	stream.indirect_vreg.gather [hbm4b:s14+s7], $0x80, v5, vm0, $0xb8;
	[tilespmem:$0x1A780] =	vst v63  }
0x628: {  	s30 =	simm.s32 $0x18780  }
0x629: {  	[tilespmem:s30], [sflag:$0x4] =	stream.indirect_vreg.gather [hbm4b:s15+s7], $0x80, v5, vm0, $0xb8;
	[tilespmem:$0x1A780] =	vst v63  }
0x62a: {  	s31 =	simm.s32 $0x18F80  }
0x62b: {  	[tilespmem:s31], [sflag:$0x4] =	stream.indirect_vreg.gather [hbm4b:s2+s7], $0x80, v0, vm0, $0xb8;
	[tilespmem:$0x1A780] =	vst v63  }
.Ltmp21:
0x62c: {  	_ = 	snop;
	(pc) =	sbr.rel .LBB2_9-.Ltmp21, $4  }
0x62d: {  	_ = 	snop  }
0x62e: {  	[tilespmem:s0], [sflag:$0x4] =	stream.indirect_vreg.gather [hbm4b:s14+s7], $0x80, v0, vm0, $0xb8;
	[tilespmem:$0x1A780] =	vst v63  }
0x62f: {  	s17 =	sadd.s32 $0x1, s17  }
0x630: {  	[tilespmem:s6], [sflag:$0x4] =	stream.indirect_vreg.gather [hbm4b:s15+s7], $0x80, v0, vm0, $0xb8;
	[tilespmem:$0x1A780] =	vst v63  }
.LBB2_39:
0x631: {  	_ =	sfence.sel $0x180000  }
0x632: {  	[bflag:$0x0] =	sbarrier.arrive $0xFFFF  }
0x633: {  	_ =	strace $0x90000047  }
0x634: {  	s0 =	stileid.u32;
	[bflag:$0x2] =	sbarrier.arrive $0xFFFF  }
0x635: {  	p0 =	sne.s32 s0, $0x0;
	s0 =	rddreg [dreg:$0x7]  }
0x636: {  	s0 =	sadd.s32 @!p0 $0x100000, s0  }
0x637: {  	[sflag:s0] =	ssyncadd.tile.s32 @!p0 $0x1;
	_ =	shalt  }
.Lfunc_end2:
_tile_overlayer_lowered:
.L_overlay_start_2:
0x638: {  	(tag) =	ssettag $0x2  }
0x639: {  	s0 =	rddreg [dreg:$0x0];
	s2 =	stileid.u32  }
0x63a: {  	s1 =	rddreg [dreg:$0x1];
	p0 =	sne.s32 s2, $0x0  }
0x63b: {  	s3 =	rddreg [dreg:$0x2];
	[bflag:$0x3] =	sbarrier.arrive $0xFFFF;
	s2 =	simm.s32 @!p0 $0x1C07  }
0x63c: {  	[timem:s3], [sflag:s2] =	dma.local @!p0 [hbm:s0], s1  }
0x63d: {  	s0 =	simm.s32 @!p0 $0x7  }
0x63e: {  	_ =	swait.ge @!p0 [sflag:s0], s1  }
0x63f: {  	s1 =	ssub.s32 @!p0 $0x0, s1;
	[sflag:s0] =	ssyncset.done @!p0 $0x0  }
0x640: {  	[sflag:s0] =	ssyncadd.s32 @!p0 s1  }
0x641: {  	[bflag:$0x3] =	sbarrier.arrive $0xFFFF  }
0x642: {  	_ =	shalt  }

</sc_bundles>
